<compile_context>
chip_gen: v7x
topology: tpu7x:2x2x1
jax: 0.10.2.dev20260603
libtpu: 0.0.44.dev20260713+nightly
codegen_flags: <defaults>
</compile_context>

<pallas_src>
import functools

import jax
import jax.numpy as jnp
from jax import lax
from jax.experimental import pallas as pl
from jax.experimental.pallas import tpu as pltpu
from jax.experimental.pallas import tpu_sc as plsc

NC = 2
NS = 16
NW = NC * NS
NSUB = 2
GP = 8


def _do_table(wid, idx_hbm, tab, out_hbm, idxbuf, rows, sem_g, sem_s,
              rows_w, L, per_w):
    subs = [(0, 128), (128, L - 128)]
    rpg = GP // NSUB
    GRP = rpg * L
    ngrp = per_w // GRP

    pltpu.sync_copy(idx_hbm.at[pl.ds(wid * rows_w, rows_w)], idxbuf)

    def fire(g, h):
        for j in range(GP):
            r = g * rpg + j // NSUB
            off, sz = subs[j % NSUB]
            dst = (j // NSUB) * L + off
            pltpu.async_copy(
                tab.at[idxbuf.at[r, pl.ds(off, sz)]],
                rows.at[pl.ds(h * GRP + dst, sz)],
                sem_g,
            )

    def wait_gathers(h):
        for j in range(GP):
            off, sz = subs[j % NSUB]
            dst = (j // NSUB) * L + off
            pltpu.make_async_copy(
                tab.at[idxbuf.at[0, pl.ds(off, sz)]],
                rows.at[pl.ds(h * GRP + dst, sz)],
                sem_g,
            ).wait()

    def store(g, h):
        pltpu.async_copy(
            rows.at[pl.ds(h * GRP, GRP)],
            out_hbm.at[pl.ds(wid * per_w + g * GRP, GRP)],
            sem_s,
        )

    def wait_store(g, h):
        pltpu.make_async_copy(
            rows.at[pl.ds(h * GRP, GRP)],
            out_hbm.at[pl.ds(wid * per_w + g * GRP, GRP)],
            sem_s,
        ).wait()

    fire(0, 0)
    fire(1, 1)

    def body(g, carry):
        h = g % 2
        wait_gathers(h)
        store(g, h)
        wait_store(g, h)
        fire(g + 2, h)
        return carry

    lax.fori_loop(0, ngrp - 2, body, 0)

    for g in (ngrp - 2, ngrp - 1):
        wait_gathers(g % 2)
        store(g, g % 2)
    for g in (ngrp - 2, ngrp - 1):
        wait_store(g, g % 2)


def _sc_gather(idx, tab):
    B, L = idx.shape
    N = B * L
    R, E = tab.shape
    per_w = N // NW
    rows_w = B // NW
    GRP = (GP // NSUB) * L
    mesh = plsc.VectorSubcoreMesh(core_axis_name="c", subcore_axis_name="s")

    @functools.partial(
        pl.kernel,
        mesh=mesh,
        compiler_params=pltpu.CompilerParams(use_tc_tiling_on_sc=False),
        out_type=jax.ShapeDtypeStruct((N, E), jnp.float32),
        scratch_types=[
            pltpu.VMEM((rows_w, L), jnp.int32),
            pltpu.VMEM((2 * GRP, E), jnp.float32),
            pltpu.SemaphoreType.DMA,
            pltpu.SemaphoreType.DMA,
        ],
    )
    def k(idx_h, tab_h, out, idxbuf, rows, sem_g, sem_s):
        wid = lax.axis_index("s") * NC + lax.axis_index("c")
        _do_table(wid, idx_h, tab_h, out, idxbuf, rows, sem_g, sem_s,
                  rows_w, L, per_w)

    return k(idx, tab)


def _transpose_flat_tc(flat, B, LE):
    BM = 256
    S = LE // 128
    x2 = flat.reshape(B * S, 128)

    def body(x_ref, o_ref):
        x3 = x_ref[...].reshape(BM, S, 128)
        for j in range(S):
            o_ref[pl.ds(j * 128, 128), :] = x3[:, j, :].T

    return pl.pallas_call(
        body,
        grid=(B // BM,),
        in_specs=[pl.BlockSpec((BM * S, 128), lambda i: (i, 0))],
        out_specs=pl.BlockSpec((LE, BM), lambda i: (0, i)),
        out_shape=jax.ShapeDtypeStruct((LE, B), flat.dtype),
    )(x2)


def _pos_tc(P_table, B, L):
    PR, PE = P_table.shape
    rep = 320 // (PR * PE)
    pcol = jnp.tile(P_table.reshape(-1), rep).reshape(320, 1)

    def body(p_ref, o_ref):
        o_ref[...] = jnp.broadcast_to(p_ref[...], (320, B))

    return pl.pallas_call(
        body,
        grid=(L * PE // 320,),
        in_specs=[pl.BlockSpec((320, 1), lambda i: (0, 0))],
        out_specs=pl.BlockSpec((320, B), lambda i: (i, 0)),
        out_shape=jax.ShapeDtypeStruct((L * PE, B), jnp.float32),
    )(pcol)


def _click_tc(clicks, C_table):
    B, L = clicks.shape
    CE = C_table.shape[1]
    clicks_t = clicks.T
    c0 = C_table[0].reshape(CE, 1)
    c1 = C_table[1].reshape(CE, 1)
    LB = 8

    def body(cl_ref, c0_ref, c1_ref, o_ref):
        c0b = c0_ref[...]
        c1b = c1_ref[...]
        for i in range(LB):
            m = cl_ref[i:i + 1, :] == 0
            o_ref[i * CE:(i + 1) * CE, :] = jnp.where(m, c0b, c1b)

    return pl.pallas_call(
        body,
        grid=(L // LB,),
        in_specs=[
            pl.BlockSpec((LB, B), lambda i: (i, 0)),
            pl.BlockSpec((CE, 1), lambda i: (0, 0)),
            pl.BlockSpec((CE, 1), lambda i: (0, 0)),
        ],
        out_specs=pl.BlockSpec((LB * CE, B), lambda i: (i, 0)),
        out_shape=jax.ShapeDtypeStruct((L * CE, B), jnp.float32),
    )(clicks_t, c0, c1)


def kernel(qids, uids, vids, clicks, Q_table, U_table, C_table, V_table, P_table):
    B, L = qids.shape
    E = Q_table.shape[1]
    CE = C_table.shape[1]

    oq = _sc_gather(qids, Q_table)
    ou = _sc_gather(uids, U_table)
    ov = _sc_gather(vids, V_table)

    def finish(t2, e):
        return jnp.transpose(t2.reshape(L, e, B), (2, 0, 1))

    return (
        finish(_transpose_flat_tc(oq, B, L * E), E),
        finish(_transpose_flat_tc(ou, B, L * E), E),
        finish(_click_tc(clicks, C_table), CE),
        finish(_transpose_flat_tc(ov, B, L * CE), CE),
        finish(_pos_tc(P_table, B, L), CE),
    )

# --- scband reference (transcript-rebuilt; emitter-appended) ---
"""Pipeline reference for scband-embedding-39402029973897 (READ-ONLY COPY).

The authoritative reference and input builder live on the scoring server;
editing this copy changes nothing except your own understanding.
"""

import jax, jax.numpy as jnp
import numpy as np

Q_SIZE = 100000
D_SIZE = 1000000
V_SIZE = 1000
EMBED = 32
CLICK_EMBED = 16
VTYPE_EMBED = 16
POS_EMBED = 16
B = 4096
L = 200


def setup_inputs(seed: int = 0) -> dict:
    key = jax.random.key(seed)
    ks = jax.random.split(key, 9)
    qids = jax.random.randint(ks[0], (B, L), 0, Q_SIZE, dtype=jnp.int32)
    uids = jax.random.randint(ks[1], (B, L), 0, D_SIZE, dtype=jnp.int32)
    vids = jax.random.randint(ks[2], (B, L), 0, V_SIZE, dtype=jnp.int32)
    clicks = jax.random.randint(ks[3], (B, L), 0, 2, dtype=jnp.int32)
    Q_table = jax.random.normal(ks[4], (Q_SIZE, EMBED), dtype=jnp.float32)
    U_table = jax.random.normal(ks[5], (D_SIZE, EMBED), dtype=jnp.float32)
    C_table = jax.random.normal(ks[6], (2, CLICK_EMBED), dtype=jnp.float32)
    V_table = jax.random.normal(ks[7], (V_SIZE, VTYPE_EMBED), dtype=jnp.float32)
    P_table = jax.random.normal(ks[8], (10, POS_EMBED), dtype=jnp.float32)
    return {"qids": qids, "uids": uids, "vids": vids, "clicks": clicks,
            "Q_table": Q_table, "U_table": U_table, "C_table": C_table,
            "V_table": V_table, "P_table": P_table}


def reference(qids, uids, vids, clicks, Q_table, U_table, C_table, V_table, P_table):
    batch_size, seq_len = clicks.shape
    qid_embedding = jnp.take(Q_table, qids, axis=0)
    uid_embedding = jnp.take(U_table, uids, axis=0)
    click_embedding = jnp.take(C_table, clicks, axis=0)
    vid_embedding = jnp.take(V_table, vids, axis=0)
    pos_embedding = jnp.tile(P_table[None, :, :], (batch_size, seq_len // 10, 1))
    return (qid_embedding, uid_embedding, click_embedding, vid_embedding, pos_embedding)

if __name__ == "__main__":
    import jax
    _d = setup_inputs()
    print(jax.jit(kernel)(*tuple(_d.values())))

</pallas_src>

<mosaic_0001>
#map = affine_map<(d0, d1) -> (0, 0)>
module attributes {stable_mosaic.version = 14 : i64} {
  func.func @k(%arg0: i32, %arg1: i32, %arg2: memref<4096x200xi32, #tpu.memory_space<hbm>>, %arg3: memref<100000x32xf32, #tpu.memory_space<hbm>>, %arg4: memref<819200x32xf32, #tpu.memory_space<hbm>>, %arg5: memref<128x200xi32, #tpu.memory_space<vmem>>, %arg6: memref<1600x32xf32, #tpu.memory_space<vmem>>, %arg7: memref<!tpu.dma_semaphore, #tpu.memory_space<semaphore_mem>>, %arg8: memref<!tpu.dma_semaphore, #tpu.memory_space<semaphore_mem>>) attributes {dimension_semantics = [#tpu.dimension_semantics<core_parallel>, #tpu.dimension_semantics<subcore_parallel>], iteration_bounds = array<i64: 2, 16>, scalar_prefetch = 0 : i64, scratch_operands = 4 : i64, tpu.core_type = #tpu.core_type<sc_vector_subcore>, window_params = [{transform_indices = #map}, {transform_indices = #map}, {transform_indices = #map}]} {
    %mul3A = arith.constant 2 : i32
    %mul3A_0 = arith.muli %arg1, %mul3A : i32
    %add3A = arith.addi %mul3A_0, %arg0 : i32
    %mul3A_1 = arith.constant 128 : i32
    %mul3A_2 = arith.muli %add3A, %mul3A_1 : i32
    "tpu.region"() ({
      %run_scoped3A = tpu.sem_alloc : memref<!tpu.dma_semaphore, #tpu.memory_space<semaphore_mem>>
      %dma_start3A_382 = arith.constant 0 : i32
      %dma_start3A_383 = tpu.memref_slice %arg2[%mul3A_2, %dma_start3A_382] : memref<4096x200xi32, #tpu.memory_space<hbm>> -> memref<128x200xi32, #tpu.memory_space<hbm>>
      %dma_start3A_384 = arith.constant 0 : i32
      %dma_start3A_385 = tpu.memref_slice %arg2[%mul3A_2, %dma_start3A_384] : memref<4096x200xi32, #tpu.memory_space<hbm>> -> memref<128x200xi32, #tpu.memory_space<hbm>>
      tpu.enqueue_dma source(%dma_start3A_385 : memref<128x200xi32, #tpu.memory_space<hbm>>) target(%arg5 : memref<128x200xi32, #tpu.memory_space<vmem>>) target_semaphore(%run_scoped3A : memref<!tpu.dma_semaphore, #tpu.memory_space<semaphore_mem>>)
      %dma_wait3A_386 = arith.constant 0 : i32
      %dma_wait3A_387 = tpu.memref_slice %arg2[%mul3A_2, %dma_wait3A_386] : memref<4096x200xi32, #tpu.memory_space<hbm>> -> memref<128x200xi32, #tpu.memory_space<hbm>>
      %dma_wait3A_388 = arith.constant 0 : i32
      %dma_wait3A_389 = tpu.memref_slice %arg2[%mul3A_2, %dma_wait3A_388] : memref<4096x200xi32, #tpu.memory_space<hbm>> -> memref<128x200xi32, #tpu.memory_space<hbm>>
      tpu.wait_dma2 semaphore(%run_scoped3A : memref<!tpu.dma_semaphore, #tpu.memory_space<semaphore_mem>>) src(%dma_wait3A_389 : memref<128x200xi32, #tpu.memory_space<hbm>>) dst(%arg5 : memref<128x200xi32, #tpu.memory_space<vmem>>)
      tpu.yield
    }) : () -> ()
    %dma_start3A = arith.constant 0 : i32
    %dma_start3A_3 = arith.constant 0 : i32
    %dma_start3A_4 = arith.constant 0 : i32
    %dma_start3A_5 = tpu.memref_slice %arg6[%dma_start3A_3, %dma_start3A_4] : memref<1600x32xf32, #tpu.memory_space<vmem>> -> memref<128x32xf32, #tpu.memory_space<vmem>>
    %dma_start3A_6 = arith.constant 0 : i32
    %dma_start3A_7 = tpu.memref_slice %arg5[%dma_start3A, %dma_start3A_6] : memref<128x200xi32, #tpu.memory_space<vmem>> -> memref<1x128xi32, #tpu.memory_space<vmem>>
    %dma_start3A_8 = tpu.memref_squeeze %dma_start3A_7 : memref<1x128xi32, #tpu.memory_space<vmem>> -> memref<128xi32, #tpu.memory_space<vmem>>
    %dma_start3A_9 = arith.constant 0 : i32
    %dma_start3A_10 = arith.constant 0 : i32
    %dma_start3A_11 = tpu.memref_slice %arg3[%dma_start3A_9, %dma_start3A_10] : memref<100000x32xf32, #tpu.memory_space<hbm>> -> memref<100000x32xf32, #tpu.memory_space<hbm>>
    tpu.enqueue_indirect_dma source(%dma_start3A_11 : memref<100000x32xf32, #tpu.memory_space<hbm>>) target(%dma_start3A_5 : memref<128x32xf32, #tpu.memory_space<vmem>>) offsets(%dma_start3A_8 : memref<128xi32, #tpu.memory_space<vmem>>) semaphore(%arg7 : memref<!tpu.dma_semaphore, #tpu.memory_space<semaphore_mem>>)
    %dma_start3A_12 = arith.constant 0 : i32
    %dma_start3A_13 = arith.constant 128 : i32
    %dma_start3A_14 = arith.constant 0 : i32
    %dma_start3A_15 = tpu.memref_slice %arg6[%dma_start3A_13, %dma_start3A_14] : memref<1600x32xf32, #tpu.memory_space<vmem>> -> memref<72x32xf32, #tpu.memory_space<vmem>>
    %dma_start3A_16 = arith.constant 128 : i32
    %dma_start3A_17 = tpu.memref_slice %arg5[%dma_start3A_12, %dma_start3A_16] : memref<128x200xi32, #tpu.memory_space<vmem>> -> memref<1x72xi32, #tpu.memory_space<vmem>>
    %dma_start3A_18 = tpu.memref_squeeze %dma_start3A_17 : memref<1x72xi32, #tpu.memory_space<vmem>> -> memref<72xi32, #tpu.memory_space<vmem>>
    %dma_start3A_19 = arith.constant 0 : i32
    %dma_start3A_20 = arith.constant 0 : i32
    %dma_start3A_21 = tpu.memref_slice %arg3[%dma_start3A_19, %dma_start3A_20] : memref<100000x32xf32, #tpu.memory_space<hbm>> -> memref<100000x32xf32, #tpu.memory_space<hbm>>
    tpu.enqueue_indirect_dma source(%dma_start3A_21 : memref<100000x32xf32, #tpu.memory_space<hbm>>) target(%dma_start3A_15 : memref<72x32xf32, #tpu.memory_space<vmem>>) offsets(%dma_start3A_18 : memref<72xi32, #tpu.memory_space<vmem>>) semaphore(%arg7 : memref<!tpu.dma_semaphore, #tpu.memory_space<semaphore_mem>>)
    %dma_start3A_22 = arith.constant 1 : i32
    %dma_start3A_23 = arith.constant 200 : i32
    %dma_start3A_24 = arith.constant 0 : i32
    %dma_start3A_25 = tpu.memref_slice %arg6[%dma_start3A_23, %dma_start3A_24] : memref<1600x32xf32, #tpu.memory_space<vmem>> -> memref<128x32xf32, #tpu.memory_space<vmem>>
    %dma_start3A_26 = arith.constant 0 : i32
    %dma_start3A_27 = tpu.memref_slice %arg5[%dma_start3A_22, %dma_start3A_26] : memref<128x200xi32, #tpu.memory_space<vmem>> -> memref<1x128xi32, #tpu.memory_space<vmem>>
    %dma_start3A_28 = tpu.memref_squeeze %dma_start3A_27 : memref<1x128xi32, #tpu.memory_space<vmem>> -> memref<128xi32, #tpu.memory_space<vmem>>
    %dma_start3A_29 = arith.constant 0 : i32
    %dma_start3A_30 = arith.constant 0 : i32
    %dma_start3A_31 = tpu.memref_slice %arg3[%dma_start3A_29, %dma_start3A_30] : memref<100000x32xf32, #tpu.memory_space<hbm>> -> memref<100000x32xf32, #tpu.memory_space<hbm>>
    tpu.enqueue_indirect_dma source(%dma_start3A_31 : memref<100000x32xf32, #tpu.memory_space<hbm>>) target(%dma_start3A_25 : memref<128x32xf32, #tpu.memory_space<vmem>>) offsets(%dma_start3A_28 : memref<128xi32, #tpu.memory_space<vmem>>) semaphore(%arg7 : memref<!tpu.dma_semaphore, #tpu.memory_space<semaphore_mem>>)
    %dma_start3A_32 = arith.constant 1 : i32
    %dma_start3A_33 = arith.constant 328 : i32
    %dma_start3A_34 = arith.constant 0 : i32
    %dma_start3A_35 = tpu.memref_slice %arg6[%dma_start3A_33, %dma_start3A_34] : memref<1600x32xf32, #tpu.memory_space<vmem>> -> memref<72x32xf32, #tpu.memory_space<vmem>>
    %dma_start3A_36 = arith.constant 128 : i32
    %dma_start3A_37 = tpu.memref_slice %arg5[%dma_start3A_32, %dma_start3A_36] : memref<128x200xi32, #tpu.memory_space<vmem>> -> memref<1x72xi32, #tpu.memory_space<vmem>>
    %dma_start3A_38 = tpu.memref_squeeze %dma_start3A_37 : memref<1x72xi32, #tpu.memory_space<vmem>> -> memref<72xi32, #tpu.memory_space<vmem>>
    %dma_start3A_39 = arith.constant 0 : i32
    %dma_start3A_40 = arith.constant 0 : i32
    %dma_start3A_41 = tpu.memref_slice %arg3[%dma_start3A_39, %dma_start3A_40] : memref<100000x32xf32, #tpu.memory_space<hbm>> -> memref<100000x32xf32, #tpu.memory_space<hbm>>
    tpu.enqueue_indirect_dma source(%dma_start3A_41 : memref<100000x32xf32, #tpu.memory_space<hbm>>) target(%dma_start3A_35 : memref<72x32xf32, #tpu.memory_space<vmem>>) offsets(%dma_start3A_38 : memref<72xi32, #tpu.memory_space<vmem>>) semaphore(%arg7 : memref<!tpu.dma_semaphore, #tpu.memory_space<semaphore_mem>>)
    %dma_start3A_42 = arith.constant 2 : i32
    %dma_start3A_43 = arith.constant 400 : i32
    %dma_start3A_44 = arith.constant 0 : i32
    %dma_start3A_45 = tpu.memref_slice %arg6[%dma_start3A_43, %dma_start3A_44] : memref<1600x32xf32, #tpu.memory_space<vmem>> -> memref<128x32xf32, #tpu.memory_space<vmem>>
    %dma_start3A_46 = arith.constant 0 : i32
    %dma_start3A_47 = tpu.memref_slice %arg5[%dma_start3A_42, %dma_start3A_46] : memref<128x200xi32, #tpu.memory_space<vmem>> -> memref<1x128xi32, #tpu.memory_space<vmem>>
    %dma_start3A_48 = tpu.memref_squeeze %dma_start3A_47 : memref<1x128xi32, #tpu.memory_space<vmem>> -> memref<128xi32, #tpu.memory_space<vmem>>
    %dma_start3A_49 = arith.constant 0 : i32
    %dma_start3A_50 = arith.constant 0 : i32
    %dma_start3A_51 = tpu.memref_slice %arg3[%dma_start3A_49, %dma_start3A_50] : memref<100000x32xf32, #tpu.memory_space<hbm>> -> memref<100000x32xf32, #tpu.memory_space<hbm>>
    tpu.enqueue_indirect_dma source(%dma_start3A_51 : memref<100000x32xf32, #tpu.memory_space<hbm>>) target(%dma_start3A_45 : memref<128x32xf32, #tpu.memory_space<vmem>>) offsets(%dma_start3A_48 : memref<128xi32, #tpu.memory_space<vmem>>) semaphore(%arg7 : memref<!tpu.dma_semaphore, #tpu.memory_space<semaphore_mem>>)
    %dma_start3A_52 = arith.constant 2 : i32
    %dma_start3A_53 = arith.constant 528 : i32
    %dma_start3A_54 = arith.constant 0 : i32
    %dma_start3A_55 = tpu.memref_slice %arg6[%dma_start3A_53, %dma_start3A_54] : memref<1600x32xf32, #tpu.memory_space<vmem>> -> memref<72x32xf32, #tpu.memory_space<vmem>>
    %dma_start3A_56 = arith.constant 128 : i32
    %dma_start3A_57 = tpu.memref_slice %arg5[%dma_start3A_52, %dma_start3A_56] : memref<128x200xi32, #tpu.memory_space<vmem>> -> memref<1x72xi32, #tpu.memory_space<vmem>>
    %dma_start3A_58 = tpu.memref_squeeze %dma_start3A_57 : memref<1x72xi32, #tpu.memory_space<vmem>> -> memref<72xi32, #tpu.memory_space<vmem>>
    %dma_start3A_59 = arith.constant 0 : i32
    %dma_start3A_60 = arith.constant 0 : i32
    %dma_start3A_61 = tpu.memref_slice %arg3[%dma_start3A_59, %dma_start3A_60] : memref<100000x32xf32, #tpu.memory_space<hbm>> -> memref<100000x32xf32, #tpu.memory_space<hbm>>
    tpu.enqueue_indirect_dma source(%dma_start3A_61 : memref<100000x32xf32, #tpu.memory_space<hbm>>) target(%dma_start3A_55 : memref<72x32xf32, #tpu.memory_space<vmem>>) offsets(%dma_start3A_58 : memref<72xi32, #tpu.memory_space<vmem>>) semaphore(%arg7 : memref<!tpu.dma_semaphore, #tpu.memory_space<semaphore_mem>>)
    %dma_start3A_62 = arith.constant 3 : i32
    %dma_start3A_63 = arith.constant 600 : i32
    %dma_start3A_64 = arith.constant 0 : i32
    %dma_start3A_65 = tpu.memref_slice %arg6[%dma_start3A_63, %dma_start3A_64] : memref<1600x32xf32, #tpu.memory_space<vmem>> -> memref<128x32xf32, #tpu.memory_space<vmem>>
    %dma_start3A_66 = arith.constant 0 : i32
    %dma_start3A_67 = tpu.memref_slice %arg5[%dma_start3A_62, %dma_start3A_66] : memref<128x200xi32, #tpu.memory_space<vmem>> -> memref<1x128xi32, #tpu.memory_space<vmem>>
    %dma_start3A_68 = tpu.memref_squeeze %dma_start3A_67 : memref<1x128xi32, #tpu.memory_space<vmem>> -> memref<128xi32, #tpu.memory_space<vmem>>
    %dma_start3A_69 = arith.constant 0 : i32
    %dma_start3A_70 = arith.constant 0 : i32
    %dma_start3A_71 = tpu.memref_slice %arg3[%dma_start3A_69, %dma_start3A_70] : memref<100000x32xf32, #tpu.memory_space<hbm>> -> memref<100000x32xf32, #tpu.memory_space<hbm>>
    tpu.enqueue_indirect_dma source(%dma_start3A_71 : memref<100000x32xf32, #tpu.memory_space<hbm>>) target(%dma_start3A_65 : memref<128x32xf32, #tpu.memory_space<vmem>>) offsets(%dma_start3A_68 : memref<128xi32, #tpu.memory_space<vmem>>) semaphore(%arg7 : memref<!tpu.dma_semaphore, #tpu.memory_space<semaphore_mem>>)
    %dma_start3A_72 = arith.constant 3 : i32
    %dma_start3A_73 = arith.constant 728 : i32
    %dma_start3A_74 = arith.constant 0 : i32
    %dma_start3A_75 = tpu.memref_slice %arg6[%dma_start3A_73, %dma_start3A_74] : memref<1600x32xf32, #tpu.memory_space<vmem>> -> memref<72x32xf32, #tpu.memory_space<vmem>>
    %dma_start3A_76 = arith.constant 128 : i32
    %dma_start3A_77 = tpu.memref_slice %arg5[%dma_start3A_72, %dma_start3A_76] : memref<128x200xi32, #tpu.memory_space<vmem>> -> memref<1x72xi32, #tpu.memory_space<vmem>>
    %dma_start3A_78 = tpu.memref_squeeze %dma_start3A_77 : memref<1x72xi32, #tpu.memory_space<vmem>> -> memref<72xi32, #tpu.memory_space<vmem>>
    %dma_start3A_79 = arith.constant 0 : i32
    %dma_start3A_80 = arith.constant 0 : i32
    %dma_start3A_81 = tpu.memref_slice %arg3[%dma_start3A_79, %dma_start3A_80] : memref<100000x32xf32, #tpu.memory_space<hbm>> -> memref<100000x32xf32, #tpu.memory_space<hbm>>
    tpu.enqueue_indirect_dma source(%dma_start3A_81 : memref<100000x32xf32, #tpu.memory_space<hbm>>) target(%dma_start3A_75 : memref<72x32xf32, #tpu.memory_space<vmem>>) offsets(%dma_start3A_78 : memref<72xi32, #tpu.memory_space<vmem>>) semaphore(%arg7 : memref<!tpu.dma_semaphore, #tpu.memory_space<semaphore_mem>>)
    %dma_start3A_82 = arith.constant 4 : i32
    %dma_start3A_83 = arith.constant 800 : i32
    %dma_start3A_84 = arith.constant 0 : i32
    %dma_start3A_85 = tpu.memref_slice %arg6[%dma_start3A_83, %dma_start3A_84] : memref<1600x32xf32, #tpu.memory_space<vmem>> -> memref<128x32xf32, #tpu.memory_space<vmem>>
    %dma_start3A_86 = arith.constant 0 : i32
    %dma_start3A_87 = tpu.memref_slice %arg5[%dma_start3A_82, %dma_start3A_86] : memref<128x200xi32, #tpu.memory_space<vmem>> -> memref<1x128xi32, #tpu.memory_space<vmem>>
    %dma_start3A_88 = tpu.memref_squeeze %dma_start3A_87 : memref<1x128xi32, #tpu.memory_space<vmem>> -> memref<128xi32, #tpu.memory_space<vmem>>
    %dma_start3A_89 = arith.constant 0 : i32
    %dma_start3A_90 = arith.constant 0 : i32
    %dma_start3A_91 = tpu.memref_slice %arg3[%dma_start3A_89, %dma_start3A_90] : memref<100000x32xf32, #tpu.memory_space<hbm>> -> memref<100000x32xf32, #tpu.memory_space<hbm>>
    tpu.enqueue_indirect_dma source(%dma_start3A_91 : memref<100000x32xf32, #tpu.memory_space<hbm>>) target(%dma_start3A_85 : memref<128x32xf32, #tpu.memory_space<vmem>>) offsets(%dma_start3A_88 : memref<128xi32, #tpu.memory_space<vmem>>) semaphore(%arg7 : memref<!tpu.dma_semaphore, #tpu.memory_space<semaphore_mem>>)
    %dma_start3A_92 = arith.constant 4 : i32
    %dma_start3A_93 = arith.constant 928 : i32
    %dma_start3A_94 = arith.constant 0 : i32
    %dma_start3A_95 = tpu.memref_slice %arg6[%dma_start3A_93, %dma_start3A_94] : memref<1600x32xf32, #tpu.memory_space<vmem>> -> memref<72x32xf32, #tpu.memory_space<vmem>>
    %dma_start3A_96 = arith.constant 128 : i32
    %dma_start3A_97 = tpu.memref_slice %arg5[%dma_start3A_92, %dma_start3A_96] : memref<128x200xi32, #tpu.memory_space<vmem>> -> memref<1x72xi32, #tpu.memory_space<vmem>>
    %dma_start3A_98 = tpu.memref_squeeze %dma_start3A_97 : memref<1x72xi32, #tpu.memory_space<vmem>> -> memref<72xi32, #tpu.memory_space<vmem>>
    %dma_start3A_99 = arith.constant 0 : i32
    %dma_start3A_100 = arith.constant 0 : i32
    %dma_start3A_101 = tpu.memref_slice %arg3[%dma_start3A_99, %dma_start3A_100] : memref<100000x32xf32, #tpu.memory_space<hbm>> -> memref<100000x32xf32, #tpu.memory_space<hbm>>
    tpu.enqueue_indirect_dma source(%dma_start3A_101 : memref<100000x32xf32, #tpu.memory_space<hbm>>) target(%dma_start3A_95 : memref<72x32xf32, #tpu.memory_space<vmem>>) offsets(%dma_start3A_98 : memref<72xi32, #tpu.memory_space<vmem>>) semaphore(%arg7 : memref<!tpu.dma_semaphore, #tpu.memory_space<semaphore_mem>>)
    %dma_start3A_102 = arith.constant 5 : i32
    %dma_start3A_103 = arith.constant 1000 : i32
    %dma_start3A_104 = arith.constant 0 : i32
    %dma_start3A_105 = tpu.memref_slice %arg6[%dma_start3A_103, %dma_start3A_104] : memref<1600x32xf32, #tpu.memory_space<vmem>> -> memref<128x32xf32, #tpu.memory_space<vmem>>
    %dma_start3A_106 = arith.constant 0 : i32
    %dma_start3A_107 = tpu.memref_slice %arg5[%dma_start3A_102, %dma_start3A_106] : memref<128x200xi32, #tpu.memory_space<vmem>> -> memref<1x128xi32, #tpu.memory_space<vmem>>
    %dma_start3A_108 = tpu.memref_squeeze %dma_start3A_107 : memref<1x128xi32, #tpu.memory_space<vmem>> -> memref<128xi32, #tpu.memory_space<vmem>>
    %dma_start3A_109 = arith.constant 0 : i32
    %dma_start3A_110 = arith.constant 0 : i32
    %dma_start3A_111 = tpu.memref_slice %arg3[%dma_start3A_109, %dma_start3A_110] : memref<100000x32xf32, #tpu.memory_space<hbm>> -> memref<100000x32xf32, #tpu.memory_space<hbm>>
    tpu.enqueue_indirect_dma source(%dma_start3A_111 : memref<100000x32xf32, #tpu.memory_space<hbm>>) target(%dma_start3A_105 : memref<128x32xf32, #tpu.memory_space<vmem>>) offsets(%dma_start3A_108 : memref<128xi32, #tpu.memory_space<vmem>>) semaphore(%arg7 : memref<!tpu.dma_semaphore, #tpu.memory_space<semaphore_mem>>)
    %dma_start3A_112 = arith.constant 5 : i32
    %dma_start3A_113 = arith.constant 1128 : i32
    %dma_start3A_114 = arith.constant 0 : i32
    %dma_start3A_115 = tpu.memref_slice %arg6[%dma_start3A_113, %dma_start3A_114] : memref<1600x32xf32, #tpu.memory_space<vmem>> -> memref<72x32xf32, #tpu.memory_space<vmem>>
    %dma_start3A_116 = arith.constant 128 : i32
    %dma_start3A_117 = tpu.memref_slice %arg5[%dma_start3A_112, %dma_start3A_116] : memref<128x200xi32, #tpu.memory_space<vmem>> -> memref<1x72xi32, #tpu.memory_space<vmem>>
    %dma_start3A_118 = tpu.memref_squeeze %dma_start3A_117 : memref<1x72xi32, #tpu.memory_space<vmem>> -> memref<72xi32, #tpu.memory_space<vmem>>
    %dma_start3A_119 = arith.constant 0 : i32
    %dma_start3A_120 = arith.constant 0 : i32
    %dma_start3A_121 = tpu.memref_slice %arg3[%dma_start3A_119, %dma_start3A_120] : memref<100000x32xf32, #tpu.memory_space<hbm>> -> memref<100000x32xf32, #tpu.memory_space<hbm>>
    tpu.enqueue_indirect_dma source(%dma_start3A_121 : memref<100000x32xf32, #tpu.memory_space<hbm>>) target(%dma_start3A_115 : memref<72x32xf32, #tpu.memory_space<vmem>>) offsets(%dma_start3A_118 : memref<72xi32, #tpu.memory_space<vmem>>) semaphore(%arg7 : memref<!tpu.dma_semaphore, #tpu.memory_space<semaphore_mem>>)
    %dma_start3A_122 = arith.constant 6 : i32
    %dma_start3A_123 = arith.constant 1200 : i32
    %dma_start3A_124 = arith.constant 0 : i32
    %dma_start3A_125 = tpu.memref_slice %arg6[%dma_start3A_123, %dma_start3A_124] : memref<1600x32xf32, #tpu.memory_space<vmem>> -> memref<128x32xf32, #tpu.memory_space<vmem>>
    %dma_start3A_126 = arith.constant 0 : i32
    %dma_start3A_127 = tpu.memref_slice %arg5[%dma_start3A_122, %dma_start3A_126] : memref<128x200xi32, #tpu.memory_space<vmem>> -> memref<1x128xi32, #tpu.memory_space<vmem>>
    %dma_start3A_128 = tpu.memref_squeeze %dma_start3A_127 : memref<1x128xi32, #tpu.memory_space<vmem>> -> memref<128xi32, #tpu.memory_space<vmem>>
    %dma_start3A_129 = arith.constant 0 : i32
    %dma_start3A_130 = arith.constant 0 : i32
    %dma_start3A_131 = tpu.memref_slice %arg3[%dma_start3A_129, %dma_start3A_130] : memref<100000x32xf32, #tpu.memory_space<hbm>> -> memref<100000x32xf32, #tpu.memory_space<hbm>>
    tpu.enqueue_indirect_dma source(%dma_start3A_131 : memref<100000x32xf32, #tpu.memory_space<hbm>>) target(%dma_start3A_125 : memref<128x32xf32, #tpu.memory_space<vmem>>) offsets(%dma_start3A_128 : memref<128xi32, #tpu.memory_space<vmem>>) semaphore(%arg7 : memref<!tpu.dma_semaphore, #tpu.memory_space<semaphore_mem>>)
    %dma_start3A_132 = arith.constant 6 : i32
    %dma_start3A_133 = arith.constant 1328 : i32
    %dma_start3A_134 = arith.constant 0 : i32
    %dma_start3A_135 = tpu.memref_slice %arg6[%dma_start3A_133, %dma_start3A_134] : memref<1600x32xf32, #tpu.memory_space<vmem>> -> memref<72x32xf32, #tpu.memory_space<vmem>>
    %dma_start3A_136 = arith.constant 128 : i32
    %dma_start3A_137 = tpu.memref_slice %arg5[%dma_start3A_132, %dma_start3A_136] : memref<128x200xi32, #tpu.memory_space<vmem>> -> memref<1x72xi32, #tpu.memory_space<vmem>>
    %dma_start3A_138 = tpu.memref_squeeze %dma_start3A_137 : memref<1x72xi32, #tpu.memory_space<vmem>> -> memref<72xi32, #tpu.memory_space<vmem>>
    %dma_start3A_139 = arith.constant 0 : i32
    %dma_start3A_140 = arith.constant 0 : i32
    %dma_start3A_141 = tpu.memref_slice %arg3[%dma_start3A_139, %dma_start3A_140] : memref<100000x32xf32, #tpu.memory_space<hbm>> -> memref<100000x32xf32, #tpu.memory_space<hbm>>
    tpu.enqueue_indirect_dma source(%dma_start3A_141 : memref<100000x32xf32, #tpu.memory_space<hbm>>) target(%dma_start3A_135 : memref<72x32xf32, #tpu.memory_space<vmem>>) offsets(%dma_start3A_138 : memref<72xi32, #tpu.memory_space<vmem>>) semaphore(%arg7 : memref<!tpu.dma_semaphore, #tpu.memory_space<semaphore_mem>>)
    %dma_start3A_142 = arith.constant 7 : i32
    %dma_start3A_143 = arith.constant 1400 : i32
    %dma_start3A_144 = arith.constant 0 : i32
    %dma_start3A_145 = tpu.memref_slice %arg6[%dma_start3A_143, %dma_start3A_144] : memref<1600x32xf32, #tpu.memory_space<vmem>> -> memref<128x32xf32, #tpu.memory_space<vmem>>
    %dma_start3A_146 = arith.constant 0 : i32
    %dma_start3A_147 = tpu.memref_slice %arg5[%dma_start3A_142, %dma_start3A_146] : memref<128x200xi32, #tpu.memory_space<vmem>> -> memref<1x128xi32, #tpu.memory_space<vmem>>
    %dma_start3A_148 = tpu.memref_squeeze %dma_start3A_147 : memref<1x128xi32, #tpu.memory_space<vmem>> -> memref<128xi32, #tpu.memory_space<vmem>>
    %dma_start3A_149 = arith.constant 0 : i32
    %dma_start3A_150 = arith.constant 0 : i32
    %dma_start3A_151 = tpu.memref_slice %arg3[%dma_start3A_149, %dma_start3A_150] : memref<100000x32xf32, #tpu.memory_space<hbm>> -> memref<100000x32xf32, #tpu.memory_space<hbm>>
    tpu.enqueue_indirect_dma source(%dma_start3A_151 : memref<100000x32xf32, #tpu.memory_space<hbm>>) target(%dma_start3A_145 : memref<128x32xf32, #tpu.memory_space<vmem>>) offsets(%dma_start3A_148 : memref<128xi32, #tpu.memory_space<vmem>>) semaphore(%arg7 : memref<!tpu.dma_semaphore, #tpu.memory_space<semaphore_mem>>)
    %dma_start3A_152 = arith.constant 7 : i32
    %dma_start3A_153 = arith.constant 1528 : i32
    %dma_start3A_154 = arith.constant 0 : i32
    %dma_start3A_155 = tpu.memref_slice %arg6[%dma_start3A_153, %dma_start3A_154] : memref<1600x32xf32, #tpu.memory_space<vmem>> -> memref<72x32xf32, #tpu.memory_space<vmem>>
    %dma_start3A_156 = arith.constant 128 : i32
    %dma_start3A_157 = tpu.memref_slice %arg5[%dma_start3A_152, %dma_start3A_156] : memref<128x200xi32, #tpu.memory_space<vmem>> -> memref<1x72xi32, #tpu.memory_space<vmem>>
    %dma_start3A_158 = tpu.memref_squeeze %dma_start3A_157 : memref<1x72xi32, #tpu.memory_space<vmem>> -> memref<72xi32, #tpu.memory_space<vmem>>
    %dma_start3A_159 = arith.constant 0 : i32
    %dma_start3A_160 = arith.constant 0 : i32
    %dma_start3A_161 = tpu.memref_slice %arg3[%dma_start3A_159, %dma_start3A_160] : memref<100000x32xf32, #tpu.memory_space<hbm>> -> memref<100000x32xf32, #tpu.memory_space<hbm>>
    tpu.enqueue_indirect_dma source(%dma_start3A_161 : memref<100000x32xf32, #tpu.memory_space<hbm>>) target(%dma_start3A_155 : memref<72x32xf32, #tpu.memory_space<vmem>>) offsets(%dma_start3A_158 : memref<72xi32, #tpu.memory_space<vmem>>) semaphore(%arg7 : memref<!tpu.dma_semaphore, #tpu.memory_space<semaphore_mem>>)
    %scan3A = arith.constant 0 : i32
    %scan3A_162 = arith.constant 0 : i32
    %scan3A_163 = arith.constant 30 : i32
    %scan3A_164 = arith.addi %scan3A_162, %scan3A_163 : i32
    %scan3A_165 = arith.constant 1 : i32
    scf.for %scan3A_382 = %scan3A_162 to %scan3A_164 step %scan3A_165  : i32 {
      %jit3A = arith.constant 2 : i32
      %eq3A = arith.constant 0 : i32
      %eq3A_383 = arith.cmpi eq, %jit3A, %eq3A : i32
      %jit3A_384 = arith.constant 1 : i32
      %select_n3A = arith.select %eq3A_383, %jit3A_384, %jit3A : i32
      %rem3A = arith.remsi %scan3A_382, %select_n3A : i32
      %ne3A = arith.constant 0 : i32
      %ne3A_385 = arith.cmpi ne, %rem3A, %ne3A : i32
      %lt3A = arith.constant 0 : i32
      %lt3A_386 = arith.cmpi slt, %rem3A, %lt3A : i32
      %lt3A_387 = arith.constant 0 : i32
      %lt3A_388 = arith.cmpi slt, %select_n3A, %lt3A_387 : i32
      %ne3A_389 = arith.xori %lt3A_386, %lt3A_388 : i1
      %and3A = arith.andi %ne3A_389, %ne3A_385 : i1
      %add3A_390 = arith.addi %rem3A, %select_n3A : i32
      %select_n3A_391 = arith.select %and3A, %add3A_390, %rem3A : i32
      %mul3A_392 = arith.constant 800 : i32
      %mul3A_393 = arith.muli %select_n3A_391, %mul3A_392 : i32
      %add3A_394 = arith.constant 0 : i32
      %add3A_395 = arith.addi %mul3A_393, %add3A_394 : i32
      %dma_wait3A_396 = arith.constant 0 : i32
      %dma_wait3A_397 = arith.constant 0 : i32
      %dma_wait3A_398 = tpu.memref_slice %arg6[%add3A_395, %dma_wait3A_397] : memref<1600x32xf32, #tpu.memory_space<vmem>> -> memref<128x32xf32, #tpu.memory_space<vmem>>
      %dma_wait3A_399 = arith.constant 0 : i32
      %dma_wait3A_400 = tpu.memref_slice %arg5[%dma_wait3A_396, %dma_wait3A_399] : memref<128x200xi32, #tpu.memory_space<vmem>> -> memref<1x128xi32, #tpu.memory_space<vmem>>
      %dma_wait3A_401 = tpu.memref_squeeze %dma_wait3A_400 : memref<1x128xi32, #tpu.memory_space<vmem>> -> memref<128xi32, #tpu.memory_space<vmem>>
      %dma_wait3A_402 = arith.constant 0 : i32
      %dma_wait3A_403 = arith.constant 0 : i32
      %dma_wait3A_404 = tpu.memref_slice %arg3[%dma_wait3A_402, %dma_wait3A_403] : memref<100000x32xf32, #tpu.memory_space<hbm>> -> memref<100000x32xf32, #tpu.memory_space<hbm>>
      tpu.wait_indirect_dma semaphore(%arg7 : memref<!tpu.dma_semaphore, #tpu.memory_space<semaphore_mem>>) src(%dma_wait3A_404 : memref<100000x32xf32, #tpu.memory_space<hbm>>) dst(%dma_wait3A_398 : memref<128x32xf32, #tpu.memory_space<vmem>>)
      %mul3A_405 = arith.constant 800 : i32
      %mul3A_406 = arith.muli %select_n3A_391, %mul3A_405 : i32
      %add3A_407 = arith.constant 128 : i32
      %add3A_408 = arith.addi %mul3A_406, %add3A_407 : i32
      %dma_wait3A_409 = arith.constant 0 : i32
      %dma_wait3A_410 = arith.constant 0 : i32
      %dma_wait3A_411 = tpu.memref_slice %arg6[%add3A_408, %dma_wait3A_410] : memref<1600x32xf32, #tpu.memory_space<vmem>> -> memref<72x32xf32, #tpu.memory_space<vmem>>
      %dma_wait3A_412 = arith.constant 128 : i32
      %dma_wait3A_413 = tpu.memref_slice %arg5[%dma_wait3A_409, %dma_wait3A_412] : memref<128x200xi32, #tpu.memory_space<vmem>> -> memref<1x72xi32, #tpu.memory_space<vmem>>
      %dma_wait3A_414 = tpu.memref_squeeze %dma_wait3A_413 : memref<1x72xi32, #tpu.memory_space<vmem>> -> memref<72xi32, #tpu.memory_space<vmem>>
      %dma_wait3A_415 = arith.constant 0 : i32
      %dma_wait3A_416 = arith.constant 0 : i32
      %dma_wait3A_417 = tpu.memref_slice %arg3[%dma_wait3A_415, %dma_wait3A_416] : memref<100000x32xf32, #tpu.memory_space<hbm>> -> memref<100000x32xf32, #tpu.memory_space<hbm>>
      tpu.wait_indirect_dma semaphore(%arg7 : memref<!tpu.dma_semaphore, #tpu.memory_space<semaphore_mem>>) src(%dma_wait3A_417 : memref<100000x32xf32, #tpu.memory_space<hbm>>) dst(%dma_wait3A_411 : memref<72x32xf32, #tpu.memory_space<vmem>>)
      %mul3A_418 = arith.constant 800 : i32
      %mul3A_419 = arith.muli %select_n3A_391, %mul3A_418 : i32
      %add3A_420 = arith.constant 200 : i32
      %add3A_421 = arith.addi %mul3A_419, %add3A_420 : i32
      %dma_wait3A_422 = arith.constant 0 : i32
      %dma_wait3A_423 = arith.constant 0 : i32
      %dma_wait3A_424 = tpu.memref_slice %arg6[%add3A_421, %dma_wait3A_423] : memref<1600x32xf32, #tpu.memory_space<vmem>> -> memref<128x32xf32, #tpu.memory_space<vmem>>
      %dma_wait3A_425 = arith.constant 0 : i32
      %dma_wait3A_426 = tpu.memref_slice %arg5[%dma_wait3A_422, %dma_wait3A_425] : memref<128x200xi32, #tpu.memory_space<vmem>> -> memref<1x128xi32, #tpu.memory_space<vmem>>
      %dma_wait3A_427 = tpu.memref_squeeze %dma_wait3A_426 : memref<1x128xi32, #tpu.memory_space<vmem>> -> memref<128xi32, #tpu.memory_space<vmem>>
      %dma_wait3A_428 = arith.constant 0 : i32
      %dma_wait3A_429 = arith.constant 0 : i32
      %dma_wait3A_430 = tpu.memref_slice %arg3[%dma_wait3A_428, %dma_wait3A_429] : memref<100000x32xf32, #tpu.memory_space<hbm>> -> memref<100000x32xf32, #tpu.memory_space<hbm>>
      tpu.wait_indirect_dma semaphore(%arg7 : memref<!tpu.dma_semaphore, #tpu.memory_space<semaphore_mem>>) src(%dma_wait3A_430 : memref<100000x32xf32, #tpu.memory_space<hbm>>) dst(%dma_wait3A_424 : memref<128x32xf32, #tpu.memory_space<vmem>>)
      %mul3A_431 = arith.constant 800 : i32
      %mul3A_432 = arith.muli %select_n3A_391, %mul3A_431 : i32
      %add3A_433 = arith.constant 328 : i32
      %add3A_434 = arith.addi %mul3A_432, %add3A_433 : i32
      %dma_wait3A_435 = arith.constant 0 : i32
      %dma_wait3A_436 = arith.constant 0 : i32
      %dma_wait3A_437 = tpu.memref_slice %arg6[%add3A_434, %dma_wait3A_436] : memref<1600x32xf32, #tpu.memory_space<vmem>> -> memref<72x32xf32, #tpu.memory_space<vmem>>
      %dma_wait3A_438 = arith.constant 128 : i32
      %dma_wait3A_439 = tpu.memref_slice %arg5[%dma_wait3A_435, %dma_wait3A_438] : memref<128x200xi32, #tpu.memory_space<vmem>> -> memref<1x72xi32, #tpu.memory_space<vmem>>
      %dma_wait3A_440 = tpu.memref_squeeze %dma_wait3A_439 : memref<1x72xi32, #tpu.memory_space<vmem>> -> memref<72xi32, #tpu.memory_space<vmem>>
      %dma_wait3A_441 = arith.constant 0 : i32
      %dma_wait3A_442 = arith.constant 0 : i32
      %dma_wait3A_443 = tpu.memref_slice %arg3[%dma_wait3A_441, %dma_wait3A_442] : memref<100000x32xf32, #tpu.memory_space<hbm>> -> memref<100000x32xf32, #tpu.memory_space<hbm>>
      tpu.wait_indirect_dma semaphore(%arg7 : memref<!tpu.dma_semaphore, #tpu.memory_space<semaphore_mem>>) src(%dma_wait3A_443 : memref<100000x32xf32, #tpu.memory_space<hbm>>) dst(%dma_wait3A_437 : memref<72x32xf32, #tpu.memory_space<vmem>>)
      %mul3A_444 = arith.constant 800 : i32
      %mul3A_445 = arith.muli %select_n3A_391, %mul3A_444 : i32
      %add3A_446 = arith.constant 400 : i32
      %add3A_447 = arith.addi %mul3A_445, %add3A_446 : i32
      %dma_wait3A_448 = arith.constant 0 : i32
      %dma_wait3A_449 = arith.constant 0 : i32
      %dma_wait3A_450 = tpu.memref_slice %arg6[%add3A_447, %dma_wait3A_449] : memref<1600x32xf32, #tpu.memory_space<vmem>> -> memref<128x32xf32, #tpu.memory_space<vmem>>
      %dma_wait3A_451 = arith.constant 0 : i32
      %dma_wait3A_452 = tpu.memref_slice %arg5[%dma_wait3A_448, %dma_wait3A_451] : memref<128x200xi32, #tpu.memory_space<vmem>> -> memref<1x128xi32, #tpu.memory_space<vmem>>
      %dma_wait3A_453 = tpu.memref_squeeze %dma_wait3A_452 : memref<1x128xi32, #tpu.memory_space<vmem>> -> memref<128xi32, #tpu.memory_space<vmem>>
      %dma_wait3A_454 = arith.constant 0 : i32
      %dma_wait3A_455 = arith.constant 0 : i32
      %dma_wait3A_456 = tpu.memref_slice %arg3[%dma_wait3A_454, %dma_wait3A_455] : memref<100000x32xf32, #tpu.memory_space<hbm>> -> memref<100000x32xf32, #tpu.memory_space<hbm>>
      tpu.wait_indirect_dma semaphore(%arg7 : memref<!tpu.dma_semaphore, #tpu.memory_space<semaphore_mem>>) src(%dma_wait3A_456 : memref<100000x32xf32, #tpu.memory_space<hbm>>) dst(%dma_wait3A_450 : memref<128x32xf32, #tpu.memory_space<vmem>>)
      %mul3A_457 = arith.constant 800 : i32
      %mul3A_458 = arith.muli %select_n3A_391, %mul3A_457 : i32
      %add3A_459 = arith.constant 528 : i32
      %add3A_460 = arith.addi %mul3A_458, %add3A_459 : i32
      %dma_wait3A_461 = arith.constant 0 : i32
      %dma_wait3A_462 = arith.constant 0 : i32
      %dma_wait3A_463 = tpu.memref_slice %arg6[%add3A_460, %dma_wait3A_462] : memref<1600x32xf32, #tpu.memory_space<vmem>> -> memref<72x32xf32, #tpu.memory_space<vmem>>
      %dma_wait3A_464 = arith.constant 128 : i32
      %dma_wait3A_465 = tpu.memref_slice %arg5[%dma_wait3A_461, %dma_wait3A_464] : memref<128x200xi32, #tpu.memory_space<vmem>> -> memref<1x72xi32, #tpu.memory_space<vmem>>
      %dma_wait3A_466 = tpu.memref_squeeze %dma_wait3A_465 : memref<1x72xi32, #tpu.memory_space<vmem>> -> memref<72xi32, #tpu.memory_space<vmem>>
      %dma_wait3A_467 = arith.constant 0 : i32
      %dma_wait3A_468 = arith.constant 0 : i32
      %dma_wait3A_469 = tpu.memref_slice %arg3[%dma_wait3A_467, %dma_wait3A_468] : memref<100000x32xf32, #tpu.memory_space<hbm>> -> memref<100000x32xf32, #tpu.memory_space<hbm>>
      tpu.wait_indirect_dma semaphore(%arg7 : memref<!tpu.dma_semaphore, #tpu.memory_space<semaphore_mem>>) src(%dma_wait3A_469 : memref<100000x32xf32, #tpu.memory_space<hbm>>) dst(%dma_wait3A_463 : memref<72x32xf32, #tpu.memory_space<vmem>>)
      %mul3A_470 = arith.constant 800 : i32
      %mul3A_471 = arith.muli %select_n3A_391, %mul3A_470 : i32
      %add3A_472 = arith.constant 600 : i32
      %add3A_473 = arith.addi %mul3A_471, %add3A_472 : i32
      %dma_wait3A_474 = arith.constant 0 : i32
      %dma_wait3A_475 = arith.constant 0 : i32
      %dma_wait3A_476 = tpu.memref_slice %arg6[%add3A_473, %dma_wait3A_475] : memref<1600x32xf32, #tpu.memory_space<vmem>> -> memref<128x32xf32, #tpu.memory_space<vmem>>
      %dma_wait3A_477 = arith.constant 0 : i32
      %dma_wait3A_478 = tpu.memref_slice %arg5[%dma_wait3A_474, %dma_wait3A_477] : memref<128x200xi32, #tpu.memory_space<vmem>> -> memref<1x128xi32, #tpu.memory_space<vmem>>
      %dma_wait3A_479 = tpu.memref_squeeze %dma_wait3A_478 : memref<1x128xi32, #tpu.memory_space<vmem>> -> memref<128xi32, #tpu.memory_space<vmem>>
      %dma_wait3A_480 = arith.constant 0 : i32
      %dma_wait3A_481 = arith.constant 0 : i32
      %dma_wait3A_482 = tpu.memref_slice %arg3[%dma_wait3A_480, %dma_wait3A_481] : memref<100000x32xf32, #tpu.memory_space<hbm>> -> memref<100000x32xf32, #tpu.memory_space<hbm>>
      tpu.wait_indirect_dma semaphore(%arg7 : memref<!tpu.dma_semaphore, #tpu.memory_space<semaphore_mem>>) src(%dma_wait3A_482 : memref<100000x32xf32, #tpu.memory_space<hbm>>) dst(%dma_wait3A_476 : memref<128x32xf32, #tpu.memory_space<vmem>>)
      %mul3A_483 = arith.constant 800 : i32
      %mul3A_484 = arith.muli %select_n3A_391, %mul3A_483 : i32
      %add3A_485 = arith.constant 728 : i32
      %add3A_486 = arith.addi %mul3A_484, %add3A_485 : i32
      %dma_wait3A_487 = arith.constant 0 : i32
      %dma_wait3A_488 = arith.constant 0 : i32
      %dma_wait3A_489 = tpu.memref_slice %arg6[%add3A_486, %dma_wait3A_488] : memref<1600x32xf32, #tpu.memory_space<vmem>> -> memref<72x32xf32, #tpu.memory_space<vmem>>
      %dma_wait3A_490 = arith.constant 128 : i32
      %dma_wait3A_491 = tpu.memref_slice %arg5[%dma_wait3A_487, %dma_wait3A_490] : memref<128x200xi32, #tpu.memory_space<vmem>> -> memref<1x72xi32, #tpu.memory_space<vmem>>
      %dma_wait3A_492 = tpu.memref_squeeze %dma_wait3A_491 : memref<1x72xi32, #tpu.memory_space<vmem>> -> memref<72xi32, #tpu.memory_space<vmem>>
      %dma_wait3A_493 = arith.constant 0 : i32
      %dma_wait3A_494 = arith.constant 0 : i32
      %dma_wait3A_495 = tpu.memref_slice %arg3[%dma_wait3A_493, %dma_wait3A_494] : memref<100000x32xf32, #tpu.memory_space<hbm>> -> memref<100000x32xf32, #tpu.memory_space<hbm>>
      tpu.wait_indirect_dma semaphore(%arg7 : memref<!tpu.dma_semaphore, #tpu.memory_space<semaphore_mem>>) src(%dma_wait3A_495 : memref<100000x32xf32, #tpu.memory_space<hbm>>) dst(%dma_wait3A_489 : memref<72x32xf32, #tpu.memory_space<vmem>>)
      %mul3A_496 = arith.constant 800 : i32
      %mul3A_497 = arith.muli %select_n3A_391, %mul3A_496 : i32
      %mul3A_498 = arith.constant 25600 : i32
      %mul3A_499 = arith.muli %add3A, %mul3A_498 : i32
      %mul3A_500 = arith.constant 800 : i32
      %mul3A_501 = arith.muli %scan3A_382, %mul3A_500 : i32
      %add3A_502 = arith.addi %mul3A_499, %mul3A_501 : i32
      %dma_start3A_503 = arith.constant 0 : i32
      %dma_start3A_504 = tpu.memref_slice %arg6[%mul3A_497, %dma_start3A_503] : memref<1600x32xf32, #tpu.memory_space<vmem>> -> memref<800x32xf32, #tpu.memory_space<vmem>>
      %dma_start3A_505 = arith.constant 0 : i32
      %dma_start3A_506 = tpu.memref_slice %arg4[%add3A_502, %dma_start3A_505] : memref<819200x32xf32, #tpu.memory_space<hbm>> -> memref<800x32xf32, #tpu.memory_space<hbm>>
      %dma_start3A_507 = arith.constant 0 : i32
      %dma_start3A_508 = tpu.memref_slice %arg4[%add3A_502, %dma_start3A_507] : memref<819200x32xf32, #tpu.memory_space<hbm>> -> memref<800x32xf32, #tpu.memory_space<hbm>>
      %dma_start3A_509 = arith.constant 0 : i32
      %dma_start3A_510 = tpu.memref_slice %arg6[%mul3A_497, %dma_start3A_509] : memref<1600x32xf32, #tpu.memory_space<vmem>> -> memref<800x32xf32, #tpu.memory_space<vmem>>
      tpu.enqueue_dma source(%dma_start3A_510 : memref<800x32xf32, #tpu.memory_space<vmem>>) target(%dma_start3A_508 : memref<800x32xf32, #tpu.memory_space<hbm>>) target_semaphore(%arg8 : memref<!tpu.dma_semaphore, #tpu.memory_space<semaphore_mem>>)
      %mul3A_511 = arith.constant 800 : i32
      %mul3A_512 = arith.muli %select_n3A_391, %mul3A_511 : i32
      %mul3A_513 = arith.constant 25600 : i32
      %mul3A_514 = arith.muli %add3A, %mul3A_513 : i32
      %mul3A_515 = arith.constant 800 : i32
      %mul3A_516 = arith.muli %scan3A_382, %mul3A_515 : i32
      %add3A_517 = arith.addi %mul3A_514, %mul3A_516 : i32
      %dma_wait3A_518 = arith.constant 0 : i32
      %dma_wait3A_519 = tpu.memref_slice %arg6[%mul3A_512, %dma_wait3A_518] : memref<1600x32xf32, #tpu.memory_space<vmem>> -> memref<800x32xf32, #tpu.memory_space<vmem>>
      %dma_wait3A_520 = arith.constant 0 : i32
      %dma_wait3A_521 = tpu.memref_slice %arg4[%add3A_517, %dma_wait3A_520] : memref<819200x32xf32, #tpu.memory_space<hbm>> -> memref<800x32xf32, #tpu.memory_space<hbm>>
      %dma_wait3A_522 = arith.constant 0 : i32
      %dma_wait3A_523 = tpu.memref_slice %arg4[%add3A_517, %dma_wait3A_522] : memref<819200x32xf32, #tpu.memory_space<hbm>> -> memref<800x32xf32, #tpu.memory_space<hbm>>
      %dma_wait3A_524 = arith.constant 0 : i32
      %dma_wait3A_525 = tpu.memref_slice %arg6[%mul3A_512, %dma_wait3A_524] : memref<1600x32xf32, #tpu.memory_space<vmem>> -> memref<800x32xf32, #tpu.memory_space<vmem>>
      tpu.wait_dma2 semaphore(%arg8 : memref<!tpu.dma_semaphore, #tpu.memory_space<semaphore_mem>>) src(%dma_wait3A_525 : memref<800x32xf32, #tpu.memory_space<vmem>>) dst(%dma_wait3A_523 : memref<800x32xf32, #tpu.memory_space<hbm>>)
      %add3A_526 = arith.constant 2 : i32
      %add3A_527 = arith.addi %scan3A_382, %add3A_526 : i32
      %mul3A_528 = arith.constant 4 : i32
      %mul3A_529 = arith.muli %add3A_527, %mul3A_528 : i32
      %add3A_530 = arith.constant 0 : i32
      %add3A_531 = arith.addi %mul3A_529, %add3A_530 : i32
      %mul3A_532 = arith.constant 800 : i32
      %mul3A_533 = arith.muli %select_n3A_391, %mul3A_532 : i32
      %add3A_534 = arith.constant 0 : i32
      %add3A_535 = arith.addi %mul3A_533, %add3A_534 : i32
      %dma_start3A_536 = arith.constant 0 : i32
      %dma_start3A_537 = tpu.memref_slice %arg6[%add3A_535, %dma_start3A_536] : memref<1600x32xf32, #tpu.memory_space<vmem>> -> memref<128x32xf32, #tpu.memory_space<vmem>>
      %dma_start3A_538 = arith.constant 0 : i32
      %dma_start3A_539 = tpu.memref_slice %arg5[%add3A_531, %dma_start3A_538] : memref<128x200xi32, #tpu.memory_space<vmem>> -> memref<1x128xi32, #tpu.memory_space<vmem>>
      %dma_start3A_540 = tpu.memref_squeeze %dma_start3A_539 : memref<1x128xi32, #tpu.memory_space<vmem>> -> memref<128xi32, #tpu.memory_space<vmem>>
      %dma_start3A_541 = arith.constant 0 : i32
      %dma_start3A_542 = arith.constant 0 : i32
      %dma_start3A_543 = tpu.memref_slice %arg3[%dma_start3A_541, %dma_start3A_542] : memref<100000x32xf32, #tpu.memory_space<hbm>> -> memref<100000x32xf32, #tpu.memory_space<hbm>>
      tpu.enqueue_indirect_dma source(%dma_start3A_543 : memref<100000x32xf32, #tpu.memory_space<hbm>>) target(%dma_start3A_537 : memref<128x32xf32, #tpu.memory_space<vmem>>) offsets(%dma_start3A_540 : memref<128xi32, #tpu.memory_space<vmem>>) semaphore(%arg7 : memref<!tpu.dma_semaphore, #tpu.memory_space<semaphore_mem>>)
      %mul3A_544 = arith.constant 4 : i32
      %mul3A_545 = arith.muli %add3A_527, %mul3A_544 : i32
      %add3A_546 = arith.constant 0 : i32
      %add3A_547 = arith.addi %mul3A_545, %add3A_546 : i32
      %mul3A_548 = arith.constant 800 : i32
      %mul3A_549 = arith.muli %select_n3A_391, %mul3A_548 : i32
      %add3A_550 = arith.constant 128 : i32
      %add3A_551 = arith.addi %mul3A_549, %add3A_550 : i32
      %dma_start3A_552 = arith.constant 0 : i32
      %dma_start3A_553 = tpu.memref_slice %arg6[%add3A_551, %dma_start3A_552] : memref<1600x32xf32, #tpu.memory_space<vmem>> -> memref<72x32xf32, #tpu.memory_space<vmem>>
      %dma_start3A_554 = arith.constant 128 : i32
      %dma_start3A_555 = tpu.memref_slice %arg5[%add3A_547, %dma_start3A_554] : memref<128x200xi32, #tpu.memory_space<vmem>> -> memref<1x72xi32, #tpu.memory_space<vmem>>
      %dma_start3A_556 = tpu.memref_squeeze %dma_start3A_555 : memref<1x72xi32, #tpu.memory_space<vmem>> -> memref<72xi32, #tpu.memory_space<vmem>>
      %dma_start3A_557 = arith.constant 0 : i32
      %dma_start3A_558 = arith.constant 0 : i32
      %dma_start3A_559 = tpu.memref_slice %arg3[%dma_start3A_557, %dma_start3A_558] : memref<100000x32xf32, #tpu.memory_space<hbm>> -> memref<100000x32xf32, #tpu.memory_space<hbm>>
      tpu.enqueue_indirect_dma source(%dma_start3A_559 : memref<100000x32xf32, #tpu.memory_space<hbm>>) target(%dma_start3A_553 : memref<72x32xf32, #tpu.memory_space<vmem>>) offsets(%dma_start3A_556 : memref<72xi32, #tpu.memory_space<vmem>>) semaphore(%arg7 : memref<!tpu.dma_semaphore, #tpu.memory_space<semaphore_mem>>)
      %mul3A_560 = arith.constant 4 : i32
      %mul3A_561 = arith.muli %add3A_527, %mul3A_560 : i32
      %add3A_562 = arith.constant 1 : i32
      %add3A_563 = arith.addi %mul3A_561, %add3A_562 : i32
      %mul3A_564 = arith.constant 800 : i32
      %mul3A_565 = arith.muli %select_n3A_391, %mul3A_564 : i32
      %add3A_566 = arith.constant 200 : i32
      %add3A_567 = arith.addi %mul3A_565, %add3A_566 : i32
      %dma_start3A_568 = arith.constant 0 : i32
      %dma_start3A_569 = tpu.memref_slice %arg6[%add3A_567, %dma_start3A_568] : memref<1600x32xf32, #tpu.memory_space<vmem>> -> memref<128x32xf32, #tpu.memory_space<vmem>>
      %dma_start3A_570 = arith.constant 0 : i32
      %dma_start3A_571 = tpu.memref_slice %arg5[%add3A_563, %dma_start3A_570] : memref<128x200xi32, #tpu.memory_space<vmem>> -> memref<1x128xi32, #tpu.memory_space<vmem>>
      %dma_start3A_572 = tpu.memref_squeeze %dma_start3A_571 : memref<1x128xi32, #tpu.memory_space<vmem>> -> memref<128xi32, #tpu.memory_space<vmem>>
      %dma_start3A_573 = arith.constant 0 : i32
      %dma_start3A_574 = arith.constant 0 : i32
      %dma_start3A_575 = tpu.memref_slice %arg3[%dma_start3A_573, %dma_start3A_574] : memref<100000x32xf32, #tpu.memory_space<hbm>> -> memref<100000x32xf32, #tpu.memory_space<hbm>>
      tpu.enqueue_indirect_dma source(%dma_start3A_575 : memref<100000x32xf32, #tpu.memory_space<hbm>>) target(%dma_start3A_569 : memref<128x32xf32, #tpu.memory_space<vmem>>) offsets(%dma_start3A_572 : memref<128xi32, #tpu.memory_space<vmem>>) semaphore(%arg7 : memref<!tpu.dma_semaphore, #tpu.memory_space<semaphore_mem>>)
      %mul3A_576 = arith.constant 4 : i32
      %mul3A_577 = arith.muli %add3A_527, %mul3A_576 : i32
      %add3A_578 = arith.constant 1 : i32
      %add3A_579 = arith.addi %mul3A_577, %add3A_578 : i32
      %mul3A_580 = arith.constant 800 : i32
      %mul3A_581 = arith.muli %select_n3A_391, %mul3A_580 : i32
      %add3A_582 = arith.constant 328 : i32
      %add3A_583 = arith.addi %mul3A_581, %add3A_582 : i32
      %dma_start3A_584 = arith.constant 0 : i32
      %dma_start3A_585 = tpu.memref_slice %arg6[%add3A_583, %dma_start3A_584] : memref<1600x32xf32, #tpu.memory_space<vmem>> -> memref<72x32xf32, #tpu.memory_space<vmem>>
      %dma_start3A_586 = arith.constant 128 : i32
      %dma_start3A_587 = tpu.memref_slice %arg5[%add3A_579, %dma_start3A_586] : memref<128x200xi32, #tpu.memory_space<vmem>> -> memref<1x72xi32, #tpu.memory_space<vmem>>
      %dma_start3A_588 = tpu.memref_squeeze %dma_start3A_587 : memref<1x72xi32, #tpu.memory_space<vmem>> -> memref<72xi32, #tpu.memory_space<vmem>>
      %dma_start3A_589 = arith.constant 0 : i32
      %dma_start3A_590 = arith.constant 0 : i32
      %dma_start3A_591 = tpu.memref_slice %arg3[%dma_start3A_589, %dma_start3A_590] : memref<100000x32xf32, #tpu.memory_space<hbm>> -> memref<100000x32xf32, #tpu.memory_space<hbm>>
      tpu.enqueue_indirect_dma source(%dma_start3A_591 : memref<100000x32xf32, #tpu.memory_space<hbm>>) target(%dma_start3A_585 : memref<72x32xf32, #tpu.memory_space<vmem>>) offsets(%dma_start3A_588 : memref<72xi32, #tpu.memory_space<vmem>>) semaphore(%arg7 : memref<!tpu.dma_semaphore, #tpu.memory_space<semaphore_mem>>)
      %mul3A_592 = arith.constant 4 : i32
      %mul3A_593 = arith.muli %add3A_527, %mul3A_592 : i32
      %add3A_594 = arith.constant 2 : i32
      %add3A_595 = arith.addi %mul3A_593, %add3A_594 : i32
      %mul3A_596 = arith.constant 800 : i32
      %mul3A_597 = arith.muli %select_n3A_391, %mul3A_596 : i32
      %add3A_598 = arith.constant 400 : i32
      %add3A_599 = arith.addi %mul3A_597, %add3A_598 : i32
      %dma_start3A_600 = arith.constant 0 : i32
      %dma_start3A_601 = tpu.memref_slice %arg6[%add3A_599, %dma_start3A_600] : memref<1600x32xf32, #tpu.memory_space<vmem>> -> memref<128x32xf32, #tpu.memory_space<vmem>>
      %dma_start3A_602 = arith.constant 0 : i32
      %dma_start3A_603 = tpu.memref_slice %arg5[%add3A_595, %dma_start3A_602] : memref<128x200xi32, #tpu.memory_space<vmem>> -> memref<1x128xi32, #tpu.memory_space<vmem>>
      %dma_start3A_604 = tpu.memref_squeeze %dma_start3A_603 : memref<1x128xi32, #tpu.memory_space<vmem>> -> memref<128xi32, #tpu.memory_space<vmem>>
      %dma_start3A_605 = arith.constant 0 : i32
      %dma_start3A_606 = arith.constant 0 : i32
      %dma_start3A_607 = tpu.memref_slice %arg3[%dma_start3A_605, %dma_start3A_606] : memref<100000x32xf32, #tpu.memory_space<hbm>> -> memref<100000x32xf32, #tpu.memory_space<hbm>>
      tpu.enqueue_indirect_dma source(%dma_start3A_607 : memref<100000x32xf32, #tpu.memory_space<hbm>>) target(%dma_start3A_601 : memref<128x32xf32, #tpu.memory_space<vmem>>) offsets(%dma_start3A_604 : memref<128xi32, #tpu.memory_space<vmem>>) semaphore(%arg7 : memref<!tpu.dma_semaphore, #tpu.memory_space<semaphore_mem>>)
      %mul3A_608 = arith.constant 4 : i32
      %mul3A_609 = arith.muli %add3A_527, %mul3A_608 : i32
      %add3A_610 = arith.constant 2 : i32
      %add3A_611 = arith.addi %mul3A_609, %add3A_610 : i32
      %mul3A_612 = arith.constant 800 : i32
      %mul3A_613 = arith.muli %select_n3A_391, %mul3A_612 : i32
      %add3A_614 = arith.constant 528 : i32
      %add3A_615 = arith.addi %mul3A_613, %add3A_614 : i32
      %dma_start3A_616 = arith.constant 0 : i32
      %dma_start3A_617 = tpu.memref_slice %arg6[%add3A_615, %dma_start3A_616] : memref<1600x32xf32, #tpu.memory_space<vmem>> -> memref<72x32xf32, #tpu.memory_space<vmem>>
      %dma_start3A_618 = arith.constant 128 : i32
      %dma_start3A_619 = tpu.memref_slice %arg5[%add3A_611, %dma_start3A_618] : memref<128x200xi32, #tpu.memory_space<vmem>> -> memref<1x72xi32, #tpu.memory_space<vmem>>
      %dma_start3A_620 = tpu.memref_squeeze %dma_start3A_619 : memref<1x72xi32, #tpu.memory_space<vmem>> -> memref<72xi32, #tpu.memory_space<vmem>>
      %dma_start3A_621 = arith.constant 0 : i32
      %dma_start3A_622 = arith.constant 0 : i32
      %dma_start3A_623 = tpu.memref_slice %arg3[%dma_start3A_621, %dma_start3A_622] : memref<100000x32xf32, #tpu.memory_space<hbm>> -> memref<100000x32xf32, #tpu.memory_space<hbm>>
      tpu.enqueue_indirect_dma source(%dma_start3A_623 : memref<100000x32xf32, #tpu.memory_space<hbm>>) target(%dma_start3A_617 : memref<72x32xf32, #tpu.memory_space<vmem>>) offsets(%dma_start3A_620 : memref<72xi32, #tpu.memory_space<vmem>>) semaphore(%arg7 : memref<!tpu.dma_semaphore, #tpu.memory_space<semaphore_mem>>)
      %mul3A_624 = arith.constant 4 : i32
      %mul3A_625 = arith.muli %add3A_527, %mul3A_624 : i32
      %add3A_626 = arith.constant 3 : i32
      %add3A_627 = arith.addi %mul3A_625, %add3A_626 : i32
      %mul3A_628 = arith.constant 800 : i32
      %mul3A_629 = arith.muli %select_n3A_391, %mul3A_628 : i32
      %add3A_630 = arith.constant 600 : i32
      %add3A_631 = arith.addi %mul3A_629, %add3A_630 : i32
      %dma_start3A_632 = arith.constant 0 : i32
      %dma_start3A_633 = tpu.memref_slice %arg6[%add3A_631, %dma_start3A_632] : memref<1600x32xf32, #tpu.memory_space<vmem>> -> memref<128x32xf32, #tpu.memory_space<vmem>>
      %dma_start3A_634 = arith.constant 0 : i32
      %dma_start3A_635 = tpu.memref_slice %arg5[%add3A_627, %dma_start3A_634] : memref<128x200xi32, #tpu.memory_space<vmem>> -> memref<1x128xi32, #tpu.memory_space<vmem>>
      %dma_start3A_636 = tpu.memref_squeeze %dma_start3A_635 : memref<1x128xi32, #tpu.memory_space<vmem>> -> memref<128xi32, #tpu.memory_space<vmem>>
      %dma_start3A_637 = arith.constant 0 : i32
      %dma_start3A_638 = arith.constant 0 : i32
      %dma_start3A_639 = tpu.memref_slice %arg3[%dma_start3A_637, %dma_start3A_638] : memref<100000x32xf32, #tpu.memory_space<hbm>> -> memref<100000x32xf32, #tpu.memory_space<hbm>>
      tpu.enqueue_indirect_dma source(%dma_start3A_639 : memref<100000x32xf32, #tpu.memory_space<hbm>>) target(%dma_start3A_633 : memref<128x32xf32, #tpu.memory_space<vmem>>) offsets(%dma_start3A_636 : memref<128xi32, #tpu.memory_space<vmem>>) semaphore(%arg7 : memref<!tpu.dma_semaphore, #tpu.memory_space<semaphore_mem>>)
      %mul3A_640 = arith.constant 4 : i32
      %mul3A_641 = arith.muli %add3A_527, %mul3A_640 : i32
      %add3A_642 = arith.constant 3 : i32
      %add3A_643 = arith.addi %mul3A_641, %add3A_642 : i32
      %mul3A_644 = arith.constant 800 : i32
      %mul3A_645 = arith.muli %select_n3A_391, %mul3A_644 : i32
      %add3A_646 = arith.constant 728 : i32
      %add3A_647 = arith.addi %mul3A_645, %add3A_646 : i32
      %dma_start3A_648 = arith.constant 0 : i32
      %dma_start3A_649 = tpu.memref_slice %arg6[%add3A_647, %dma_start3A_648] : memref<1600x32xf32, #tpu.memory_space<vmem>> -> memref<72x32xf32, #tpu.memory_space<vmem>>
      %dma_start3A_650 = arith.constant 128 : i32
      %dma_start3A_651 = tpu.memref_slice %arg5[%add3A_643, %dma_start3A_650] : memref<128x200xi32, #tpu.memory_space<vmem>> -> memref<1x72xi32, #tpu.memory_space<vmem>>
      %dma_start3A_652 = tpu.memref_squeeze %dma_start3A_651 : memref<1x72xi32, #tpu.memory_space<vmem>> -> memref<72xi32, #tpu.memory_space<vmem>>
      %dma_start3A_653 = arith.constant 0 : i32
      %dma_start3A_654 = arith.constant 0 : i32
      %dma_start3A_655 = tpu.memref_slice %arg3[%dma_start3A_653, %dma_start3A_654] : memref<100000x32xf32, #tpu.memory_space<hbm>> -> memref<100000x32xf32, #tpu.memory_space<hbm>>
      tpu.enqueue_indirect_dma source(%dma_start3A_655 : memref<100000x32xf32, #tpu.memory_space<hbm>>) target(%dma_start3A_649 : memref<72x32xf32, #tpu.memory_space<vmem>>) offsets(%dma_start3A_652 : memref<72xi32, #tpu.memory_space<vmem>>) semaphore(%arg7 : memref<!tpu.dma_semaphore, #tpu.memory_space<semaphore_mem>>)
    }
    %scan3A_166 = arith.constant 30 : i32
    %dma_wait3A = arith.constant 0 : i32
    %dma_wait3A_167 = arith.constant 0 : i32
    %dma_wait3A_168 = arith.constant 0 : i32
    %dma_wait3A_169 = tpu.memref_slice %arg6[%dma_wait3A_167, %dma_wait3A_168] : memref<1600x32xf32, #tpu.memory_space<vmem>> -> memref<128x32xf32, #tpu.memory_space<vmem>>
    %dma_wait3A_170 = arith.constant 0 : i32
    %dma_wait3A_171 = tpu.memref_slice %arg5[%dma_wait3A, %dma_wait3A_170] : memref<128x200xi32, #tpu.memory_space<vmem>> -> memref<1x128xi32, #tpu.memory_space<vmem>>
    %dma_wait3A_172 = tpu.memref_squeeze %dma_wait3A_171 : memref<1x128xi32, #tpu.memory_space<vmem>> -> memref<128xi32, #tpu.memory_space<vmem>>
    %dma_wait3A_173 = arith.constant 0 : i32
    %dma_wait3A_174 = arith.constant 0 : i32
    %dma_wait3A_175 = tpu.memref_slice %arg3[%dma_wait3A_173, %dma_wait3A_174] : memref<100000x32xf32, #tpu.memory_space<hbm>> -> memref<100000x32xf32, #tpu.memory_space<hbm>>
    tpu.wait_indirect_dma semaphore(%arg7 : memref<!tpu.dma_semaphore, #tpu.memory_space<semaphore_mem>>) src(%dma_wait3A_175 : memref<100000x32xf32, #tpu.memory_space<hbm>>) dst(%dma_wait3A_169 : memref<128x32xf32, #tpu.memory_space<vmem>>)
    %dma_wait3A_176 = arith.constant 0 : i32
    %dma_wait3A_177 = arith.constant 128 : i32
    %dma_wait3A_178 = arith.constant 0 : i32
    %dma_wait3A_179 = tpu.memref_slice %arg6[%dma_wait3A_177, %dma_wait3A_178] : memref<1600x32xf32, #tpu.memory_space<vmem>> -> memref<72x32xf32, #tpu.memory_space<vmem>>
    %dma_wait3A_180 = arith.constant 128 : i32
    %dma_wait3A_181 = tpu.memref_slice %arg5[%dma_wait3A_176, %dma_wait3A_180] : memref<128x200xi32, #tpu.memory_space<vmem>> -> memref<1x72xi32, #tpu.memory_space<vmem>>
    %dma_wait3A_182 = tpu.memref_squeeze %dma_wait3A_181 : memref<1x72xi32, #tpu.memory_space<vmem>> -> memref<72xi32, #tpu.memory_space<vmem>>
    %dma_wait3A_183 = arith.constant 0 : i32
    %dma_wait3A_184 = arith.constant 0 : i32
    %dma_wait3A_185 = tpu.memref_slice %arg3[%dma_wait3A_183, %dma_wait3A_184] : memref<100000x32xf32, #tpu.memory_space<hbm>> -> memref<100000x32xf32, #tpu.memory_space<hbm>>
    tpu.wait_indirect_dma semaphore(%arg7 : memref<!tpu.dma_semaphore, #tpu.memory_space<semaphore_mem>>) src(%dma_wait3A_185 : memref<100000x32xf32, #tpu.memory_space<hbm>>) dst(%dma_wait3A_179 : memref<72x32xf32, #tpu.memory_space<vmem>>)
    %dma_wait3A_186 = arith.constant 0 : i32
    %dma_wait3A_187 = arith.constant 200 : i32
    %dma_wait3A_188 = arith.constant 0 : i32
    %dma_wait3A_189 = tpu.memref_slice %arg6[%dma_wait3A_187, %dma_wait3A_188] : memref<1600x32xf32, #tpu.memory_space<vmem>> -> memref<128x32xf32, #tpu.memory_space<vmem>>
    %dma_wait3A_190 = arith.constant 0 : i32
    %dma_wait3A_191 = tpu.memref_slice %arg5[%dma_wait3A_186, %dma_wait3A_190] : memref<128x200xi32, #tpu.memory_space<vmem>> -> memref<1x128xi32, #tpu.memory_space<vmem>>
    %dma_wait3A_192 = tpu.memref_squeeze %dma_wait3A_191 : memref<1x128xi32, #tpu.memory_space<vmem>> -> memref<128xi32, #tpu.memory_space<vmem>>
    %dma_wait3A_193 = arith.constant 0 : i32
    %dma_wait3A_194 = arith.constant 0 : i32
    %dma_wait3A_195 = tpu.memref_slice %arg3[%dma_wait3A_193, %dma_wait3A_194] : memref<100000x32xf32, #tpu.memory_space<hbm>> -> memref<100000x32xf32, #tpu.memory_space<hbm>>
    tpu.wait_indirect_dma semaphore(%arg7 : memref<!tpu.dma_semaphore, #tpu.memory_space<semaphore_mem>>) src(%dma_wait3A_195 : memref<100000x32xf32, #tpu.memory_space<hbm>>) dst(%dma_wait3A_189 : memref<128x32xf32, #tpu.memory_space<vmem>>)
    %dma_wait3A_196 = arith.constant 0 : i32
    %dma_wait3A_197 = arith.constant 328 : i32
    %dma_wait3A_198 = arith.constant 0 : i32
    %dma_wait3A_199 = tpu.memref_slice %arg6[%dma_wait3A_197, %dma_wait3A_198] : memref<1600x32xf32, #tpu.memory_space<vmem>> -> memref<72x32xf32, #tpu.memory_space<vmem>>
    %dma_wait3A_200 = arith.constant 128 : i32
    %dma_wait3A_201 = tpu.memref_slice %arg5[%dma_wait3A_196, %dma_wait3A_200] : memref<128x200xi32, #tpu.memory_space<vmem>> -> memref<1x72xi32, #tpu.memory_space<vmem>>
    %dma_wait3A_202 = tpu.memref_squeeze %dma_wait3A_201 : memref<1x72xi32, #tpu.memory_space<vmem>> -> memref<72xi32, #tpu.memory_space<vmem>>
    %dma_wait3A_203 = arith.constant 0 : i32
    %dma_wait3A_204 = arith.constant 0 : i32
    %dma_wait3A_205 = tpu.memref_slice %arg3[%dma_wait3A_203, %dma_wait3A_204] : memref<100000x32xf32, #tpu.memory_space<hbm>> -> memref<100000x32xf32, #tpu.memory_space<hbm>>
    tpu.wait_indirect_dma semaphore(%arg7 : memref<!tpu.dma_semaphore, #tpu.memory_space<semaphore_mem>>) src(%dma_wait3A_205 : memref<100000x32xf32, #tpu.memory_space<hbm>>) dst(%dma_wait3A_199 : memref<72x32xf32, #tpu.memory_space<vmem>>)
    %dma_wait3A_206 = arith.constant 0 : i32
    %dma_wait3A_207 = arith.constant 400 : i32
    %dma_wait3A_208 = arith.constant 0 : i32
    %dma_wait3A_209 = tpu.memref_slice %arg6[%dma_wait3A_207, %dma_wait3A_208] : memref<1600x32xf32, #tpu.memory_space<vmem>> -> memref<128x32xf32, #tpu.memory_space<vmem>>
    %dma_wait3A_210 = arith.constant 0 : i32
    %dma_wait3A_211 = tpu.memref_slice %arg5[%dma_wait3A_206, %dma_wait3A_210] : memref<128x200xi32, #tpu.memory_space<vmem>> -> memref<1x128xi32, #tpu.memory_space<vmem>>
    %dma_wait3A_212 = tpu.memref_squeeze %dma_wait3A_211 : memref<1x128xi32, #tpu.memory_space<vmem>> -> memref<128xi32, #tpu.memory_space<vmem>>
    %dma_wait3A_213 = arith.constant 0 : i32
    %dma_wait3A_214 = arith.constant 0 : i32
    %dma_wait3A_215 = tpu.memref_slice %arg3[%dma_wait3A_213, %dma_wait3A_214] : memref<100000x32xf32, #tpu.memory_space<hbm>> -> memref<100000x32xf32, #tpu.memory_space<hbm>>
    tpu.wait_indirect_dma semaphore(%arg7 : memref<!tpu.dma_semaphore, #tpu.memory_space<semaphore_mem>>) src(%dma_wait3A_215 : memref<100000x32xf32, #tpu.memory_space<hbm>>) dst(%dma_wait3A_209 : memref<128x32xf32, #tpu.memory_space<vmem>>)
    %dma_wait3A_216 = arith.constant 0 : i32
    %dma_wait3A_217 = arith.constant 528 : i32
    %dma_wait3A_218 = arith.constant 0 : i32
    %dma_wait3A_219 = tpu.memref_slice %arg6[%dma_wait3A_217, %dma_wait3A_218] : memref<1600x32xf32, #tpu.memory_space<vmem>> -> memref<72x32xf32, #tpu.memory_space<vmem>>
    %dma_wait3A_220 = arith.constant 128 : i32
    %dma_wait3A_221 = tpu.memref_slice %arg5[%dma_wait3A_216, %dma_wait3A_220] : memref<128x200xi32, #tpu.memory_space<vmem>> -> memref<1x72xi32, #tpu.memory_space<vmem>>
    %dma_wait3A_222 = tpu.memref_squeeze %dma_wait3A_221 : memref<1x72xi32, #tpu.memory_space<vmem>> -> memref<72xi32, #tpu.memory_space<vmem>>
    %dma_wait3A_223 = arith.constant 0 : i32
    %dma_wait3A_224 = arith.constant 0 : i32
    %dma_wait3A_225 = tpu.memref_slice %arg3[%dma_wait3A_223, %dma_wait3A_224] : memref<100000x32xf32, #tpu.memory_space<hbm>> -> memref<100000x32xf32, #tpu.memory_space<hbm>>
    tpu.wait_indirect_dma semaphore(%arg7 : memref<!tpu.dma_semaphore, #tpu.memory_space<semaphore_mem>>) src(%dma_wait3A_225 : memref<100000x32xf32, #tpu.memory_space<hbm>>) dst(%dma_wait3A_219 : memref<72x32xf32, #tpu.memory_space<vmem>>)
    %dma_wait3A_226 = arith.constant 0 : i32
    %dma_wait3A_227 = arith.constant 600 : i32
    %dma_wait3A_228 = arith.constant 0 : i32
    %dma_wait3A_229 = tpu.memref_slice %arg6[%dma_wait3A_227, %dma_wait3A_228] : memref<1600x32xf32, #tpu.memory_space<vmem>> -> memref<128x32xf32, #tpu.memory_space<vmem>>
    %dma_wait3A_230 = arith.constant 0 : i32
    %dma_wait3A_231 = tpu.memref_slice %arg5[%dma_wait3A_226, %dma_wait3A_230] : memref<128x200xi32, #tpu.memory_space<vmem>> -> memref<1x128xi32, #tpu.memory_space<vmem>>
    %dma_wait3A_232 = tpu.memref_squeeze %dma_wait3A_231 : memref<1x128xi32, #tpu.memory_space<vmem>> -> memref<128xi32, #tpu.memory_space<vmem>>
    %dma_wait3A_233 = arith.constant 0 : i32
    %dma_wait3A_234 = arith.constant 0 : i32
    %dma_wait3A_235 = tpu.memref_slice %arg3[%dma_wait3A_233, %dma_wait3A_234] : memref<100000x32xf32, #tpu.memory_space<hbm>> -> memref<100000x32xf32, #tpu.memory_space<hbm>>
    tpu.wait_indirect_dma semaphore(%arg7 : memref<!tpu.dma_semaphore, #tpu.memory_space<semaphore_mem>>) src(%dma_wait3A_235 : memref<100000x32xf32, #tpu.memory_space<hbm>>) dst(%dma_wait3A_229 : memref<128x32xf32, #tpu.memory_space<vmem>>)
    %dma_wait3A_236 = arith.constant 0 : i32
    %dma_wait3A_237 = arith.constant 728 : i32
    %dma_wait3A_238 = arith.constant 0 : i32
    %dma_wait3A_239 = tpu.memref_slice %arg6[%dma_wait3A_237, %dma_wait3A_238] : memref<1600x32xf32, #tpu.memory_space<vmem>> -> memref<72x32xf32, #tpu.memory_space<vmem>>
    %dma_wait3A_240 = arith.constant 128 : i32
    %dma_wait3A_241 = tpu.memref_slice %arg5[%dma_wait3A_236, %dma_wait3A_240] : memref<128x200xi32, #tpu.memory_space<vmem>> -> memref<1x72xi32, #tpu.memory_space<vmem>>
    %dma_wait3A_242 = tpu.memref_squeeze %dma_wait3A_241 : memref<1x72xi32, #tpu.memory_space<vmem>> -> memref<72xi32, #tpu.memory_space<vmem>>
    %dma_wait3A_243 = arith.constant 0 : i32
    %dma_wait3A_244 = arith.constant 0 : i32
    %dma_wait3A_245 = tpu.memref_slice %arg3[%dma_wait3A_243, %dma_wait3A_244] : memref<100000x32xf32, #tpu.memory_space<hbm>> -> memref<100000x32xf32, #tpu.memory_space<hbm>>
    tpu.wait_indirect_dma semaphore(%arg7 : memref<!tpu.dma_semaphore, #tpu.memory_space<semaphore_mem>>) src(%dma_wait3A_245 : memref<100000x32xf32, #tpu.memory_space<hbm>>) dst(%dma_wait3A_239 : memref<72x32xf32, #tpu.memory_space<vmem>>)
    %mul3A_246 = arith.constant 25600 : i32
    %mul3A_247 = arith.muli %add3A, %mul3A_246 : i32
    %add3A_248 = arith.constant 24000 : i32
    %add3A_249 = arith.addi %mul3A_247, %add3A_248 : i32
    %dma_start3A_250 = arith.constant 0 : i32
    %dma_start3A_251 = arith.constant 0 : i32
    %dma_start3A_252 = tpu.memref_slice %arg6[%dma_start3A_250, %dma_start3A_251] : memref<1600x32xf32, #tpu.memory_space<vmem>> -> memref<800x32xf32, #tpu.memory_space<vmem>>
    %dma_start3A_253 = arith.constant 0 : i32
    %dma_start3A_254 = tpu.memref_slice %arg4[%add3A_249, %dma_start3A_253] : memref<819200x32xf32, #tpu.memory_space<hbm>> -> memref<800x32xf32, #tpu.memory_space<hbm>>
    %dma_start3A_255 = arith.constant 0 : i32
    %dma_start3A_256 = tpu.memref_slice %arg4[%add3A_249, %dma_start3A_255] : memref<819200x32xf32, #tpu.memory_space<hbm>> -> memref<800x32xf32, #tpu.memory_space<hbm>>
    %dma_start3A_257 = arith.constant 0 : i32
    %dma_start3A_258 = arith.constant 0 : i32
    %dma_start3A_259 = tpu.memref_slice %arg6[%dma_start3A_257, %dma_start3A_258] : memref<1600x32xf32, #tpu.memory_space<vmem>> -> memref<800x32xf32, #tpu.memory_space<vmem>>
    tpu.enqueue_dma source(%dma_start3A_259 : memref<800x32xf32, #tpu.memory_space<vmem>>) target(%dma_start3A_256 : memref<800x32xf32, #tpu.memory_space<hbm>>) target_semaphore(%arg8 : memref<!tpu.dma_semaphore, #tpu.memory_space<semaphore_mem>>)
    %dma_wait3A_260 = arith.constant 0 : i32
    %dma_wait3A_261 = arith.constant 800 : i32
    %dma_wait3A_262 = arith.constant 0 : i32
    %dma_wait3A_263 = tpu.memref_slice %arg6[%dma_wait3A_261, %dma_wait3A_262] : memref<1600x32xf32, #tpu.memory_space<vmem>> -> memref<128x32xf32, #tpu.memory_space<vmem>>
    %dma_wait3A_264 = arith.constant 0 : i32
    %dma_wait3A_265 = tpu.memref_slice %arg5[%dma_wait3A_260, %dma_wait3A_264] : memref<128x200xi32, #tpu.memory_space<vmem>> -> memref<1x128xi32, #tpu.memory_space<vmem>>
    %dma_wait3A_266 = tpu.memref_squeeze %dma_wait3A_265 : memref<1x128xi32, #tpu.memory_space<vmem>> -> memref<128xi32, #tpu.memory_space<vmem>>
    %dma_wait3A_267 = arith.constant 0 : i32
    %dma_wait3A_268 = arith.constant 0 : i32
    %dma_wait3A_269 = tpu.memref_slice %arg3[%dma_wait3A_267, %dma_wait3A_268] : memref<100000x32xf32, #tpu.memory_space<hbm>> -> memref<100000x32xf32, #tpu.memory_space<hbm>>
    tpu.wait_indirect_dma semaphore(%arg7 : memref<!tpu.dma_semaphore, #tpu.memory_space<semaphore_mem>>) src(%dma_wait3A_269 : memref<100000x32xf32, #tpu.memory_space<hbm>>) dst(%dma_wait3A_263 : memref<128x32xf32, #tpu.memory_space<vmem>>)
    %dma_wait3A_270 = arith.constant 0 : i32
    %dma_wait3A_271 = arith.constant 928 : i32
    %dma_wait3A_272 = arith.constant 0 : i32
    %dma_wait3A_273 = tpu.memref_slice %arg6[%dma_wait3A_271, %dma_wait3A_272] : memref<1600x32xf32, #tpu.memory_space<vmem>> -> memref<72x32xf32, #tpu.memory_space<vmem>>
    %dma_wait3A_274 = arith.constant 128 : i32
    %dma_wait3A_275 = tpu.memref_slice %arg5[%dma_wait3A_270, %dma_wait3A_274] : memref<128x200xi32, #tpu.memory_space<vmem>> -> memref<1x72xi32, #tpu.memory_space<vmem>>
    %dma_wait3A_276 = tpu.memref_squeeze %dma_wait3A_275 : memref<1x72xi32, #tpu.memory_space<vmem>> -> memref<72xi32, #tpu.memory_space<vmem>>
    %dma_wait3A_277 = arith.constant 0 : i32
    %dma_wait3A_278 = arith.constant 0 : i32
    %dma_wait3A_279 = tpu.memref_slice %arg3[%dma_wait3A_277, %dma_wait3A_278] : memref<100000x32xf32, #tpu.memory_space<hbm>> -> memref<100000x32xf32, #tpu.memory_space<hbm>>
    tpu.wait_indirect_dma semaphore(%arg7 : memref<!tpu.dma_semaphore, #tpu.memory_space<semaphore_mem>>) src(%dma_wait3A_279 : memref<100000x32xf32, #tpu.memory_space<hbm>>) dst(%dma_wait3A_273 : memref<72x32xf32, #tpu.memory_space<vmem>>)
    %dma_wait3A_280 = arith.constant 0 : i32
    %dma_wait3A_281 = arith.constant 1000 : i32
    %dma_wait3A_282 = arith.constant 0 : i32
    %dma_wait3A_283 = tpu.memref_slice %arg6[%dma_wait3A_281, %dma_wait3A_282] : memref<1600x32xf32, #tpu.memory_space<vmem>> -> memref<128x32xf32, #tpu.memory_space<vmem>>
    %dma_wait3A_284 = arith.constant 0 : i32
    %dma_wait3A_285 = tpu.memref_slice %arg5[%dma_wait3A_280, %dma_wait3A_284] : memref<128x200xi32, #tpu.memory_space<vmem>> -> memref<1x128xi32, #tpu.memory_space<vmem>>
    %dma_wait3A_286 = tpu.memref_squeeze %dma_wait3A_285 : memref<1x128xi32, #tpu.memory_space<vmem>> -> memref<128xi32, #tpu.memory_space<vmem>>
    %dma_wait3A_287 = arith.constant 0 : i32
    %dma_wait3A_288 = arith.constant 0 : i32
    %dma_wait3A_289 = tpu.memref_slice %arg3[%dma_wait3A_287, %dma_wait3A_288] : memref<100000x32xf32, #tpu.memory_space<hbm>> -> memref<100000x32xf32, #tpu.memory_space<hbm>>
    tpu.wait_indirect_dma semaphore(%arg7 : memref<!tpu.dma_semaphore, #tpu.memory_space<semaphore_mem>>) src(%dma_wait3A_289 : memref<100000x32xf32, #tpu.memory_space<hbm>>) dst(%dma_wait3A_283 : memref<128x32xf32, #tpu.memory_space<vmem>>)
    %dma_wait3A_290 = arith.constant 0 : i32
    %dma_wait3A_291 = arith.constant 1128 : i32
    %dma_wait3A_292 = arith.constant 0 : i32
    %dma_wait3A_293 = tpu.memref_slice %arg6[%dma_wait3A_291, %dma_wait3A_292] : memref<1600x32xf32, #tpu.memory_space<vmem>> -> memref<72x32xf32, #tpu.memory_space<vmem>>
    %dma_wait3A_294 = arith.constant 128 : i32
    %dma_wait3A_295 = tpu.memref_slice %arg5[%dma_wait3A_290, %dma_wait3A_294] : memref<128x200xi32, #tpu.memory_space<vmem>> -> memref<1x72xi32, #tpu.memory_space<vmem>>
    %dma_wait3A_296 = tpu.memref_squeeze %dma_wait3A_295 : memref<1x72xi32, #tpu.memory_space<vmem>> -> memref<72xi32, #tpu.memory_space<vmem>>
    %dma_wait3A_297 = arith.constant 0 : i32
    %dma_wait3A_298 = arith.constant 0 : i32
    %dma_wait3A_299 = tpu.memref_slice %arg3[%dma_wait3A_297, %dma_wait3A_298] : memref<100000x32xf32, #tpu.memory_space<hbm>> -> memref<100000x32xf32, #tpu.memory_space<hbm>>
    tpu.wait_indirect_dma semaphore(%arg7 : memref<!tpu.dma_semaphore, #tpu.memory_space<semaphore_mem>>) src(%dma_wait3A_299 : memref<100000x32xf32, #tpu.memory_space<hbm>>) dst(%dma_wait3A_293 : memref<72x32xf32, #tpu.memory_space<vmem>>)
    %dma_wait3A_300 = arith.constant 0 : i32
    %dma_wait3A_301 = arith.constant 1200 : i32
    %dma_wait3A_302 = arith.constant 0 : i32
    %dma_wait3A_303 = tpu.memref_slice %arg6[%dma_wait3A_301, %dma_wait3A_302] : memref<1600x32xf32, #tpu.memory_space<vmem>> -> memref<128x32xf32, #tpu.memory_space<vmem>>
    %dma_wait3A_304 = arith.constant 0 : i32
    %dma_wait3A_305 = tpu.memref_slice %arg5[%dma_wait3A_300, %dma_wait3A_304] : memref<128x200xi32, #tpu.memory_space<vmem>> -> memref<1x128xi32, #tpu.memory_space<vmem>>
    %dma_wait3A_306 = tpu.memref_squeeze %dma_wait3A_305 : memref<1x128xi32, #tpu.memory_space<vmem>> -> memref<128xi32, #tpu.memory_space<vmem>>
    %dma_wait3A_307 = arith.constant 0 : i32
    %dma_wait3A_308 = arith.constant 0 : i32
    %dma_wait3A_309 = tpu.memref_slice %arg3[%dma_wait3A_307, %dma_wait3A_308] : memref<100000x32xf32, #tpu.memory_space<hbm>> -> memref<100000x32xf32, #tpu.memory_space<hbm>>
    tpu.wait_indirect_dma semaphore(%arg7 : memref<!tpu.dma_semaphore, #tpu.memory_space<semaphore_mem>>) src(%dma_wait3A_309 : memref<100000x32xf32, #tpu.memory_space<hbm>>) dst(%dma_wait3A_303 : memref<128x32xf32, #tpu.memory_space<vmem>>)
    %dma_wait3A_310 = arith.constant 0 : i32
    %dma_wait3A_311 = arith.constant 1328 : i32
    %dma_wait3A_312 = arith.constant 0 : i32
    %dma_wait3A_313 = tpu.memref_slice %arg6[%dma_wait3A_311, %dma_wait3A_312] : memref<1600x32xf32, #tpu.memory_space<vmem>> -> memref<72x32xf32, #tpu.memory_space<vmem>>
    %dma_wait3A_314 = arith.constant 128 : i32
    %dma_wait3A_315 = tpu.memref_slice %arg5[%dma_wait3A_310, %dma_wait3A_314] : memref<128x200xi32, #tpu.memory_space<vmem>> -> memref<1x72xi32, #tpu.memory_space<vmem>>
    %dma_wait3A_316 = tpu.memref_squeeze %dma_wait3A_315 : memref<1x72xi32, #tpu.memory_space<vmem>> -> memref<72xi32, #tpu.memory_space<vmem>>
    %dma_wait3A_317 = arith.constant 0 : i32
    %dma_wait3A_318 = arith.constant 0 : i32
    %dma_wait3A_319 = tpu.memref_slice %arg3[%dma_wait3A_317, %dma_wait3A_318] : memref<100000x32xf32, #tpu.memory_space<hbm>> -> memref<100000x32xf32, #tpu.memory_space<hbm>>
    tpu.wait_indirect_dma semaphore(%arg7 : memref<!tpu.dma_semaphore, #tpu.memory_space<semaphore_mem>>) src(%dma_wait3A_319 : memref<100000x32xf32, #tpu.memory_space<hbm>>) dst(%dma_wait3A_313 : memref<72x32xf32, #tpu.memory_space<vmem>>)
    %dma_wait3A_320 = arith.constant 0 : i32
    %dma_wait3A_321 = arith.constant 1400 : i32
    %dma_wait3A_322 = arith.constant 0 : i32
    %dma_wait3A_323 = tpu.memref_slice %arg6[%dma_wait3A_321, %dma_wait3A_322] : memref<1600x32xf32, #tpu.memory_space<vmem>> -> memref<128x32xf32, #tpu.memory_space<vmem>>
    %dma_wait3A_324 = arith.constant 0 : i32
    %dma_wait3A_325 = tpu.memref_slice %arg5[%dma_wait3A_320, %dma_wait3A_324] : memref<128x200xi32, #tpu.memory_space<vmem>> -> memref<1x128xi32, #tpu.memory_space<vmem>>
    %dma_wait3A_326 = tpu.memref_squeeze %dma_wait3A_325 : memref<1x128xi32, #tpu.memory_space<vmem>> -> memref<128xi32, #tpu.memory_space<vmem>>
    %dma_wait3A_327 = arith.constant 0 : i32
    %dma_wait3A_328 = arith.constant 0 : i32
    %dma_wait3A_329 = tpu.memref_slice %arg3[%dma_wait3A_327, %dma_wait3A_328] : memref<100000x32xf32, #tpu.memory_space<hbm>> -> memref<100000x32xf32, #tpu.memory_space<hbm>>
    tpu.wait_indirect_dma semaphore(%arg7 : memref<!tpu.dma_semaphore, #tpu.memory_space<semaphore_mem>>) src(%dma_wait3A_329 : memref<100000x32xf32, #tpu.memory_space<hbm>>) dst(%dma_wait3A_323 : memref<128x32xf32, #tpu.memory_space<vmem>>)
    %dma_wait3A_330 = arith.constant 0 : i32
    %dma_wait3A_331 = arith.constant 1528 : i32
    %dma_wait3A_332 = arith.constant 0 : i32
    %dma_wait3A_333 = tpu.memref_slice %arg6[%dma_wait3A_331, %dma_wait3A_332] : memref<1600x32xf32, #tpu.memory_space<vmem>> -> memref<72x32xf32, #tpu.memory_space<vmem>>
    %dma_wait3A_334 = arith.constant 128 : i32
    %dma_wait3A_335 = tpu.memref_slice %arg5[%dma_wait3A_330, %dma_wait3A_334] : memref<128x200xi32, #tpu.memory_space<vmem>> -> memref<1x72xi32, #tpu.memory_space<vmem>>
    %dma_wait3A_336 = tpu.memref_squeeze %dma_wait3A_335 : memref<1x72xi32, #tpu.memory_space<vmem>> -> memref<72xi32, #tpu.memory_space<vmem>>
    %dma_wait3A_337 = arith.constant 0 : i32
    %dma_wait3A_338 = arith.constant 0 : i32
    %dma_wait3A_339 = tpu.memref_slice %arg3[%dma_wait3A_337, %dma_wait3A_338] : memref<100000x32xf32, #tpu.memory_space<hbm>> -> memref<100000x32xf32, #tpu.memory_space<hbm>>
    tpu.wait_indirect_dma semaphore(%arg7 : memref<!tpu.dma_semaphore, #tpu.memory_space<semaphore_mem>>) src(%dma_wait3A_339 : memref<100000x32xf32, #tpu.memory_space<hbm>>) dst(%dma_wait3A_333 : memref<72x32xf32, #tpu.memory_space<vmem>>)
    %mul3A_340 = arith.constant 25600 : i32
    %mul3A_341 = arith.muli %add3A, %mul3A_340 : i32
    %add3A_342 = arith.constant 24800 : i32
    %add3A_343 = arith.addi %mul3A_341, %add3A_342 : i32
    %dma_start3A_344 = arith.constant 800 : i32
    %dma_start3A_345 = arith.constant 0 : i32
    %dma_start3A_346 = tpu.memref_slice %arg6[%dma_start3A_344, %dma_start3A_345] : memref<1600x32xf32, #tpu.memory_space<vmem>> -> memref<800x32xf32, #tpu.memory_space<vmem>>
    %dma_start3A_347 = arith.constant 0 : i32
    %dma_start3A_348 = tpu.memref_slice %arg4[%add3A_343, %dma_start3A_347] : memref<819200x32xf32, #tpu.memory_space<hbm>> -> memref<800x32xf32, #tpu.memory_space<hbm>>
    %dma_start3A_349 = arith.constant 0 : i32
    %dma_start3A_350 = tpu.memref_slice %arg4[%add3A_343, %dma_start3A_349] : memref<819200x32xf32, #tpu.memory_space<hbm>> -> memref<800x32xf32, #tpu.memory_space<hbm>>
    %dma_start3A_351 = arith.constant 800 : i32
    %dma_start3A_352 = arith.constant 0 : i32
    %dma_start3A_353 = tpu.memref_slice %arg6[%dma_start3A_351, %dma_start3A_352] : memref<1600x32xf32, #tpu.memory_space<vmem>> -> memref<800x32xf32, #tpu.memory_space<vmem>>
    tpu.enqueue_dma source(%dma_start3A_353 : memref<800x32xf32, #tpu.memory_space<vmem>>) target(%dma_start3A_350 : memref<800x32xf32, #tpu.memory_space<hbm>>) target_semaphore(%arg8 : memref<!tpu.dma_semaphore, #tpu.memory_space<semaphore_mem>>)
    %mul3A_354 = arith.constant 25600 : i32
    %mul3A_355 = arith.muli %add3A, %mul3A_354 : i32
    %add3A_356 = arith.constant 24000 : i32
    %add3A_357 = arith.addi %mul3A_355, %add3A_356 : i32
    %dma_wait3A_358 = arith.constant 0 : i32
    %dma_wait3A_359 = arith.constant 0 : i32
    %dma_wait3A_360 = tpu.memref_slice %arg6[%dma_wait3A_358, %dma_wait3A_359] : memref<1600x32xf32, #tpu.memory_space<vmem>> -> memref<800x32xf32, #tpu.memory_space<vmem>>
    %dma_wait3A_361 = arith.constant 0 : i32
    %dma_wait3A_362 = tpu.memref_slice %arg4[%add3A_357, %dma_wait3A_361] : memref<819200x32xf32, #tpu.memory_space<hbm>> -> memref<800x32xf32, #tpu.memory_space<hbm>>
    %dma_wait3A_363 = arith.constant 0 : i32
    %dma_wait3A_364 = tpu.memref_slice %arg4[%add3A_357, %dma_wait3A_363] : memref<819200x32xf32, #tpu.memory_space<hbm>> -> memref<800x32xf32, #tpu.memory_space<hbm>>
    %dma_wait3A_365 = arith.constant 0 : i32
    %dma_wait3A_366 = arith.constant 0 : i32
    %dma_wait3A_367 = tpu.memref_slice %arg6[%dma_wait3A_365, %dma_wait3A_366] : memref<1600x32xf32, #tpu.memory_space<vmem>> -> memref<800x32xf32, #tpu.memory_space<vmem>>
    tpu.wait_dma2 semaphore(%arg8 : memref<!tpu.dma_semaphore, #tpu.memory_space<semaphore_mem>>) src(%dma_wait3A_367 : memref<800x32xf32, #tpu.memory_space<vmem>>) dst(%dma_wait3A_364 : memref<800x32xf32, #tpu.memory_space<hbm>>)
    %mul3A_368 = arith.constant 25600 : i32
    %mul3A_369 = arith.muli %add3A, %mul3A_368 : i32
    %add3A_370 = arith.constant 24800 : i32
    %add3A_371 = arith.addi %mul3A_369, %add3A_370 : i32
    %dma_wait3A_372 = arith.constant 800 : i32
    %dma_wait3A_373 = arith.constant 0 : i32
    %dma_wait3A_374 = tpu.memref_slice %arg6[%dma_wait3A_372, %dma_wait3A_373] : memref<1600x32xf32, #tpu.memory_space<vmem>> -> memref<800x32xf32, #tpu.memory_space<vmem>>
    %dma_wait3A_375 = arith.constant 0 : i32
    %dma_wait3A_376 = tpu.memref_slice %arg4[%add3A_371, %dma_wait3A_375] : memref<819200x32xf32, #tpu.memory_space<hbm>> -> memref<800x32xf32, #tpu.memory_space<hbm>>
    %dma_wait3A_377 = arith.constant 0 : i32
    %dma_wait3A_378 = tpu.memref_slice %arg4[%add3A_371, %dma_wait3A_377] : memref<819200x32xf32, #tpu.memory_space<hbm>> -> memref<800x32xf32, #tpu.memory_space<hbm>>
    %dma_wait3A_379 = arith.constant 800 : i32
    %dma_wait3A_380 = arith.constant 0 : i32
    %dma_wait3A_381 = tpu.memref_slice %arg6[%dma_wait3A_379, %dma_wait3A_380] : memref<1600x32xf32, #tpu.memory_space<vmem>> -> memref<800x32xf32, #tpu.memory_space<vmem>>
    tpu.wait_dma2 semaphore(%arg8 : memref<!tpu.dma_semaphore, #tpu.memory_space<semaphore_mem>>) src(%dma_wait3A_381 : memref<800x32xf32, #tpu.memory_space<vmem>>) dst(%dma_wait3A_378 : memref<800x32xf32, #tpu.memory_space<hbm>>)
    return
  }
}

#map = affine_map<(d0, d1) -> (0, 0)>
module attributes {stable_mosaic.version = 14 : i64} {
  func.func @k(%arg0: i32, %arg1: i32, %arg2: memref<4096x200xi32, #tpu.memory_space<hbm>>, %arg3: memref<1000x16xf32, #tpu.memory_space<hbm>>, %arg4: memref<819200x16xf32, #tpu.memory_space<hbm>>, %arg5: memref<128x200xi32, #tpu.memory_space<vmem>>, %arg6: memref<1600x16xf32, #tpu.memory_space<vmem>>, %arg7: memref<!tpu.dma_semaphore, #tpu.memory_space<semaphore_mem>>, %arg8: memref<!tpu.dma_semaphore, #tpu.memory_space<semaphore_mem>>) attributes {dimension_semantics = [#tpu.dimension_semantics<core_parallel>, #tpu.dimension_semantics<subcore_parallel>], iteration_bounds = array<i64: 2, 16>, scalar_prefetch = 0 : i64, scratch_operands = 4 : i64, tpu.core_type = #tpu.core_type<sc_vector_subcore>, window_params = [{transform_indices = #map}, {transform_indices = #map}, {transform_indices = #map}]} {
    %mul3A = arith.constant 2 : i32
    %mul3A_0 = arith.muli %arg1, %mul3A : i32
    %add3A = arith.addi %mul3A_0, %arg0 : i32
    %mul3A_1 = arith.constant 128 : i32
    %mul3A_2 = arith.muli %add3A, %mul3A_1 : i32
    "tpu.region"() ({
      %run_scoped3A = tpu.sem_alloc : memref<!tpu.dma_semaphore, #tpu.memory_space<semaphore_mem>>
      %dma_start3A_382 = arith.constant 0 : i32
      %dma_start3A_383 = tpu.memref_slice %arg2[%mul3A_2, %dma_start3A_382] : memref<4096x200xi32, #tpu.memory_space<hbm>> -> memref<128x200xi32, #tpu.memory_space<hbm>>
      %dma_start3A_384 = arith.constant 0 : i32
      %dma_start3A_385 = tpu.memref_slice %arg2[%mul3A_2, %dma_start3A_384] : memref<4096x200xi32, #tpu.memory_space<hbm>> -> memref<128x200xi32, #tpu.memory_space<hbm>>
      tpu.enqueue_dma source(%dma_start3A_385 : memref<128x200xi32, #tpu.memory_space<hbm>>) target(%arg5 : memref<128x200xi32, #tpu.memory_space<vmem>>) target_semaphore(%run_scoped3A : memref<!tpu.dma_semaphore, #tpu.memory_space<semaphore_mem>>)
      %dma_wait3A_386 = arith.constant 0 : i32
      %dma_wait3A_387 = tpu.memref_slice %arg2[%mul3A_2, %dma_wait3A_386] : memref<4096x200xi32, #tpu.memory_space<hbm>> -> memref<128x200xi32, #tpu.memory_space<hbm>>
      %dma_wait3A_388 = arith.constant 0 : i32
      %dma_wait3A_389 = tpu.memref_slice %arg2[%mul3A_2, %dma_wait3A_388] : memref<4096x200xi32, #tpu.memory_space<hbm>> -> memref<128x200xi32, #tpu.memory_space<hbm>>
      tpu.wait_dma2 semaphore(%run_scoped3A : memref<!tpu.dma_semaphore, #tpu.memory_space<semaphore_mem>>) src(%dma_wait3A_389 : memref<128x200xi32, #tpu.memory_space<hbm>>) dst(%arg5 : memref<128x200xi32, #tpu.memory_space<vmem>>)
      tpu.yield
    }) : () -> ()
    %dma_start3A = arith.constant 0 : i32
    %dma_start3A_3 = arith.constant 0 : i32
    %dma_start3A_4 = arith.constant 0 : i32
    %dma_start3A_5 = tpu.memref_slice %arg6[%dma_start3A_3, %dma_start3A_4] : memref<1600x16xf32, #tpu.memory_space<vmem>> -> memref<128x16xf32, #tpu.memory_space<vmem>>
    %dma_start3A_6 = arith.constant 0 : i32
    %dma_start3A_7 = tpu.memref_slice %arg5[%dma_start3A, %dma_start3A_6] : memref<128x200xi32, #tpu.memory_space<vmem>> -> memref<1x128xi32, #tpu.memory_space<vmem>>
    %dma_start3A_8 = tpu.memref_squeeze %dma_start3A_7 : memref<1x128xi32, #tpu.memory_space<vmem>> -> memref<128xi32, #tpu.memory_space<vmem>>
    %dma_start3A_9 = arith.constant 0 : i32
    %dma_start3A_10 = arith.constant 0 : i32
    %dma_start3A_11 = tpu.memref_slice %arg3[%dma_start3A_9, %dma_start3A_10] : memref<1000x16xf32, #tpu.memory_space<hbm>> -> memref<1000x16xf32, #tpu.memory_space<hbm>>
    tpu.enqueue_indirect_dma source(%dma_start3A_11 : memref<1000x16xf32, #tpu.memory_space<hbm>>) target(%dma_start3A_5 : memref<128x16xf32, #tpu.memory_space<vmem>>) offsets(%dma_start3A_8 : memref<128xi32, #tpu.memory_space<vmem>>) semaphore(%arg7 : memref<!tpu.dma_semaphore, #tpu.memory_space<semaphore_mem>>)
    %dma_start3A_12 = arith.constant 0 : i32
    %dma_start3A_13 = arith.constant 128 : i32
    %dma_start3A_14 = arith.constant 0 : i32
    %dma_start3A_15 = tpu.memref_slice %arg6[%dma_start3A_13, %dma_start3A_14] : memref<1600x16xf32, #tpu.memory_space<vmem>> -> memref<72x16xf32, #tpu.memory_space<vmem>>
    %dma_start3A_16 = arith.constant 128 : i32
    %dma_start3A_17 = tpu.memref_slice %arg5[%dma_start3A_12, %dma_start3A_16] : memref<128x200xi32, #tpu.memory_space<vmem>> -> memref<1x72xi32, #tpu.memory_space<vmem>>
    %dma_start3A_18 = tpu.memref_squeeze %dma_start3A_17 : memref<1x72xi32, #tpu.memory_space<vmem>> -> memref<72xi32, #tpu.memory_space<vmem>>
    %dma_start3A_19 = arith.constant 0 : i32
    %dma_start3A_20 = arith.constant 0 : i32
    %dma_start3A_21 = tpu.memref_slice %arg3[%dma_start3A_19, %dma_start3A_20] : memref<1000x16xf32, #tpu.memory_space<hbm>> -> memref<1000x16xf32, #tpu.memory_space<hbm>>
    tpu.enqueue_indirect_dma source(%dma_start3A_21 : memref<1000x16xf32, #tpu.memory_space<hbm>>) target(%dma_start3A_15 : memref<72x16xf32, #tpu.memory_space<vmem>>) offsets(%dma_start3A_18 : memref<72xi32, #tpu.memory_space<vmem>>) semaphore(%arg7 : memref<!tpu.dma_semaphore, #tpu.memory_space<semaphore_mem>>)
    %dma_start3A_22 = arith.constant 1 : i32
    %dma_start3A_23 = arith.constant 200 : i32
    %dma_start3A_24 = arith.constant 0 : i32
    %dma_start3A_25 = tpu.memref_slice %arg6[%dma_start3A_23, %dma_start3A_24] : memref<1600x16xf32, #tpu.memory_space<vmem>> -> memref<128x16xf32, #tpu.memory_space<vmem>>
    %dma_start3A_26 = arith.constant 0 : i32
    %dma_start3A_27 = tpu.memref_slice %arg5[%dma_start3A_22, %dma_start3A_26] : memref<128x200xi32, #tpu.memory_space<vmem>> -> memref<1x128xi32, #tpu.memory_space<vmem>>
    %dma_start3A_28 = tpu.memref_squeeze %dma_start3A_27 : memref<1x128xi32, #tpu.memory_space<vmem>> -> memref<128xi32, #tpu.memory_space<vmem>>
    %dma_start3A_29 = arith.constant 0 : i32
    %dma_start3A_30 = arith.constant 0 : i32
    %dma_start3A_31 = tpu.memref_slice %arg3[%dma_start3A_29, %dma_start3A_30] : memref<1000x16xf32, #tpu.memory_space<hbm>> -> memref<1000x16xf32, #tpu.memory_space<hbm>>
    tpu.enqueue_indirect_dma source(%dma_start3A_31 : memref<1000x16xf32, #tpu.memory_space<hbm>>) target(%dma_start3A_25 : memref<128x16xf32, #tpu.memory_space<vmem>>) offsets(%dma_start3A_28 : memref<128xi32, #tpu.memory_space<vmem>>) semaphore(%arg7 : memref<!tpu.dma_semaphore, #tpu.memory_space<semaphore_mem>>)
    %dma_start3A_32 = arith.constant 1 : i32
    %dma_start3A_33 = arith.constant 328 : i32
    %dma_start3A_34 = arith.constant 0 : i32
    %dma_start3A_35 = tpu.memref_slice %arg6[%dma_start3A_33, %dma_start3A_34] : memref<1600x16xf32, #tpu.memory_space<vmem>> -> memref<72x16xf32, #tpu.memory_space<vmem>>
    %dma_start3A_36 = arith.constant 128 : i32
    %dma_start3A_37 = tpu.memref_slice %arg5[%dma_start3A_32, %dma_start3A_36] : memref<128x200xi32, #tpu.memory_space<vmem>> -> memref<1x72xi32, #tpu.memory_space<vmem>>
    %dma_start3A_38 = tpu.memref_squeeze %dma_start3A_37 : memref<1x72xi32, #tpu.memory_space<vmem>> -> memref<72xi32, #tpu.memory_space<vmem>>
    %dma_start3A_39 = arith.constant 0 : i32
    %dma_start3A_40 = arith.constant 0 : i32
    %dma_start3A_41 = tpu.memref_slice %arg3[%dma_start3A_39, %dma_start3A_40] : memref<1000x16xf32, #tpu.memory_space<hbm>> -> memref<1000x16xf32, #tpu.memory_space<hbm>>
    tpu.enqueue_indirect_dma source(%dma_start3A_41 : memref<1000x16xf32, #tpu.memory_space<hbm>>) target(%dma_start3A_35 : memref<72x16xf32, #tpu.memory_space<vmem>>) offsets(%dma_start3A_38 : memref<72xi32, #tpu.memory_space<vmem>>) semaphore(%arg7 : memref<!tpu.dma_semaphore, #tpu.memory_space<semaphore_mem>>)
    %dma_start3A_42 = arith.constant 2 : i32
    %dma_start3A_43 = arith.constant 400 : i32
    %dma_start3A_44 = arith.constant 0 : i32
    %dma_start3A_45 = tpu.memref_slice %arg6[%dma_start3A_43, %dma_start3A_44] : memref<1600x16xf32, #tpu.memory_space<vmem>> -> memref<128x16xf32, #tpu.memory_space<vmem>>
    %dma_start3A_46 = arith.constant 0 : i32
    %dma_start3A_47 = tpu.memref_slice %arg5[%dma_start3A_42, %dma_start3A_46] : memref<128x200xi32, #tpu.memory_space<vmem>> -> memref<1x128xi32, #tpu.memory_space<vmem>>
    %dma_start3A_48 = tpu.memref_squeeze %dma_start3A_47 : memref<1x128xi32, #tpu.memory_space<vmem>> -> memref<128xi32, #tpu.memory_space<vmem>>
    %dma_start3A_49 = arith.constant 0 : i32
    %dma_start3A_50 = arith.constant 0 : i32
    %dma_start3A_51 = tpu.memref_slice %arg3[%dma_start3A_49, %dma_start3A_50] : memref<1000x16xf32, #tpu.memory_space<hbm>> -> memref<1000x16xf32, #tpu.memory_space<hbm>>
    tpu.enqueue_indirect_dma source(%dma_start3A_51 : memref<1000x16xf32, #tpu.memory_space<hbm>>) target(%dma_start3A_45 : memref<128x16xf32, #tpu.memory_space<vmem>>) offsets(%dma_start3A_48 : memref<128xi32, #tpu.memory_space<vmem>>) semaphore(%arg7 : memref<!tpu.dma_semaphore, #tpu.memory_space<semaphore_mem>>)
    %dma_start3A_52 = arith.constant 2 : i32
    %dma_start3A_53 = arith.constant 528 : i32
    %dma_start3A_54 = arith.constant 0 : i32
    %dma_start3A_55 = tpu.memref_slice %arg6[%dma_start3A_53, %dma_start3A_54] : memref<1600x16xf32, #tpu.memory_space<vmem>> -> memref<72x16xf32, #tpu.memory_space<vmem>>
    %dma_start3A_56 = arith.constant 128 : i32
    %dma_start3A_57 = tpu.memref_slice %arg5[%dma_start3A_52, %dma_start3A_56] : memref<128x200xi32, #tpu.memory_space<vmem>> -> memref<1x72xi32, #tpu.memory_space<vmem>>
    %dma_start3A_58 = tpu.memref_squeeze %dma_start3A_57 : memref<1x72xi32, #tpu.memory_space<vmem>> -> memref<72xi32, #tpu.memory_space<vmem>>
    %dma_start3A_59 = arith.constant 0 : i32
    %dma_start3A_60 = arith.constant 0 : i32
    %dma_start3A_61 = tpu.memref_slice %arg3[%dma_start3A_59, %dma_start3A_60] : memref<1000x16xf32, #tpu.memory_space<hbm>> -> memref<1000x16xf32, #tpu.memory_space<hbm>>
    tpu.enqueue_indirect_dma source(%dma_start3A_61 : memref<1000x16xf32, #tpu.memory_space<hbm>>) target(%dma_start3A_55 : memref<72x16xf32, #tpu.memory_space<vmem>>) offsets(%dma_start3A_58 : memref<72xi32, #tpu.memory_space<vmem>>) semaphore(%arg7 : memref<!tpu.dma_semaphore, #tpu.memory_space<semaphore_mem>>)
    %dma_start3A_62 = arith.constant 3 : i32
    %dma_start3A_63 = arith.constant 600 : i32
    %dma_start3A_64 = arith.constant 0 : i32
    %dma_start3A_65 = tpu.memref_slice %arg6[%dma_start3A_63, %dma_start3A_64] : memref<1600x16xf32, #tpu.memory_space<vmem>> -> memref<128x16xf32, #tpu.memory_space<vmem>>
    %dma_start3A_66 = arith.constant 0 : i32
    %dma_start3A_67 = tpu.memref_slice %arg5[%dma_start3A_62, %dma_start3A_66] : memref<128x200xi32, #tpu.memory_space<vmem>> -> memref<1x128xi32, #tpu.memory_space<vmem>>
    %dma_start3A_68 = tpu.memref_squeeze %dma_start3A_67 : memref<1x128xi32, #tpu.memory_space<vmem>> -> memref<128xi32, #tpu.memory_space<vmem>>
    %dma_start3A_69 = arith.constant 0 : i32
    %dma_start3A_70 = arith.constant 0 : i32
    %dma_start3A_71 = tpu.memref_slice %arg3[%dma_start3A_69, %dma_start3A_70] : memref<1000x16xf32, #tpu.memory_space<hbm>> -> memref<1000x16xf32, #tpu.memory_space<hbm>>
    tpu.enqueue_indirect_dma source(%dma_start3A_71 : memref<1000x16xf32, #tpu.memory_space<hbm>>) target(%dma_start3A_65 : memref<128x16xf32, #tpu.memory_space<vmem>>) offsets(%dma_start3A_68 : memref<128xi32, #tpu.memory_space<vmem>>) semaphore(%arg7 : memref<!tpu.dma_semaphore, #tpu.memory_space<semaphore_mem>>)
    %dma_start3A_72 = arith.constant 3 : i32
    %dma_start3A_73 = arith.constant 728 : i32
    %dma_start3A_74 = arith.constant 0 : i32
    %dma_start3A_75 = tpu.memref_slice %arg6[%dma_start3A_73, %dma_start3A_74] : memref<1600x16xf32, #tpu.memory_space<vmem>> -> memref<72x16xf32, #tpu.memory_space<vmem>>
    %dma_start3A_76 = arith.constant 128 : i32
    %dma_start3A_77 = tpu.memref_slice %arg5[%dma_start3A_72, %dma_start3A_76] : memref<128x200xi32, #tpu.memory_space<vmem>> -> memref<1x72xi32, #tpu.memory_space<vmem>>
    %dma_start3A_78 = tpu.memref_squeeze %dma_start3A_77 : memref<1x72xi32, #tpu.memory_space<vmem>> -> memref<72xi32, #tpu.memory_space<vmem>>
    %dma_start3A_79 = arith.constant 0 : i32
    %dma_start3A_80 = arith.constant 0 : i32
    %dma_start3A_81 = tpu.memref_slice %arg3[%dma_start3A_79, %dma_start3A_80] : memref<1000x16xf32, #tpu.memory_space<hbm>> -> memref<1000x16xf32, #tpu.memory_space<hbm>>
    tpu.enqueue_indirect_dma source(%dma_start3A_81 : memref<1000x16xf32, #tpu.memory_space<hbm>>) target(%dma_start3A_75 : memref<72x16xf32, #tpu.memory_space<vmem>>) offsets(%dma_start3A_78 : memref<72xi32, #tpu.memory_space<vmem>>) semaphore(%arg7 : memref<!tpu.dma_semaphore, #tpu.memory_space<semaphore_mem>>)
    %dma_start3A_82 = arith.constant 4 : i32
    %dma_start3A_83 = arith.constant 800 : i32
    %dma_start3A_84 = arith.constant 0 : i32
    %dma_start3A_85 = tpu.memref_slice %arg6[%dma_start3A_83, %dma_start3A_84] : memref<1600x16xf32, #tpu.memory_space<vmem>> -> memref<128x16xf32, #tpu.memory_space<vmem>>
    %dma_start3A_86 = arith.constant 0 : i32
    %dma_start3A_87 = tpu.memref_slice %arg5[%dma_start3A_82, %dma_start3A_86] : memref<128x200xi32, #tpu.memory_space<vmem>> -> memref<1x128xi32, #tpu.memory_space<vmem>>
    %dma_start3A_88 = tpu.memref_squeeze %dma_start3A_87 : memref<1x128xi32, #tpu.memory_space<vmem>> -> memref<128xi32, #tpu.memory_space<vmem>>
    %dma_start3A_89 = arith.constant 0 : i32
    %dma_start3A_90 = arith.constant 0 : i32
    %dma_start3A_91 = tpu.memref_slice %arg3[%dma_start3A_89, %dma_start3A_90] : memref<1000x16xf32, #tpu.memory_space<hbm>> -> memref<1000x16xf32, #tpu.memory_space<hbm>>
    tpu.enqueue_indirect_dma source(%dma_start3A_91 : memref<1000x16xf32, #tpu.memory_space<hbm>>) target(%dma_start3A_85 : memref<128x16xf32, #tpu.memory_space<vmem>>) offsets(%dma_start3A_88 : memref<128xi32, #tpu.memory_space<vmem>>) semaphore(%arg7 : memref<!tpu.dma_semaphore, #tpu.memory_space<semaphore_mem>>)
    %dma_start3A_92 = arith.constant 4 : i32
    %dma_start3A_93 = arith.constant 928 : i32
    %dma_start3A_94 = arith.constant 0 : i32
    %dma_start3A_95 = tpu.memref_slice %arg6[%dma_start3A_93, %dma_start3A_94] : memref<1600x16xf32, #tpu.memory_space<vmem>> -> memref<72x16xf32, #tpu.memory_space<vmem>>
    %dma_start3A_96 = arith.constant 128 : i32
    %dma_start3A_97 = tpu.memref_slice %arg5[%dma_start3A_92, %dma_start3A_96] : memref<128x200xi32, #tpu.memory_space<vmem>> -> memref<1x72xi32, #tpu.memory_space<vmem>>
    %dma_start3A_98 = tpu.memref_squeeze %dma_start3A_97 : memref<1x72xi32, #tpu.memory_space<vmem>> -> memref<72xi32, #tpu.memory_space<vmem>>
    %dma_start3A_99 = arith.constant 0 : i32
    %dma_start3A_100 = arith.constant 0 : i32
    %dma_start3A_101 = tpu.memref_slice %arg3[%dma_start3A_99, %dma_start3A_100] : memref<1000x16xf32, #tpu.memory_space<hbm>> -> memref<1000x16xf32, #tpu.memory_space<hbm>>
    tpu.enqueue_indirect_dma source(%dma_start3A_101 : memref<1000x16xf32, #tpu.memory_space<hbm>>) target(%dma_start3A_95 : memref<72x16xf32, #tpu.memory_space<vmem>>) offsets(%dma_start3A_98 : memref<72xi32, #tpu.memory_space<vmem>>) semaphore(%arg7 : memref<!tpu.dma_semaphore, #tpu.memory_space<semaphore_mem>>)
    %dma_start3A_102 = arith.constant 5 : i32
    %dma_start3A_103 = arith.constant 1000 : i32
    %dma_start3A_104 = arith.constant 0 : i32
    %dma_start3A_105 = tpu.memref_slice %arg6[%dma_start3A_103, %dma_start3A_104] : memref<1600x16xf32, #tpu.memory_space<vmem>> -> memref<128x16xf32, #tpu.memory_space<vmem>>
    %dma_start3A_106 = arith.constant 0 : i32
    %dma_start3A_107 = tpu.memref_slice %arg5[%dma_start3A_102, %dma_start3A_106] : memref<128x200xi32, #tpu.memory_space<vmem>> -> memref<1x128xi32, #tpu.memory_space<vmem>>
    %dma_start3A_108 = tpu.memref_squeeze %dma_start3A_107 : memref<1x128xi32, #tpu.memory_space<vmem>> -> memref<128xi32, #tpu.memory_space<vmem>>
    %dma_start3A_109 = arith.constant 0 : i32
    %dma_start3A_110 = arith.constant 0 : i32
    %dma_start3A_111 = tpu.memref_slice %arg3[%dma_start3A_109, %dma_start3A_110] : memref<1000x16xf32, #tpu.memory_space<hbm>> -> memref<1000x16xf32, #tpu.memory_space<hbm>>
    tpu.enqueue_indirect_dma source(%dma_start3A_111 : memref<1000x16xf32, #tpu.memory_space<hbm>>) target(%dma_start3A_105 : memref<128x16xf32, #tpu.memory_space<vmem>>) offsets(%dma_start3A_108 : memref<128xi32, #tpu.memory_space<vmem>>) semaphore(%arg7 : memref<!tpu.dma_semaphore, #tpu.memory_space<semaphore_mem>>)
    %dma_start3A_112 = arith.constant 5 : i32
    %dma_start3A_113 = arith.constant 1128 : i32
    %dma_start3A_114 = arith.constant 0 : i32
    %dma_start3A_115 = tpu.memref_slice %arg6[%dma_start3A_113, %dma_start3A_114] : memref<1600x16xf32, #tpu.memory_space<vmem>> -> memref<72x16xf32, #tpu.memory_space<vmem>>
    %dma_start3A_116 = arith.constant 128 : i32
    %dma_start3A_117 = tpu.memref_slice %arg5[%dma_start3A_112, %dma_start3A_116] : memref<128x200xi32, #tpu.memory_space<vmem>> -> memref<1x72xi32, #tpu.memory_space<vmem>>
    %dma_start3A_118 = tpu.memref_squeeze %dma_start3A_117 : memref<1x72xi32, #tpu.memory_space<vmem>> -> memref<72xi32, #tpu.memory_space<vmem>>
    %dma_start3A_119 = arith.constant 0 : i32
    %dma_start3A_120 = arith.constant 0 : i32
    %dma_start3A_121 = tpu.memref_slice %arg3[%dma_start3A_119, %dma_start3A_120] : memref<1000x16xf32, #tpu.memory_space<hbm>> -> memref<1000x16xf32, #tpu.memory_space<hbm>>
    tpu.enqueue_indirect_dma source(%dma_start3A_121 : memref<1000x16xf32, #tpu.memory_space<hbm>>) target(%dma_start3A_115 : memref<72x16xf32, #tpu.memory_space<vmem>>) offsets(%dma_start3A_118 : memref<72xi32, #tpu.memory_space<vmem>>) semaphore(%arg7 : memref<!tpu.dma_semaphore, #tpu.memory_space<semaphore_mem>>)
    %dma_start3A_122 = arith.constant 6 : i32
    %dma_start3A_123 = arith.constant 1200 : i32
    %dma_start3A_124 = arith.constant 0 : i32
    %dma_start3A_125 = tpu.memref_slice %arg6[%dma_start3A_123, %dma_start3A_124] : memref<1600x16xf32, #tpu.memory_space<vmem>> -> memref<128x16xf32, #tpu.memory_space<vmem>>
    %dma_start3A_126 = arith.constant 0 : i32
    %dma_start3A_127 = tpu.memref_slice %arg5[%dma_start3A_122, %dma_start3A_126] : memref<128x200xi32, #tpu.memory_space<vmem>> -> memref<1x128xi32, #tpu.memory_space<vmem>>
    %dma_start3A_128 = tpu.memref_squeeze %dma_start3A_127 : memref<1x128xi32, #tpu.memory_space<vmem>> -> memref<128xi32, #tpu.memory_space<vmem>>
    %dma_start3A_129 = arith.constant 0 : i32
    %dma_start3A_130 = arith.constant 0 : i32
    %dma_start3A_131 = tpu.memref_slice %arg3[%dma_start3A_129, %dma_start3A_130] : memref<1000x16xf32, #tpu.memory_space<hbm>> -> memref<1000x16xf32, #tpu.memory_space<hbm>>
    tpu.enqueue_indirect_dma source(%dma_start3A_131 : memref<1000x16xf32, #tpu.memory_space<hbm>>) target(%dma_start3A_125 : memref<128x16xf32, #tpu.memory_space<vmem>>) offsets(%dma_start3A_128 : memref<128xi32, #tpu.memory_space<vmem>>) semaphore(%arg7 : memref<!tpu.dma_semaphore, #tpu.memory_space<semaphore_mem>>)
    %dma_start3A_132 = arith.constant 6 : i32
    %dma_start3A_133 = arith.constant 1328 : i32
    %dma_start3A_134 = arith.constant 0 : i32
    %dma_start3A_135 = tpu.memref_slice %arg6[%dma_start3A_133, %dma_start3A_134] : memref<1600x16xf32, #tpu.memory_space<vmem>> -> memref<72x16xf32, #tpu.memory_space<vmem>>
    %dma_start3A_136 = arith.constant 128 : i32
    %dma_start3A_137 = tpu.memref_slice %arg5[%dma_start3A_132, %dma_start3A_136] : memref<128x200xi32, #tpu.memory_space<vmem>> -> memref<1x72xi32, #tpu.memory_space<vmem>>
    %dma_start3A_138 = tpu.memref_squeeze %dma_start3A_137 : memref<1x72xi32, #tpu.memory_space<vmem>> -> memref<72xi32, #tpu.memory_space<vmem>>
    %dma_start3A_139 = arith.constant 0 : i32
    %dma_start3A_140 = arith.constant 0 : i32
    %dma_start3A_141 = tpu.memref_slice %arg3[%dma_start3A_139, %dma_start3A_140] : memref<1000x16xf32, #tpu.memory_space<hbm>> -> memref<1000x16xf32, #tpu.memory_space<hbm>>
    tpu.enqueue_indirect_dma source(%dma_start3A_141 : memref<1000x16xf32, #tpu.memory_space<hbm>>) target(%dma_start3A_135 : memref<72x16xf32, #tpu.memory_space<vmem>>) offsets(%dma_start3A_138 : memref<72xi32, #tpu.memory_space<vmem>>) semaphore(%arg7 : memref<!tpu.dma_semaphore, #tpu.memory_space<semaphore_mem>>)
    %dma_start3A_142 = arith.constant 7 : i32
    %dma_start3A_143 = arith.constant 1400 : i32
    %dma_start3A_144 = arith.constant 0 : i32
    %dma_start3A_145 = tpu.memref_slice %arg6[%dma_start3A_143, %dma_start3A_144] : memref<1600x16xf32, #tpu.memory_space<vmem>> -> memref<128x16xf32, #tpu.memory_space<vmem>>
    %dma_start3A_146 = arith.constant 0 : i32
    %dma_start3A_147 = tpu.memref_slice %arg5[%dma_start3A_142, %dma_start3A_146] : memref<128x200xi32, #tpu.memory_space<vmem>> -> memref<1x128xi32, #tpu.memory_space<vmem>>
    %dma_start3A_148 = tpu.memref_squeeze %dma_start3A_147 : memref<1x128xi32, #tpu.memory_space<vmem>> -> memref<128xi32, #tpu.memory_space<vmem>>
    %dma_start3A_149 = arith.constant 0 : i32
    %dma_start3A_150 = arith.constant 0 : i32
    %dma_start3A_151 = tpu.memref_slice %arg3[%dma_start3A_149, %dma_start3A_150] : memref<1000x16xf32, #tpu.memory_space<hbm>> -> memref<1000x16xf32, #tpu.memory_space<hbm>>
    tpu.enqueue_indirect_dma source(%dma_start3A_151 : memref<1000x16xf32, #tpu.memory_space<hbm>>) target(%dma_start3A_145 : memref<128x16xf32, #tpu.memory_space<vmem>>) offsets(%dma_start3A_148 : memref<128xi32, #tpu.memory_space<vmem>>) semaphore(%arg7 : memref<!tpu.dma_semaphore, #tpu.memory_space<semaphore_mem>>)
    %dma_start3A_152 = arith.constant 7 : i32
    %dma_start3A_153 = arith.constant 1528 : i32
    %dma_start3A_154 = arith.constant 0 : i32
    %dma_start3A_155 = tpu.memref_slice %arg6[%dma_start3A_153, %dma_start3A_154] : memref<1600x16xf32, #tpu.memory_space<vmem>> -> memref<72x16xf32, #tpu.memory_space<vmem>>
    %dma_start3A_156 = arith.constant 128 : i32
    %dma_start3A_157 = tpu.memref_slice %arg5[%dma_start3A_152, %dma_start3A_156] : memref<128x200xi32, #tpu.memory_space<vmem>> -> memref<1x72xi32, #tpu.memory_space<vmem>>
    %dma_start3A_158 = tpu.memref_squeeze %dma_start3A_157 : memref<1x72xi32, #tpu.memory_space<vmem>> -> memref<72xi32, #tpu.memory_space<vmem>>
    %dma_start3A_159 = arith.constant 0 : i32
    %dma_start3A_160 = arith.constant 0 : i32
    %dma_start3A_161 = tpu.memref_slice %arg3[%dma_start3A_159, %dma_start3A_160] : memref<1000x16xf32, #tpu.memory_space<hbm>> -> memref<1000x16xf32, #tpu.memory_space<hbm>>
    tpu.enqueue_indirect_dma source(%dma_start3A_161 : memref<1000x16xf32, #tpu.memory_space<hbm>>) target(%dma_start3A_155 : memref<72x16xf32, #tpu.memory_space<vmem>>) offsets(%dma_start3A_158 : memref<72xi32, #tpu.memory_space<vmem>>) semaphore(%arg7 : memref<!tpu.dma_semaphore, #tpu.memory_space<semaphore_mem>>)
    %scan3A = arith.constant 0 : i32
    %scan3A_162 = arith.constant 0 : i32
    %scan3A_163 = arith.constant 30 : i32
    %scan3A_164 = arith.addi %scan3A_162, %scan3A_163 : i32
    %scan3A_165 = arith.constant 1 : i32
    scf.for %scan3A_382 = %scan3A_162 to %scan3A_164 step %scan3A_165  : i32 {
      %jit3A = arith.constant 2 : i32
      %eq3A = arith.constant 0 : i32
      %eq3A_383 = arith.cmpi eq, %jit3A, %eq3A : i32
      %jit3A_384 = arith.constant 1 : i32
      %select_n3A = arith.select %eq3A_383, %jit3A_384, %jit3A : i32
      %rem3A = arith.remsi %scan3A_382, %select_n3A : i32
      %ne3A = arith.constant 0 : i32
      %ne3A_385 = arith.cmpi ne, %rem3A, %ne3A : i32
      %lt3A = arith.constant 0 : i32
      %lt3A_386 = arith.cmpi slt, %rem3A, %lt3A : i32
      %lt3A_387 = arith.constant 0 : i32
      %lt3A_388 = arith.cmpi slt, %select_n3A, %lt3A_387 : i32
      %ne3A_389 = arith.xori %lt3A_386, %lt3A_388 : i1
      %and3A = arith.andi %ne3A_389, %ne3A_385 : i1
      %add3A_390 = arith.addi %rem3A, %select_n3A : i32
      %select_n3A_391 = arith.select %and3A, %add3A_390, %rem3A : i32
      %mul3A_392 = arith.constant 800 : i32
      %mul3A_393 = arith.muli %select_n3A_391, %mul3A_392 : i32
      %add3A_394 = arith.constant 0 : i32
      %add3A_395 = arith.addi %mul3A_393, %add3A_394 : i32
      %dma_wait3A_396 = arith.constant 0 : i32
      %dma_wait3A_397 = arith.constant 0 : i32
      %dma_wait3A_398 = tpu.memref_slice %arg6[%add3A_395, %dma_wait3A_397] : memref<1600x16xf32, #tpu.memory_space<vmem>> -> memref<128x16xf32, #tpu.memory_space<vmem>>
      %dma_wait3A_399 = arith.constant 0 : i32
      %dma_wait3A_400 = tpu.memref_slice %arg5[%dma_wait3A_396, %dma_wait3A_399] : memref<128x200xi32, #tpu.memory_space<vmem>> -> memref<1x128xi32, #tpu.memory_space<vmem>>
      %dma_wait3A_401 = tpu.memref_squeeze %dma_wait3A_400 : memref<1x128xi32, #tpu.memory_space<vmem>> -> memref<128xi32, #tpu.memory_space<vmem>>
      %dma_wait3A_402 = arith.constant 0 : i32
      %dma_wait3A_403 = arith.constant 0 : i32
      %dma_wait3A_404 = tpu.memref_slice %arg3[%dma_wait3A_402, %dma_wait3A_403] : memref<1000x16xf32, #tpu.memory_space<hbm>> -> memref<1000x16xf32, #tpu.memory_space<hbm>>
      tpu.wait_indirect_dma semaphore(%arg7 : memref<!tpu.dma_semaphore, #tpu.memory_space<semaphore_mem>>) src(%dma_wait3A_404 : memref<1000x16xf32, #tpu.memory_space<hbm>>) dst(%dma_wait3A_398 : memref<128x16xf32, #tpu.memory_space<vmem>>)
      %mul3A_405 = arith.constant 800 : i32
      %mul3A_406 = arith.muli %select_n3A_391, %mul3A_405 : i32
      %add3A_407 = arith.constant 128 : i32
      %add3A_408 = arith.addi %mul3A_406, %add3A_407 : i32
      %dma_wait3A_409 = arith.constant 0 : i32
      %dma_wait3A_410 = arith.constant 0 : i32
      %dma_wait3A_411 = tpu.memref_slice %arg6[%add3A_408, %dma_wait3A_410] : memref<1600x16xf32, #tpu.memory_space<vmem>> -> memref<72x16xf32, #tpu.memory_space<vmem>>
      %dma_wait3A_412 = arith.constant 128 : i32
      %dma_wait3A_413 = tpu.memref_slice %arg5[%dma_wait3A_409, %dma_wait3A_412] : memref<128x200xi32, #tpu.memory_space<vmem>> -> memref<1x72xi32, #tpu.memory_space<vmem>>
      %dma_wait3A_414 = tpu.memref_squeeze %dma_wait3A_413 : memref<1x72xi32, #tpu.memory_space<vmem>> -> memref<72xi32, #tpu.memory_space<vmem>>
      %dma_wait3A_415 = arith.constant 0 : i32
      %dma_wait3A_416 = arith.constant 0 : i32
      %dma_wait3A_417 = tpu.memref_slice %arg3[%dma_wait3A_415, %dma_wait3A_416] : memref<1000x16xf32, #tpu.memory_space<hbm>> -> memref<1000x16xf32, #tpu.memory_space<hbm>>
      tpu.wait_indirect_dma semaphore(%arg7 : memref<!tpu.dma_semaphore, #tpu.memory_space<semaphore_mem>>) src(%dma_wait3A_417 : memref<1000x16xf32, #tpu.memory_space<hbm>>) dst(%dma_wait3A_411 : memref<72x16xf32, #tpu.memory_space<vmem>>)
      %mul3A_418 = arith.constant 800 : i32
      %mul3A_419 = arith.muli %select_n3A_391, %mul3A_418 : i32
      %add3A_420 = arith.constant 200 : i32
      %add3A_421 = arith.addi %mul3A_419, %add3A_420 : i32
      %dma_wait3A_422 = arith.constant 0 : i32
      %dma_wait3A_423 = arith.constant 0 : i32
      %dma_wait3A_424 = tpu.memref_slice %arg6[%add3A_421, %dma_wait3A_423] : memref<1600x16xf32, #tpu.memory_space<vmem>> -> memref<128x16xf32, #tpu.memory_space<vmem>>
      %dma_wait3A_425 = arith.constant 0 : i32
      %dma_wait3A_426 = tpu.memref_slice %arg5[%dma_wait3A_422, %dma_wait3A_425] : memref<128x200xi32, #tpu.memory_space<vmem>> -> memref<1x128xi32, #tpu.memory_space<vmem>>
      %dma_wait3A_427 = tpu.memref_squeeze %dma_wait3A_426 : memref<1x128xi32, #tpu.memory_space<vmem>> -> memref<128xi32, #tpu.memory_space<vmem>>
      %dma_wait3A_428 = arith.constant 0 : i32
      %dma_wait3A_429 = arith.constant 0 : i32
      %dma_wait3A_430 = tpu.memref_slice %arg3[%dma_wait3A_428, %dma_wait3A_429] : memref<1000x16xf32, #tpu.memory_space<hbm>> -> memref<1000x16xf32, #tpu.memory_space<hbm>>
      tpu.wait_indirect_dma semaphore(%arg7 : memref<!tpu.dma_semaphore, #tpu.memory_space<semaphore_mem>>) src(%dma_wait3A_430 : memref<1000x16xf32, #tpu.memory_space<hbm>>) dst(%dma_wait3A_424 : memref<128x16xf32, #tpu.memory_space<vmem>>)
      %mul3A_431 = arith.constant 800 : i32
      %mul3A_432 = arith.muli %select_n3A_391, %mul3A_431 : i32
      %add3A_433 = arith.constant 328 : i32
      %add3A_434 = arith.addi %mul3A_432, %add3A_433 : i32
      %dma_wait3A_435 = arith.constant 0 : i32
      %dma_wait3A_436 = arith.constant 0 : i32
      %dma_wait3A_437 = tpu.memref_slice %arg6[%add3A_434, %dma_wait3A_436] : memref<1600x16xf32, #tpu.memory_space<vmem>> -> memref<72x16xf32, #tpu.memory_space<vmem>>
      %dma_wait3A_438 = arith.constant 128 : i32
      %dma_wait3A_439 = tpu.memref_slice %arg5[%dma_wait3A_435, %dma_wait3A_438] : memref<128x200xi32, #tpu.memory_space<vmem>> -> memref<1x72xi32, #tpu.memory_space<vmem>>
      %dma_wait3A_440 = tpu.memref_squeeze %dma_wait3A_439 : memref<1x72xi32, #tpu.memory_space<vmem>> -> memref<72xi32, #tpu.memory_space<vmem>>
      %dma_wait3A_441 = arith.constant 0 : i32
      %dma_wait3A_442 = arith.constant 0 : i32
      %dma_wait3A_443 = tpu.memref_slice %arg3[%dma_wait3A_441, %dma_wait3A_442] : memref<1000x16xf32, #tpu.memory_space<hbm>> -> memref<1000x16xf32, #tpu.memory_space<hbm>>
      tpu.wait_indirect_dma semaphore(%arg7 : memref<!tpu.dma_semaphore, #tpu.memory_space<semaphore_mem>>) src(%dma_wait3A_443 : memref<1000x16xf32, #tpu.memory_space<hbm>>) dst(%dma_wait3A_437 : memref<72x16xf32, #tpu.memory_space<vmem>>)
      %mul3A_444 = arith.constant 800 : i32
      %mul3A_445 = arith.muli %select_n3A_391, %mul3A_444 : i32
      %add3A_446 = arith.constant 400 : i32
      %add3A_447 = arith.addi %mul3A_445, %add3A_446 : i32
      %dma_wait3A_448 = arith.constant 0 : i32
      %dma_wait3A_449 = arith.constant 0 : i32
      %dma_wait3A_450 = tpu.memref_slice %arg6[%add3A_447, %dma_wait3A_449] : memref<1600x16xf32, #tpu.memory_space<vmem>> -> memref<128x16xf32, #tpu.memory_space<vmem>>
      %dma_wait3A_451 = arith.constant 0 : i32
      %dma_wait3A_452 = tpu.memref_slice %arg5[%dma_wait3A_448, %dma_wait3A_451] : memref<128x200xi32, #tpu.memory_space<vmem>> -> memref<1x128xi32, #tpu.memory_space<vmem>>
      %dma_wait3A_453 = tpu.memref_squeeze %dma_wait3A_452 : memref<1x128xi32, #tpu.memory_space<vmem>> -> memref<128xi32, #tpu.memory_space<vmem>>
      %dma_wait3A_454 = arith.constant 0 : i32
      %dma_wait3A_455 = arith.constant 0 : i32
      %dma_wait3A_456 = tpu.memref_slice %arg3[%dma_wait3A_454, %dma_wait3A_455] : memref<1000x16xf32, #tpu.memory_space<hbm>> -> memref<1000x16xf32, #tpu.memory_space<hbm>>
      tpu.wait_indirect_dma semaphore(%arg7 : memref<!tpu.dma_semaphore, #tpu.memory_space<semaphore_mem>>) src(%dma_wait3A_456 : memref<1000x16xf32, #tpu.memory_space<hbm>>) dst(%dma_wait3A_450 : memref<128x16xf32, #tpu.memory_space<vmem>>)
      %mul3A_457 = arith.constant 800 : i32
      %mul3A_458 = arith.muli %select_n3A_391, %mul3A_457 : i32
      %add3A_459 = arith.constant 528 : i32
      %add3A_460 = arith.addi %mul3A_458, %add3A_459 : i32
      %dma_wait3A_461 = arith.constant 0 : i32
      %dma_wait3A_462 = arith.constant 0 : i32
      %dma_wait3A_463 = tpu.memref_slice %arg6[%add3A_460, %dma_wait3A_462] : memref<1600x16xf32, #tpu.memory_space<vmem>> -> memref<72x16xf32, #tpu.memory_space<vmem>>
      %dma_wait3A_464 = arith.constant 128 : i32
      %dma_wait3A_465 = tpu.memref_slice %arg5[%dma_wait3A_461, %dma_wait3A_464] : memref<128x200xi32, #tpu.memory_space<vmem>> -> memref<1x72xi32, #tpu.memory_space<vmem>>
      %dma_wait3A_466 = tpu.memref_squeeze %dma_wait3A_465 : memref<1x72xi32, #tpu.memory_space<vmem>> -> memref<72xi32, #tpu.memory_space<vmem>>
      %dma_wait3A_467 = arith.constant 0 : i32
      %dma_wait3A_468 = arith.constant 0 : i32
      %dma_wait3A_469 = tpu.memref_slice %arg3[%dma_wait3A_467, %dma_wait3A_468] : memref<1000x16xf32, #tpu.memory_space<hbm>> -> memref<1000x16xf32, #tpu.memory_space<hbm>>
      tpu.wait_indirect_dma semaphore(%arg7 : memref<!tpu.dma_semaphore, #tpu.memory_space<semaphore_mem>>) src(%dma_wait3A_469 : memref<1000x16xf32, #tpu.memory_space<hbm>>) dst(%dma_wait3A_463 : memref<72x16xf32, #tpu.memory_space<vmem>>)
      %mul3A_470 = arith.constant 800 : i32
      %mul3A_471 = arith.muli %select_n3A_391, %mul3A_470 : i32
      %add3A_472 = arith.constant 600 : i32
      %add3A_473 = arith.addi %mul3A_471, %add3A_472 : i32
      %dma_wait3A_474 = arith.constant 0 : i32
      %dma_wait3A_475 = arith.constant 0 : i32
      %dma_wait3A_476 = tpu.memref_slice %arg6[%add3A_473, %dma_wait3A_475] : memref<1600x16xf32, #tpu.memory_space<vmem>> -> memref<128x16xf32, #tpu.memory_space<vmem>>
      %dma_wait3A_477 = arith.constant 0 : i32
      %dma_wait3A_478 = tpu.memref_slice %arg5[%dma_wait3A_474, %dma_wait3A_477] : memref<128x200xi32, #tpu.memory_space<vmem>> -> memref<1x128xi32, #tpu.memory_space<vmem>>
      %dma_wait3A_479 = tpu.memref_squeeze %dma_wait3A_478 : memref<1x128xi32, #tpu.memory_space<vmem>> -> memref<128xi32, #tpu.memory_space<vmem>>
      %dma_wait3A_480 = arith.constant 0 : i32
      %dma_wait3A_481 = arith.constant 0 : i32
      %dma_wait3A_482 = tpu.memref_slice %arg3[%dma_wait3A_480, %dma_wait3A_481] : memref<1000x16xf32, #tpu.memory_space<hbm>> -> memref<1000x16xf32, #tpu.memory_space<hbm>>
      tpu.wait_indirect_dma semaphore(%arg7 : memref<!tpu.dma_semaphore, #tpu.memory_space<semaphore_mem>>) src(%dma_wait3A_482 : memref<1000x16xf32, #tpu.memory_space<hbm>>) dst(%dma_wait3A_476 : memref<128x16xf32, #tpu.memory_space<vmem>>)
      %mul3A_483 = arith.constant 800 : i32
      %mul3A_484 = arith.muli %select_n3A_391, %mul3A_483 : i32
      %add3A_485 = arith.constant 728 : i32
      %add3A_486 = arith.addi %mul3A_484, %add3A_485 : i32
      %dma_wait3A_487 = arith.constant 0 : i32
      %dma_wait3A_488 = arith.constant 0 : i32
      %dma_wait3A_489 = tpu.memref_slice %arg6[%add3A_486, %dma_wait3A_488] : memref<1600x16xf32, #tpu.memory_space<vmem>> -> memref<72x16xf32, #tpu.memory_space<vmem>>
      %dma_wait3A_490 = arith.constant 128 : i32
      %dma_wait3A_491 = tpu.memref_slice %arg5[%dma_wait3A_487, %dma_wait3A_490] : memref<128x200xi32, #tpu.memory_space<vmem>> -> memref<1x72xi32, #tpu.memory_space<vmem>>
      %dma_wait3A_492 = tpu.memref_squeeze %dma_wait3A_491 : memref<1x72xi32, #tpu.memory_space<vmem>> -> memref<72xi32, #tpu.memory_space<vmem>>
      %dma_wait3A_493 = arith.constant 0 : i32
      %dma_wait3A_494 = arith.constant 0 : i32
      %dma_wait3A_495 = tpu.memref_slice %arg3[%dma_wait3A_493, %dma_wait3A_494] : memref<1000x16xf32, #tpu.memory_space<hbm>> -> memref<1000x16xf32, #tpu.memory_space<hbm>>
      tpu.wait_indirect_dma semaphore(%arg7 : memref<!tpu.dma_semaphore, #tpu.memory_space<semaphore_mem>>) src(%dma_wait3A_495 : memref<1000x16xf32, #tpu.memory_space<hbm>>) dst(%dma_wait3A_489 : memref<72x16xf32, #tpu.memory_space<vmem>>)
      %mul3A_496 = arith.constant 800 : i32
      %mul3A_497 = arith.muli %select_n3A_391, %mul3A_496 : i32
      %mul3A_498 = arith.constant 25600 : i32
      %mul3A_499 = arith.muli %add3A, %mul3A_498 : i32
      %mul3A_500 = arith.constant 800 : i32
      %mul3A_501 = arith.muli %scan3A_382, %mul3A_500 : i32
      %add3A_502 = arith.addi %mul3A_499, %mul3A_501 : i32
      %dma_start3A_503 = arith.constant 0 : i32
      %dma_start3A_504 = tpu.memref_slice %arg6[%mul3A_497, %dma_start3A_503] : memref<1600x16xf32, #tpu.memory_space<vmem>> -> memref<800x16xf32, #tpu.memory_space<vmem>>
      %dma_start3A_505 = arith.constant 0 : i32
      %dma_start3A_506 = tpu.memref_slice %arg4[%add3A_502, %dma_start3A_505] : memref<819200x16xf32, #tpu.memory_space<hbm>> -> memref<800x16xf32, #tpu.memory_space<hbm>>
      %dma_start3A_507 = arith.constant 0 : i32
      %dma_start3A_508 = tpu.memref_slice %arg4[%add3A_502, %dma_start3A_507] : memref<819200x16xf32, #tpu.memory_space<hbm>> -> memref<800x16xf32, #tpu.memory_space<hbm>>
      %dma_start3A_509 = arith.constant 0 : i32
      %dma_start3A_510 = tpu.memref_slice %arg6[%mul3A_497, %dma_start3A_509] : memref<1600x16xf32, #tpu.memory_space<vmem>> -> memref<800x16xf32, #tpu.memory_space<vmem>>
      tpu.enqueue_dma source(%dma_start3A_510 : memref<800x16xf32, #tpu.memory_space<vmem>>) target(%dma_start3A_508 : memref<800x16xf32, #tpu.memory_space<hbm>>) target_semaphore(%arg8 : memref<!tpu.dma_semaphore, #tpu.memory_space<semaphore_mem>>)
      %mul3A_511 = arith.constant 800 : i32
      %mul3A_512 = arith.muli %select_n3A_391, %mul3A_511 : i32
      %mul3A_513 = arith.constant 25600 : i32
      %mul3A_514 = arith.muli %add3A, %mul3A_513 : i32
      %mul3A_515 = arith.constant 800 : i32
      %mul3A_516 = arith.muli %scan3A_382, %mul3A_515 : i32
      %add3A_517 = arith.addi %mul3A_514, %mul3A_516 : i32
      %dma_wait3A_518 = arith.constant 0 : i32
      %dma_wait3A_519 = tpu.memref_slice %arg6[%mul3A_512, %dma_wait3A_518] : memref<1600x16xf32, #tpu.memory_space<vmem>> -> memref<800x16xf32, #tpu.memory_space<vmem>>
      %dma_wait3A_520 = arith.constant 0 : i32
      %dma_wait3A_521 = tpu.memref_slice %arg4[%add3A_517, %dma_wait3A_520] : memref<819200x16xf32, #tpu.memory_space<hbm>> -> memref<800x16xf32, #tpu.memory_space<hbm>>
      %dma_wait3A_522 = arith.constant 0 : i32
      %dma_wait3A_523 = tpu.memref_slice %arg4[%add3A_517, %dma_wait3A_522] : memref<819200x16xf32, #tpu.memory_space<hbm>> -> memref<800x16xf32, #tpu.memory_space<hbm>>
      %dma_wait3A_524 = arith.constant 0 : i32
      %dma_wait3A_525 = tpu.memref_slice %arg6[%mul3A_512, %dma_wait3A_524] : memref<1600x16xf32, #tpu.memory_space<vmem>> -> memref<800x16xf32, #tpu.memory_space<vmem>>
      tpu.wait_dma2 semaphore(%arg8 : memref<!tpu.dma_semaphore, #tpu.memory_space<semaphore_mem>>) src(%dma_wait3A_525 : memref<800x16xf32, #tpu.memory_space<vmem>>) dst(%dma_wait3A_523 : memref<800x16xf32, #tpu.memory_space<hbm>>)
      %add3A_526 = arith.constant 2 : i32
      %add3A_527 = arith.addi %scan3A_382, %add3A_526 : i32
      %mul3A_528 = arith.constant 4 : i32
      %mul3A_529 = arith.muli %add3A_527, %mul3A_528 : i32
      %add3A_530 = arith.constant 0 : i32
      %add3A_531 = arith.addi %mul3A_529, %add3A_530 : i32
      %mul3A_532 = arith.constant 800 : i32
      %mul3A_533 = arith.muli %select_n3A_391, %mul3A_532 : i32
      %add3A_534 = arith.constant 0 : i32
      %add3A_535 = arith.addi %mul3A_533, %add3A_534 : i32
      %dma_start3A_536 = arith.constant 0 : i32
      %dma_start3A_537 = tpu.memref_slice %arg6[%add3A_535, %dma_start3A_536] : memref<1600x16xf32, #tpu.memory_space<vmem>> -> memref<128x16xf32, #tpu.memory_space<vmem>>
      %dma_start3A_538 = arith.constant 0 : i32
      %dma_start3A_539 = tpu.memref_slice %arg5[%add3A_531, %dma_start3A_538] : memref<128x200xi32, #tpu.memory_space<vmem>> -> memref<1x128xi32, #tpu.memory_space<vmem>>
      %dma_start3A_540 = tpu.memref_squeeze %dma_start3A_539 : memref<1x128xi32, #tpu.memory_space<vmem>> -> memref<128xi32, #tpu.memory_space<vmem>>
      %dma_start3A_541 = arith.constant 0 : i32
      %dma_start3A_542 = arith.constant 0 : i32
      %dma_start3A_543 = tpu.memref_slice %arg3[%dma_start3A_541, %dma_start3A_542] : memref<1000x16xf32, #tpu.memory_space<hbm>> -> memref<1000x16xf32, #tpu.memory_space<hbm>>
      tpu.enqueue_indirect_dma source(%dma_start3A_543 : memref<1000x16xf32, #tpu.memory_space<hbm>>) target(%dma_start3A_537 : memref<128x16xf32, #tpu.memory_space<vmem>>) offsets(%dma_start3A_540 : memref<128xi32, #tpu.memory_space<vmem>>) semaphore(%arg7 : memref<!tpu.dma_semaphore, #tpu.memory_space<semaphore_mem>>)
      %mul3A_544 = arith.constant 4 : i32
      %mul3A_545 = arith.muli %add3A_527, %mul3A_544 : i32
      %add3A_546 = arith.constant 0 : i32
      %add3A_547 = arith.addi %mul3A_545, %add3A_546 : i32
      %mul3A_548 = arith.constant 800 : i32
      %mul3A_549 = arith.muli %select_n3A_391, %mul3A_548 : i32
      %add3A_550 = arith.constant 128 : i32
      %add3A_551 = arith.addi %mul3A_549, %add3A_550 : i32
      %dma_start3A_552 = arith.constant 0 : i32
      %dma_start3A_553 = tpu.memref_slice %arg6[%add3A_551, %dma_start3A_552] : memref<1600x16xf32, #tpu.memory_space<vmem>> -> memref<72x16xf32, #tpu.memory_space<vmem>>
      %dma_start3A_554 = arith.constant 128 : i32
      %dma_start3A_555 = tpu.memref_slice %arg5[%add3A_547, %dma_start3A_554] : memref<128x200xi32, #tpu.memory_space<vmem>> -> memref<1x72xi32, #tpu.memory_space<vmem>>
      %dma_start3A_556 = tpu.memref_squeeze %dma_start3A_555 : memref<1x72xi32, #tpu.memory_space<vmem>> -> memref<72xi32, #tpu.memory_space<vmem>>
      %dma_start3A_557 = arith.constant 0 : i32
      %dma_start3A_558 = arith.constant 0 : i32
      %dma_start3A_559 = tpu.memref_slice %arg3[%dma_start3A_557, %dma_start3A_558] : memref<1000x16xf32, #tpu.memory_space<hbm>> -> memref<1000x16xf32, #tpu.memory_space<hbm>>
      tpu.enqueue_indirect_dma source(%dma_start3A_559 : memref<1000x16xf32, #tpu.memory_space<hbm>>) target(%dma_start3A_553 : memref<72x16xf32, #tpu.memory_space<vmem>>) offsets(%dma_start3A_556 : memref<72xi32, #tpu.memory_space<vmem>>) semaphore(%arg7 : memref<!tpu.dma_semaphore, #tpu.memory_space<semaphore_mem>>)
      %mul3A_560 = arith.constant 4 : i32
      %mul3A_561 = arith.muli %add3A_527, %mul3A_560 : i32
      %add3A_562 = arith.constant 1 : i32
      %add3A_563 = arith.addi %mul3A_561, %add3A_562 : i32
      %mul3A_564 = arith.constant 800 : i32
      %mul3A_565 = arith.muli %select_n3A_391, %mul3A_564 : i32
      %add3A_566 = arith.constant 200 : i32
      %add3A_567 = arith.addi %mul3A_565, %add3A_566 : i32
      %dma_start3A_568 = arith.constant 0 : i32
      %dma_start3A_569 = tpu.memref_slice %arg6[%add3A_567, %dma_start3A_568] : memref<1600x16xf32, #tpu.memory_space<vmem>> -> memref<128x16xf32, #tpu.memory_space<vmem>>
      %dma_start3A_570 = arith.constant 0 : i32
      %dma_start3A_571 = tpu.memref_slice %arg5[%add3A_563, %dma_start3A_570] : memref<128x200xi32, #tpu.memory_space<vmem>> -> memref<1x128xi32, #tpu.memory_space<vmem>>
      %dma_start3A_572 = tpu.memref_squeeze %dma_start3A_571 : memref<1x128xi32, #tpu.memory_space<vmem>> -> memref<128xi32, #tpu.memory_space<vmem>>
      %dma_start3A_573 = arith.constant 0 : i32
      %dma_start3A_574 = arith.constant 0 : i32
      %dma_start3A_575 = tpu.memref_slice %arg3[%dma_start3A_573, %dma_start3A_574] : memref<1000x16xf32, #tpu.memory_space<hbm>> -> memref<1000x16xf32, #tpu.memory_space<hbm>>
      tpu.enqueue_indirect_dma source(%dma_start3A_575 : memref<1000x16xf32, #tpu.memory_space<hbm>>) target(%dma_start3A_569 : memref<128x16xf32, #tpu.memory_space<vmem>>) offsets(%dma_start3A_572 : memref<128xi32, #tpu.memory_space<vmem>>) semaphore(%arg7 : memref<!tpu.dma_semaphore, #tpu.memory_space<semaphore_mem>>)
      %mul3A_576 = arith.constant 4 : i32
      %mul3A_577 = arith.muli %add3A_527, %mul3A_576 : i32
      %add3A_578 = arith.constant 1 : i32
      %add3A_579 = arith.addi %mul3A_577, %add3A_578 : i32
      %mul3A_580 = arith.constant 800 : i32
      %mul3A_581 = arith.muli %select_n3A_391, %mul3A_580 : i32
      %add3A_582 = arith.constant 328 : i32
      %add3A_583 = arith.addi %mul3A_581, %add3A_582 : i32
      %dma_start3A_584 = arith.constant 0 : i32
      %dma_start3A_585 = tpu.memref_slice %arg6[%add3A_583, %dma_start3A_584] : memref<1600x16xf32, #tpu.memory_space<vmem>> -> memref<72x16xf32, #tpu.memory_space<vmem>>
      %dma_start3A_586 = arith.constant 128 : i32
      %dma_start3A_587 = tpu.memref_slice %arg5[%add3A_579, %dma_start3A_586] : memref<128x200xi32, #tpu.memory_space<vmem>> -> memref<1x72xi32, #tpu.memory_space<vmem>>
      %dma_start3A_588 = tpu.memref_squeeze %dma_start3A_587 : memref<1x72xi32, #tpu.memory_space<vmem>> -> memref<72xi32, #tpu.memory_space<vmem>>
      %dma_start3A_589 = arith.constant 0 : i32
      %dma_start3A_590 = arith.constant 0 : i32
      %dma_start3A_591 = tpu.memref_slice %arg3[%dma_start3A_589, %dma_start3A_590] : memref<1000x16xf32, #tpu.memory_space<hbm>> -> memref<1000x16xf32, #tpu.memory_space<hbm>>
      tpu.enqueue_indirect_dma source(%dma_start3A_591 : memref<1000x16xf32, #tpu.memory_space<hbm>>) target(%dma_start3A_585 : memref<72x16xf32, #tpu.memory_space<vmem>>) offsets(%dma_start3A_588 : memref<72xi32, #tpu.memory_space<vmem>>) semaphore(%arg7 : memref<!tpu.dma_semaphore, #tpu.memory_space<semaphore_mem>>)
      %mul3A_592 = arith.constant 4 : i32
      %mul3A_593 = arith.muli %add3A_527, %mul3A_592 : i32
      %add3A_594 = arith.constant 2 : i32
      %add3A_595 = arith.addi %mul3A_593, %add3A_594 : i32
      %mul3A_596 = arith.constant 800 : i32
      %mul3A_597 = arith.muli %select_n3A_391, %mul3A_596 : i32
      %add3A_598 = arith.constant 400 : i32
      %add3A_599 = arith.addi %mul3A_597, %add3A_598 : i32
      %dma_start3A_600 = arith.constant 0 : i32
      %dma_start3A_601 = tpu.memref_slice %arg6[%add3A_599, %dma_start3A_600] : memref<1600x16xf32, #tpu.memory_space<vmem>> -> memref<128x16xf32, #tpu.memory_space<vmem>>
      %dma_start3A_602 = arith.constant 0 : i32
      %dma_start3A_603 = tpu.memref_slice %arg5[%add3A_595, %dma_start3A_602] : memref<128x200xi32, #tpu.memory_space<vmem>> -> memref<1x128xi32, #tpu.memory_space<vmem>>
      %dma_start3A_604 = tpu.memref_squeeze %dma_start3A_603 : memref<1x128xi32, #tpu.memory_space<vmem>> -> memref<128xi32, #tpu.memory_space<vmem>>
      %dma_start3A_605 = arith.constant 0 : i32
      %dma_start3A_606 = arith.constant 0 : i32
      %dma_start3A_607 = tpu.memref_slice %arg3[%dma_start3A_605, %dma_start3A_606] : memref<1000x16xf32, #tpu.memory_space<hbm>> -> memref<1000x16xf32, #tpu.memory_space<hbm>>
      tpu.enqueue_indirect_dma source(%dma_start3A_607 : memref<1000x16xf32, #tpu.memory_space<hbm>>) target(%dma_start3A_601 : memref<128x16xf32, #tpu.memory_space<vmem>>) offsets(%dma_start3A_604 : memref<128xi32, #tpu.memory_space<vmem>>) semaphore(%arg7 : memref<!tpu.dma_semaphore, #tpu.memory_space<semaphore_mem>>)
      %mul3A_608 = arith.constant 4 : i32
      %mul3A_609 = arith.muli %add3A_527, %mul3A_608 : i32
      %add3A_610 = arith.constant 2 : i32
      %add3A_611 = arith.addi %mul3A_609, %add3A_610 : i32
      %mul3A_612 = arith.constant 800 : i32
      %mul3A_613 = arith.muli %select_n3A_391, %mul3A_612 : i32
      %add3A_614 = arith.constant 528 : i32
      %add3A_615 = arith.addi %mul3A_613, %add3A_614 : i32
      %dma_start3A_616 = arith.constant 0 : i32
      %dma_start3A_617 = tpu.memref_slice %arg6[%add3A_615, %dma_start3A_616] : memref<1600x16xf32, #tpu.memory_space<vmem>> -> memref<72x16xf32, #tpu.memory_space<vmem>>
      %dma_start3A_618 = arith.constant 128 : i32
      %dma_start3A_619 = tpu.memref_slice %arg5[%add3A_611, %dma_start3A_618] : memref<128x200xi32, #tpu.memory_space<vmem>> -> memref<1x72xi32, #tpu.memory_space<vmem>>
      %dma_start3A_620 = tpu.memref_squeeze %dma_start3A_619 : memref<1x72xi32, #tpu.memory_space<vmem>> -> memref<72xi32, #tpu.memory_space<vmem>>
      %dma_start3A_621 = arith.constant 0 : i32
      %dma_start3A_622 = arith.constant 0 : i32
      %dma_start3A_623 = tpu.memref_slice %arg3[%dma_start3A_621, %dma_start3A_622] : memref<1000x16xf32, #tpu.memory_space<hbm>> -> memref<1000x16xf32, #tpu.memory_space<hbm>>
      tpu.enqueue_indirect_dma source(%dma_start3A_623 : memref<1000x16xf32, #tpu.memory_space<hbm>>) target(%dma_start3A_617 : memref<72x16xf32, #tpu.memory_space<vmem>>) offsets(%dma_start3A_620 : memref<72xi32, #tpu.memory_space<vmem>>) semaphore(%arg7 : memref<!tpu.dma_semaphore, #tpu.memory_space<semaphore_mem>>)
      %mul3A_624 = arith.constant 4 : i32
      %mul3A_625 = arith.muli %add3A_527, %mul3A_624 : i32
      %add3A_626 = arith.constant 3 : i32
      %add3A_627 = arith.addi %mul3A_625, %add3A_626 : i32
      %mul3A_628 = arith.constant 800 : i32
      %mul3A_629 = arith.muli %select_n3A_391, %mul3A_628 : i32
      %add3A_630 = arith.constant 600 : i32
      %add3A_631 = arith.addi %mul3A_629, %add3A_630 : i32
      %dma_start3A_632 = arith.constant 0 : i32
      %dma_start3A_633 = tpu.memref_slice %arg6[%add3A_631, %dma_start3A_632] : memref<1600x16xf32, #tpu.memory_space<vmem>> -> memref<128x16xf32, #tpu.memory_space<vmem>>
      %dma_start3A_634 = arith.constant 0 : i32
      %dma_start3A_635 = tpu.memref_slice %arg5[%add3A_627, %dma_start3A_634] : memref<128x200xi32, #tpu.memory_space<vmem>> -> memref<1x128xi32, #tpu.memory_space<vmem>>
      %dma_start3A_636 = tpu.memref_squeeze %dma_start3A_635 : memref<1x128xi32, #tpu.memory_space<vmem>> -> memref<128xi32, #tpu.memory_space<vmem>>
      %dma_start3A_637 = arith.constant 0 : i32
      %dma_start3A_638 = arith.constant 0 : i32
      %dma_start3A_639 = tpu.memref_slice %arg3[%dma_start3A_637, %dma_start3A_638] : memref<1000x16xf32, #tpu.memory_space<hbm>> -> memref<1000x16xf32, #tpu.memory_space<hbm>>
      tpu.enqueue_indirect_dma source(%dma_start3A_639 : memref<1000x16xf32, #tpu.memory_space<hbm>>) target(%dma_start3A_633 : memref<128x16xf32, #tpu.memory_space<vmem>>) offsets(%dma_start3A_636 : memref<128xi32, #tpu.memory_space<vmem>>) semaphore(%arg7 : memref<!tpu.dma_semaphore, #tpu.memory_space<semaphore_mem>>)
      %mul3A_640 = arith.constant 4 : i32
      %mul3A_641 = arith.muli %add3A_527, %mul3A_640 : i32
      %add3A_642 = arith.constant 3 : i32
      %add3A_643 = arith.addi %mul3A_641, %add3A_642 : i32
      %mul3A_644 = arith.constant 800 : i32
      %mul3A_645 = arith.muli %select_n3A_391, %mul3A_644 : i32
      %add3A_646 = arith.constant 728 : i32
      %add3A_647 = arith.addi %mul3A_645, %add3A_646 : i32
      %dma_start3A_648 = arith.constant 0 : i32
      %dma_start3A_649 = tpu.memref_slice %arg6[%add3A_647, %dma_start3A_648] : memref<1600x16xf32, #tpu.memory_space<vmem>> -> memref<72x16xf32, #tpu.memory_space<vmem>>
      %dma_start3A_650 = arith.constant 128 : i32
      %dma_start3A_651 = tpu.memref_slice %arg5[%add3A_643, %dma_start3A_650] : memref<128x200xi32, #tpu.memory_space<vmem>> -> memref<1x72xi32, #tpu.memory_space<vmem>>
      %dma_start3A_652 = tpu.memref_squeeze %dma_start3A_651 : memref<1x72xi32, #tpu.memory_space<vmem>> -> memref<72xi32, #tpu.memory_space<vmem>>
      %dma_start3A_653 = arith.constant 0 : i32
      %dma_start3A_654 = arith.constant 0 : i32
      %dma_start3A_655 = tpu.memref_slice %arg3[%dma_start3A_653, %dma_start3A_654] : memref<1000x16xf32, #tpu.memory_space<hbm>> -> memref<1000x16xf32, #tpu.memory_space<hbm>>
      tpu.enqueue_indirect_dma source(%dma_start3A_655 : memref<1000x16xf32, #tpu.memory_space<hbm>>) target(%dma_start3A_649 : memref<72x16xf32, #tpu.memory_space<vmem>>) offsets(%dma_start3A_652 : memref<72xi32, #tpu.memory_space<vmem>>) semaphore(%arg7 : memref<!tpu.dma_semaphore, #tpu.memory_space<semaphore_mem>>)
    }
    %scan3A_166 = arith.constant 30 : i32
    %dma_wait3A = arith.constant 0 : i32
    %dma_wait3A_167 = arith.constant 0 : i32
    %dma_wait3A_168 = arith.constant 0 : i32
    %dma_wait3A_169 = tpu.memref_slice %arg6[%dma_wait3A_167, %dma_wait3A_168] : memref<1600x16xf32, #tpu.memory_space<vmem>> -> memref<128x16xf32, #tpu.memory_space<vmem>>
    %dma_wait3A_170 = arith.constant 0 : i32
    %dma_wait3A_171 = tpu.memref_slice %arg5[%dma_wait3A, %dma_wait3A_170] : memref<128x200xi32, #tpu.memory_space<vmem>> -> memref<1x128xi32, #tpu.memory_space<vmem>>
    %dma_wait3A_172 = tpu.memref_squeeze %dma_wait3A_171 : memref<1x128xi32, #tpu.memory_space<vmem>> -> memref<128xi32, #tpu.memory_space<vmem>>
    %dma_wait3A_173 = arith.constant 0 : i32
    %dma_wait3A_174 = arith.constant 0 : i32
    %dma_wait3A_175 = tpu.memref_slice %arg3[%dma_wait3A_173, %dma_wait3A_174] : memref<1000x16xf32, #tpu.memory_space<hbm>> -> memref<1000x16xf32, #tpu.memory_space<hbm>>
    tpu.wait_indirect_dma semaphore(%arg7 : memref<!tpu.dma_semaphore, #tpu.memory_space<semaphore_mem>>) src(%dma_wait3A_175 : memref<1000x16xf32, #tpu.memory_space<hbm>>) dst(%dma_wait3A_169 : memref<128x16xf32, #tpu.memory_space<vmem>>)
    %dma_wait3A_176 = arith.constant 0 : i32
    %dma_wait3A_177 = arith.constant 128 : i32
    %dma_wait3A_178 = arith.constant 0 : i32
    %dma_wait3A_179 = tpu.memref_slice %arg6[%dma_wait3A_177, %dma_wait3A_178] : memref<1600x16xf32, #tpu.memory_space<vmem>> -> memref<72x16xf32, #tpu.memory_space<vmem>>
    %dma_wait3A_180 = arith.constant 128 : i32
    %dma_wait3A_181 = tpu.memref_slice %arg5[%dma_wait3A_176, %dma_wait3A_180] : memref<128x200xi32, #tpu.memory_space<vmem>> -> memref<1x72xi32, #tpu.memory_space<vmem>>
    %dma_wait3A_182 = tpu.memref_squeeze %dma_wait3A_181 : memref<1x72xi32, #tpu.memory_space<vmem>> -> memref<72xi32, #tpu.memory_space<vmem>>
    %dma_wait3A_183 = arith.constant 0 : i32
    %dma_wait3A_184 = arith.constant 0 : i32
    %dma_wait3A_185 = tpu.memref_slice %arg3[%dma_wait3A_183, %dma_wait3A_184] : memref<1000x16xf32, #tpu.memory_space<hbm>> -> memref<1000x16xf32, #tpu.memory_space<hbm>>
    tpu.wait_indirect_dma semaphore(%arg7 : memref<!tpu.dma_semaphore, #tpu.memory_space<semaphore_mem>>) src(%dma_wait3A_185 : memref<1000x16xf32, #tpu.memory_space<hbm>>) dst(%dma_wait3A_179 : memref<72x16xf32, #tpu.memory_space<vmem>>)
    %dma_wait3A_186 = arith.constant 0 : i32
    %dma_wait3A_187 = arith.constant 200 : i32
    %dma_wait3A_188 = arith.constant 0 : i32
    %dma_wait3A_189 = tpu.memref_slice %arg6[%dma_wait3A_187, %dma_wait3A_188] : memref<1600x16xf32, #tpu.memory_space<vmem>> -> memref<128x16xf32, #tpu.memory_space<vmem>>
    %dma_wait3A_190 = arith.constant 0 : i32
    %dma_wait3A_191 = tpu.memref_slice %arg5[%dma_wait3A_186, %dma_wait3A_190] : memref<128x200xi32, #tpu.memory_space<vmem>> -> memref<1x128xi32, #tpu.memory_space<vmem>>
    %dma_wait3A_192 = tpu.memref_squeeze %dma_wait3A_191 : memref<1x128xi32, #tpu.memory_space<vmem>> -> memref<128xi32, #tpu.memory_space<vmem>>
    %dma_wait3A_193 = arith.constant 0 : i32
    %dma_wait3A_194 = arith.constant 0 : i32
    %dma_wait3A_195 = tpu.memref_slice %arg3[%dma_wait3A_193, %dma_wait3A_194] : memref<1000x16xf32, #tpu.memory_space<hbm>> -> memref<1000x16xf32, #tpu.memory_space<hbm>>
    tpu.wait_indirect_dma semaphore(%arg7 : memref<!tpu.dma_semaphore, #tpu.memory_space<semaphore_mem>>) src(%dma_wait3A_195 : memref<1000x16xf32, #tpu.memory_space<hbm>>) dst(%dma_wait3A_189 : memref<128x16xf32, #tpu.memory_space<vmem>>)
    %dma_wait3A_196 = arith.constant 0 : i32
    %dma_wait3A_197 = arith.constant 328 : i32
    %dma_wait3A_198 = arith.constant 0 : i32
    %dma_wait3A_199 = tpu.memref_slice %arg6[%dma_wait3A_197, %dma_wait3A_198] : memref<1600x16xf32, #tpu.memory_space<vmem>> -> memref<72x16xf32, #tpu.memory_space<vmem>>
    %dma_wait3A_200 = arith.constant 128 : i32
    %dma_wait3A_201 = tpu.memref_slice %arg5[%dma_wait3A_196, %dma_wait3A_200] : memref<128x200xi32, #tpu.memory_space<vmem>> -> memref<1x72xi32, #tpu.memory_space<vmem>>
    %dma_wait3A_202 = tpu.memref_squeeze %dma_wait3A_201 : memref<1x72xi32, #tpu.memory_space<vmem>> -> memref<72xi32, #tpu.memory_space<vmem>>
    %dma_wait3A_203 = arith.constant 0 : i32
    %dma_wait3A_204 = arith.constant 0 : i32
    %dma_wait3A_205 = tpu.memref_slice %arg3[%dma_wait3A_203, %dma_wait3A_204] : memref<1000x16xf32, #tpu.memory_space<hbm>> -> memref<1000x16xf32, #tpu.memory_space<hbm>>
    tpu.wait_indirect_dma semaphore(%arg7 : memref<!tpu.dma_semaphore, #tpu.memory_space<semaphore_mem>>) src(%dma_wait3A_205 : memref<1000x16xf32, #tpu.memory_space<hbm>>) dst(%dma_wait3A_199 : memref<72x16xf32, #tpu.memory_space<vmem>>)
    %dma_wait3A_206 = arith.constant 0 : i32
    %dma_wait3A_207 = arith.constant 400 : i32
    %dma_wait3A_208 = arith.constant 0 : i32
    %dma_wait3A_209 = tpu.memref_slice %arg6[%dma_wait3A_207, %dma_wait3A_208] : memref<1600x16xf32, #tpu.memory_space<vmem>> -> memref<128x16xf32, #tpu.memory_space<vmem>>
    %dma_wait3A_210 = arith.constant 0 : i32
    %dma_wait3A_211 = tpu.memref_slice %arg5[%dma_wait3A_206, %dma_wait3A_210] : memref<128x200xi32, #tpu.memory_space<vmem>> -> memref<1x128xi32, #tpu.memory_space<vmem>>
    %dma_wait3A_212 = tpu.memref_squeeze %dma_wait3A_211 : memref<1x128xi32, #tpu.memory_space<vmem>> -> memref<128xi32, #tpu.memory_space<vmem>>
    %dma_wait3A_213 = arith.constant 0 : i32
    %dma_wait3A_214 = arith.constant 0 : i32
    %dma_wait3A_215 = tpu.memref_slice %arg3[%dma_wait3A_213, %dma_wait3A_214] : memref<1000x16xf32, #tpu.memory_space<hbm>> -> memref<1000x16xf32, #tpu.memory_space<hbm>>
    tpu.wait_indirect_dma semaphore(%arg7 : memref<!tpu.dma_semaphore, #tpu.memory_space<semaphore_mem>>) src(%dma_wait3A_215 : memref<1000x16xf32, #tpu.memory_space<hbm>>) dst(%dma_wait3A_209 : memref<128x16xf32, #tpu.memory_space<vmem>>)
    %dma_wait3A_216 = arith.constant 0 : i32
    %dma_wait3A_217 = arith.constant 528 : i32
    %dma_wait3A_218 = arith.constant 0 : i32
    %dma_wait3A_219 = tpu.memref_slice %arg6[%dma_wait3A_217, %dma_wait3A_218] : memref<1600x16xf32, #tpu.memory_space<vmem>> -> memref<72x16xf32, #tpu.memory_space<vmem>>
    %dma_wait3A_220 = arith.constant 128 : i32
    %dma_wait3A_221 = tpu.memref_slice %arg5[%dma_wait3A_216, %dma_wait3A_220] : memref<128x200xi32, #tpu.memory_space<vmem>> -> memref<1x72xi32, #tpu.memory_space<vmem>>
    %dma_wait3A_222 = tpu.memref_squeeze %dma_wait3A_221 : memref<1x72xi32, #tpu.memory_space<vmem>> -> memref<72xi32, #tpu.memory_space<vmem>>
    %dma_wait3A_223 = arith.constant 0 : i32
    %dma_wait3A_224 = arith.constant 0 : i32
    %dma_wait3A_225 = tpu.memref_slice %arg3[%dma_wait3A_223, %dma_wait3A_224] : memref<1000x16xf32, #tpu.memory_space<hbm>> -> memref<1000x16xf32, #tpu.memory_space<hbm>>
    tpu.wait_indirect_dma semaphore(%arg7 : memref<!tpu.dma_semaphore, #tpu.memory_space<semaphore_mem>>) src(%dma_wait3A_225 : memref<1000x16xf32, #tpu.memory_space<hbm>>) dst(%dma_wait3A_219 : memref<72x16xf32, #tpu.memory_space<vmem>>)
    %dma_wait3A_226 = arith.constant 0 : i32
    %dma_wait3A_227 = arith.constant 600 : i32
    %dma_wait3A_228 = arith.constant 0 : i32
    %dma_wait3A_229 = tpu.memref_slice %arg6[%dma_wait3A_227, %dma_wait3A_228] : memref<1600x16xf32, #tpu.memory_space<vmem>> -> memref<128x16xf32, #tpu.memory_space<vmem>>
    %dma_wait3A_230 = arith.constant 0 : i32
    %dma_wait3A_231 = tpu.memref_slice %arg5[%dma_wait3A_226, %dma_wait3A_230] : memref<128x200xi32, #tpu.memory_space<vmem>> -> memref<1x128xi32, #tpu.memory_space<vmem>>
    %dma_wait3A_232 = tpu.memref_squeeze %dma_wait3A_231 : memref<1x128xi32, #tpu.memory_space<vmem>> -> memref<128xi32, #tpu.memory_space<vmem>>
    %dma_wait3A_233 = arith.constant 0 : i32
    %dma_wait3A_234 = arith.constant 0 : i32
    %dma_wait3A_235 = tpu.memref_slice %arg3[%dma_wait3A_233, %dma_wait3A_234] : memref<1000x16xf32, #tpu.memory_space<hbm>> -> memref<1000x16xf32, #tpu.memory_space<hbm>>
    tpu.wait_indirect_dma semaphore(%arg7 : memref<!tpu.dma_semaphore, #tpu.memory_space<semaphore_mem>>) src(%dma_wait3A_235 : memref<1000x16xf32, #tpu.memory_space<hbm>>) dst(%dma_wait3A_229 : memref<128x16xf32, #tpu.memory_space<vmem>>)
    %dma_wait3A_236 = arith.constant 0 : i32
    %dma_wait3A_237 = arith.constant 728 : i32
    %dma_wait3A_238 = arith.constant 0 : i32
    %dma_wait3A_239 = tpu.memref_slice %arg6[%dma_wait3A_237, %dma_wait3A_238] : memref<1600x16xf32, #tpu.memory_space<vmem>> -> memref<72x16xf32, #tpu.memory_space<vmem>>
    %dma_wait3A_240 = arith.constant 128 : i32
    %dma_wait3A_241 = tpu.memref_slice %arg5[%dma_wait3A_236, %dma_wait3A_240] : memref<128x200xi32, #tpu.memory_space<vmem>> -> memref<1x72xi32, #tpu.memory_space<vmem>>
    %dma_wait3A_242 = tpu.memref_squeeze %dma_wait3A_241 : memref<1x72xi32, #tpu.memory_space<vmem>> -> memref<72xi32, #tpu.memory_space<vmem>>
    %dma_wait3A_243 = arith.constant 0 : i32
    %dma_wait3A_244 = arith.constant 0 : i32
    %dma_wait3A_245 = tpu.memref_slice %arg3[%dma_wait3A_243, %dma_wait3A_244] : memref<1000x16xf32, #tpu.memory_space<hbm>> -> memref<1000x16xf32, #tpu.memory_space<hbm>>
    tpu.wait_indirect_dma semaphore(%arg7 : memref<!tpu.dma_semaphore, #tpu.memory_space<semaphore_mem>>) src(%dma_wait3A_245 : memref<1000x16xf32, #tpu.memory_space<hbm>>) dst(%dma_wait3A_239 : memref<72x16xf32, #tpu.memory_space<vmem>>)
    %mul3A_246 = arith.constant 25600 : i32
    %mul3A_247 = arith.muli %add3A, %mul3A_246 : i32
    %add3A_248 = arith.constant 24000 : i32
    %add3A_249 = arith.addi %mul3A_247, %add3A_248 : i32
    %dma_start3A_250 = arith.constant 0 : i32
    %dma_start3A_251 = arith.constant 0 : i32
    %dma_start3A_252 = tpu.memref_slice %arg6[%dma_start3A_250, %dma_start3A_251] : memref<1600x16xf32, #tpu.memory_space<vmem>> -> memref<800x16xf32, #tpu.memory_space<vmem>>
    %dma_start3A_253 = arith.constant 0 : i32
    %dma_start3A_254 = tpu.memref_slice %arg4[%add3A_249, %dma_start3A_253] : memref<819200x16xf32, #tpu.memory_space<hbm>> -> memref<800x16xf32, #tpu.memory_space<hbm>>
    %dma_start3A_255 = arith.constant 0 : i32
    %dma_start3A_256 = tpu.memref_slice %arg4[%add3A_249, %dma_start3A_255] : memref<819200x16xf32, #tpu.memory_space<hbm>> -> memref<800x16xf32, #tpu.memory_space<hbm>>
    %dma_start3A_257 = arith.constant 0 : i32
    %dma_start3A_258 = arith.constant 0 : i32
    %dma_start3A_259 = tpu.memref_slice %arg6[%dma_start3A_257, %dma_start3A_258] : memref<1600x16xf32, #tpu.memory_space<vmem>> -> memref<800x16xf32, #tpu.memory_space<vmem>>
    tpu.enqueue_dma source(%dma_start3A_259 : memref<800x16xf32, #tpu.memory_space<vmem>>) target(%dma_start3A_256 : memref<800x16xf32, #tpu.memory_space<hbm>>) target_semaphore(%arg8 : memref<!tpu.dma_semaphore, #tpu.memory_space<semaphore_mem>>)
    %dma_wait3A_260 = arith.constant 0 : i32
    %dma_wait3A_261 = arith.constant 800 : i32
    %dma_wait3A_262 = arith.constant 0 : i32
    %dma_wait3A_263 = tpu.memref_slice %arg6[%dma_wait3A_261, %dma_wait3A_262] : memref<1600x16xf32, #tpu.memory_space<vmem>> -> memref<128x16xf32, #tpu.memory_space<vmem>>
    %dma_wait3A_264 = arith.constant 0 : i32
    %dma_wait3A_265 = tpu.memref_slice %arg5[%dma_wait3A_260, %dma_wait3A_264] : memref<128x200xi32, #tpu.memory_space<vmem>> -> memref<1x128xi32, #tpu.memory_space<vmem>>
    %dma_wait3A_266 = tpu.memref_squeeze %dma_wait3A_265 : memref<1x128xi32, #tpu.memory_space<vmem>> -> memref<128xi32, #tpu.memory_space<vmem>>
    %dma_wait3A_267 = arith.constant 0 : i32
    %dma_wait3A_268 = arith.constant 0 : i32
    %dma_wait3A_269 = tpu.memref_slice %arg3[%dma_wait3A_267, %dma_wait3A_268] : memref<1000x16xf32, #tpu.memory_space<hbm>> -> memref<1000x16xf32, #tpu.memory_space<hbm>>
    tpu.wait_indirect_dma semaphore(%arg7 : memref<!tpu.dma_semaphore, #tpu.memory_space<semaphore_mem>>) src(%dma_wait3A_269 : memref<1000x16xf32, #tpu.memory_space<hbm>>) dst(%dma_wait3A_263 : memref<128x16xf32, #tpu.memory_space<vmem>>)
    %dma_wait3A_270 = arith.constant 0 : i32
    %dma_wait3A_271 = arith.constant 928 : i32
    %dma_wait3A_272 = arith.constant 0 : i32
    %dma_wait3A_273 = tpu.memref_slice %arg6[%dma_wait3A_271, %dma_wait3A_272] : memref<1600x16xf32, #tpu.memory_space<vmem>> -> memref<72x16xf32, #tpu.memory_space<vmem>>
    %dma_wait3A_274 = arith.constant 128 : i32
    %dma_wait3A_275 = tpu.memref_slice %arg5[%dma_wait3A_270, %dma_wait3A_274] : memref<128x200xi32, #tpu.memory_space<vmem>> -> memref<1x72xi32, #tpu.memory_space<vmem>>
    %dma_wait3A_276 = tpu.memref_squeeze %dma_wait3A_275 : memref<1x72xi32, #tpu.memory_space<vmem>> -> memref<72xi32, #tpu.memory_space<vmem>>
    %dma_wait3A_277 = arith.constant 0 : i32
    %dma_wait3A_278 = arith.constant 0 : i32
    %dma_wait3A_279 = tpu.memref_slice %arg3[%dma_wait3A_277, %dma_wait3A_278] : memref<1000x16xf32, #tpu.memory_space<hbm>> -> memref<1000x16xf32, #tpu.memory_space<hbm>>
    tpu.wait_indirect_dma semaphore(%arg7 : memref<!tpu.dma_semaphore, #tpu.memory_space<semaphore_mem>>) src(%dma_wait3A_279 : memref<1000x16xf32, #tpu.memory_space<hbm>>) dst(%dma_wait3A_273 : memref<72x16xf32, #tpu.memory_space<vmem>>)
    %dma_wait3A_280 = arith.constant 0 : i32
    %dma_wait3A_281 = arith.constant 1000 : i32
    %dma_wait3A_282 = arith.constant 0 : i32
    %dma_wait3A_283 = tpu.memref_slice %arg6[%dma_wait3A_281, %dma_wait3A_282] : memref<1600x16xf32, #tpu.memory_space<vmem>> -> memref<128x16xf32, #tpu.memory_space<vmem>>
    %dma_wait3A_284 = arith.constant 0 : i32
    %dma_wait3A_285 = tpu.memref_slice %arg5[%dma_wait3A_280, %dma_wait3A_284] : memref<128x200xi32, #tpu.memory_space<vmem>> -> memref<1x128xi32, #tpu.memory_space<vmem>>
    %dma_wait3A_286 = tpu.memref_squeeze %dma_wait3A_285 : memref<1x128xi32, #tpu.memory_space<vmem>> -> memref<128xi32, #tpu.memory_space<vmem>>
    %dma_wait3A_287 = arith.constant 0 : i32
    %dma_wait3A_288 = arith.constant 0 : i32
    %dma_wait3A_289 = tpu.memref_slice %arg3[%dma_wait3A_287, %dma_wait3A_288] : memref<1000x16xf32, #tpu.memory_space<hbm>> -> memref<1000x16xf32, #tpu.memory_space<hbm>>
    tpu.wait_indirect_dma semaphore(%arg7 : memref<!tpu.dma_semaphore, #tpu.memory_space<semaphore_mem>>) src(%dma_wait3A_289 : memref<1000x16xf32, #tpu.memory_space<hbm>>) dst(%dma_wait3A_283 : memref<128x16xf32, #tpu.memory_space<vmem>>)
    %dma_wait3A_290 = arith.constant 0 : i32
    %dma_wait3A_291 = arith.constant 1128 : i32
    %dma_wait3A_292 = arith.constant 0 : i32
    %dma_wait3A_293 = tpu.memref_slice %arg6[%dma_wait3A_291, %dma_wait3A_292] : memref<1600x16xf32, #tpu.memory_space<vmem>> -> memref<72x16xf32, #tpu.memory_space<vmem>>
    %dma_wait3A_294 = arith.constant 128 : i32
    %dma_wait3A_295 = tpu.memref_slice %arg5[%dma_wait3A_290, %dma_wait3A_294] : memref<128x200xi32, #tpu.memory_space<vmem>> -> memref<1x72xi32, #tpu.memory_space<vmem>>
    %dma_wait3A_296 = tpu.memref_squeeze %dma_wait3A_295 : memref<1x72xi32, #tpu.memory_space<vmem>> -> memref<72xi32, #tpu.memory_space<vmem>>
    %dma_wait3A_297 = arith.constant 0 : i32
    %dma_wait3A_298 = arith.constant 0 : i32
    %dma_wait3A_299 = tpu.memref_slice %arg3[%dma_wait3A_297, %dma_wait3A_298] : memref<1000x16xf32, #tpu.memory_space<hbm>> -> memref<1000x16xf32, #tpu.memory_space<hbm>>
    tpu.wait_indirect_dma semaphore(%arg7 : memref<!tpu.dma_semaphore, #tpu.memory_space<semaphore_mem>>) src(%dma_wait3A_299 : memref<1000x16xf32, #tpu.memory_space<hbm>>) dst(%dma_wait3A_293 : memref<72x16xf32, #tpu.memory_space<vmem>>)
    %dma_wait3A_300 = arith.constant 0 : i32
    %dma_wait3A_301 = arith.constant 1200 : i32
    %dma_wait3A_302 = arith.constant 0 : i32
    %dma_wait3A_303 = tpu.memref_slice %arg6[%dma_wait3A_301, %dma_wait3A_302] : memref<1600x16xf32, #tpu.memory_space<vmem>> -> memref<128x16xf32, #tpu.memory_space<vmem>>
    %dma_wait3A_304 = arith.constant 0 : i32
    %dma_wait3A_305 = tpu.memref_slice %arg5[%dma_wait3A_300, %dma_wait3A_304] : memref<128x200xi32, #tpu.memory_space<vmem>> -> memref<1x128xi32, #tpu.memory_space<vmem>>
    %dma_wait3A_306 = tpu.memref_squeeze %dma_wait3A_305 : memref<1x128xi32, #tpu.memory_space<vmem>> -> memref<128xi32, #tpu.memory_space<vmem>>
    %dma_wait3A_307 = arith.constant 0 : i32
    %dma_wait3A_308 = arith.constant 0 : i32
    %dma_wait3A_309 = tpu.memref_slice %arg3[%dma_wait3A_307, %dma_wait3A_308] : memref<1000x16xf32, #tpu.memory_space<hbm>> -> memref<1000x16xf32, #tpu.memory_space<hbm>>
    tpu.wait_indirect_dma semaphore(%arg7 : memref<!tpu.dma_semaphore, #tpu.memory_space<semaphore_mem>>) src(%dma_wait3A_309 : memref<1000x16xf32, #tpu.memory_space<hbm>>) dst(%dma_wait3A_303 : memref<128x16xf32, #tpu.memory_space<vmem>>)
    %dma_wait3A_310 = arith.constant 0 : i32
    %dma_wait3A_311 = arith.constant 1328 : i32
    %dma_wait3A_312 = arith.constant 0 : i32
    %dma_wait3A_313 = tpu.memref_slice %arg6[%dma_wait3A_311, %dma_wait3A_312] : memref<1600x16xf32, #tpu.memory_space<vmem>> -> memref<72x16xf32, #tpu.memory_space<vmem>>
    %dma_wait3A_314 = arith.constant 128 : i32
    %dma_wait3A_315 = tpu.memref_slice %arg5[%dma_wait3A_310, %dma_wait3A_314] : memref<128x200xi32, #tpu.memory_space<vmem>> -> memref<1x72xi32, #tpu.memory_space<vmem>>
    %dma_wait3A_316 = tpu.memref_squeeze %dma_wait3A_315 : memref<1x72xi32, #tpu.memory_space<vmem>> -> memref<72xi32, #tpu.memory_space<vmem>>
    %dma_wait3A_317 = arith.constant 0 : i32
    %dma_wait3A_318 = arith.constant 0 : i32
    %dma_wait3A_319 = tpu.memref_slice %arg3[%dma_wait3A_317, %dma_wait3A_318] : memref<1000x16xf32, #tpu.memory_space<hbm>> -> memref<1000x16xf32, #tpu.memory_space<hbm>>
    tpu.wait_indirect_dma semaphore(%arg7 : memref<!tpu.dma_semaphore, #tpu.memory_space<semaphore_mem>>) src(%dma_wait3A_319 : memref<1000x16xf32, #tpu.memory_space<hbm>>) dst(%dma_wait3A_313 : memref<72x16xf32, #tpu.memory_space<vmem>>)
    %dma_wait3A_320 = arith.constant 0 : i32
    %dma_wait3A_321 = arith.constant 1400 : i32
    %dma_wait3A_322 = arith.constant 0 : i32
    %dma_wait3A_323 = tpu.memref_slice %arg6[%dma_wait3A_321, %dma_wait3A_322] : memref<1600x16xf32, #tpu.memory_space<vmem>> -> memref<128x16xf32, #tpu.memory_space<vmem>>
    %dma_wait3A_324 = arith.constant 0 : i32
    %dma_wait3A_325 = tpu.memref_slice %arg5[%dma_wait3A_320, %dma_wait3A_324] : memref<128x200xi32, #tpu.memory_space<vmem>> -> memref<1x128xi32, #tpu.memory_space<vmem>>
    %dma_wait3A_326 = tpu.memref_squeeze %dma_wait3A_325 : memref<1x128xi32, #tpu.memory_space<vmem>> -> memref<128xi32, #tpu.memory_space<vmem>>
    %dma_wait3A_327 = arith.constant 0 : i32
    %dma_wait3A_328 = arith.constant 0 : i32
    %dma_wait3A_329 = tpu.memref_slice %arg3[%dma_wait3A_327, %dma_wait3A_328] : memref<1000x16xf32, #tpu.memory_space<hbm>> -> memref<1000x16xf32, #tpu.memory_space<hbm>>
    tpu.wait_indirect_dma semaphore(%arg7 : memref<!tpu.dma_semaphore, #tpu.memory_space<semaphore_mem>>) src(%dma_wait3A_329 : memref<1000x16xf32, #tpu.memory_space<hbm>>) dst(%dma_wait3A_323 : memref<128x16xf32, #tpu.memory_space<vmem>>)
    %dma_wait3A_330 = arith.constant 0 : i32
    %dma_wait3A_331 = arith.constant 1528 : i32
    %dma_wait3A_332 = arith.constant 0 : i32
    %dma_wait3A_333 = tpu.memref_slice %arg6[%dma_wait3A_331, %dma_wait3A_332] : memref<1600x16xf32, #tpu.memory_space<vmem>> -> memref<72x16xf32, #tpu.memory_space<vmem>>
    %dma_wait3A_334 = arith.constant 128 : i32
    %dma_wait3A_335 = tpu.memref_slice %arg5[%dma_wait3A_330, %dma_wait3A_334] : memref<128x200xi32, #tpu.memory_space<vmem>> -> memref<1x72xi32, #tpu.memory_space<vmem>>
    %dma_wait3A_336 = tpu.memref_squeeze %dma_wait3A_335 : memref<1x72xi32, #tpu.memory_space<vmem>> -> memref<72xi32, #tpu.memory_space<vmem>>
    %dma_wait3A_337 = arith.constant 0 : i32
    %dma_wait3A_338 = arith.constant 0 : i32
    %dma_wait3A_339 = tpu.memref_slice %arg3[%dma_wait3A_337, %dma_wait3A_338] : memref<1000x16xf32, #tpu.memory_space<hbm>> -> memref<1000x16xf32, #tpu.memory_space<hbm>>
    tpu.wait_indirect_dma semaphore(%arg7 : memref<!tpu.dma_semaphore, #tpu.memory_space<semaphore_mem>>) src(%dma_wait3A_339 : memref<1000x16xf32, #tpu.memory_space<hbm>>) dst(%dma_wait3A_333 : memref<72x16xf32, #tpu.memory_space<vmem>>)
    %mul3A_340 = arith.constant 25600 : i32
    %mul3A_341 = arith.muli %add3A, %mul3A_340 : i32
    %add3A_342 = arith.constant 24800 : i32
    %add3A_343 = arith.addi %mul3A_341, %add3A_342 : i32
    %dma_start3A_344 = arith.constant 800 : i32
    %dma_start3A_345 = arith.constant 0 : i32
    %dma_start3A_346 = tpu.memref_slice %arg6[%dma_start3A_344, %dma_start3A_345] : memref<1600x16xf32, #tpu.memory_space<vmem>> -> memref<800x16xf32, #tpu.memory_space<vmem>>
    %dma_start3A_347 = arith.constant 0 : i32
    %dma_start3A_348 = tpu.memref_slice %arg4[%add3A_343, %dma_start3A_347] : memref<819200x16xf32, #tpu.memory_space<hbm>> -> memref<800x16xf32, #tpu.memory_space<hbm>>
    %dma_start3A_349 = arith.constant 0 : i32
    %dma_start3A_350 = tpu.memref_slice %arg4[%add3A_343, %dma_start3A_349] : memref<819200x16xf32, #tpu.memory_space<hbm>> -> memref<800x16xf32, #tpu.memory_space<hbm>>
    %dma_start3A_351 = arith.constant 800 : i32
    %dma_start3A_352 = arith.constant 0 : i32
    %dma_start3A_353 = tpu.memref_slice %arg6[%dma_start3A_351, %dma_start3A_352] : memref<1600x16xf32, #tpu.memory_space<vmem>> -> memref<800x16xf32, #tpu.memory_space<vmem>>
    tpu.enqueue_dma source(%dma_start3A_353 : memref<800x16xf32, #tpu.memory_space<vmem>>) target(%dma_start3A_350 : memref<800x16xf32, #tpu.memory_space<hbm>>) target_semaphore(%arg8 : memref<!tpu.dma_semaphore, #tpu.memory_space<semaphore_mem>>)
    %mul3A_354 = arith.constant 25600 : i32
    %mul3A_355 = arith.muli %add3A, %mul3A_354 : i32
    %add3A_356 = arith.constant 24000 : i32
    %add3A_357 = arith.addi %mul3A_355, %add3A_356 : i32
    %dma_wait3A_358 = arith.constant 0 : i32
    %dma_wait3A_359 = arith.constant 0 : i32
    %dma_wait3A_360 = tpu.memref_slice %arg6[%dma_wait3A_358, %dma_wait3A_359] : memref<1600x16xf32, #tpu.memory_space<vmem>> -> memref<800x16xf32, #tpu.memory_space<vmem>>
    %dma_wait3A_361 = arith.constant 0 : i32
    %dma_wait3A_362 = tpu.memref_slice %arg4[%add3A_357, %dma_wait3A_361] : memref<819200x16xf32, #tpu.memory_space<hbm>> -> memref<800x16xf32, #tpu.memory_space<hbm>>
    %dma_wait3A_363 = arith.constant 0 : i32
    %dma_wait3A_364 = tpu.memref_slice %arg4[%add3A_357, %dma_wait3A_363] : memref<819200x16xf32, #tpu.memory_space<hbm>> -> memref<800x16xf32, #tpu.memory_space<hbm>>
    %dma_wait3A_365 = arith.constant 0 : i32
    %dma_wait3A_366 = arith.constant 0 : i32
    %dma_wait3A_367 = tpu.memref_slice %arg6[%dma_wait3A_365, %dma_wait3A_366] : memref<1600x16xf32, #tpu.memory_space<vmem>> -> memref<800x16xf32, #tpu.memory_space<vmem>>
    tpu.wait_dma2 semaphore(%arg8 : memref<!tpu.dma_semaphore, #tpu.memory_space<semaphore_mem>>) src(%dma_wait3A_367 : memref<800x16xf32, #tpu.memory_space<vmem>>) dst(%dma_wait3A_364 : memref<800x16xf32, #tpu.memory_space<hbm>>)
    %mul3A_368 = arith.constant 25600 : i32
    %mul3A_369 = arith.muli %add3A, %mul3A_368 : i32
    %add3A_370 = arith.constant 24800 : i32
    %add3A_371 = arith.addi %mul3A_369, %add3A_370 : i32
    %dma_wait3A_372 = arith.constant 800 : i32
    %dma_wait3A_373 = arith.constant 0 : i32
    %dma_wait3A_374 = tpu.memref_slice %arg6[%dma_wait3A_372, %dma_wait3A_373] : memref<1600x16xf32, #tpu.memory_space<vmem>> -> memref<800x16xf32, #tpu.memory_space<vmem>>
    %dma_wait3A_375 = arith.constant 0 : i32
    %dma_wait3A_376 = tpu.memref_slice %arg4[%add3A_371, %dma_wait3A_375] : memref<819200x16xf32, #tpu.memory_space<hbm>> -> memref<800x16xf32, #tpu.memory_space<hbm>>
    %dma_wait3A_377 = arith.constant 0 : i32
    %dma_wait3A_378 = tpu.memref_slice %arg4[%add3A_371, %dma_wait3A_377] : memref<819200x16xf32, #tpu.memory_space<hbm>> -> memref<800x16xf32, #tpu.memory_space<hbm>>
    %dma_wait3A_379 = arith.constant 800 : i32
    %dma_wait3A_380 = arith.constant 0 : i32
    %dma_wait3A_381 = tpu.memref_slice %arg6[%dma_wait3A_379, %dma_wait3A_380] : memref<1600x16xf32, #tpu.memory_space<vmem>> -> memref<800x16xf32, #tpu.memory_space<vmem>>
    tpu.wait_dma2 semaphore(%arg8 : memref<!tpu.dma_semaphore, #tpu.memory_space<semaphore_mem>>) src(%dma_wait3A_381 : memref<800x16xf32, #tpu.memory_space<vmem>>) dst(%dma_wait3A_378 : memref<800x16xf32, #tpu.memory_space<hbm>>)
    return
  }
}

#map = affine_map<(d0, d1) -> (0, 0)>
module attributes {stable_mosaic.version = 14 : i64} {
  func.func @k(%arg0: i32, %arg1: i32, %arg2: memref<4096x200xi32, #tpu.memory_space<hbm>>, %arg3: memref<1000000x32xf32, #tpu.memory_space<hbm>>, %arg4: memref<819200x32xf32, #tpu.memory_space<hbm>>, %arg5: memref<128x200xi32, #tpu.memory_space<vmem>>, %arg6: memref<1600x32xf32, #tpu.memory_space<vmem>>, %arg7: memref<!tpu.dma_semaphore, #tpu.memory_space<semaphore_mem>>, %arg8: memref<!tpu.dma_semaphore, #tpu.memory_space<semaphore_mem>>) attributes {dimension_semantics = [#tpu.dimension_semantics<core_parallel>, #tpu.dimension_semantics<subcore_parallel>], iteration_bounds = array<i64: 2, 16>, scalar_prefetch = 0 : i64, scratch_operands = 4 : i64, tpu.core_type = #tpu.core_type<sc_vector_subcore>, window_params = [{transform_indices = #map}, {transform_indices = #map}, {transform_indices = #map}]} {
    %mul3A = arith.constant 2 : i32
    %mul3A_0 = arith.muli %arg1, %mul3A : i32
    %add3A = arith.addi %mul3A_0, %arg0 : i32
    %mul3A_1 = arith.constant 128 : i32
    %mul3A_2 = arith.muli %add3A, %mul3A_1 : i32
    "tpu.region"() ({
      %run_scoped3A = tpu.sem_alloc : memref<!tpu.dma_semaphore, #tpu.memory_space<semaphore_mem>>
      %dma_start3A_382 = arith.constant 0 : i32
      %dma_start3A_383 = tpu.memref_slice %arg2[%mul3A_2, %dma_start3A_382] : memref<4096x200xi32, #tpu.memory_space<hbm>> -> memref<128x200xi32, #tpu.memory_space<hbm>>
      %dma_start3A_384 = arith.constant 0 : i32
      %dma_start3A_385 = tpu.memref_slice %arg2[%mul3A_2, %dma_start3A_384] : memref<4096x200xi32, #tpu.memory_space<hbm>> -> memref<128x200xi32, #tpu.memory_space<hbm>>
      tpu.enqueue_dma source(%dma_start3A_385 : memref<128x200xi32, #tpu.memory_space<hbm>>) target(%arg5 : memref<128x200xi32, #tpu.memory_space<vmem>>) target_semaphore(%run_scoped3A : memref<!tpu.dma_semaphore, #tpu.memory_space<semaphore_mem>>)
      %dma_wait3A_386 = arith.constant 0 : i32
      %dma_wait3A_387 = tpu.memref_slice %arg2[%mul3A_2, %dma_wait3A_386] : memref<4096x200xi32, #tpu.memory_space<hbm>> -> memref<128x200xi32, #tpu.memory_space<hbm>>
      %dma_wait3A_388 = arith.constant 0 : i32
      %dma_wait3A_389 = tpu.memref_slice %arg2[%mul3A_2, %dma_wait3A_388] : memref<4096x200xi32, #tpu.memory_space<hbm>> -> memref<128x200xi32, #tpu.memory_space<hbm>>
      tpu.wait_dma2 semaphore(%run_scoped3A : memref<!tpu.dma_semaphore, #tpu.memory_space<semaphore_mem>>) src(%dma_wait3A_389 : memref<128x200xi32, #tpu.memory_space<hbm>>) dst(%arg5 : memref<128x200xi32, #tpu.memory_space<vmem>>)
      tpu.yield
    }) : () -> ()
    %dma_start3A = arith.constant 0 : i32
    %dma_start3A_3 = arith.constant 0 : i32
    %dma_start3A_4 = arith.constant 0 : i32
    %dma_start3A_5 = tpu.memref_slice %arg6[%dma_start3A_3, %dma_start3A_4] : memref<1600x32xf32, #tpu.memory_space<vmem>> -> memref<128x32xf32, #tpu.memory_space<vmem>>
    %dma_start3A_6 = arith.constant 0 : i32
    %dma_start3A_7 = tpu.memref_slice %arg5[%dma_start3A, %dma_start3A_6] : memref<128x200xi32, #tpu.memory_space<vmem>> -> memref<1x128xi32, #tpu.memory_space<vmem>>
    %dma_start3A_8 = tpu.memref_squeeze %dma_start3A_7 : memref<1x128xi32, #tpu.memory_space<vmem>> -> memref<128xi32, #tpu.memory_space<vmem>>
    %dma_start3A_9 = arith.constant 0 : i32
    %dma_start3A_10 = arith.constant 0 : i32
    %dma_start3A_11 = tpu.memref_slice %arg3[%dma_start3A_9, %dma_start3A_10] : memref<1000000x32xf32, #tpu.memory_space<hbm>> -> memref<1000000x32xf32, #tpu.memory_space<hbm>>
    tpu.enqueue_indirect_dma source(%dma_start3A_11 : memref<1000000x32xf32, #tpu.memory_space<hbm>>) target(%dma_start3A_5 : memref<128x32xf32, #tpu.memory_space<vmem>>) offsets(%dma_start3A_8 : memref<128xi32, #tpu.memory_space<vmem>>) semaphore(%arg7 : memref<!tpu.dma_semaphore, #tpu.memory_space<semaphore_mem>>)
    %dma_start3A_12 = arith.constant 0 : i32
    %dma_start3A_13 = arith.constant 128 : i32
    %dma_start3A_14 = arith.constant 0 : i32
    %dma_start3A_15 = tpu.memref_slice %arg6[%dma_start3A_13, %dma_start3A_14] : memref<1600x32xf32, #tpu.memory_space<vmem>> -> memref<72x32xf32, #tpu.memory_space<vmem>>
    %dma_start3A_16 = arith.constant 128 : i32
    %dma_start3A_17 = tpu.memref_slice %arg5[%dma_start3A_12, %dma_start3A_16] : memref<128x200xi32, #tpu.memory_space<vmem>> -> memref<1x72xi32, #tpu.memory_space<vmem>>
    %dma_start3A_18 = tpu.memref_squeeze %dma_start3A_17 : memref<1x72xi32, #tpu.memory_space<vmem>> -> memref<72xi32, #tpu.memory_space<vmem>>
    %dma_start3A_19 = arith.constant 0 : i32
    %dma_start3A_20 = arith.constant 0 : i32
    %dma_start3A_21 = tpu.memref_slice %arg3[%dma_start3A_19, %dma_start3A_20] : memref<1000000x32xf32, #tpu.memory_space<hbm>> -> memref<1000000x32xf32, #tpu.memory_space<hbm>>
    tpu.enqueue_indirect_dma source(%dma_start3A_21 : memref<1000000x32xf32, #tpu.memory_space<hbm>>) target(%dma_start3A_15 : memref<72x32xf32, #tpu.memory_space<vmem>>) offsets(%dma_start3A_18 : memref<72xi32, #tpu.memory_space<vmem>>) semaphore(%arg7 : memref<!tpu.dma_semaphore, #tpu.memory_space<semaphore_mem>>)
    %dma_start3A_22 = arith.constant 1 : i32
    %dma_start3A_23 = arith.constant 200 : i32
    %dma_start3A_24 = arith.constant 0 : i32
    %dma_start3A_25 = tpu.memref_slice %arg6[%dma_start3A_23, %dma_start3A_24] : memref<1600x32xf32, #tpu.memory_space<vmem>> -> memref<128x32xf32, #tpu.memory_space<vmem>>
    %dma_start3A_26 = arith.constant 0 : i32
    %dma_start3A_27 = tpu.memref_slice %arg5[%dma_start3A_22, %dma_start3A_26] : memref<128x200xi32, #tpu.memory_space<vmem>> -> memref<1x128xi32, #tpu.memory_space<vmem>>
    %dma_start3A_28 = tpu.memref_squeeze %dma_start3A_27 : memref<1x128xi32, #tpu.memory_space<vmem>> -> memref<128xi32, #tpu.memory_space<vmem>>
    %dma_start3A_29 = arith.constant 0 : i32
    %dma_start3A_30 = arith.constant 0 : i32
    %dma_start3A_31 = tpu.memref_slice %arg3[%dma_start3A_29, %dma_start3A_30] : memref<1000000x32xf32, #tpu.memory_space<hbm>> -> memref<1000000x32xf32, #tpu.memory_space<hbm>>
    tpu.enqueue_indirect_dma source(%dma_start3A_31 : memref<1000000x32xf32, #tpu.memory_space<hbm>>) target(%dma_start3A_25 : memref<128x32xf32, #tpu.memory_space<vmem>>) offsets(%dma_start3A_28 : memref<128xi32, #tpu.memory_space<vmem>>) semaphore(%arg7 : memref<!tpu.dma_semaphore, #tpu.memory_space<semaphore_mem>>)
    %dma_start3A_32 = arith.constant 1 : i32
    %dma_start3A_33 = arith.constant 328 : i32
    %dma_start3A_34 = arith.constant 0 : i32
    %dma_start3A_35 = tpu.memref_slice %arg6[%dma_start3A_33, %dma_start3A_34] : memref<1600x32xf32, #tpu.memory_space<vmem>> -> memref<72x32xf32, #tpu.memory_space<vmem>>
    %dma_start3A_36 = arith.constant 128 : i32
    %dma_start3A_37 = tpu.memref_slice %arg5[%dma_start3A_32, %dma_start3A_36] : memref<128x200xi32, #tpu.memory_space<vmem>> -> memref<1x72xi32, #tpu.memory_space<vmem>>
    %dma_start3A_38 = tpu.memref_squeeze %dma_start3A_37 : memref<1x72xi32, #tpu.memory_space<vmem>> -> memref<72xi32, #tpu.memory_space<vmem>>
    %dma_start3A_39 = arith.constant 0 : i32
    %dma_start3A_40 = arith.constant 0 : i32
    %dma_start3A_41 = tpu.memref_slice %arg3[%dma_start3A_39, %dma_start3A_40] : memref<1000000x32xf32, #tpu.memory_space<hbm>> -> memref<1000000x32xf32, #tpu.memory_space<hbm>>
    tpu.enqueue_indirect_dma source(%dma_start3A_41 : memref<1000000x32xf32, #tpu.memory_space<hbm>>) target(%dma_start3A_35 : memref<72x32xf32, #tpu.memory_space<vmem>>) offsets(%dma_start3A_38 : memref<72xi32, #tpu.memory_space<vmem>>) semaphore(%arg7 : memref<!tpu.dma_semaphore, #tpu.memory_space<semaphore_mem>>)
    %dma_start3A_42 = arith.constant 2 : i32
    %dma_start3A_43 = arith.constant 400 : i32
    %dma_start3A_44 = arith.constant 0 : i32
    %dma_start3A_45 = tpu.memref_slice %arg6[%dma_start3A_43, %dma_start3A_44] : memref<1600x32xf32, #tpu.memory_space<vmem>> -> memref<128x32xf32, #tpu.memory_space<vmem>>
    %dma_start3A_46 = arith.constant 0 : i32
    %dma_start3A_47 = tpu.memref_slice %arg5[%dma_start3A_42, %dma_start3A_46] : memref<128x200xi32, #tpu.memory_space<vmem>> -> memref<1x128xi32, #tpu.memory_space<vmem>>
    %dma_start3A_48 = tpu.memref_squeeze %dma_start3A_47 : memref<1x128xi32, #tpu.memory_space<vmem>> -> memref<128xi32, #tpu.memory_space<vmem>>
    %dma_start3A_49 = arith.constant 0 : i32
    %dma_start3A_50 = arith.constant 0 : i32
    %dma_start3A_51 = tpu.memref_slice %arg3[%dma_start3A_49, %dma_start3A_50] : memref<1000000x32xf32, #tpu.memory_space<hbm>> -> memref<1000000x32xf32, #tpu.memory_space<hbm>>
    tpu.enqueue_indirect_dma source(%dma_start3A_51 : memref<1000000x32xf32, #tpu.memory_space<hbm>>) target(%dma_start3A_45 : memref<128x32xf32, #tpu.memory_space<vmem>>) offsets(%dma_start3A_48 : memref<128xi32, #tpu.memory_space<vmem>>) semaphore(%arg7 : memref<!tpu.dma_semaphore, #tpu.memory_space<semaphore_mem>>)
    %dma_start3A_52 = arith.constant 2 : i32
    %dma_start3A_53 = arith.constant 528 : i32
    %dma_start3A_54 = arith.constant 0 : i32
    %dma_start3A_55 = tpu.memref_slice %arg6[%dma_start3A_53, %dma_start3A_54] : memref<1600x32xf32, #tpu.memory_space<vmem>> -> memref<72x32xf32, #tpu.memory_space<vmem>>
    %dma_start3A_56 = arith.constant 128 : i32
    %dma_start3A_57 = tpu.memref_slice %arg5[%dma_start3A_52, %dma_start3A_56] : memref<128x200xi32, #tpu.memory_space<vmem>> -> memref<1x72xi32, #tpu.memory_space<vmem>>
    %dma_start3A_58 = tpu.memref_squeeze %dma_start3A_57 : memref<1x72xi32, #tpu.memory_space<vmem>> -> memref<72xi32, #tpu.memory_space<vmem>>
    %dma_start3A_59 = arith.constant 0 : i32
    %dma_start3A_60 = arith.constant 0 : i32
    %dma_start3A_61 = tpu.memref_slice %arg3[%dma_start3A_59, %dma_start3A_60] : memref<1000000x32xf32, #tpu.memory_space<hbm>> -> memref<1000000x32xf32, #tpu.memory_space<hbm>>
    tpu.enqueue_indirect_dma source(%dma_start3A_61 : memref<1000000x32xf32, #tpu.memory_space<hbm>>) target(%dma_start3A_55 : memref<72x32xf32, #tpu.memory_space<vmem>>) offsets(%dma_start3A_58 : memref<72xi32, #tpu.memory_space<vmem>>) semaphore(%arg7 : memref<!tpu.dma_semaphore, #tpu.memory_space<semaphore_mem>>)
    %dma_start3A_62 = arith.constant 3 : i32
    %dma_start3A_63 = arith.constant 600 : i32
    %dma_start3A_64 = arith.constant 0 : i32
    %dma_start3A_65 = tpu.memref_slice %arg6[%dma_start3A_63, %dma_start3A_64] : memref<1600x32xf32, #tpu.memory_space<vmem>> -> memref<128x32xf32, #tpu.memory_space<vmem>>
    %dma_start3A_66 = arith.constant 0 : i32
    %dma_start3A_67 = tpu.memref_slice %arg5[%dma_start3A_62, %dma_start3A_66] : memref<128x200xi32, #tpu.memory_space<vmem>> -> memref<1x128xi32, #tpu.memory_space<vmem>>
    %dma_start3A_68 = tpu.memref_squeeze %dma_start3A_67 : memref<1x128xi32, #tpu.memory_space<vmem>> -> memref<128xi32, #tpu.memory_space<vmem>>
    %dma_start3A_69 = arith.constant 0 : i32
    %dma_start3A_70 = arith.constant 0 : i32
    %dma_start3A_71 = tpu.memref_slice %arg3[%dma_start3A_69, %dma_start3A_70] : memref<1000000x32xf32, #tpu.memory_space<hbm>> -> memref<1000000x32xf32, #tpu.memory_space<hbm>>
    tpu.enqueue_indirect_dma source(%dma_start3A_71 : memref<1000000x32xf32, #tpu.memory_space<hbm>>) target(%dma_start3A_65 : memref<128x32xf32, #tpu.memory_space<vmem>>) offsets(%dma_start3A_68 : memref<128xi32, #tpu.memory_space<vmem>>) semaphore(%arg7 : memref<!tpu.dma_semaphore, #tpu.memory_space<semaphore_mem>>)
    %dma_start3A_72 = arith.constant 3 : i32
    %dma_start3A_73 = arith.constant 728 : i32
    %dma_start3A_74 = arith.constant 0 : i32
    %dma_start3A_75 = tpu.memref_slice %arg6[%dma_start3A_73, %dma_start3A_74] : memref<1600x32xf32, #tpu.memory_space<vmem>> -> memref<72x32xf32, #tpu.memory_space<vmem>>
    %dma_start3A_76 = arith.constant 128 : i32
    %dma_start3A_77 = tpu.memref_slice %arg5[%dma_start3A_72, %dma_start3A_76] : memref<128x200xi32, #tpu.memory_space<vmem>> -> memref<1x72xi32, #tpu.memory_space<vmem>>
    %dma_start3A_78 = tpu.memref_squeeze %dma_start3A_77 : memref<1x72xi32, #tpu.memory_space<vmem>> -> memref<72xi32, #tpu.memory_space<vmem>>
    %dma_start3A_79 = arith.constant 0 : i32
    %dma_start3A_80 = arith.constant 0 : i32
    %dma_start3A_81 = tpu.memref_slice %arg3[%dma_start3A_79, %dma_start3A_80] : memref<1000000x32xf32, #tpu.memory_space<hbm>> -> memref<1000000x32xf32, #tpu.memory_space<hbm>>
    tpu.enqueue_indirect_dma source(%dma_start3A_81 : memref<1000000x32xf32, #tpu.memory_space<hbm>>) target(%dma_start3A_75 : memref<72x32xf32, #tpu.memory_space<vmem>>) offsets(%dma_start3A_78 : memref<72xi32, #tpu.memory_space<vmem>>) semaphore(%arg7 : memref<!tpu.dma_semaphore, #tpu.memory_space<semaphore_mem>>)
    %dma_start3A_82 = arith.constant 4 : i32
    %dma_start3A_83 = arith.constant 800 : i32
    %dma_start3A_84 = arith.constant 0 : i32
    %dma_start3A_85 = tpu.memref_slice %arg6[%dma_start3A_83, %dma_start3A_84] : memref<1600x32xf32, #tpu.memory_space<vmem>> -> memref<128x32xf32, #tpu.memory_space<vmem>>
    %dma_start3A_86 = arith.constant 0 : i32
    %dma_start3A_87 = tpu.memref_slice %arg5[%dma_start3A_82, %dma_start3A_86] : memref<128x200xi32, #tpu.memory_space<vmem>> -> memref<1x128xi32, #tpu.memory_space<vmem>>
    %dma_start3A_88 = tpu.memref_squeeze %dma_start3A_87 : memref<1x128xi32, #tpu.memory_space<vmem>> -> memref<128xi32, #tpu.memory_space<vmem>>
    %dma_start3A_89 = arith.constant 0 : i32
    %dma_start3A_90 = arith.constant 0 : i32
    %dma_start3A_91 = tpu.memref_slice %arg3[%dma_start3A_89, %dma_start3A_90] : memref<1000000x32xf32, #tpu.memory_space<hbm>> -> memref<1000000x32xf32, #tpu.memory_space<hbm>>
    tpu.enqueue_indirect_dma source(%dma_start3A_91 : memref<1000000x32xf32, #tpu.memory_space<hbm>>) target(%dma_start3A_85 : memref<128x32xf32, #tpu.memory_space<vmem>>) offsets(%dma_start3A_88 : memref<128xi32, #tpu.memory_space<vmem>>) semaphore(%arg7 : memref<!tpu.dma_semaphore, #tpu.memory_space<semaphore_mem>>)
    %dma_start3A_92 = arith.constant 4 : i32
    %dma_start3A_93 = arith.constant 928 : i32
    %dma_start3A_94 = arith.constant 0 : i32
    %dma_start3A_95 = tpu.memref_slice %arg6[%dma_start3A_93, %dma_start3A_94] : memref<1600x32xf32, #tpu.memory_space<vmem>> -> memref<72x32xf32, #tpu.memory_space<vmem>>
    %dma_start3A_96 = arith.constant 128 : i32
    %dma_start3A_97 = tpu.memref_slice %arg5[%dma_start3A_92, %dma_start3A_96] : memref<128x200xi32, #tpu.memory_space<vmem>> -> memref<1x72xi32, #tpu.memory_space<vmem>>
    %dma_start3A_98 = tpu.memref_squeeze %dma_start3A_97 : memref<1x72xi32, #tpu.memory_space<vmem>> -> memref<72xi32, #tpu.memory_space<vmem>>
    %dma_start3A_99 = arith.constant 0 : i32
    %dma_start3A_100 = arith.constant 0 : i32
    %dma_start3A_101 = tpu.memref_slice %arg3[%dma_start3A_99, %dma_start3A_100] : memref<1000000x32xf32, #tpu.memory_space<hbm>> -> memref<1000000x32xf32, #tpu.memory_space<hbm>>
    tpu.enqueue_indirect_dma source(%dma_start3A_101 : memref<1000000x32xf32, #tpu.memory_space<hbm>>) target(%dma_start3A_95 : memref<72x32xf32, #tpu.memory_space<vmem>>) offsets(%dma_start3A_98 : memref<72xi32, #tpu.memory_space<vmem>>) semaphore(%arg7 : memref<!tpu.dma_semaphore, #tpu.memory_space<semaphore_mem>>)
    %dma_start3A_102 = arith.constant 5 : i32
    %dma_start3A_103 = arith.constant 1000 : i32
    %dma_start3A_104 = arith.constant 0 : i32
    %dma_start3A_105 = tpu.memref_slice %arg6[%dma_start3A_103, %dma_start3A_104] : memref<1600x32xf32, #tpu.memory_space<vmem>> -> memref<128x32xf32, #tpu.memory_space<vmem>>
    %dma_start3A_106 = arith.constant 0 : i32
    %dma_start3A_107 = tpu.memref_slice %arg5[%dma_start3A_102, %dma_start3A_106] : memref<128x200xi32, #tpu.memory_space<vmem>> -> memref<1x128xi32, #tpu.memory_space<vmem>>
    %dma_start3A_108 = tpu.memref_squeeze %dma_start3A_107 : memref<1x128xi32, #tpu.memory_space<vmem>> -> memref<128xi32, #tpu.memory_space<vmem>>
    %dma_start3A_109 = arith.constant 0 : i32
    %dma_start3A_110 = arith.constant 0 : i32
    %dma_start3A_111 = tpu.memref_slice %arg3[%dma_start3A_109, %dma_start3A_110] : memref<1000000x32xf32, #tpu.memory_space<hbm>> -> memref<1000000x32xf32, #tpu.memory_space<hbm>>
    tpu.enqueue_indirect_dma source(%dma_start3A_111 : memref<1000000x32xf32, #tpu.memory_space<hbm>>) target(%dma_start3A_105 : memref<128x32xf32, #tpu.memory_space<vmem>>) offsets(%dma_start3A_108 : memref<128xi32, #tpu.memory_space<vmem>>) semaphore(%arg7 : memref<!tpu.dma_semaphore, #tpu.memory_space<semaphore_mem>>)
    %dma_start3A_112 = arith.constant 5 : i32
    %dma_start3A_113 = arith.constant 1128 : i32
    %dma_start3A_114 = arith.constant 0 : i32
    %dma_start3A_115 = tpu.memref_slice %arg6[%dma_start3A_113, %dma_start3A_114] : memref<1600x32xf32, #tpu.memory_space<vmem>> -> memref<72x32xf32, #tpu.memory_space<vmem>>
    %dma_start3A_116 = arith.constant 128 : i32
    %dma_start3A_117 = tpu.memref_slice %arg5[%dma_start3A_112, %dma_start3A_116] : memref<128x200xi32, #tpu.memory_space<vmem>> -> memref<1x72xi32, #tpu.memory_space<vmem>>
    %dma_start3A_118 = tpu.memref_squeeze %dma_start3A_117 : memref<1x72xi32, #tpu.memory_space<vmem>> -> memref<72xi32, #tpu.memory_space<vmem>>
    %dma_start3A_119 = arith.constant 0 : i32
    %dma_start3A_120 = arith.constant 0 : i32
    %dma_start3A_121 = tpu.memref_slice %arg3[%dma_start3A_119, %dma_start3A_120] : memref<1000000x32xf32, #tpu.memory_space<hbm>> -> memref<1000000x32xf32, #tpu.memory_space<hbm>>
    tpu.enqueue_indirect_dma source(%dma_start3A_121 : memref<1000000x32xf32, #tpu.memory_space<hbm>>) target(%dma_start3A_115 : memref<72x32xf32, #tpu.memory_space<vmem>>) offsets(%dma_start3A_118 : memref<72xi32, #tpu.memory_space<vmem>>) semaphore(%arg7 : memref<!tpu.dma_semaphore, #tpu.memory_space<semaphore_mem>>)
    %dma_start3A_122 = arith.constant 6 : i32
    %dma_start3A_123 = arith.constant 1200 : i32
    %dma_start3A_124 = arith.constant 0 : i32
    %dma_start3A_125 = tpu.memref_slice %arg6[%dma_start3A_123, %dma_start3A_124] : memref<1600x32xf32, #tpu.memory_space<vmem>> -> memref<128x32xf32, #tpu.memory_space<vmem>>
    %dma_start3A_126 = arith.constant 0 : i32
    %dma_start3A_127 = tpu.memref_slice %arg5[%dma_start3A_122, %dma_start3A_126] : memref<128x200xi32, #tpu.memory_space<vmem>> -> memref<1x128xi32, #tpu.memory_space<vmem>>
    %dma_start3A_128 = tpu.memref_squeeze %dma_start3A_127 : memref<1x128xi32, #tpu.memory_space<vmem>> -> memref<128xi32, #tpu.memory_space<vmem>>
    %dma_start3A_129 = arith.constant 0 : i32
    %dma_start3A_130 = arith.constant 0 : i32
    %dma_start3A_131 = tpu.memref_slice %arg3[%dma_start3A_129, %dma_start3A_130] : memref<1000000x32xf32, #tpu.memory_space<hbm>> -> memref<1000000x32xf32, #tpu.memory_space<hbm>>
    tpu.enqueue_indirect_dma source(%dma_start3A_131 : memref<1000000x32xf32, #tpu.memory_space<hbm>>) target(%dma_start3A_125 : memref<128x32xf32, #tpu.memory_space<vmem>>) offsets(%dma_start3A_128 : memref<128xi32, #tpu.memory_space<vmem>>) semaphore(%arg7 : memref<!tpu.dma_semaphore, #tpu.memory_space<semaphore_mem>>)
    %dma_start3A_132 = arith.constant 6 : i32
    %dma_start3A_133 = arith.constant 1328 : i32
    %dma_start3A_134 = arith.constant 0 : i32
    %dma_start3A_135 = tpu.memref_slice %arg6[%dma_start3A_133, %dma_start3A_134] : memref<1600x32xf32, #tpu.memory_space<vmem>> -> memref<72x32xf32, #tpu.memory_space<vmem>>
    %dma_start3A_136 = arith.constant 128 : i32
    %dma_start3A_137 = tpu.memref_slice %arg5[%dma_start3A_132, %dma_start3A_136] : memref<128x200xi32, #tpu.memory_space<vmem>> -> memref<1x72xi32, #tpu.memory_space<vmem>>
    %dma_start3A_138 = tpu.memref_squeeze %dma_start3A_137 : memref<1x72xi32, #tpu.memory_space<vmem>> -> memref<72xi32, #tpu.memory_space<vmem>>
    %dma_start3A_139 = arith.constant 0 : i32
    %dma_start3A_140 = arith.constant 0 : i32
    %dma_start3A_141 = tpu.memref_slice %arg3[%dma_start3A_139, %dma_start3A_140] : memref<1000000x32xf32, #tpu.memory_space<hbm>> -> memref<1000000x32xf32, #tpu.memory_space<hbm>>
    tpu.enqueue_indirect_dma source(%dma_start3A_141 : memref<1000000x32xf32, #tpu.memory_space<hbm>>) target(%dma_start3A_135 : memref<72x32xf32, #tpu.memory_space<vmem>>) offsets(%dma_start3A_138 : memref<72xi32, #tpu.memory_space<vmem>>) semaphore(%arg7 : memref<!tpu.dma_semaphore, #tpu.memory_space<semaphore_mem>>)
    %dma_start3A_142 = arith.constant 7 : i32
    %dma_start3A_143 = arith.constant 1400 : i32
    %dma_start3A_144 = arith.constant 0 : i32
    %dma_start3A_145 = tpu.memref_slice %arg6[%dma_start3A_143, %dma_start3A_144] : memref<1600x32xf32, #tpu.memory_space<vmem>> -> memref<128x32xf32, #tpu.memory_space<vmem>>
    %dma_start3A_146 = arith.constant 0 : i32
    %dma_start3A_147 = tpu.memref_slice %arg5[%dma_start3A_142, %dma_start3A_146] : memref<128x200xi32, #tpu.memory_space<vmem>> -> memref<1x128xi32, #tpu.memory_space<vmem>>
    %dma_start3A_148 = tpu.memref_squeeze %dma_start3A_147 : memref<1x128xi32, #tpu.memory_space<vmem>> -> memref<128xi32, #tpu.memory_space<vmem>>
    %dma_start3A_149 = arith.constant 0 : i32
    %dma_start3A_150 = arith.constant 0 : i32
    %dma_start3A_151 = tpu.memref_slice %arg3[%dma_start3A_149, %dma_start3A_150] : memref<1000000x32xf32, #tpu.memory_space<hbm>> -> memref<1000000x32xf32, #tpu.memory_space<hbm>>
    tpu.enqueue_indirect_dma source(%dma_start3A_151 : memref<1000000x32xf32, #tpu.memory_space<hbm>>) target(%dma_start3A_145 : memref<128x32xf32, #tpu.memory_space<vmem>>) offsets(%dma_start3A_148 : memref<128xi32, #tpu.memory_space<vmem>>) semaphore(%arg7 : memref<!tpu.dma_semaphore, #tpu.memory_space<semaphore_mem>>)
    %dma_start3A_152 = arith.constant 7 : i32
    %dma_start3A_153 = arith.constant 1528 : i32
    %dma_start3A_154 = arith.constant 0 : i32
    %dma_start3A_155 = tpu.memref_slice %arg6[%dma_start3A_153, %dma_start3A_154] : memref<1600x32xf32, #tpu.memory_space<vmem>> -> memref<72x32xf32, #tpu.memory_space<vmem>>
    %dma_start3A_156 = arith.constant 128 : i32
    %dma_start3A_157 = tpu.memref_slice %arg5[%dma_start3A_152, %dma_start3A_156] : memref<128x200xi32, #tpu.memory_space<vmem>> -> memref<1x72xi32, #tpu.memory_space<vmem>>
    %dma_start3A_158 = tpu.memref_squeeze %dma_start3A_157 : memref<1x72xi32, #tpu.memory_space<vmem>> -> memref<72xi32, #tpu.memory_space<vmem>>
    %dma_start3A_159 = arith.constant 0 : i32
    %dma_start3A_160 = arith.constant 0 : i32
    %dma_start3A_161 = tpu.memref_slice %arg3[%dma_start3A_159, %dma_start3A_160] : memref<1000000x32xf32, #tpu.memory_space<hbm>> -> memref<1000000x32xf32, #tpu.memory_space<hbm>>
    tpu.enqueue_indirect_dma source(%dma_start3A_161 : memref<1000000x32xf32, #tpu.memory_space<hbm>>) target(%dma_start3A_155 : memref<72x32xf32, #tpu.memory_space<vmem>>) offsets(%dma_start3A_158 : memref<72xi32, #tpu.memory_space<vmem>>) semaphore(%arg7 : memref<!tpu.dma_semaphore, #tpu.memory_space<semaphore_mem>>)
    %scan3A = arith.constant 0 : i32
    %scan3A_162 = arith.constant 0 : i32
    %scan3A_163 = arith.constant 30 : i32
    %scan3A_164 = arith.addi %scan3A_162, %scan3A_163 : i32
    %scan3A_165 = arith.constant 1 : i32
    scf.for %scan3A_382 = %scan3A_162 to %scan3A_164 step %scan3A_165  : i32 {
      %jit3A = arith.constant 2 : i32
      %eq3A = arith.constant 0 : i32
      %eq3A_383 = arith.cmpi eq, %jit3A, %eq3A : i32
      %jit3A_384 = arith.constant 1 : i32
      %select_n3A = arith.select %eq3A_383, %jit3A_384, %jit3A : i32
      %rem3A = arith.remsi %scan3A_382, %select_n3A : i32
      %ne3A = arith.constant 0 : i32
      %ne3A_385 = arith.cmpi ne, %rem3A, %ne3A : i32
      %lt3A = arith.constant 0 : i32
      %lt3A_386 = arith.cmpi slt, %rem3A, %lt3A : i32
      %lt3A_387 = arith.constant 0 : i32
      %lt3A_388 = arith.cmpi slt, %select_n3A, %lt3A_387 : i32
      %ne3A_389 = arith.xori %lt3A_386, %lt3A_388 : i1
      %and3A = arith.andi %ne3A_389, %ne3A_385 : i1
      %add3A_390 = arith.addi %rem3A, %select_n3A : i32
      %select_n3A_391 = arith.select %and3A, %add3A_390, %rem3A : i32
      %mul3A_392 = arith.constant 800 : i32
      %mul3A_393 = arith.muli %select_n3A_391, %mul3A_392 : i32
      %add3A_394 = arith.constant 0 : i32
      %add3A_395 = arith.addi %mul3A_393, %add3A_394 : i32
      %dma_wait3A_396 = arith.constant 0 : i32
      %dma_wait3A_397 = arith.constant 0 : i32
      %dma_wait3A_398 = tpu.memref_slice %arg6[%add3A_395, %dma_wait3A_397] : memref<1600x32xf32, #tpu.memory_space<vmem>> -> memref<128x32xf32, #tpu.memory_space<vmem>>
      %dma_wait3A_399 = arith.constant 0 : i32
      %dma_wait3A_400 = tpu.memref_slice %arg5[%dma_wait3A_396, %dma_wait3A_399] : memref<128x200xi32, #tpu.memory_space<vmem>> -> memref<1x128xi32, #tpu.memory_space<vmem>>
      %dma_wait3A_401 = tpu.memref_squeeze %dma_wait3A_400 : memref<1x128xi32, #tpu.memory_space<vmem>> -> memref<128xi32, #tpu.memory_space<vmem>>
      %dma_wait3A_402 = arith.constant 0 : i32
      %dma_wait3A_403 = arith.constant 0 : i32
      %dma_wait3A_404 = tpu.memref_slice %arg3[%dma_wait3A_402, %dma_wait3A_403] : memref<1000000x32xf32, #tpu.memory_space<hbm>> -> memref<1000000x32xf32, #tpu.memory_space<hbm>>
      tpu.wait_indirect_dma semaphore(%arg7 : memref<!tpu.dma_semaphore, #tpu.memory_space<semaphore_mem>>) src(%dma_wait3A_404 : memref<1000000x32xf32, #tpu.memory_space<hbm>>) dst(%dma_wait3A_398 : memref<128x32xf32, #tpu.memory_space<vmem>>)
      %mul3A_405 = arith.constant 800 : i32
      %mul3A_406 = arith.muli %select_n3A_391, %mul3A_405 : i32
      %add3A_407 = arith.constant 128 : i32
      %add3A_408 = arith.addi %mul3A_406, %add3A_407 : i32
      %dma_wait3A_409 = arith.constant 0 : i32
      %dma_wait3A_410 = arith.constant 0 : i32
      %dma_wait3A_411 = tpu.memref_slice %arg6[%add3A_408, %dma_wait3A_410] : memref<1600x32xf32, #tpu.memory_space<vmem>> -> memref<72x32xf32, #tpu.memory_space<vmem>>
      %dma_wait3A_412 = arith.constant 128 : i32
      %dma_wait3A_413 = tpu.memref_slice %arg5[%dma_wait3A_409, %dma_wait3A_412] : memref<128x200xi32, #tpu.memory_space<vmem>> -> memref<1x72xi32, #tpu.memory_space<vmem>>
      %dma_wait3A_414 = tpu.memref_squeeze %dma_wait3A_413 : memref<1x72xi32, #tpu.memory_space<vmem>> -> memref<72xi32, #tpu.memory_space<vmem>>
      %dma_wait3A_415 = arith.constant 0 : i32
      %dma_wait3A_416 = arith.constant 0 : i32
      %dma_wait3A_417 = tpu.memref_slice %arg3[%dma_wait3A_415, %dma_wait3A_416] : memref<1000000x32xf32, #tpu.memory_space<hbm>> -> memref<1000000x32xf32, #tpu.memory_space<hbm>>
      tpu.wait_indirect_dma semaphore(%arg7 : memref<!tpu.dma_semaphore, #tpu.memory_space<semaphore_mem>>) src(%dma_wait3A_417 : memref<1000000x32xf32, #tpu.memory_space<hbm>>) dst(%dma_wait3A_411 : memref<72x32xf32, #tpu.memory_space<vmem>>)
      %mul3A_418 = arith.constant 800 : i32
      %mul3A_419 = arith.muli %select_n3A_391, %mul3A_418 : i32
      %add3A_420 = arith.constant 200 : i32
      %add3A_421 = arith.addi %mul3A_419, %add3A_420 : i32
      %dma_wait3A_422 = arith.constant 0 : i32
      %dma_wait3A_423 = arith.constant 0 : i32
      %dma_wait3A_424 = tpu.memref_slice %arg6[%add3A_421, %dma_wait3A_423] : memref<1600x32xf32, #tpu.memory_space<vmem>> -> memref<128x32xf32, #tpu.memory_space<vmem>>
      %dma_wait3A_425 = arith.constant 0 : i32
      %dma_wait3A_426 = tpu.memref_slice %arg5[%dma_wait3A_422, %dma_wait3A_425] : memref<128x200xi32, #tpu.memory_space<vmem>> -> memref<1x128xi32, #tpu.memory_space<vmem>>
      %dma_wait3A_427 = tpu.memref_squeeze %dma_wait3A_426 : memref<1x128xi32, #tpu.memory_space<vmem>> -> memref<128xi32, #tpu.memory_space<vmem>>
      %dma_wait3A_428 = arith.constant 0 : i32
      %dma_wait3A_429 = arith.constant 0 : i32
      %dma_wait3A_430 = tpu.memref_slice %arg3[%dma_wait3A_428, %dma_wait3A_429] : memref<1000000x32xf32, #tpu.memory_space<hbm>> -> memref<1000000x32xf32, #tpu.memory_space<hbm>>
      tpu.wait_indirect_dma semaphore(%arg7 : memref<!tpu.dma_semaphore, #tpu.memory_space<semaphore_mem>>) src(%dma_wait3A_430 : memref<1000000x32xf32, #tpu.memory_space<hbm>>) dst(%dma_wait3A_424 : memref<128x32xf32, #tpu.memory_space<vmem>>)
      %mul3A_431 = arith.constant 800 : i32
      %mul3A_432 = arith.muli %select_n3A_391, %mul3A_431 : i32
      %add3A_433 = arith.constant 328 : i32
      %add3A_434 = arith.addi %mul3A_432, %add3A_433 : i32
      %dma_wait3A_435 = arith.constant 0 : i32
      %dma_wait3A_436 = arith.constant 0 : i32
      %dma_wait3A_437 = tpu.memref_slice %arg6[%add3A_434, %dma_wait3A_436] : memref<1600x32xf32, #tpu.memory_space<vmem>> -> memref<72x32xf32, #tpu.memory_space<vmem>>
      %dma_wait3A_438 = arith.constant 128 : i32
      %dma_wait3A_439 = tpu.memref_slice %arg5[%dma_wait3A_435, %dma_wait3A_438] : memref<128x200xi32, #tpu.memory_space<vmem>> -> memref<1x72xi32, #tpu.memory_space<vmem>>
      %dma_wait3A_440 = tpu.memref_squeeze %dma_wait3A_439 : memref<1x72xi32, #tpu.memory_space<vmem>> -> memref<72xi32, #tpu.memory_space<vmem>>
      %dma_wait3A_441 = arith.constant 0 : i32
      %dma_wait3A_442 = arith.constant 0 : i32
      %dma_wait3A_443 = tpu.memref_slice %arg3[%dma_wait3A_441, %dma_wait3A_442] : memref<1000000x32xf32, #tpu.memory_space<hbm>> -> memref<1000000x32xf32, #tpu.memory_space<hbm>>
      tpu.wait_indirect_dma semaphore(%arg7 : memref<!tpu.dma_semaphore, #tpu.memory_space<semaphore_mem>>) src(%dma_wait3A_443 : memref<1000000x32xf32, #tpu.memory_space<hbm>>) dst(%dma_wait3A_437 : memref<72x32xf32, #tpu.memory_space<vmem>>)
      %mul3A_444 = arith.constant 800 : i32
      %mul3A_445 = arith.muli %select_n3A_391, %mul3A_444 : i32
      %add3A_446 = arith.constant 400 : i32
      %add3A_447 = arith.addi %mul3A_445, %add3A_446 : i32
      %dma_wait3A_448 = arith.constant 0 : i32
      %dma_wait3A_449 = arith.constant 0 : i32
      %dma_wait3A_450 = tpu.memref_slice %arg6[%add3A_447, %dma_wait3A_449] : memref<1600x32xf32, #tpu.memory_space<vmem>> -> memref<128x32xf32, #tpu.memory_space<vmem>>
      %dma_wait3A_451 = arith.constant 0 : i32
      %dma_wait3A_452 = tpu.memref_slice %arg5[%dma_wait3A_448, %dma_wait3A_451] : memref<128x200xi32, #tpu.memory_space<vmem>> -> memref<1x128xi32, #tpu.memory_space<vmem>>
      %dma_wait3A_453 = tpu.memref_squeeze %dma_wait3A_452 : memref<1x128xi32, #tpu.memory_space<vmem>> -> memref<128xi32, #tpu.memory_space<vmem>>
      %dma_wait3A_454 = arith.constant 0 : i32
      %dma_wait3A_455 = arith.constant 0 : i32
      %dma_wait3A_456 = tpu.memref_slice %arg3[%dma_wait3A_454, %dma_wait3A_455] : memref<1000000x32xf32, #tpu.memory_space<hbm>> -> memref<1000000x32xf32, #tpu.memory_space<hbm>>
      tpu.wait_indirect_dma semaphore(%arg7 : memref<!tpu.dma_semaphore, #tpu.memory_space<semaphore_mem>>) src(%dma_wait3A_456 : memref<1000000x32xf32, #tpu.memory_space<hbm>>) dst(%dma_wait3A_450 : memref<128x32xf32, #tpu.memory_space<vmem>>)
      %mul3A_457 = arith.constant 800 : i32
      %mul3A_458 = arith.muli %select_n3A_391, %mul3A_457 : i32
      %add3A_459 = arith.constant 528 : i32
      %add3A_460 = arith.addi %mul3A_458, %add3A_459 : i32
      %dma_wait3A_461 = arith.constant 0 : i32
      %dma_wait3A_462 = arith.constant 0 : i32
      %dma_wait3A_463 = tpu.memref_slice %arg6[%add3A_460, %dma_wait3A_462] : memref<1600x32xf32, #tpu.memory_space<vmem>> -> memref<72x32xf32, #tpu.memory_space<vmem>>
      %dma_wait3A_464 = arith.constant 128 : i32
      %dma_wait3A_465 = tpu.memref_slice %arg5[%dma_wait3A_461, %dma_wait3A_464] : memref<128x200xi32, #tpu.memory_space<vmem>> -> memref<1x72xi32, #tpu.memory_space<vmem>>
      %dma_wait3A_466 = tpu.memref_squeeze %dma_wait3A_465 : memref<1x72xi32, #tpu.memory_space<vmem>> -> memref<72xi32, #tpu.memory_space<vmem>>
      %dma_wait3A_467 = arith.constant 0 : i32
      %dma_wait3A_468 = arith.constant 0 : i32
      %dma_wait3A_469 = tpu.memref_slice %arg3[%dma_wait3A_467, %dma_wait3A_468] : memref<1000000x32xf32, #tpu.memory_space<hbm>> -> memref<1000000x32xf32, #tpu.memory_space<hbm>>
      tpu.wait_indirect_dma semaphore(%arg7 : memref<!tpu.dma_semaphore, #tpu.memory_space<semaphore_mem>>) src(%dma_wait3A_469 : memref<1000000x32xf32, #tpu.memory_space<hbm>>) dst(%dma_wait3A_463 : memref<72x32xf32, #tpu.memory_space<vmem>>)
      %mul3A_470 = arith.constant 800 : i32
      %mul3A_471 = arith.muli %select_n3A_391, %mul3A_470 : i32
      %add3A_472 = arith.constant 600 : i32
      %add3A_473 = arith.addi %mul3A_471, %add3A_472 : i32
      %dma_wait3A_474 = arith.constant 0 : i32
      %dma_wait3A_475 = arith.constant 0 : i32
      %dma_wait3A_476 = tpu.memref_slice %arg6[%add3A_473, %dma_wait3A_475] : memref<1600x32xf32, #tpu.memory_space<vmem>> -> memref<128x32xf32, #tpu.memory_space<vmem>>
      %dma_wait3A_477 = arith.constant 0 : i32
      %dma_wait3A_478 = tpu.memref_slice %arg5[%dma_wait3A_474, %dma_wait3A_477] : memref<128x200xi32, #tpu.memory_space<vmem>> -> memref<1x128xi32, #tpu.memory_space<vmem>>
      %dma_wait3A_479 = tpu.memref_squeeze %dma_wait3A_478 : memref<1x128xi32, #tpu.memory_space<vmem>> -> memref<128xi32, #tpu.memory_space<vmem>>
      %dma_wait3A_480 = arith.constant 0 : i32
      %dma_wait3A_481 = arith.constant 0 : i32
      %dma_wait3A_482 = tpu.memref_slice %arg3[%dma_wait3A_480, %dma_wait3A_481] : memref<1000000x32xf32, #tpu.memory_space<hbm>> -> memref<1000000x32xf32, #tpu.memory_space<hbm>>
      tpu.wait_indirect_dma semaphore(%arg7 : memref<!tpu.dma_semaphore, #tpu.memory_space<semaphore_mem>>) src(%dma_wait3A_482 : memref<1000000x32xf32, #tpu.memory_space<hbm>>) dst(%dma_wait3A_476 : memref<128x32xf32, #tpu.memory_space<vmem>>)
      %mul3A_483 = arith.constant 800 : i32
      %mul3A_484 = arith.muli %select_n3A_391, %mul3A_483 : i32
      %add3A_485 = arith.constant 728 : i32
      %add3A_486 = arith.addi %mul3A_484, %add3A_485 : i32
      %dma_wait3A_487 = arith.constant 0 : i32
      %dma_wait3A_488 = arith.constant 0 : i32
      %dma_wait3A_489 = tpu.memref_slice %arg6[%add3A_486, %dma_wait3A_488] : memref<1600x32xf32, #tpu.memory_space<vmem>> -> memref<72x32xf32, #tpu.memory_space<vmem>>
      %dma_wait3A_490 = arith.constant 128 : i32
      %dma_wait3A_491 = tpu.memref_slice %arg5[%dma_wait3A_487, %dma_wait3A_490] : memref<128x200xi32, #tpu.memory_space<vmem>> -> memref<1x72xi32, #tpu.memory_space<vmem>>
      %dma_wait3A_492 = tpu.memref_squeeze %dma_wait3A_491 : memref<1x72xi32, #tpu.memory_space<vmem>> -> memref<72xi32, #tpu.memory_space<vmem>>
      %dma_wait3A_493 = arith.constant 0 : i32
      %dma_wait3A_494 = arith.constant 0 : i32
      %dma_wait3A_495 = tpu.memref_slice %arg3[%dma_wait3A_493, %dma_wait3A_494] : memref<1000000x32xf32, #tpu.memory_space<hbm>> -> memref<1000000x32xf32, #tpu.memory_space<hbm>>
      tpu.wait_indirect_dma semaphore(%arg7 : memref<!tpu.dma_semaphore, #tpu.memory_space<semaphore_mem>>) src(%dma_wait3A_495 : memref<1000000x32xf32, #tpu.memory_space<hbm>>) dst(%dma_wait3A_489 : memref<72x32xf32, #tpu.memory_space<vmem>>)
      %mul3A_496 = arith.constant 800 : i32
      %mul3A_497 = arith.muli %select_n3A_391, %mul3A_496 : i32
      %mul3A_498 = arith.constant 25600 : i32
      %mul3A_499 = arith.muli %add3A, %mul3A_498 : i32
      %mul3A_500 = arith.constant 800 : i32
      %mul3A_501 = arith.muli %scan3A_382, %mul3A_500 : i32
      %add3A_502 = arith.addi %mul3A_499, %mul3A_501 : i32
      %dma_start3A_503 = arith.constant 0 : i32
      %dma_start3A_504 = tpu.memref_slice %arg6[%mul3A_497, %dma_start3A_503] : memref<1600x32xf32, #tpu.memory_space<vmem>> -> memref<800x32xf32, #tpu.memory_space<vmem>>
      %dma_start3A_505 = arith.constant 0 : i32
      %dma_start3A_506 = tpu.memref_slice %arg4[%add3A_502, %dma_start3A_505] : memref<819200x32xf32, #tpu.memory_space<hbm>> -> memref<800x32xf32, #tpu.memory_space<hbm>>
      %dma_start3A_507 = arith.constant 0 : i32
      %dma_start3A_508 = tpu.memref_slice %arg4[%add3A_502, %dma_start3A_507] : memref<819200x32xf32, #tpu.memory_space<hbm>> -> memref<800x32xf32, #tpu.memory_space<hbm>>
      %dma_start3A_509 = arith.constant 0 : i32
      %dma_start3A_510 = tpu.memref_slice %arg6[%mul3A_497, %dma_start3A_509] : memref<1600x32xf32, #tpu.memory_space<vmem>> -> memref<800x32xf32, #tpu.memory_space<vmem>>
      tpu.enqueue_dma source(%dma_start3A_510 : memref<800x32xf32, #tpu.memory_space<vmem>>) target(%dma_start3A_508 : memref<800x32xf32, #tpu.memory_space<hbm>>) target_semaphore(%arg8 : memref<!tpu.dma_semaphore, #tpu.memory_space<semaphore_mem>>)
      %mul3A_511 = arith.constant 800 : i32
      %mul3A_512 = arith.muli %select_n3A_391, %mul3A_511 : i32
      %mul3A_513 = arith.constant 25600 : i32
      %mul3A_514 = arith.muli %add3A, %mul3A_513 : i32
      %mul3A_515 = arith.constant 800 : i32
      %mul3A_516 = arith.muli %scan3A_382, %mul3A_515 : i32
      %add3A_517 = arith.addi %mul3A_514, %mul3A_516 : i32
      %dma_wait3A_518 = arith.constant 0 : i32
      %dma_wait3A_519 = tpu.memref_slice %arg6[%mul3A_512, %dma_wait3A_518] : memref<1600x32xf32, #tpu.memory_space<vmem>> -> memref<800x32xf32, #tpu.memory_space<vmem>>
      %dma_wait3A_520 = arith.constant 0 : i32
      %dma_wait3A_521 = tpu.memref_slice %arg4[%add3A_517, %dma_wait3A_520] : memref<819200x32xf32, #tpu.memory_space<hbm>> -> memref<800x32xf32, #tpu.memory_space<hbm>>
      %dma_wait3A_522 = arith.constant 0 : i32
      %dma_wait3A_523 = tpu.memref_slice %arg4[%add3A_517, %dma_wait3A_522] : memref<819200x32xf32, #tpu.memory_space<hbm>> -> memref<800x32xf32, #tpu.memory_space<hbm>>
      %dma_wait3A_524 = arith.constant 0 : i32
      %dma_wait3A_525 = tpu.memref_slice %arg6[%mul3A_512, %dma_wait3A_524] : memref<1600x32xf32, #tpu.memory_space<vmem>> -> memref<800x32xf32, #tpu.memory_space<vmem>>
      tpu.wait_dma2 semaphore(%arg8 : memref<!tpu.dma_semaphore, #tpu.memory_space<semaphore_mem>>) src(%dma_wait3A_525 : memref<800x32xf32, #tpu.memory_space<vmem>>) dst(%dma_wait3A_523 : memref<800x32xf32, #tpu.memory_space<hbm>>)
      %add3A_526 = arith.constant 2 : i32
      %add3A_527 = arith.addi %scan3A_382, %add3A_526 : i32
      %mul3A_528 = arith.constant 4 : i32
      %mul3A_529 = arith.muli %add3A_527, %mul3A_528 : i32
      %add3A_530 = arith.constant 0 : i32
      %add3A_531 = arith.addi %mul3A_529, %add3A_530 : i32
      %mul3A_532 = arith.constant 800 : i32
      %mul3A_533 = arith.muli %select_n3A_391, %mul3A_532 : i32
      %add3A_534 = arith.constant 0 : i32
      %add3A_535 = arith.addi %mul3A_533, %add3A_534 : i32
      %dma_start3A_536 = arith.constant 0 : i32
      %dma_start3A_537 = tpu.memref_slice %arg6[%add3A_535, %dma_start3A_536] : memref<1600x32xf32, #tpu.memory_space<vmem>> -> memref<128x32xf32, #tpu.memory_space<vmem>>
      %dma_start3A_538 = arith.constant 0 : i32
      %dma_start3A_539 = tpu.memref_slice %arg5[%add3A_531, %dma_start3A_538] : memref<128x200xi32, #tpu.memory_space<vmem>> -> memref<1x128xi32, #tpu.memory_space<vmem>>
      %dma_start3A_540 = tpu.memref_squeeze %dma_start3A_539 : memref<1x128xi32, #tpu.memory_space<vmem>> -> memref<128xi32, #tpu.memory_space<vmem>>
      %dma_start3A_541 = arith.constant 0 : i32
      %dma_start3A_542 = arith.constant 0 : i32
      %dma_start3A_543 = tpu.memref_slice %arg3[%dma_start3A_541, %dma_start3A_542] : memref<1000000x32xf32, #tpu.memory_space<hbm>> -> memref<1000000x32xf32, #tpu.memory_space<hbm>>
      tpu.enqueue_indirect_dma source(%dma_start3A_543 : memref<1000000x32xf32, #tpu.memory_space<hbm>>) target(%dma_start3A_537 : memref<128x32xf32, #tpu.memory_space<vmem>>) offsets(%dma_start3A_540 : memref<128xi32, #tpu.memory_space<vmem>>) semaphore(%arg7 : memref<!tpu.dma_semaphore, #tpu.memory_space<semaphore_mem>>)
      %mul3A_544 = arith.constant 4 : i32
      %mul3A_545 = arith.muli %add3A_527, %mul3A_544 : i32
      %add3A_546 = arith.constant 0 : i32
      %add3A_547 = arith.addi %mul3A_545, %add3A_546 : i32
      %mul3A_548 = arith.constant 800 : i32
      %mul3A_549 = arith.muli %select_n3A_391, %mul3A_548 : i32
      %add3A_550 = arith.constant 128 : i32
      %add3A_551 = arith.addi %mul3A_549, %add3A_550 : i32
      %dma_start3A_552 = arith.constant 0 : i32
      %dma_start3A_553 = tpu.memref_slice %arg6[%add3A_551, %dma_start3A_552] : memref<1600x32xf32, #tpu.memory_space<vmem>> -> memref<72x32xf32, #tpu.memory_space<vmem>>
      %dma_start3A_554 = arith.constant 128 : i32
      %dma_start3A_555 = tpu.memref_slice %arg5[%add3A_547, %dma_start3A_554] : memref<128x200xi32, #tpu.memory_space<vmem>> -> memref<1x72xi32, #tpu.memory_space<vmem>>
      %dma_start3A_556 = tpu.memref_squeeze %dma_start3A_555 : memref<1x72xi32, #tpu.memory_space<vmem>> -> memref<72xi32, #tpu.memory_space<vmem>>
      %dma_start3A_557 = arith.constant 0 : i32
      %dma_start3A_558 = arith.constant 0 : i32
      %dma_start3A_559 = tpu.memref_slice %arg3[%dma_start3A_557, %dma_start3A_558] : memref<1000000x32xf32, #tpu.memory_space<hbm>> -> memref<1000000x32xf32, #tpu.memory_space<hbm>>
      tpu.enqueue_indirect_dma source(%dma_start3A_559 : memref<1000000x32xf32, #tpu.memory_space<hbm>>) target(%dma_start3A_553 : memref<72x32xf32, #tpu.memory_space<vmem>>) offsets(%dma_start3A_556 : memref<72xi32, #tpu.memory_space<vmem>>) semaphore(%arg7 : memref<!tpu.dma_semaphore, #tpu.memory_space<semaphore_mem>>)
      %mul3A_560 = arith.constant 4 : i32
      %mul3A_561 = arith.muli %add3A_527, %mul3A_560 : i32
      %add3A_562 = arith.constant 1 : i32
      %add3A_563 = arith.addi %mul3A_561, %add3A_562 : i32
      %mul3A_564 = arith.constant 800 : i32
      %mul3A_565 = arith.muli %select_n3A_391, %mul3A_564 : i32
      %add3A_566 = arith.constant 200 : i32
      %add3A_567 = arith.addi %mul3A_565, %add3A_566 : i32
      %dma_start3A_568 = arith.constant 0 : i32
      %dma_start3A_569 = tpu.memref_slice %arg6[%add3A_567, %dma_start3A_568] : memref<1600x32xf32, #tpu.memory_space<vmem>> -> memref<128x32xf32, #tpu.memory_space<vmem>>
      %dma_start3A_570 = arith.constant 0 : i32
      %dma_start3A_571 = tpu.memref_slice %arg5[%add3A_563, %dma_start3A_570] : memref<128x200xi32, #tpu.memory_space<vmem>> -> memref<1x128xi32, #tpu.memory_space<vmem>>
      %dma_start3A_572 = tpu.memref_squeeze %dma_start3A_571 : memref<1x128xi32, #tpu.memory_space<vmem>> -> memref<128xi32, #tpu.memory_space<vmem>>
      %dma_start3A_573 = arith.constant 0 : i32
      %dma_start3A_574 = arith.constant 0 : i32
      %dma_start3A_575 = tpu.memref_slice %arg3[%dma_start3A_573, %dma_start3A_574] : memref<1000000x32xf32, #tpu.memory_space<hbm>> -> memref<1000000x32xf32, #tpu.memory_space<hbm>>
      tpu.enqueue_indirect_dma source(%dma_start3A_575 : memref<1000000x32xf32, #tpu.memory_space<hbm>>) target(%dma_start3A_569 : memref<128x32xf32, #tpu.memory_space<vmem>>) offsets(%dma_start3A_572 : memref<128xi32, #tpu.memory_space<vmem>>) semaphore(%arg7 : memref<!tpu.dma_semaphore, #tpu.memory_space<semaphore_mem>>)
      %mul3A_576 = arith.constant 4 : i32
      %mul3A_577 = arith.muli %add3A_527, %mul3A_576 : i32
      %add3A_578 = arith.constant 1 : i32
      %add3A_579 = arith.addi %mul3A_577, %add3A_578 : i32
      %mul3A_580 = arith.constant 800 : i32
      %mul3A_581 = arith.muli %select_n3A_391, %mul3A_580 : i32
      %add3A_582 = arith.constant 328 : i32
      %add3A_583 = arith.addi %mul3A_581, %add3A_582 : i32
      %dma_start3A_584 = arith.constant 0 : i32
      %dma_start3A_585 = tpu.memref_slice %arg6[%add3A_583, %dma_start3A_584] : memref<1600x32xf32, #tpu.memory_space<vmem>> -> memref<72x32xf32, #tpu.memory_space<vmem>>
      %dma_start3A_586 = arith.constant 128 : i32
      %dma_start3A_587 = tpu.memref_slice %arg5[%add3A_579, %dma_start3A_586] : memref<128x200xi32, #tpu.memory_space<vmem>> -> memref<1x72xi32, #tpu.memory_space<vmem>>
      %dma_start3A_588 = tpu.memref_squeeze %dma_start3A_587 : memref<1x72xi32, #tpu.memory_space<vmem>> -> memref<72xi32, #tpu.memory_space<vmem>>
      %dma_start3A_589 = arith.constant 0 : i32
      %dma_start3A_590 = arith.constant 0 : i32
      %dma_start3A_591 = tpu.memref_slice %arg3[%dma_start3A_589, %dma_start3A_590] : memref<1000000x32xf32, #tpu.memory_space<hbm>> -> memref<1000000x32xf32, #tpu.memory_space<hbm>>
      tpu.enqueue_indirect_dma source(%dma_start3A_591 : memref<1000000x32xf32, #tpu.memory_space<hbm>>) target(%dma_start3A_585 : memref<72x32xf32, #tpu.memory_space<vmem>>) offsets(%dma_start3A_588 : memref<72xi32, #tpu.memory_space<vmem>>) semaphore(%arg7 : memref<!tpu.dma_semaphore, #tpu.memory_space<semaphore_mem>>)
      %mul3A_592 = arith.constant 4 : i32
      %mul3A_593 = arith.muli %add3A_527, %mul3A_592 : i32
      %add3A_594 = arith.constant 2 : i32
      %add3A_595 = arith.addi %mul3A_593, %add3A_594 : i32
      %mul3A_596 = arith.constant 800 : i32
      %mul3A_597 = arith.muli %select_n3A_391, %mul3A_596 : i32
      %add3A_598 = arith.constant 400 : i32
      %add3A_599 = arith.addi %mul3A_597, %add3A_598 : i32
      %dma_start3A_600 = arith.constant 0 : i32
      %dma_start3A_601 = tpu.memref_slice %arg6[%add3A_599, %dma_start3A_600] : memref<1600x32xf32, #tpu.memory_space<vmem>> -> memref<128x32xf32, #tpu.memory_space<vmem>>
      %dma_start3A_602 = arith.constant 0 : i32
      %dma_start3A_603 = tpu.memref_slice %arg5[%add3A_595, %dma_start3A_602] : memref<128x200xi32, #tpu.memory_space<vmem>> -> memref<1x128xi32, #tpu.memory_space<vmem>>
      %dma_start3A_604 = tpu.memref_squeeze %dma_start3A_603 : memref<1x128xi32, #tpu.memory_space<vmem>> -> memref<128xi32, #tpu.memory_space<vmem>>
      %dma_start3A_605 = arith.constant 0 : i32
      %dma_start3A_606 = arith.constant 0 : i32
      %dma_start3A_607 = tpu.memref_slice %arg3[%dma_start3A_605, %dma_start3A_606] : memref<1000000x32xf32, #tpu.memory_space<hbm>> -> memref<1000000x32xf32, #tpu.memory_space<hbm>>
      tpu.enqueue_indirect_dma source(%dma_start3A_607 : memref<1000000x32xf32, #tpu.memory_space<hbm>>) target(%dma_start3A_601 : memref<128x32xf32, #tpu.memory_space<vmem>>) offsets(%dma_start3A_604 : memref<128xi32, #tpu.memory_space<vmem>>) semaphore(%arg7 : memref<!tpu.dma_semaphore, #tpu.memory_space<semaphore_mem>>)
      %mul3A_608 = arith.constant 4 : i32
      %mul3A_609 = arith.muli %add3A_527, %mul3A_608 : i32
      %add3A_610 = arith.constant 2 : i32
      %add3A_611 = arith.addi %mul3A_609, %add3A_610 : i32
      %mul3A_612 = arith.constant 800 : i32
      %mul3A_613 = arith.muli %select_n3A_391, %mul3A_612 : i32
      %add3A_614 = arith.constant 528 : i32
      %add3A_615 = arith.addi %mul3A_613, %add3A_614 : i32
      %dma_start3A_616 = arith.constant 0 : i32
      %dma_start3A_617 = tpu.memref_slice %arg6[%add3A_615, %dma_start3A_616] : memref<1600x32xf32, #tpu.memory_space<vmem>> -> memref<72x32xf32, #tpu.memory_space<vmem>>
      %dma_start3A_618 = arith.constant 128 : i32
      %dma_start3A_619 = tpu.memref_slice %arg5[%add3A_611, %dma_start3A_618] : memref<128x200xi32, #tpu.memory_space<vmem>> -> memref<1x72xi32, #tpu.memory_space<vmem>>
      %dma_start3A_620 = tpu.memref_squeeze %dma_start3A_619 : memref<1x72xi32, #tpu.memory_space<vmem>> -> memref<72xi32, #tpu.memory_space<vmem>>
      %dma_start3A_621 = arith.constant 0 : i32
      %dma_start3A_622 = arith.constant 0 : i32
      %dma_start3A_623 = tpu.memref_slice %arg3[%dma_start3A_621, %dma_start3A_622] : memref<1000000x32xf32, #tpu.memory_space<hbm>> -> memref<1000000x32xf32, #tpu.memory_space<hbm>>
      tpu.enqueue_indirect_dma source(%dma_start3A_623 : memref<1000000x32xf32, #tpu.memory_space<hbm>>) target(%dma_start3A_617 : memref<72x32xf32, #tpu.memory_space<vmem>>) offsets(%dma_start3A_620 : memref<72xi32, #tpu.memory_space<vmem>>) semaphore(%arg7 : memref<!tpu.dma_semaphore, #tpu.memory_space<semaphore_mem>>)
      %mul3A_624 = arith.constant 4 : i32
      %mul3A_625 = arith.muli %add3A_527, %mul3A_624 : i32
      %add3A_626 = arith.constant 3 : i32
      %add3A_627 = arith.addi %mul3A_625, %add3A_626 : i32
      %mul3A_628 = arith.constant 800 : i32
      %mul3A_629 = arith.muli %select_n3A_391, %mul3A_628 : i32
      %add3A_630 = arith.constant 600 : i32
      %add3A_631 = arith.addi %mul3A_629, %add3A_630 : i32
      %dma_start3A_632 = arith.constant 0 : i32
      %dma_start3A_633 = tpu.memref_slice %arg6[%add3A_631, %dma_start3A_632] : memref<1600x32xf32, #tpu.memory_space<vmem>> -> memref<128x32xf32, #tpu.memory_space<vmem>>
      %dma_start3A_634 = arith.constant 0 : i32
      %dma_start3A_635 = tpu.memref_slice %arg5[%add3A_627, %dma_start3A_634] : memref<128x200xi32, #tpu.memory_space<vmem>> -> memref<1x128xi32, #tpu.memory_space<vmem>>
      %dma_start3A_636 = tpu.memref_squeeze %dma_start3A_635 : memref<1x128xi32, #tpu.memory_space<vmem>> -> memref<128xi32, #tpu.memory_space<vmem>>
      %dma_start3A_637 = arith.constant 0 : i32
      %dma_start3A_638 = arith.constant 0 : i32
      %dma_start3A_639 = tpu.memref_slice %arg3[%dma_start3A_637, %dma_start3A_638] : memref<1000000x32xf32, #tpu.memory_space<hbm>> -> memref<1000000x32xf32, #tpu.memory_space<hbm>>
      tpu.enqueue_indirect_dma source(%dma_start3A_639 : memref<1000000x32xf32, #tpu.memory_space<hbm>>) target(%dma_start3A_633 : memref<128x32xf32, #tpu.memory_space<vmem>>) offsets(%dma_start3A_636 : memref<128xi32, #tpu.memory_space<vmem>>) semaphore(%arg7 : memref<!tpu.dma_semaphore, #tpu.memory_space<semaphore_mem>>)
      %mul3A_640 = arith.constant 4 : i32
      %mul3A_641 = arith.muli %add3A_527, %mul3A_640 : i32
      %add3A_642 = arith.constant 3 : i32
      %add3A_643 = arith.addi %mul3A_641, %add3A_642 : i32
      %mul3A_644 = arith.constant 800 : i32
      %mul3A_645 = arith.muli %select_n3A_391, %mul3A_644 : i32
      %add3A_646 = arith.constant 728 : i32
      %add3A_647 = arith.addi %mul3A_645, %add3A_646 : i32
      %dma_start3A_648 = arith.constant 0 : i32
      %dma_start3A_649 = tpu.memref_slice %arg6[%add3A_647, %dma_start3A_648] : memref<1600x32xf32, #tpu.memory_space<vmem>> -> memref<72x32xf32, #tpu.memory_space<vmem>>
      %dma_start3A_650 = arith.constant 128 : i32
      %dma_start3A_651 = tpu.memref_slice %arg5[%add3A_643, %dma_start3A_650] : memref<128x200xi32, #tpu.memory_space<vmem>> -> memref<1x72xi32, #tpu.memory_space<vmem>>
      %dma_start3A_652 = tpu.memref_squeeze %dma_start3A_651 : memref<1x72xi32, #tpu.memory_space<vmem>> -> memref<72xi32, #tpu.memory_space<vmem>>
      %dma_start3A_653 = arith.constant 0 : i32
      %dma_start3A_654 = arith.constant 0 : i32
      %dma_start3A_655 = tpu.memref_slice %arg3[%dma_start3A_653, %dma_start3A_654] : memref<1000000x32xf32, #tpu.memory_space<hbm>> -> memref<1000000x32xf32, #tpu.memory_space<hbm>>
      tpu.enqueue_indirect_dma source(%dma_start3A_655 : memref<1000000x32xf32, #tpu.memory_space<hbm>>) target(%dma_start3A_649 : memref<72x32xf32, #tpu.memory_space<vmem>>) offsets(%dma_start3A_652 : memref<72xi32, #tpu.memory_space<vmem>>) semaphore(%arg7 : memref<!tpu.dma_semaphore, #tpu.memory_space<semaphore_mem>>)
    }
    %scan3A_166 = arith.constant 30 : i32
    %dma_wait3A = arith.constant 0 : i32
    %dma_wait3A_167 = arith.constant 0 : i32
    %dma_wait3A_168 = arith.constant 0 : i32
    %dma_wait3A_169 = tpu.memref_slice %arg6[%dma_wait3A_167, %dma_wait3A_168] : memref<1600x32xf32, #tpu.memory_space<vmem>> -> memref<128x32xf32, #tpu.memory_space<vmem>>
    %dma_wait3A_170 = arith.constant 0 : i32
    %dma_wait3A_171 = tpu.memref_slice %arg5[%dma_wait3A, %dma_wait3A_170] : memref<128x200xi32, #tpu.memory_space<vmem>> -> memref<1x128xi32, #tpu.memory_space<vmem>>
    %dma_wait3A_172 = tpu.memref_squeeze %dma_wait3A_171 : memref<1x128xi32, #tpu.memory_space<vmem>> -> memref<128xi32, #tpu.memory_space<vmem>>
    %dma_wait3A_173 = arith.constant 0 : i32
    %dma_wait3A_174 = arith.constant 0 : i32
    %dma_wait3A_175 = tpu.memref_slice %arg3[%dma_wait3A_173, %dma_wait3A_174] : memref<1000000x32xf32, #tpu.memory_space<hbm>> -> memref<1000000x32xf32, #tpu.memory_space<hbm>>
    tpu.wait_indirect_dma semaphore(%arg7 : memref<!tpu.dma_semaphore, #tpu.memory_space<semaphore_mem>>) src(%dma_wait3A_175 : memref<1000000x32xf32, #tpu.memory_space<hbm>>) dst(%dma_wait3A_169 : memref<128x32xf32, #tpu.memory_space<vmem>>)
    %dma_wait3A_176 = arith.constant 0 : i32
    %dma_wait3A_177 = arith.constant 128 : i32
    %dma_wait3A_178 = arith.constant 0 : i32
    %dma_wait3A_179 = tpu.memref_slice %arg6[%dma_wait3A_177, %dma_wait3A_178] : memref<1600x32xf32, #tpu.memory_space<vmem>> -> memref<72x32xf32, #tpu.memory_space<vmem>>
    %dma_wait3A_180 = arith.constant 128 : i32
    %dma_wait3A_181 = tpu.memref_slice %arg5[%dma_wait3A_176, %dma_wait3A_180] : memref<128x200xi32, #tpu.memory_space<vmem>> -> memref<1x72xi32, #tpu.memory_space<vmem>>
    %dma_wait3A_182 = tpu.memref_squeeze %dma_wait3A_181 : memref<1x72xi32, #tpu.memory_space<vmem>> -> memref<72xi32, #tpu.memory_space<vmem>>
    %dma_wait3A_183 = arith.constant 0 : i32
    %dma_wait3A_184 = arith.constant 0 : i32
    %dma_wait3A_185 = tpu.memref_slice %arg3[%dma_wait3A_183, %dma_wait3A_184] : memref<1000000x32xf32, #tpu.memory_space<hbm>> -> memref<1000000x32xf32, #tpu.memory_space<hbm>>
    tpu.wait_indirect_dma semaphore(%arg7 : memref<!tpu.dma_semaphore, #tpu.memory_space<semaphore_mem>>) src(%dma_wait3A_185 : memref<1000000x32xf32, #tpu.memory_space<hbm>>) dst(%dma_wait3A_179 : memref<72x32xf32, #tpu.memory_space<vmem>>)
    %dma_wait3A_186 = arith.constant 0 : i32
    %dma_wait3A_187 = arith.constant 200 : i32
    %dma_wait3A_188 = arith.constant 0 : i32
    %dma_wait3A_189 = tpu.memref_slice %arg6[%dma_wait3A_187, %dma_wait3A_188] : memref<1600x32xf32, #tpu.memory_space<vmem>> -> memref<128x32xf32, #tpu.memory_space<vmem>>
    %dma_wait3A_190 = arith.constant 0 : i32
    %dma_wait3A_191 = tpu.memref_slice %arg5[%dma_wait3A_186, %dma_wait3A_190] : memref<128x200xi32, #tpu.memory_space<vmem>> -> memref<1x128xi32, #tpu.memory_space<vmem>>
    %dma_wait3A_192 = tpu.memref_squeeze %dma_wait3A_191 : memref<1x128xi32, #tpu.memory_space<vmem>> -> memref<128xi32, #tpu.memory_space<vmem>>
    %dma_wait3A_193 = arith.constant 0 : i32
    %dma_wait3A_194 = arith.constant 0 : i32
    %dma_wait3A_195 = tpu.memref_slice %arg3[%dma_wait3A_193, %dma_wait3A_194] : memref<1000000x32xf32, #tpu.memory_space<hbm>> -> memref<1000000x32xf32, #tpu.memory_space<hbm>>
    tpu.wait_indirect_dma semaphore(%arg7 : memref<!tpu.dma_semaphore, #tpu.memory_space<semaphore_mem>>) src(%dma_wait3A_195 : memref<1000000x32xf32, #tpu.memory_space<hbm>>) dst(%dma_wait3A_189 : memref<128x32xf32, #tpu.memory_space<vmem>>)
    %dma_wait3A_196 = arith.constant 0 : i32
    %dma_wait3A_197 = arith.constant 328 : i32
    %dma_wait3A_198 = arith.constant 0 : i32
    %dma_wait3A_199 = tpu.memref_slice %arg6[%dma_wait3A_197, %dma_wait3A_198] : memref<1600x32xf32, #tpu.memory_space<vmem>> -> memref<72x32xf32, #tpu.memory_space<vmem>>
    %dma_wait3A_200 = arith.constant 128 : i32
    %dma_wait3A_201 = tpu.memref_slice %arg5[%dma_wait3A_196, %dma_wait3A_200] : memref<128x200xi32, #tpu.memory_space<vmem>> -> memref<1x72xi32, #tpu.memory_space<vmem>>
    %dma_wait3A_202 = tpu.memref_squeeze %dma_wait3A_201 : memref<1x72xi32, #tpu.memory_space<vmem>> -> memref<72xi32, #tpu.memory_space<vmem>>
    %dma_wait3A_203 = arith.constant 0 : i32
    %dma_wait3A_204 = arith.constant 0 : i32
    %dma_wait3A_205 = tpu.memref_slice %arg3[%dma_wait3A_203, %dma_wait3A_204] : memref<1000000x32xf32, #tpu.memory_space<hbm>> -> memref<1000000x32xf32, #tpu.memory_space<hbm>>
    tpu.wait_indirect_dma semaphore(%arg7 : memref<!tpu.dma_semaphore, #tpu.memory_space<semaphore_mem>>) src(%dma_wait3A_205 : memref<1000000x32xf32, #tpu.memory_space<hbm>>) dst(%dma_wait3A_199 : memref<72x32xf32, #tpu.memory_space<vmem>>)
    %dma_wait3A_206 = arith.constant 0 : i32
    %dma_wait3A_207 = arith.constant 400 : i32
    %dma_wait3A_208 = arith.constant 0 : i32
    %dma_wait3A_209 = tpu.memref_slice %arg6[%dma_wait3A_207, %dma_wait3A_208] : memref<1600x32xf32, #tpu.memory_space<vmem>> -> memref<128x32xf32, #tpu.memory_space<vmem>>
    %dma_wait3A_210 = arith.constant 0 : i32
    %dma_wait3A_211 = tpu.memref_slice %arg5[%dma_wait3A_206, %dma_wait3A_210] : memref<128x200xi32, #tpu.memory_space<vmem>> -> memref<1x128xi32, #tpu.memory_space<vmem>>
    %dma_wait3A_212 = tpu.memref_squeeze %dma_wait3A_211 : memref<1x128xi32, #tpu.memory_space<vmem>> -> memref<128xi32, #tpu.memory_space<vmem>>
    %dma_wait3A_213 = arith.constant 0 : i32
    %dma_wait3A_214 = arith.constant 0 : i32
    %dma_wait3A_215 = tpu.memref_slice %arg3[%dma_wait3A_213, %dma_wait3A_214] : memref<1000000x32xf32, #tpu.memory_space<hbm>> -> memref<1000000x32xf32, #tpu.memory_space<hbm>>
    tpu.wait_indirect_dma semaphore(%arg7 : memref<!tpu.dma_semaphore, #tpu.memory_space<semaphore_mem>>) src(%dma_wait3A_215 : memref<1000000x32xf32, #tpu.memory_space<hbm>>) dst(%dma_wait3A_209 : memref<128x32xf32, #tpu.memory_space<vmem>>)
    %dma_wait3A_216 = arith.constant 0 : i32
    %dma_wait3A_217 = arith.constant 528 : i32
    %dma_wait3A_218 = arith.constant 0 : i32
    %dma_wait3A_219 = tpu.memref_slice %arg6[%dma_wait3A_217, %dma_wait3A_218] : memref<1600x32xf32, #tpu.memory_space<vmem>> -> memref<72x32xf32, #tpu.memory_space<vmem>>
    %dma_wait3A_220 = arith.constant 128 : i32
    %dma_wait3A_221 = tpu.memref_slice %arg5[%dma_wait3A_216, %dma_wait3A_220] : memref<128x200xi32, #tpu.memory_space<vmem>> -> memref<1x72xi32, #tpu.memory_space<vmem>>
    %dma_wait3A_222 = tpu.memref_squeeze %dma_wait3A_221 : memref<1x72xi32, #tpu.memory_space<vmem>> -> memref<72xi32, #tpu.memory_space<vmem>>
    %dma_wait3A_223 = arith.constant 0 : i32
    %dma_wait3A_224 = arith.constant 0 : i32
    %dma_wait3A_225 = tpu.memref_slice %arg3[%dma_wait3A_223, %dma_wait3A_224] : memref<1000000x32xf32, #tpu.memory_space<hbm>> -> memref<1000000x32xf32, #tpu.memory_space<hbm>>
    tpu.wait_indirect_dma semaphore(%arg7 : memref<!tpu.dma_semaphore, #tpu.memory_space<semaphore_mem>>) src(%dma_wait3A_225 : memref<1000000x32xf32, #tpu.memory_space<hbm>>) dst(%dma_wait3A_219 : memref<72x32xf32, #tpu.memory_space<vmem>>)
    %dma_wait3A_226 = arith.constant 0 : i32
    %dma_wait3A_227 = arith.constant 600 : i32
    %dma_wait3A_228 = arith.constant 0 : i32
    %dma_wait3A_229 = tpu.memref_slice %arg6[%dma_wait3A_227, %dma_wait3A_228] : memref<1600x32xf32, #tpu.memory_space<vmem>> -> memref<128x32xf32, #tpu.memory_space<vmem>>
    %dma_wait3A_230 = arith.constant 0 : i32
    %dma_wait3A_231 = tpu.memref_slice %arg5[%dma_wait3A_226, %dma_wait3A_230] : memref<128x200xi32, #tpu.memory_space<vmem>> -> memref<1x128xi32, #tpu.memory_space<vmem>>
    %dma_wait3A_232 = tpu.memref_squeeze %dma_wait3A_231 : memref<1x128xi32, #tpu.memory_space<vmem>> -> memref<128xi32, #tpu.memory_space<vmem>>
    %dma_wait3A_233 = arith.constant 0 : i32
    %dma_wait3A_234 = arith.constant 0 : i32
    %dma_wait3A_235 = tpu.memref_slice %arg3[%dma_wait3A_233, %dma_wait3A_234] : memref<1000000x32xf32, #tpu.memory_space<hbm>> -> memref<1000000x32xf32, #tpu.memory_space<hbm>>
    tpu.wait_indirect_dma semaphore(%arg7 : memref<!tpu.dma_semaphore, #tpu.memory_space<semaphore_mem>>) src(%dma_wait3A_235 : memref<1000000x32xf32, #tpu.memory_space<hbm>>) dst(%dma_wait3A_229 : memref<128x32xf32, #tpu.memory_space<vmem>>)
    %dma_wait3A_236 = arith.constant 0 : i32
    %dma_wait3A_237 = arith.constant 728 : i32
    %dma_wait3A_238 = arith.constant 0 : i32
    %dma_wait3A_239 = tpu.memref_slice %arg6[%dma_wait3A_237, %dma_wait3A_238] : memref<1600x32xf32, #tpu.memory_space<vmem>> -> memref<72x32xf32, #tpu.memory_space<vmem>>
    %dma_wait3A_240 = arith.constant 128 : i32
    %dma_wait3A_241 = tpu.memref_slice %arg5[%dma_wait3A_236, %dma_wait3A_240] : memref<128x200xi32, #tpu.memory_space<vmem>> -> memref<1x72xi32, #tpu.memory_space<vmem>>
    %dma_wait3A_242 = tpu.memref_squeeze %dma_wait3A_241 : memref<1x72xi32, #tpu.memory_space<vmem>> -> memref<72xi32, #tpu.memory_space<vmem>>
    %dma_wait3A_243 = arith.constant 0 : i32
    %dma_wait3A_244 = arith.constant 0 : i32
    %dma_wait3A_245 = tpu.memref_slice %arg3[%dma_wait3A_243, %dma_wait3A_244] : memref<1000000x32xf32, #tpu.memory_space<hbm>> -> memref<1000000x32xf32, #tpu.memory_space<hbm>>
    tpu.wait_indirect_dma semaphore(%arg7 : memref<!tpu.dma_semaphore, #tpu.memory_space<semaphore_mem>>) src(%dma_wait3A_245 : memref<1000000x32xf32, #tpu.memory_space<hbm>>) dst(%dma_wait3A_239 : memref<72x32xf32, #tpu.memory_space<vmem>>)
    %mul3A_246 = arith.constant 25600 : i32
    %mul3A_247 = arith.muli %add3A, %mul3A_246 : i32
    %add3A_248 = arith.constant 24000 : i32
    %add3A_249 = arith.addi %mul3A_247, %add3A_248 : i32
    %dma_start3A_250 = arith.constant 0 : i32
    %dma_start3A_251 = arith.constant 0 : i32
    %dma_start3A_252 = tpu.memref_slice %arg6[%dma_start3A_250, %dma_start3A_251] : memref<1600x32xf32, #tpu.memory_space<vmem>> -> memref<800x32xf32, #tpu.memory_space<vmem>>
    %dma_start3A_253 = arith.constant 0 : i32
    %dma_start3A_254 = tpu.memref_slice %arg4[%add3A_249, %dma_start3A_253] : memref<819200x32xf32, #tpu.memory_space<hbm>> -> memref<800x32xf32, #tpu.memory_space<hbm>>
    %dma_start3A_255 = arith.constant 0 : i32
    %dma_start3A_256 = tpu.memref_slice %arg4[%add3A_249, %dma_start3A_255] : memref<819200x32xf32, #tpu.memory_space<hbm>> -> memref<800x32xf32, #tpu.memory_space<hbm>>
    %dma_start3A_257 = arith.constant 0 : i32
    %dma_start3A_258 = arith.constant 0 : i32
    %dma_start3A_259 = tpu.memref_slice %arg6[%dma_start3A_257, %dma_start3A_258] : memref<1600x32xf32, #tpu.memory_space<vmem>> -> memref<800x32xf32, #tpu.memory_space<vmem>>
    tpu.enqueue_dma source(%dma_start3A_259 : memref<800x32xf32, #tpu.memory_space<vmem>>) target(%dma_start3A_256 : memref<800x32xf32, #tpu.memory_space<hbm>>) target_semaphore(%arg8 : memref<!tpu.dma_semaphore, #tpu.memory_space<semaphore_mem>>)
    %dma_wait3A_260 = arith.constant 0 : i32
    %dma_wait3A_261 = arith.constant 800 : i32
    %dma_wait3A_262 = arith.constant 0 : i32
    %dma_wait3A_263 = tpu.memref_slice %arg6[%dma_wait3A_261, %dma_wait3A_262] : memref<1600x32xf32, #tpu.memory_space<vmem>> -> memref<128x32xf32, #tpu.memory_space<vmem>>
    %dma_wait3A_264 = arith.constant 0 : i32
    %dma_wait3A_265 = tpu.memref_slice %arg5[%dma_wait3A_260, %dma_wait3A_264] : memref<128x200xi32, #tpu.memory_space<vmem>> -> memref<1x128xi32, #tpu.memory_space<vmem>>
    %dma_wait3A_266 = tpu.memref_squeeze %dma_wait3A_265 : memref<1x128xi32, #tpu.memory_space<vmem>> -> memref<128xi32, #tpu.memory_space<vmem>>
    %dma_wait3A_267 = arith.constant 0 : i32
    %dma_wait3A_268 = arith.constant 0 : i32
    %dma_wait3A_269 = tpu.memref_slice %arg3[%dma_wait3A_267, %dma_wait3A_268] : memref<1000000x32xf32, #tpu.memory_space<hbm>> -> memref<1000000x32xf32, #tpu.memory_space<hbm>>
    tpu.wait_indirect_dma semaphore(%arg7 : memref<!tpu.dma_semaphore, #tpu.memory_space<semaphore_mem>>) src(%dma_wait3A_269 : memref<1000000x32xf32, #tpu.memory_space<hbm>>) dst(%dma_wait3A_263 : memref<128x32xf32, #tpu.memory_space<vmem>>)
    %dma_wait3A_270 = arith.constant 0 : i32
    %dma_wait3A_271 = arith.constant 928 : i32
    %dma_wait3A_272 = arith.constant 0 : i32
    %dma_wait3A_273 = tpu.memref_slice %arg6[%dma_wait3A_271, %dma_wait3A_272] : memref<1600x32xf32, #tpu.memory_space<vmem>> -> memref<72x32xf32, #tpu.memory_space<vmem>>
    %dma_wait3A_274 = arith.constant 128 : i32
    %dma_wait3A_275 = tpu.memref_slice %arg5[%dma_wait3A_270, %dma_wait3A_274] : memref<128x200xi32, #tpu.memory_space<vmem>> -> memref<1x72xi32, #tpu.memory_space<vmem>>
    %dma_wait3A_276 = tpu.memref_squeeze %dma_wait3A_275 : memref<1x72xi32, #tpu.memory_space<vmem>> -> memref<72xi32, #tpu.memory_space<vmem>>
    %dma_wait3A_277 = arith.constant 0 : i32
    %dma_wait3A_278 = arith.constant 0 : i32
    %dma_wait3A_279 = tpu.memref_slice %arg3[%dma_wait3A_277, %dma_wait3A_278] : memref<1000000x32xf32, #tpu.memory_space<hbm>> -> memref<1000000x32xf32, #tpu.memory_space<hbm>>
    tpu.wait_indirect_dma semaphore(%arg7 : memref<!tpu.dma_semaphore, #tpu.memory_space<semaphore_mem>>) src(%dma_wait3A_279 : memref<1000000x32xf32, #tpu.memory_space<hbm>>) dst(%dma_wait3A_273 : memref<72x32xf32, #tpu.memory_space<vmem>>)
    %dma_wait3A_280 = arith.constant 0 : i32
    %dma_wait3A_281 = arith.constant 1000 : i32
    %dma_wait3A_282 = arith.constant 0 : i32
    %dma_wait3A_283 = tpu.memref_slice %arg6[%dma_wait3A_281, %dma_wait3A_282] : memref<1600x32xf32, #tpu.memory_space<vmem>> -> memref<128x32xf32, #tpu.memory_space<vmem>>
    %dma_wait3A_284 = arith.constant 0 : i32
    %dma_wait3A_285 = tpu.memref_slice %arg5[%dma_wait3A_280, %dma_wait3A_284] : memref<128x200xi32, #tpu.memory_space<vmem>> -> memref<1x128xi32, #tpu.memory_space<vmem>>
    %dma_wait3A_286 = tpu.memref_squeeze %dma_wait3A_285 : memref<1x128xi32, #tpu.memory_space<vmem>> -> memref<128xi32, #tpu.memory_space<vmem>>
    %dma_wait3A_287 = arith.constant 0 : i32
    %dma_wait3A_288 = arith.constant 0 : i32
    %dma_wait3A_289 = tpu.memref_slice %arg3[%dma_wait3A_287, %dma_wait3A_288] : memref<1000000x32xf32, #tpu.memory_space<hbm>> -> memref<1000000x32xf32, #tpu.memory_space<hbm>>
    tpu.wait_indirect_dma semaphore(%arg7 : memref<!tpu.dma_semaphore, #tpu.memory_space<semaphore_mem>>) src(%dma_wait3A_289 : memref<1000000x32xf32, #tpu.memory_space<hbm>>) dst(%dma_wait3A_283 : memref<128x32xf32, #tpu.memory_space<vmem>>)
    %dma_wait3A_290 = arith.constant 0 : i32
    %dma_wait3A_291 = arith.constant 1128 : i32
    %dma_wait3A_292 = arith.constant 0 : i32
    %dma_wait3A_293 = tpu.memref_slice %arg6[%dma_wait3A_291, %dma_wait3A_292] : memref<1600x32xf32, #tpu.memory_space<vmem>> -> memref<72x32xf32, #tpu.memory_space<vmem>>
    %dma_wait3A_294 = arith.constant 128 : i32
    %dma_wait3A_295 = tpu.memref_slice %arg5[%dma_wait3A_290, %dma_wait3A_294] : memref<128x200xi32, #tpu.memory_space<vmem>> -> memref<1x72xi32, #tpu.memory_space<vmem>>
    %dma_wait3A_296 = tpu.memref_squeeze %dma_wait3A_295 : memref<1x72xi32, #tpu.memory_space<vmem>> -> memref<72xi32, #tpu.memory_space<vmem>>
    %dma_wait3A_297 = arith.constant 0 : i32
    %dma_wait3A_298 = arith.constant 0 : i32
    %dma_wait3A_299 = tpu.memref_slice %arg3[%dma_wait3A_297, %dma_wait3A_298] : memref<1000000x32xf32, #tpu.memory_space<hbm>> -> memref<1000000x32xf32, #tpu.memory_space<hbm>>
    tpu.wait_indirect_dma semaphore(%arg7 : memref<!tpu.dma_semaphore, #tpu.memory_space<semaphore_mem>>) src(%dma_wait3A_299 : memref<1000000x32xf32, #tpu.memory_space<hbm>>) dst(%dma_wait3A_293 : memref<72x32xf32, #tpu.memory_space<vmem>>)
    %dma_wait3A_300 = arith.constant 0 : i32
    %dma_wait3A_301 = arith.constant 1200 : i32
    %dma_wait3A_302 = arith.constant 0 : i32
    %dma_wait3A_303 = tpu.memref_slice %arg6[%dma_wait3A_301, %dma_wait3A_302] : memref<1600x32xf32, #tpu.memory_space<vmem>> -> memref<128x32xf32, #tpu.memory_space<vmem>>
    %dma_wait3A_304 = arith.constant 0 : i32
    %dma_wait3A_305 = tpu.memref_slice %arg5[%dma_wait3A_300, %dma_wait3A_304] : memref<128x200xi32, #tpu.memory_space<vmem>> -> memref<1x128xi32, #tpu.memory_space<vmem>>
    %dma_wait3A_306 = tpu.memref_squeeze %dma_wait3A_305 : memref<1x128xi32, #tpu.memory_space<vmem>> -> memref<128xi32, #tpu.memory_space<vmem>>
    %dma_wait3A_307 = arith.constant 0 : i32
    %dma_wait3A_308 = arith.constant 0 : i32
    %dma_wait3A_309 = tpu.memref_slice %arg3[%dma_wait3A_307, %dma_wait3A_308] : memref<1000000x32xf32, #tpu.memory_space<hbm>> -> memref<1000000x32xf32, #tpu.memory_space<hbm>>
    tpu.wait_indirect_dma semaphore(%arg7 : memref<!tpu.dma_semaphore, #tpu.memory_space<semaphore_mem>>) src(%dma_wait3A_309 : memref<1000000x32xf32, #tpu.memory_space<hbm>>) dst(%dma_wait3A_303 : memref<128x32xf32, #tpu.memory_space<vmem>>)
    %dma_wait3A_310 = arith.constant 0 : i32
    %dma_wait3A_311 = arith.constant 1328 : i32
    %dma_wait3A_312 = arith.constant 0 : i32
    %dma_wait3A_313 = tpu.memref_slice %arg6[%dma_wait3A_311, %dma_wait3A_312] : memref<1600x32xf32, #tpu.memory_space<vmem>> -> memref<72x32xf32, #tpu.memory_space<vmem>>
    %dma_wait3A_314 = arith.constant 128 : i32
    %dma_wait3A_315 = tpu.memref_slice %arg5[%dma_wait3A_310, %dma_wait3A_314] : memref<128x200xi32, #tpu.memory_space<vmem>> -> memref<1x72xi32, #tpu.memory_space<vmem>>
    %dma_wait3A_316 = tpu.memref_squeeze %dma_wait3A_315 : memref<1x72xi32, #tpu.memory_space<vmem>> -> memref<72xi32, #tpu.memory_space<vmem>>
    %dma_wait3A_317 = arith.constant 0 : i32
    %dma_wait3A_318 = arith.constant 0 : i32
    %dma_wait3A_319 = tpu.memref_slice %arg3[%dma_wait3A_317, %dma_wait3A_318] : memref<1000000x32xf32, #tpu.memory_space<hbm>> -> memref<1000000x32xf32, #tpu.memory_space<hbm>>
    tpu.wait_indirect_dma semaphore(%arg7 : memref<!tpu.dma_semaphore, #tpu.memory_space<semaphore_mem>>) src(%dma_wait3A_319 : memref<1000000x32xf32, #tpu.memory_space<hbm>>) dst(%dma_wait3A_313 : memref<72x32xf32, #tpu.memory_space<vmem>>)
    %dma_wait3A_320 = arith.constant 0 : i32
    %dma_wait3A_321 = arith.constant 1400 : i32
    %dma_wait3A_322 = arith.constant 0 : i32
    %dma_wait3A_323 = tpu.memref_slice %arg6[%dma_wait3A_321, %dma_wait3A_322] : memref<1600x32xf32, #tpu.memory_space<vmem>> -> memref<128x32xf32, #tpu.memory_space<vmem>>
    %dma_wait3A_324 = arith.constant 0 : i32
    %dma_wait3A_325 = tpu.memref_slice %arg5[%dma_wait3A_320, %dma_wait3A_324] : memref<128x200xi32, #tpu.memory_space<vmem>> -> memref<1x128xi32, #tpu.memory_space<vmem>>
    %dma_wait3A_326 = tpu.memref_squeeze %dma_wait3A_325 : memref<1x128xi32, #tpu.memory_space<vmem>> -> memref<128xi32, #tpu.memory_space<vmem>>
    %dma_wait3A_327 = arith.constant 0 : i32
    %dma_wait3A_328 = arith.constant 0 : i32
    %dma_wait3A_329 = tpu.memref_slice %arg3[%dma_wait3A_327, %dma_wait3A_328] : memref<1000000x32xf32, #tpu.memory_space<hbm>> -> memref<1000000x32xf32, #tpu.memory_space<hbm>>
    tpu.wait_indirect_dma semaphore(%arg7 : memref<!tpu.dma_semaphore, #tpu.memory_space<semaphore_mem>>) src(%dma_wait3A_329 : memref<1000000x32xf32, #tpu.memory_space<hbm>>) dst(%dma_wait3A_323 : memref<128x32xf32, #tpu.memory_space<vmem>>)
    %dma_wait3A_330 = arith.constant 0 : i32
    %dma_wait3A_331 = arith.constant 1528 : i32
    %dma_wait3A_332 = arith.constant 0 : i32
    %dma_wait3A_333 = tpu.memref_slice %arg6[%dma_wait3A_331, %dma_wait3A_332] : memref<1600x32xf32, #tpu.memory_space<vmem>> -> memref<72x32xf32, #tpu.memory_space<vmem>>
    %dma_wait3A_334 = arith.constant 128 : i32
    %dma_wait3A_335 = tpu.memref_slice %arg5[%dma_wait3A_330, %dma_wait3A_334] : memref<128x200xi32, #tpu.memory_space<vmem>> -> memref<1x72xi32, #tpu.memory_space<vmem>>
    %dma_wait3A_336 = tpu.memref_squeeze %dma_wait3A_335 : memref<1x72xi32, #tpu.memory_space<vmem>> -> memref<72xi32, #tpu.memory_space<vmem>>
    %dma_wait3A_337 = arith.constant 0 : i32
    %dma_wait3A_338 = arith.constant 0 : i32
    %dma_wait3A_339 = tpu.memref_slice %arg3[%dma_wait3A_337, %dma_wait3A_338] : memref<1000000x32xf32, #tpu.memory_space<hbm>> -> memref<1000000x32xf32, #tpu.memory_space<hbm>>
    tpu.wait_indirect_dma semaphore(%arg7 : memref<!tpu.dma_semaphore, #tpu.memory_space<semaphore_mem>>) src(%dma_wait3A_339 : memref<1000000x32xf32, #tpu.memory_space<hbm>>) dst(%dma_wait3A_333 : memref<72x32xf32, #tpu.memory_space<vmem>>)
    %mul3A_340 = arith.constant 25600 : i32
    %mul3A_341 = arith.muli %add3A, %mul3A_340 : i32
    %add3A_342 = arith.constant 24800 : i32
    %add3A_343 = arith.addi %mul3A_341, %add3A_342 : i32
    %dma_start3A_344 = arith.constant 800 : i32
    %dma_start3A_345 = arith.constant 0 : i32
    %dma_start3A_346 = tpu.memref_slice %arg6[%dma_start3A_344, %dma_start3A_345] : memref<1600x32xf32, #tpu.memory_space<vmem>> -> memref<800x32xf32, #tpu.memory_space<vmem>>
    %dma_start3A_347 = arith.constant 0 : i32
    %dma_start3A_348 = tpu.memref_slice %arg4[%add3A_343, %dma_start3A_347] : memref<819200x32xf32, #tpu.memory_space<hbm>> -> memref<800x32xf32, #tpu.memory_space<hbm>>
    %dma_start3A_349 = arith.constant 0 : i32
    %dma_start3A_350 = tpu.memref_slice %arg4[%add3A_343, %dma_start3A_349] : memref<819200x32xf32, #tpu.memory_space<hbm>> -> memref<800x32xf32, #tpu.memory_space<hbm>>
    %dma_start3A_351 = arith.constant 800 : i32
    %dma_start3A_352 = arith.constant 0 : i32
    %dma_start3A_353 = tpu.memref_slice %arg6[%dma_start3A_351, %dma_start3A_352] : memref<1600x32xf32, #tpu.memory_space<vmem>> -> memref<800x32xf32, #tpu.memory_space<vmem>>
    tpu.enqueue_dma source(%dma_start3A_353 : memref<800x32xf32, #tpu.memory_space<vmem>>) target(%dma_start3A_350 : memref<800x32xf32, #tpu.memory_space<hbm>>) target_semaphore(%arg8 : memref<!tpu.dma_semaphore, #tpu.memory_space<semaphore_mem>>)
    %mul3A_354 = arith.constant 25600 : i32
    %mul3A_355 = arith.muli %add3A, %mul3A_354 : i32
    %add3A_356 = arith.constant 24000 : i32
    %add3A_357 = arith.addi %mul3A_355, %add3A_356 : i32
    %dma_wait3A_358 = arith.constant 0 : i32
    %dma_wait3A_359 = arith.constant 0 : i32
    %dma_wait3A_360 = tpu.memref_slice %arg6[%dma_wait3A_358, %dma_wait3A_359] : memref<1600x32xf32, #tpu.memory_space<vmem>> -> memref<800x32xf32, #tpu.memory_space<vmem>>
    %dma_wait3A_361 = arith.constant 0 : i32
    %dma_wait3A_362 = tpu.memref_slice %arg4[%add3A_357, %dma_wait3A_361] : memref<819200x32xf32, #tpu.memory_space<hbm>> -> memref<800x32xf32, #tpu.memory_space<hbm>>
    %dma_wait3A_363 = arith.constant 0 : i32
    %dma_wait3A_364 = tpu.memref_slice %arg4[%add3A_357, %dma_wait3A_363] : memref<819200x32xf32, #tpu.memory_space<hbm>> -> memref<800x32xf32, #tpu.memory_space<hbm>>
    %dma_wait3A_365 = arith.constant 0 : i32
    %dma_wait3A_366 = arith.constant 0 : i32
    %dma_wait3A_367 = tpu.memref_slice %arg6[%dma_wait3A_365, %dma_wait3A_366] : memref<1600x32xf32, #tpu.memory_space<vmem>> -> memref<800x32xf32, #tpu.memory_space<vmem>>
    tpu.wait_dma2 semaphore(%arg8 : memref<!tpu.dma_semaphore, #tpu.memory_space<semaphore_mem>>) src(%dma_wait3A_367 : memref<800x32xf32, #tpu.memory_space<vmem>>) dst(%dma_wait3A_364 : memref<800x32xf32, #tpu.memory_space<hbm>>)
    %mul3A_368 = arith.constant 25600 : i32
    %mul3A_369 = arith.muli %add3A, %mul3A_368 : i32
    %add3A_370 = arith.constant 24800 : i32
    %add3A_371 = arith.addi %mul3A_369, %add3A_370 : i32
    %dma_wait3A_372 = arith.constant 800 : i32
    %dma_wait3A_373 = arith.constant 0 : i32
    %dma_wait3A_374 = tpu.memref_slice %arg6[%dma_wait3A_372, %dma_wait3A_373] : memref<1600x32xf32, #tpu.memory_space<vmem>> -> memref<800x32xf32, #tpu.memory_space<vmem>>
    %dma_wait3A_375 = arith.constant 0 : i32
    %dma_wait3A_376 = tpu.memref_slice %arg4[%add3A_371, %dma_wait3A_375] : memref<819200x32xf32, #tpu.memory_space<hbm>> -> memref<800x32xf32, #tpu.memory_space<hbm>>
    %dma_wait3A_377 = arith.constant 0 : i32
    %dma_wait3A_378 = tpu.memref_slice %arg4[%add3A_371, %dma_wait3A_377] : memref<819200x32xf32, #tpu.memory_space<hbm>> -> memref<800x32xf32, #tpu.memory_space<hbm>>
    %dma_wait3A_379 = arith.constant 800 : i32
    %dma_wait3A_380 = arith.constant 0 : i32
    %dma_wait3A_381 = tpu.memref_slice %arg6[%dma_wait3A_379, %dma_wait3A_380] : memref<1600x32xf32, #tpu.memory_space<vmem>> -> memref<800x32xf32, #tpu.memory_space<vmem>>
    tpu.wait_dma2 semaphore(%arg8 : memref<!tpu.dma_semaphore, #tpu.memory_space<semaphore_mem>>) src(%dma_wait3A_381 : memref<800x32xf32, #tpu.memory_space<vmem>>) dst(%dma_wait3A_378 : memref<800x32xf32, #tpu.memory_space<hbm>>)
    return
  }
}

module attributes {stable_mosaic.version = 14 : i64} {
  func.func @body(%arg0: i32, %arg1: memref<320x1xf32, #tpu.memory_space<vmem>>, %arg2: memref<320x4096xf32, #tpu.memory_space<vmem>>) attributes {dimension_semantics = [#tpu.dimension_semantics<arbitrary>], iteration_bounds = array<i64: 10>, scalar_prefetch = 0 : i64, scratch_operands = 0 : i64, tpu.core_type = #tpu.core_type<tc>, window_params = [{pipeline_mode = #tpu.pipeline_mode<synchronous>, transform_indices = @transform_0, window_bounds = array<i64: 320, 1>}, {transform_indices = @transform_1, window_bounds = array<i64: 320, 4096>}]} {
    %get3A = arith.constant 0 : index
    %get3A_0 = arith.constant 0 : index
    %get3A_1 = vector.load %arg1[%get3A, %get3A_0] : memref<320x1xf32, #tpu.memory_space<vmem>>, vector<320x1xf32>
    %broadcast_in_dim3A = vector.shape_cast %get3A_1 : vector<320x1xf32> to vector<320x1xf32>
    %broadcast_in_dim3A_2 = vector.broadcast %broadcast_in_dim3A : vector<320x1xf32> to vector<320x4096xf32>
    %swap3A = arith.constant 0 : index
    %swap3A_3 = arith.constant 0 : index
    %swap3A_4 = vector.load %arg2[%swap3A, %swap3A_3] : memref<320x4096xf32, #tpu.memory_space<vmem>>, vector<320x4096xf32>
    tpu.vector_store %arg2[%swap3A, %swap3A_3], %broadcast_in_dim3A_2 {strides = array<i32>} : memref<320x4096xf32, #tpu.memory_space<vmem>>, vector<320x4096xf32>,
    return
  }
  func.func @transform_0(%arg0: i32) -> (i32, i32) {
    %c0_i32 = arith.constant 0 : i32
    %c0_i32_0 = arith.constant 0 : i32
    %c0_i32_1 = arith.constant 0 : i32
    return %c0_i32, %c0_i32_0 : i32, i32
  }
  func.func @transform_1(%arg0: i32) -> (i32, i32) {
    %c0_i32 = arith.constant 0 : i32
    %c0_i32_0 = arith.constant 0 : i32
    return %arg0, %c0_i32 : i32, i32
  }
}

module attributes {stable_mosaic.version = 14 : i64} {
  func.func @body(%arg0: i32, %arg1: memref<8x4096xi32, #tpu.memory_space<vmem>>, %arg2: memref<16x1xf32, #tpu.memory_space<vmem>>, %arg3: memref<16x1xf32, #tpu.memory_space<vmem>>, %arg4: memref<128x4096xf32, #tpu.memory_space<vmem>>) attributes {dimension_semantics = [#tpu.dimension_semantics<arbitrary>], iteration_bounds = array<i64: 25>, scalar_prefetch = 0 : i64, scratch_operands = 0 : i64, tpu.core_type = #tpu.core_type<tc>, window_params = [{transform_indices = @transform_0, window_bounds = array<i64: 8, 4096>}, {pipeline_mode = #tpu.pipeline_mode<synchronous>, transform_indices = @transform_1, window_bounds = array<i64: 16, 1>}, {pipeline_mode = #tpu.pipeline_mode<synchronous>, transform_indices = @transform_2, window_bounds = array<i64: 16, 1>}, {transform_indices = @transform_3, window_bounds = array<i64: 128, 4096>}]} {
    %get3A = arith.constant 0 : index
    %get3A_0 = arith.constant 0 : index
    %get3A_1 = vector.load %arg2[%get3A, %get3A_0] : memref<16x1xf32, #tpu.memory_space<vmem>>, vector<16x1xf32>
    %get3A_2 = arith.constant 0 : index
    %get3A_3 = arith.constant 0 : index
    %get3A_4 = vector.load %arg3[%get3A_2, %get3A_3] : memref<16x1xf32, #tpu.memory_space<vmem>>, vector<16x1xf32>
    %get3A_5 = arith.constant 0 : index
    %get3A_6 = arith.constant 0 : index
    %get3A_7 = vector.load %arg1[%get3A_5, %get3A_6] : memref<8x4096xi32, #tpu.memory_space<vmem>>, vector<1x4096xi32>
    %eq3A = arith.constant 0 : i32
    %eq3A_8 = vector.broadcast %eq3A : i32 to vector<1x4096xi32>
    %eq3A_9 = arith.cmpi eq, %get3A_7, %eq3A_8 : vector<1x4096xi32>
    %broadcast_in_dim3A = vector.shape_cast %eq3A_9 : vector<1x4096xi1> to vector<1x4096xi1>
    %broadcast_in_dim3A_10 = vector.broadcast %broadcast_in_dim3A : vector<1x4096xi1> to vector<16x4096xi1>
    %broadcast_in_dim3A_11 = vector.shape_cast %get3A_1 : vector<16x1xf32> to vector<16x1xf32>
    %broadcast_in_dim3A_12 = vector.broadcast %broadcast_in_dim3A_11 : vector<16x1xf32> to vector<16x4096xf32>
    %broadcast_in_dim3A_13 = vector.shape_cast %get3A_4 : vector<16x1xf32> to vector<16x1xf32>
    %broadcast_in_dim3A_14 = vector.broadcast %broadcast_in_dim3A_13 : vector<16x1xf32> to vector<16x4096xf32>
    %select_n3A = arith.select %broadcast_in_dim3A_10, %broadcast_in_dim3A_12, %broadcast_in_dim3A_14 : vector<16x4096xi1>, vector<16x4096xf32>
    %swap3A = arith.constant 0 : index
    %swap3A_15 = arith.constant 0 : index
    %swap3A_16 = vector.load %arg4[%swap3A, %swap3A_15] : memref<128x4096xf32, #tpu.memory_space<vmem>>, vector<16x4096xf32>
    tpu.vector_store %arg4[%swap3A, %swap3A_15], %select_n3A {strides = array<i32>} : memref<128x4096xf32, #tpu.memory_space<vmem>>, vector<16x4096xf32>,
    %get3A_17 = arith.constant 1 : index
    %get3A_18 = arith.constant 0 : index
    %get3A_19 = vector.load %arg1[%get3A_17, %get3A_18] : memref<8x4096xi32, #tpu.memory_space<vmem>>, vector<1x4096xi32>
    %eq3A_20 = arith.constant 0 : i32
    %eq3A_21 = vector.broadcast %eq3A_20 : i32 to vector<1x4096xi32>
    %eq3A_22 = arith.cmpi eq, %get3A_19, %eq3A_21 : vector<1x4096xi32>
    %broadcast_in_dim3A_23 = vector.shape_cast %eq3A_22 : vector<1x4096xi1> to vector<1x4096xi1>
    %broadcast_in_dim3A_24 = vector.broadcast %broadcast_in_dim3A_23 : vector<1x4096xi1> to vector<16x4096xi1>
    %broadcast_in_dim3A_25 = vector.shape_cast %get3A_1 : vector<16x1xf32> to vector<16x1xf32>
    %broadcast_in_dim3A_26 = vector.broadcast %broadcast_in_dim3A_25 : vector<16x1xf32> to vector<16x4096xf32>
    %broadcast_in_dim3A_27 = vector.shape_cast %get3A_4 : vector<16x1xf32> to vector<16x1xf32>
    %broadcast_in_dim3A_28 = vector.broadcast %broadcast_in_dim3A_27 : vector<16x1xf32> to vector<16x4096xf32>
    %select_n3A_29 = arith.select %broadcast_in_dim3A_24, %broadcast_in_dim3A_26, %broadcast_in_dim3A_28 : vector<16x4096xi1>, vector<16x4096xf32>
    %swap3A_30 = arith.constant 16 : index
    %swap3A_31 = arith.constant 0 : index
    %swap3A_32 = vector.load %arg4[%swap3A_30, %swap3A_31] : memref<128x4096xf32, #tpu.memory_space<vmem>>, vector<16x4096xf32>
    tpu.vector_store %arg4[%swap3A_30, %swap3A_31], %select_n3A_29 {strides = array<i32>} : memref<128x4096xf32, #tpu.memory_space<vmem>>, vector<16x4096xf32>,
    %get3A_33 = arith.constant 2 : index
    %get3A_34 = arith.constant 0 : index
    %get3A_35 = vector.load %arg1[%get3A_33, %get3A_34] : memref<8x4096xi32, #tpu.memory_space<vmem>>, vector<1x4096xi32>
    %eq3A_36 = arith.constant 0 : i32
    %eq3A_37 = vector.broadcast %eq3A_36 : i32 to vector<1x4096xi32>
    %eq3A_38 = arith.cmpi eq, %get3A_35, %eq3A_37 : vector<1x4096xi32>
    %broadcast_in_dim3A_39 = vector.shape_cast %eq3A_38 : vector<1x4096xi1> to vector<1x4096xi1>
    %broadcast_in_dim3A_40 = vector.broadcast %broadcast_in_dim3A_39 : vector<1x4096xi1> to vector<16x4096xi1>
    %broadcast_in_dim3A_41 = vector.shape_cast %get3A_1 : vector<16x1xf32> to vector<16x1xf32>
    %broadcast_in_dim3A_42 = vector.broadcast %broadcast_in_dim3A_41 : vector<16x1xf32> to vector<16x4096xf32>
    %broadcast_in_dim3A_43 = vector.shape_cast %get3A_4 : vector<16x1xf32> to vector<16x1xf32>
    %broadcast_in_dim3A_44 = vector.broadcast %broadcast_in_dim3A_43 : vector<16x1xf32> to vector<16x4096xf32>
    %select_n3A_45 = arith.select %broadcast_in_dim3A_40, %broadcast_in_dim3A_42, %broadcast_in_dim3A_44 : vector<16x4096xi1>, vector<16x4096xf32>
    %swap3A_46 = arith.constant 32 : index
    %swap3A_47 = arith.constant 0 : index
    %swap3A_48 = vector.load %arg4[%swap3A_46, %swap3A_47] : memref<128x4096xf32, #tpu.memory_space<vmem>>, vector<16x4096xf32>
    tpu.vector_store %arg4[%swap3A_46, %swap3A_47], %select_n3A_45 {strides = array<i32>} : memref<128x4096xf32, #tpu.memory_space<vmem>>, vector<16x4096xf32>,
    %get3A_49 = arith.constant 3 : index
    %get3A_50 = arith.constant 0 : index
    %get3A_51 = vector.load %arg1[%get3A_49, %get3A_50] : memref<8x4096xi32, #tpu.memory_space<vmem>>, vector<1x4096xi32>
    %eq3A_52 = arith.constant 0 : i32
    %eq3A_53 = vector.broadcast %eq3A_52 : i32 to vector<1x4096xi32>
    %eq3A_54 = arith.cmpi eq, %get3A_51, %eq3A_53 : vector<1x4096xi32>
    %broadcast_in_dim3A_55 = vector.shape_cast %eq3A_54 : vector<1x4096xi1> to vector<1x4096xi1>
    %broadcast_in_dim3A_56 = vector.broadcast %broadcast_in_dim3A_55 : vector<1x4096xi1> to vector<16x4096xi1>
    %broadcast_in_dim3A_57 = vector.shape_cast %get3A_1 : vector<16x1xf32> to vector<16x1xf32>
    %broadcast_in_dim3A_58 = vector.broadcast %broadcast_in_dim3A_57 : vector<16x1xf32> to vector<16x4096xf32>
    %broadcast_in_dim3A_59 = vector.shape_cast %get3A_4 : vector<16x1xf32> to vector<16x1xf32>
    %broadcast_in_dim3A_60 = vector.broadcast %broadcast_in_dim3A_59 : vector<16x1xf32> to vector<16x4096xf32>
    %select_n3A_61 = arith.select %broadcast_in_dim3A_56, %broadcast_in_dim3A_58, %broadcast_in_dim3A_60 : vector<16x4096xi1>, vector<16x4096xf32>
    %swap3A_62 = arith.constant 48 : index
    %swap3A_63 = arith.constant 0 : index
    %swap3A_64 = vector.load %arg4[%swap3A_62, %swap3A_63] : memref<128x4096xf32, #tpu.memory_space<vmem>>, vector<16x4096xf32>
    tpu.vector_store %arg4[%swap3A_62, %swap3A_63], %select_n3A_61 {strides = array<i32>} : memref<128x4096xf32, #tpu.memory_space<vmem>>, vector<16x4096xf32>,
    %get3A_65 = arith.constant 4 : index
    %get3A_66 = arith.constant 0 : index
    %get3A_67 = vector.load %arg1[%get3A_65, %get3A_66] : memref<8x4096xi32, #tpu.memory_space<vmem>>, vector<1x4096xi32>
    %eq3A_68 = arith.constant 0 : i32
    %eq3A_69 = vector.broadcast %eq3A_68 : i32 to vector<1x4096xi32>
    %eq3A_70 = arith.cmpi eq, %get3A_67, %eq3A_69 : vector<1x4096xi32>
    %broadcast_in_dim3A_71 = vector.shape_cast %eq3A_70 : vector<1x4096xi1> to vector<1x4096xi1>
    %broadcast_in_dim3A_72 = vector.broadcast %broadcast_in_dim3A_71 : vector<1x4096xi1> to vector<16x4096xi1>
    %broadcast_in_dim3A_73 = vector.shape_cast %get3A_1 : vector<16x1xf32> to vector<16x1xf32>
    %broadcast_in_dim3A_74 = vector.broadcast %broadcast_in_dim3A_73 : vector<16x1xf32> to vector<16x4096xf32>
    %broadcast_in_dim3A_75 = vector.shape_cast %get3A_4 : vector<16x1xf32> to vector<16x1xf32>
    %broadcast_in_dim3A_76 = vector.broadcast %broadcast_in_dim3A_75 : vector<16x1xf32> to vector<16x4096xf32>
    %select_n3A_77 = arith.select %broadcast_in_dim3A_72, %broadcast_in_dim3A_74, %broadcast_in_dim3A_76 : vector<16x4096xi1>, vector<16x4096xf32>
    %swap3A_78 = arith.constant 64 : index
    %swap3A_79 = arith.constant 0 : index
    %swap3A_80 = vector.load %arg4[%swap3A_78, %swap3A_79] : memref<128x4096xf32, #tpu.memory_space<vmem>>, vector<16x4096xf32>
    tpu.vector_store %arg4[%swap3A_78, %swap3A_79], %select_n3A_77 {strides = array<i32>} : memref<128x4096xf32, #tpu.memory_space<vmem>>, vector<16x4096xf32>,
    %get3A_81 = arith.constant 5 : index
    %get3A_82 = arith.constant 0 : index
    %get3A_83 = vector.load %arg1[%get3A_81, %get3A_82] : memref<8x4096xi32, #tpu.memory_space<vmem>>, vector<1x4096xi32>
    %eq3A_84 = arith.constant 0 : i32
    %eq3A_85 = vector.broadcast %eq3A_84 : i32 to vector<1x4096xi32>
    %eq3A_86 = arith.cmpi eq, %get3A_83, %eq3A_85 : vector<1x4096xi32>
    %broadcast_in_dim3A_87 = vector.shape_cast %eq3A_86 : vector<1x4096xi1> to vector<1x4096xi1>
    %broadcast_in_dim3A_88 = vector.broadcast %broadcast_in_dim3A_87 : vector<1x4096xi1> to vector<16x4096xi1>
    %broadcast_in_dim3A_89 = vector.shape_cast %get3A_1 : vector<16x1xf32> to vector<16x1xf32>
    %broadcast_in_dim3A_90 = vector.broadcast %broadcast_in_dim3A_89 : vector<16x1xf32> to vector<16x4096xf32>
    %broadcast_in_dim3A_91 = vector.shape_cast %get3A_4 : vector<16x1xf32> to vector<16x1xf32>
    %broadcast_in_dim3A_92 = vector.broadcast %broadcast_in_dim3A_91 : vector<16x1xf32> to vector<16x4096xf32>
    %select_n3A_93 = arith.select %broadcast_in_dim3A_88, %broadcast_in_dim3A_90, %broadcast_in_dim3A_92 : vector<16x4096xi1>, vector<16x4096xf32>
    %swap3A_94 = arith.constant 80 : index
    %swap3A_95 = arith.constant 0 : index
    %swap3A_96 = vector.load %arg4[%swap3A_94, %swap3A_95] : memref<128x4096xf32, #tpu.memory_space<vmem>>, vector<16x4096xf32>
    tpu.vector_store %arg4[%swap3A_94, %swap3A_95], %select_n3A_93 {strides = array<i32>} : memref<128x4096xf32, #tpu.memory_space<vmem>>, vector<16x4096xf32>,
    %get3A_97 = arith.constant 6 : index
    %get3A_98 = arith.constant 0 : index
    %get3A_99 = vector.load %arg1[%get3A_97, %get3A_98] : memref<8x4096xi32, #tpu.memory_space<vmem>>, vector<1x4096xi32>
    %eq3A_100 = arith.constant 0 : i32
    %eq3A_101 = vector.broadcast %eq3A_100 : i32 to vector<1x4096xi32>
    %eq3A_102 = arith.cmpi eq, %get3A_99, %eq3A_101 : vector<1x4096xi32>
    %broadcast_in_dim3A_103 = vector.shape_cast %eq3A_102 : vector<1x4096xi1> to vector<1x4096xi1>
    %broadcast_in_dim3A_104 = vector.broadcast %broadcast_in_dim3A_103 : vector<1x4096xi1> to vector<16x4096xi1>
    %broadcast_in_dim3A_105 = vector.shape_cast %get3A_1 : vector<16x1xf32> to vector<16x1xf32>
    %broadcast_in_dim3A_106 = vector.broadcast %broadcast_in_dim3A_105 : vector<16x1xf32> to vector<16x4096xf32>
    %broadcast_in_dim3A_107 = vector.shape_cast %get3A_4 : vector<16x1xf32> to vector<16x1xf32>
    %broadcast_in_dim3A_108 = vector.broadcast %broadcast_in_dim3A_107 : vector<16x1xf32> to vector<16x4096xf32>
    %select_n3A_109 = arith.select %broadcast_in_dim3A_104, %broadcast_in_dim3A_106, %broadcast_in_dim3A_108 : vector<16x4096xi1>, vector<16x4096xf32>
    %swap3A_110 = arith.constant 96 : index
    %swap3A_111 = arith.constant 0 : index
    %swap3A_112 = vector.load %arg4[%swap3A_110, %swap3A_111] : memref<128x4096xf32, #tpu.memory_space<vmem>>, vector<16x4096xf32>
    tpu.vector_store %arg4[%swap3A_110, %swap3A_111], %select_n3A_109 {strides = array<i32>} : memref<128x4096xf32, #tpu.memory_space<vmem>>, vector<16x4096xf32>,
    %get3A_113 = arith.constant 7 : index
    %get3A_114 = arith.constant 0 : index
    %get3A_115 = vector.load %arg1[%get3A_113, %get3A_114] : memref<8x4096xi32, #tpu.memory_space<vmem>>, vector<1x4096xi32>
    %eq3A_116 = arith.constant 0 : i32
    %eq3A_117 = vector.broadcast %eq3A_116 : i32 to vector<1x4096xi32>
    %eq3A_118 = arith.cmpi eq, %get3A_115, %eq3A_117 : vector<1x4096xi32>
    %broadcast_in_dim3A_119 = vector.shape_cast %eq3A_118 : vector<1x4096xi1> to vector<1x4096xi1>
    %broadcast_in_dim3A_120 = vector.broadcast %broadcast_in_dim3A_119 : vector<1x4096xi1> to vector<16x4096xi1>
    %broadcast_in_dim3A_121 = vector.shape_cast %get3A_1 : vector<16x1xf32> to vector<16x1xf32>
    %broadcast_in_dim3A_122 = vector.broadcast %broadcast_in_dim3A_121 : vector<16x1xf32> to vector<16x4096xf32>
    %broadcast_in_dim3A_123 = vector.shape_cast %get3A_4 : vector<16x1xf32> to vector<16x1xf32>
    %broadcast_in_dim3A_124 = vector.broadcast %broadcast_in_dim3A_123 : vector<16x1xf32> to vector<16x4096xf32>
    %select_n3A_125 = arith.select %broadcast_in_dim3A_120, %broadcast_in_dim3A_122, %broadcast_in_dim3A_124 : vector<16x4096xi1>, vector<16x4096xf32>
    %swap3A_126 = arith.constant 112 : index
    %swap3A_127 = arith.constant 0 : index
    %swap3A_128 = vector.load %arg4[%swap3A_126, %swap3A_127] : memref<128x4096xf32, #tpu.memory_space<vmem>>, vector<16x4096xf32>
    tpu.vector_store %arg4[%swap3A_126, %swap3A_127], %select_n3A_125 {strides = array<i32>} : memref<128x4096xf32, #tpu.memory_space<vmem>>, vector<16x4096xf32>,
    return
  }
  func.func @transform_0(%arg0: i32) -> (i32, i32) {
    %c0_i32 = arith.constant 0 : i32
    %c0_i32_0 = arith.constant 0 : i32
    return %arg0, %c0_i32 : i32, i32
  }
  func.func @transform_1(%arg0: i32) -> (i32, i32) {
    %c0_i32 = arith.constant 0 : i32
    %c0_i32_0 = arith.constant 0 : i32
    %c0_i32_1 = arith.constant 0 : i32
    return %c0_i32, %c0_i32_0 : i32, i32
  }
  func.func @transform_2(%arg0: i32) -> (i32, i32) {
    %c0_i32 = arith.constant 0 : i32
    %c0_i32_0 = arith.constant 0 : i32
    %c0_i32_1 = arith.constant 0 : i32
    return %c0_i32, %c0_i32_0 : i32, i32
  }
  func.func @transform_3(%arg0: i32) -> (i32, i32) {
    %c0_i32 = arith.constant 0 : i32
    %c0_i32_0 = arith.constant 0 : i32
    return %arg0, %c0_i32 : i32, i32
  }
}

module attributes {stable_mosaic.version = 14 : i64} {
  func.func @body(%arg0: i32, %arg1: memref<12800x128xf32, #tpu.memory_space<vmem>>, %arg2: memref<6400x256xf32, #tpu.memory_space<vmem>>) attributes {dimension_semantics = [#tpu.dimension_semantics<arbitrary>], iteration_bounds = array<i64: 16>, scalar_prefetch = 0 : i64, scratch_operands = 0 : i64, tpu.core_type = #tpu.core_type<tc>, window_params = [{transform_indices = @transform_0, window_bounds = array<i64: 12800, 128>}, {transform_indices = @transform_1, window_bounds = array<i64: 6400, 256>}]} {
    %get3A = arith.constant 0 : index
    %get3A_0 = arith.constant 0 : index
    %get3A_1 = vector.load %arg1[%get3A, %get3A_0] : memref<12800x128xf32, #tpu.memory_space<vmem>>, vector<12800x128xf32>
    %reshape3A = vector.shape_cast %get3A_1 : vector<12800x128xf32> to vector<256x50x128xf32>
    %slice3A = vector.extract_strided_slice %reshape3A {offsets = [0, 0, 0], sizes = [256, 1, 128], strides = [1, 1, 1]} : vector<256x50x128xf32> to vector<256x1x128xf32>
    %squeeze3A = vector.shape_cast %slice3A : vector<256x1x128xf32> to vector<256x128xf32>
    %transpose3A = tpu.transpose %squeeze3A, [1, 0] : vector<256x128xf32> -> vector<128x256xf32>
    %swap3A = arith.constant 0 : index
    %swap3A_2 = arith.constant 0 : index
    %swap3A_3 = vector.load %arg2[%swap3A, %swap3A_2] : memref<6400x256xf32, #tpu.memory_space<vmem>>, vector<128x256xf32>
    tpu.vector_store %arg2[%swap3A, %swap3A_2], %transpose3A {strides = array<i32>} : memref<6400x256xf32, #tpu.memory_space<vmem>>, vector<128x256xf32>,
    %slice3A_4 = vector.extract_strided_slice %reshape3A {offsets = [0, 1, 0], sizes = [256, 1, 128], strides = [1, 1, 1]} : vector<256x50x128xf32> to vector<256x1x128xf32>
    %squeeze3A_5 = vector.shape_cast %slice3A_4 : vector<256x1x128xf32> to vector<256x128xf32>
    %transpose3A_6 = tpu.transpose %squeeze3A_5, [1, 0] : vector<256x128xf32> -> vector<128x256xf32>
    %swap3A_7 = arith.constant 128 : index
    %swap3A_8 = arith.constant 0 : index
    %swap3A_9 = vector.load %arg2[%swap3A_7, %swap3A_8] : memref<6400x256xf32, #tpu.memory_space<vmem>>, vector<128x256xf32>
    tpu.vector_store %arg2[%swap3A_7, %swap3A_8], %transpose3A_6 {strides = array<i32>} : memref<6400x256xf32, #tpu.memory_space<vmem>>, vector<128x256xf32>,
    %slice3A_10 = vector.extract_strided_slice %reshape3A {offsets = [0, 2, 0], sizes = [256, 1, 128], strides = [1, 1, 1]} : vector<256x50x128xf32> to vector<256x1x128xf32>
    %squeeze3A_11 = vector.shape_cast %slice3A_10 : vector<256x1x128xf32> to vector<256x128xf32>
    %transpose3A_12 = tpu.transpose %squeeze3A_11, [1, 0] : vector<256x128xf32> -> vector<128x256xf32>
    %swap3A_13 = arith.constant 256 : index
    %swap3A_14 = arith.constant 0 : index
    %swap3A_15 = vector.load %arg2[%swap3A_13, %swap3A_14] : memref<6400x256xf32, #tpu.memory_space<vmem>>, vector<128x256xf32>
    tpu.vector_store %arg2[%swap3A_13, %swap3A_14], %transpose3A_12 {strides = array<i32>} : memref<6400x256xf32, #tpu.memory_space<vmem>>, vector<128x256xf32>,
    %slice3A_16 = vector.extract_strided_slice %reshape3A {offsets = [0, 3, 0], sizes = [256, 1, 128], strides = [1, 1, 1]} : vector<256x50x128xf32> to vector<256x1x128xf32>
    %squeeze3A_17 = vector.shape_cast %slice3A_16 : vector<256x1x128xf32> to vector<256x128xf32>
    %transpose3A_18 = tpu.transpose %squeeze3A_17, [1, 0] : vector<256x128xf32> -> vector<128x256xf32>
    %swap3A_19 = arith.constant 384 : index
    %swap3A_20 = arith.constant 0 : index
    %swap3A_21 = vector.load %arg2[%swap3A_19, %swap3A_20] : memref<6400x256xf32, #tpu.memory_space<vmem>>, vector<128x256xf32>
    tpu.vector_store %arg2[%swap3A_19, %swap3A_20], %transpose3A_18 {strides = array<i32>} : memref<6400x256xf32, #tpu.memory_space<vmem>>, vector<128x256xf32>,
    %slice3A_22 = vector.extract_strided_slice %reshape3A {offsets = [0, 4, 0], sizes = [256, 1, 128], strides = [1, 1, 1]} : vector<256x50x128xf32> to vector<256x1x128xf32>
    %squeeze3A_23 = vector.shape_cast %slice3A_22 : vector<256x1x128xf32> to vector<256x128xf32>
    %transpose3A_24 = tpu.transpose %squeeze3A_23, [1, 0] : vector<256x128xf32> -> vector<128x256xf32>
    %swap3A_25 = arith.constant 512 : index
    %swap3A_26 = arith.constant 0 : index
    %swap3A_27 = vector.load %arg2[%swap3A_25, %swap3A_26] : memref<6400x256xf32, #tpu.memory_space<vmem>>, vector<128x256xf32>
    tpu.vector_store %arg2[%swap3A_25, %swap3A_26], %transpose3A_24 {strides = array<i32>} : memref<6400x256xf32, #tpu.memory_space<vmem>>, vector<128x256xf32>,
    %slice3A_28 = vector.extract_strided_slice %reshape3A {offsets = [0, 5, 0], sizes = [256, 1, 128], strides = [1, 1, 1]} : vector<256x50x128xf32> to vector<256x1x128xf32>
    %squeeze3A_29 = vector.shape_cast %slice3A_28 : vector<256x1x128xf32> to vector<256x128xf32>
    %transpose3A_30 = tpu.transpose %squeeze3A_29, [1, 0] : vector<256x128xf32> -> vector<128x256xf32>
    %swap3A_31 = arith.constant 640 : index
    %swap3A_32 = arith.constant 0 : index
    %swap3A_33 = vector.load %arg2[%swap3A_31, %swap3A_32] : memref<6400x256xf32, #tpu.memory_space<vmem>>, vector<128x256xf32>
    tpu.vector_store %arg2[%swap3A_31, %swap3A_32], %transpose3A_30 {strides = array<i32>} : memref<6400x256xf32, #tpu.memory_space<vmem>>, vector<128x256xf32>,
    %slice3A_34 = vector.extract_strided_slice %reshape3A {offsets = [0, 6, 0], sizes = [256, 1, 128], strides = [1, 1, 1]} : vector<256x50x128xf32> to vector<256x1x128xf32>
    %squeeze3A_35 = vector.shape_cast %slice3A_34 : vector<256x1x128xf32> to vector<256x128xf32>
    %transpose3A_36 = tpu.transpose %squeeze3A_35, [1, 0] : vector<256x128xf32> -> vector<128x256xf32>
    %swap3A_37 = arith.constant 768 : index
    %swap3A_38 = arith.constant 0 : index
    %swap3A_39 = vector.load %arg2[%swap3A_37, %swap3A_38] : memref<6400x256xf32, #tpu.memory_space<vmem>>, vector<128x256xf32>
    tpu.vector_store %arg2[%swap3A_37, %swap3A_38], %transpose3A_36 {strides = array<i32>} : memref<6400x256xf32, #tpu.memory_space<vmem>>, vector<128x256xf32>,
    %slice3A_40 = vector.extract_strided_slice %reshape3A {offsets = [0, 7, 0], sizes = [256, 1, 128], strides = [1, 1, 1]} : vector<256x50x128xf32> to vector<256x1x128xf32>
    %squeeze3A_41 = vector.shape_cast %slice3A_40 : vector<256x1x128xf32> to vector<256x128xf32>
    %transpose3A_42 = tpu.transpose %squeeze3A_41, [1, 0] : vector<256x128xf32> -> vector<128x256xf32>
    %swap3A_43 = arith.constant 896 : index
    %swap3A_44 = arith.constant 0 : index
    %swap3A_45 = vector.load %arg2[%swap3A_43, %swap3A_44] : memref<6400x256xf32, #tpu.memory_space<vmem>>, vector<128x256xf32>
    tpu.vector_store %arg2[%swap3A_43, %swap3A_44], %transpose3A_42 {strides = array<i32>} : memref<6400x256xf32, #tpu.memory_space<vmem>>, vector<128x256xf32>,
    %slice3A_46 = vector.extract_strided_slice %reshape3A {offsets = [0, 8, 0], sizes = [256, 1, 128], strides = [1, 1, 1]} : vector<256x50x128xf32> to vector<256x1x128xf32>
    %squeeze3A_47 = vector.shape_cast %slice3A_46 : vector<256x1x128xf32> to vector<256x128xf32>
    %transpose3A_48 = tpu.transpose %squeeze3A_47, [1, 0] : vector<256x128xf32> -> vector<128x256xf32>
    %swap3A_49 = arith.constant 1024 : index
    %swap3A_50 = arith.constant 0 : index
    %swap3A_51 = vector.load %arg2[%swap3A_49, %swap3A_50] : memref<6400x256xf32, #tpu.memory_space<vmem>>, vector<128x256xf32>
    tpu.vector_store %arg2[%swap3A_49, %swap3A_50], %transpose3A_48 {strides = array<i32>} : memref<6400x256xf32, #tpu.memory_space<vmem>>, vector<128x256xf32>,
    %slice3A_52 = vector.extract_strided_slice %reshape3A {offsets = [0, 9, 0], sizes = [256, 1, 128], strides = [1, 1, 1]} : vector<256x50x128xf32> to vector<256x1x128xf32>
    %squeeze3A_53 = vector.shape_cast %slice3A_52 : vector<256x1x128xf32> to vector<256x128xf32>
    %transpose3A_54 = tpu.transpose %squeeze3A_53, [1, 0] : vector<256x128xf32> -> vector<128x256xf32>
    %swap3A_55 = arith.constant 1152 : index
    %swap3A_56 = arith.constant 0 : index
    %swap3A_57 = vector.load %arg2[%swap3A_55, %swap3A_56] : memref<6400x256xf32, #tpu.memory_space<vmem>>, vector<128x256xf32>
    tpu.vector_store %arg2[%swap3A_55, %swap3A_56], %transpose3A_54 {strides = array<i32>} : memref<6400x256xf32, #tpu.memory_space<vmem>>, vector<128x256xf32>,
    %slice3A_58 = vector.extract_strided_slice %reshape3A {offsets = [0, 10, 0], sizes = [256, 1, 128], strides = [1, 1, 1]} : vector<256x50x128xf32> to vector<256x1x128xf32>
    %squeeze3A_59 = vector.shape_cast %slice3A_58 : vector<256x1x128xf32> to vector<256x128xf32>
    %transpose3A_60 = tpu.transpose %squeeze3A_59, [1, 0] : vector<256x128xf32> -> vector<128x256xf32>
    %swap3A_61 = arith.constant 1280 : index
    %swap3A_62 = arith.constant 0 : index
    %swap3A_63 = vector.load %arg2[%swap3A_61, %swap3A_62] : memref<6400x256xf32, #tpu.memory_space<vmem>>, vector<128x256xf32>
    tpu.vector_store %arg2[%swap3A_61, %swap3A_62], %transpose3A_60 {strides = array<i32>} : memref<6400x256xf32, #tpu.memory_space<vmem>>, vector<128x256xf32>,
    %slice3A_64 = vector.extract_strided_slice %reshape3A {offsets = [0, 11, 0], sizes = [256, 1, 128], strides = [1, 1, 1]} : vector<256x50x128xf32> to vector<256x1x128xf32>
    %squeeze3A_65 = vector.shape_cast %slice3A_64 : vector<256x1x128xf32> to vector<256x128xf32>
    %transpose3A_66 = tpu.transpose %squeeze3A_65, [1, 0] : vector<256x128xf32> -> vector<128x256xf32>
    %swap3A_67 = arith.constant 1408 : index
    %swap3A_68 = arith.constant 0 : index
    %swap3A_69 = vector.load %arg2[%swap3A_67, %swap3A_68] : memref<6400x256xf32, #tpu.memory_space<vmem>>, vector<128x256xf32>
    tpu.vector_store %arg2[%swap3A_67, %swap3A_68], %transpose3A_66 {strides = array<i32>} : memref<6400x256xf32, #tpu.memory_space<vmem>>, vector<128x256xf32>,
    %slice3A_70 = vector.extract_strided_slice %reshape3A {offsets = [0, 12, 0], sizes = [256, 1, 128], strides = [1, 1, 1]} : vector<256x50x128xf32> to vector<256x1x128xf32>
    %squeeze3A_71 = vector.shape_cast %slice3A_70 : vector<256x1x128xf32> to vector<256x128xf32>
    %transpose3A_72 = tpu.transpose %squeeze3A_71, [1, 0] : vector<256x128xf32> -> vector<128x256xf32>
    %swap3A_73 = arith.constant 1536 : index
    %swap3A_74 = arith.constant 0 : index
    %swap3A_75 = vector.load %arg2[%swap3A_73, %swap3A_74] : memref<6400x256xf32, #tpu.memory_space<vmem>>, vector<128x256xf32>
    tpu.vector_store %arg2[%swap3A_73, %swap3A_74], %transpose3A_72 {strides = array<i32>} : memref<6400x256xf32, #tpu.memory_space<vmem>>, vector<128x256xf32>,
    %slice3A_76 = vector.extract_strided_slice %reshape3A {offsets = [0, 13, 0], sizes = [256, 1, 128], strides = [1, 1, 1]} : vector<256x50x128xf32> to vector<256x1x128xf32>
    %squeeze3A_77 = vector.shape_cast %slice3A_76 : vector<256x1x128xf32> to vector<256x128xf32>
    %transpose3A_78 = tpu.transpose %squeeze3A_77, [1, 0] : vector<256x128xf32> -> vector<128x256xf32>
    %swap3A_79 = arith.constant 1664 : index
    %swap3A_80 = arith.constant 0 : index
    %swap3A_81 = vector.load %arg2[%swap3A_79, %swap3A_80] : memref<6400x256xf32, #tpu.memory_space<vmem>>, vector<128x256xf32>
    tpu.vector_store %arg2[%swap3A_79, %swap3A_80], %transpose3A_78 {strides = array<i32>} : memref<6400x256xf32, #tpu.memory_space<vmem>>, vector<128x256xf32>,
    %slice3A_82 = vector.extract_strided_slice %reshape3A {offsets = [0, 14, 0], sizes = [256, 1, 128], strides = [1, 1, 1]} : vector<256x50x128xf32> to vector<256x1x128xf32>
    %squeeze3A_83 = vector.shape_cast %slice3A_82 : vector<256x1x128xf32> to vector<256x128xf32>
    %transpose3A_84 = tpu.transpose %squeeze3A_83, [1, 0] : vector<256x128xf32> -> vector<128x256xf32>
    %swap3A_85 = arith.constant 1792 : index
    %swap3A_86 = arith.constant 0 : index
    %swap3A_87 = vector.load %arg2[%swap3A_85, %swap3A_86] : memref<6400x256xf32, #tpu.memory_space<vmem>>, vector<128x256xf32>
    tpu.vector_store %arg2[%swap3A_85, %swap3A_86], %transpose3A_84 {strides = array<i32>} : memref<6400x256xf32, #tpu.memory_space<vmem>>, vector<128x256xf32>,
    %slice3A_88 = vector.extract_strided_slice %reshape3A {offsets = [0, 15, 0], sizes = [256, 1, 128], strides = [1, 1, 1]} : vector<256x50x128xf32> to vector<256x1x128xf32>
    %squeeze3A_89 = vector.shape_cast %slice3A_88 : vector<256x1x128xf32> to vector<256x128xf32>
    %transpose3A_90 = tpu.transpose %squeeze3A_89, [1, 0] : vector<256x128xf32> -> vector<128x256xf32>
    %swap3A_91 = arith.constant 1920 : index
    %swap3A_92 = arith.constant 0 : index
    %swap3A_93 = vector.load %arg2[%swap3A_91, %swap3A_92] : memref<6400x256xf32, #tpu.memory_space<vmem>>, vector<128x256xf32>
    tpu.vector_store %arg2[%swap3A_91, %swap3A_92], %transpose3A_90 {strides = array<i32>} : memref<6400x256xf32, #tpu.memory_space<vmem>>, vector<128x256xf32>,
    %slice3A_94 = vector.extract_strided_slice %reshape3A {offsets = [0, 16, 0], sizes = [256, 1, 128], strides = [1, 1, 1]} : vector<256x50x128xf32> to vector<256x1x128xf32>
    %squeeze3A_95 = vector.shape_cast %slice3A_94 : vector<256x1x128xf32> to vector<256x128xf32>
    %transpose3A_96 = tpu.transpose %squeeze3A_95, [1, 0] : vector<256x128xf32> -> vector<128x256xf32>
    %swap3A_97 = arith.constant 2048 : index
    %swap3A_98 = arith.constant 0 : index
    %swap3A_99 = vector.load %arg2[%swap3A_97, %swap3A_98] : memref<6400x256xf32, #tpu.memory_space<vmem>>, vector<128x256xf32>
    tpu.vector_store %arg2[%swap3A_97, %swap3A_98], %transpose3A_96 {strides = array<i32>} : memref<6400x256xf32, #tpu.memory_space<vmem>>, vector<128x256xf32>,
    %slice3A_100 = vector.extract_strided_slice %reshape3A {offsets = [0, 17, 0], sizes = [256, 1, 128], strides = [1, 1, 1]} : vector<256x50x128xf32> to vector<256x1x128xf32>
    %squeeze3A_101 = vector.shape_cast %slice3A_100 : vector<256x1x128xf32> to vector<256x128xf32>
    %transpose3A_102 = tpu.transpose %squeeze3A_101, [1, 0] : vector<256x128xf32> -> vector<128x256xf32>
    %swap3A_103 = arith.constant 2176 : index
    %swap3A_104 = arith.constant 0 : index
    %swap3A_105 = vector.load %arg2[%swap3A_103, %swap3A_104] : memref<6400x256xf32, #tpu.memory_space<vmem>>, vector<128x256xf32>
    tpu.vector_store %arg2[%swap3A_103, %swap3A_104], %transpose3A_102 {strides = array<i32>} : memref<6400x256xf32, #tpu.memory_space<vmem>>, vector<128x256xf32>,
    %slice3A_106 = vector.extract_strided_slice %reshape3A {offsets = [0, 18, 0], sizes = [256, 1, 128], strides = [1, 1, 1]} : vector<256x50x128xf32> to vector<256x1x128xf32>
    %squeeze3A_107 = vector.shape_cast %slice3A_106 : vector<256x1x128xf32> to vector<256x128xf32>
    %transpose3A_108 = tpu.transpose %squeeze3A_107, [1, 0] : vector<256x128xf32> -> vector<128x256xf32>
    %swap3A_109 = arith.constant 2304 : index
    %swap3A_110 = arith.constant 0 : index
    %swap3A_111 = vector.load %arg2[%swap3A_109, %swap3A_110] : memref<6400x256xf32, #tpu.memory_space<vmem>>, vector<128x256xf32>
    tpu.vector_store %arg2[%swap3A_109, %swap3A_110], %transpose3A_108 {strides = array<i32>} : memref<6400x256xf32, #tpu.memory_space<vmem>>, vector<128x256xf32>,
    %slice3A_112 = vector.extract_strided_slice %reshape3A {offsets = [0, 19, 0], sizes = [256, 1, 128], strides = [1, 1, 1]} : vector<256x50x128xf32> to vector<256x1x128xf32>
    %squeeze3A_113 = vector.shape_cast %slice3A_112 : vector<256x1x128xf32> to vector<256x128xf32>
    %transpose3A_114 = tpu.transpose %squeeze3A_113, [1, 0] : vector<256x128xf32> -> vector<128x256xf32>
    %swap3A_115 = arith.constant 2432 : index
    %swap3A_116 = arith.constant 0 : index
    %swap3A_117 = vector.load %arg2[%swap3A_115, %swap3A_116] : memref<6400x256xf32, #tpu.memory_space<vmem>>, vector<128x256xf32>
    tpu.vector_store %arg2[%swap3A_115, %swap3A_116], %transpose3A_114 {strides = array<i32>} : memref<6400x256xf32, #tpu.memory_space<vmem>>, vector<128x256xf32>,
    %slice3A_118 = vector.extract_strided_slice %reshape3A {offsets = [0, 20, 0], sizes = [256, 1, 128], strides = [1, 1, 1]} : vector<256x50x128xf32> to vector<256x1x128xf32>
    %squeeze3A_119 = vector.shape_cast %slice3A_118 : vector<256x1x128xf32> to vector<256x128xf32>
    %transpose3A_120 = tpu.transpose %squeeze3A_119, [1, 0] : vector<256x128xf32> -> vector<128x256xf32>
    %swap3A_121 = arith.constant 2560 : index
    %swap3A_122 = arith.constant 0 : index
    %swap3A_123 = vector.load %arg2[%swap3A_121, %swap3A_122] : memref<6400x256xf32, #tpu.memory_space<vmem>>, vector<128x256xf32>
    tpu.vector_store %arg2[%swap3A_121, %swap3A_122], %transpose3A_120 {strides = array<i32>} : memref<6400x256xf32, #tpu.memory_space<vmem>>, vector<128x256xf32>,
    %slice3A_124 = vector.extract_strided_slice %reshape3A {offsets = [0, 21, 0], sizes = [256, 1, 128], strides = [1, 1, 1]} : vector<256x50x128xf32> to vector<256x1x128xf32>
    %squeeze3A_125 = vector.shape_cast %slice3A_124 : vector<256x1x128xf32> to vector<256x128xf32>
    %transpose3A_126 = tpu.transpose %squeeze3A_125, [1, 0] : vector<256x128xf32> -> vector<128x256xf32>
    %swap3A_127 = arith.constant 2688 : index
    %swap3A_128 = arith.constant 0 : index
    %swap3A_129 = vector.load %arg2[%swap3A_127, %swap3A_128] : memref<6400x256xf32, #tpu.memory_space<vmem>>, vector<128x256xf32>
    tpu.vector_store %arg2[%swap3A_127, %swap3A_128], %transpose3A_126 {strides = array<i32>} : memref<6400x256xf32, #tpu.memory_space<vmem>>, vector<128x256xf32>,
    %slice3A_130 = vector.extract_strided_slice %reshape3A {offsets = [0, 22, 0], sizes = [256, 1, 128], strides = [1, 1, 1]} : vector<256x50x128xf32> to vector<256x1x128xf32>
    %squeeze3A_131 = vector.shape_cast %slice3A_130 : vector<256x1x128xf32> to vector<256x128xf32>
    %transpose3A_132 = tpu.transpose %squeeze3A_131, [1, 0] : vector<256x128xf32> -> vector<128x256xf32>
    %swap3A_133 = arith.constant 2816 : index
    %swap3A_134 = arith.constant 0 : index
    %swap3A_135 = vector.load %arg2[%swap3A_133, %swap3A_134] : memref<6400x256xf32, #tpu.memory_space<vmem>>, vector<128x256xf32>
    tpu.vector_store %arg2[%swap3A_133, %swap3A_134], %transpose3A_132 {strides = array<i32>} : memref<6400x256xf32, #tpu.memory_space<vmem>>, vector<128x256xf32>,
    %slice3A_136 = vector.extract_strided_slice %reshape3A {offsets = [0, 23, 0], sizes = [256, 1, 128], strides = [1, 1, 1]} : vector<256x50x128xf32> to vector<256x1x128xf32>
    %squeeze3A_137 = vector.shape_cast %slice3A_136 : vector<256x1x128xf32> to vector<256x128xf32>
    %transpose3A_138 = tpu.transpose %squeeze3A_137, [1, 0] : vector<256x128xf32> -> vector<128x256xf32>
    %swap3A_139 = arith.constant 2944 : index
    %swap3A_140 = arith.constant 0 : index
    %swap3A_141 = vector.load %arg2[%swap3A_139, %swap3A_140] : memref<6400x256xf32, #tpu.memory_space<vmem>>, vector<128x256xf32>
    tpu.vector_store %arg2[%swap3A_139, %swap3A_140], %transpose3A_138 {strides = array<i32>} : memref<6400x256xf32, #tpu.memory_space<vmem>>, vector<128x256xf32>,
    %slice3A_142 = vector.extract_strided_slice %reshape3A {offsets = [0, 24, 0], sizes = [256, 1, 128], strides = [1, 1, 1]} : vector<256x50x128xf32> to vector<256x1x128xf32>
    %squeeze3A_143 = vector.shape_cast %slice3A_142 : vector<256x1x128xf32> to vector<256x128xf32>
    %transpose3A_144 = tpu.transpose %squeeze3A_143, [1, 0] : vector<256x128xf32> -> vector<128x256xf32>
    %swap3A_145 = arith.constant 3072 : index
    %swap3A_146 = arith.constant 0 : index
    %swap3A_147 = vector.load %arg2[%swap3A_145, %swap3A_146] : memref<6400x256xf32, #tpu.memory_space<vmem>>, vector<128x256xf32>
    tpu.vector_store %arg2[%swap3A_145, %swap3A_146], %transpose3A_144 {strides = array<i32>} : memref<6400x256xf32, #tpu.memory_space<vmem>>, vector<128x256xf32>,
    %slice3A_148 = vector.extract_strided_slice %reshape3A {offsets = [0, 25, 0], sizes = [256, 1, 128], strides = [1, 1, 1]} : vector<256x50x128xf32> to vector<256x1x128xf32>
    %squeeze3A_149 = vector.shape_cast %slice3A_148 : vector<256x1x128xf32> to vector<256x128xf32>
    %transpose3A_150 = tpu.transpose %squeeze3A_149, [1, 0] : vector<256x128xf32> -> vector<128x256xf32>
    %swap3A_151 = arith.constant 3200 : index
    %swap3A_152 = arith.constant 0 : index
    %swap3A_153 = vector.load %arg2[%swap3A_151, %swap3A_152] : memref<6400x256xf32, #tpu.memory_space<vmem>>, vector<128x256xf32>
    tpu.vector_store %arg2[%swap3A_151, %swap3A_152], %transpose3A_150 {strides = array<i32>} : memref<6400x256xf32, #tpu.memory_space<vmem>>, vector<128x256xf32>,
    %slice3A_154 = vector.extract_strided_slice %reshape3A {offsets = [0, 26, 0], sizes = [256, 1, 128], strides = [1, 1, 1]} : vector<256x50x128xf32> to vector<256x1x128xf32>
    %squeeze3A_155 = vector.shape_cast %slice3A_154 : vector<256x1x128xf32> to vector<256x128xf32>
    %transpose3A_156 = tpu.transpose %squeeze3A_155, [1, 0] : vector<256x128xf32> -> vector<128x256xf32>
    %swap3A_157 = arith.constant 3328 : index
    %swap3A_158 = arith.constant 0 : index
    %swap3A_159 = vector.load %arg2[%swap3A_157, %swap3A_158] : memref<6400x256xf32, #tpu.memory_space<vmem>>, vector<128x256xf32>
    tpu.vector_store %arg2[%swap3A_157, %swap3A_158], %transpose3A_156 {strides = array<i32>} : memref<6400x256xf32, #tpu.memory_space<vmem>>, vector<128x256xf32>,
    %slice3A_160 = vector.extract_strided_slice %reshape3A {offsets = [0, 27, 0], sizes = [256, 1, 128], strides = [1, 1, 1]} : vector<256x50x128xf32> to vector<256x1x128xf32>
    %squeeze3A_161 = vector.shape_cast %slice3A_160 : vector<256x1x128xf32> to vector<256x128xf32>
    %transpose3A_162 = tpu.transpose %squeeze3A_161, [1, 0] : vector<256x128xf32> -> vector<128x256xf32>
    %swap3A_163 = arith.constant 3456 : index
    %swap3A_164 = arith.constant 0 : index
    %swap3A_165 = vector.load %arg2[%swap3A_163, %swap3A_164] : memref<6400x256xf32, #tpu.memory_space<vmem>>, vector<128x256xf32>
    tpu.vector_store %arg2[%swap3A_163, %swap3A_164], %transpose3A_162 {strides = array<i32>} : memref<6400x256xf32, #tpu.memory_space<vmem>>, vector<128x256xf32>,
    %slice3A_166 = vector.extract_strided_slice %reshape3A {offsets = [0, 28, 0], sizes = [256, 1, 128], strides = [1, 1, 1]} : vector<256x50x128xf32> to vector<256x1x128xf32>
    %squeeze3A_167 = vector.shape_cast %slice3A_166 : vector<256x1x128xf32> to vector<256x128xf32>
    %transpose3A_168 = tpu.transpose %squeeze3A_167, [1, 0] : vector<256x128xf32> -> vector<128x256xf32>
    %swap3A_169 = arith.constant 3584 : index
    %swap3A_170 = arith.constant 0 : index
    %swap3A_171 = vector.load %arg2[%swap3A_169, %swap3A_170] : memref<6400x256xf32, #tpu.memory_space<vmem>>, vector<128x256xf32>
    tpu.vector_store %arg2[%swap3A_169, %swap3A_170], %transpose3A_168 {strides = array<i32>} : memref<6400x256xf32, #tpu.memory_space<vmem>>, vector<128x256xf32>,
    %slice3A_172 = vector.extract_strided_slice %reshape3A {offsets = [0, 29, 0], sizes = [256, 1, 128], strides = [1, 1, 1]} : vector<256x50x128xf32> to vector<256x1x128xf32>
    %squeeze3A_173 = vector.shape_cast %slice3A_172 : vector<256x1x128xf32> to vector<256x128xf32>
    %transpose3A_174 = tpu.transpose %squeeze3A_173, [1, 0] : vector<256x128xf32> -> vector<128x256xf32>
    %swap3A_175 = arith.constant 3712 : index
    %swap3A_176 = arith.constant 0 : index
    %swap3A_177 = vector.load %arg2[%swap3A_175, %swap3A_176] : memref<6400x256xf32, #tpu.memory_space<vmem>>, vector<128x256xf32>
    tpu.vector_store %arg2[%swap3A_175, %swap3A_176], %transpose3A_174 {strides = array<i32>} : memref<6400x256xf32, #tpu.memory_space<vmem>>, vector<128x256xf32>,
    %slice3A_178 = vector.extract_strided_slice %reshape3A {offsets = [0, 30, 0], sizes = [256, 1, 128], strides = [1, 1, 1]} : vector<256x50x128xf32> to vector<256x1x128xf32>
    %squeeze3A_179 = vector.shape_cast %slice3A_178 : vector<256x1x128xf32> to vector<256x128xf32>
    %transpose3A_180 = tpu.transpose %squeeze3A_179, [1, 0] : vector<256x128xf32> -> vector<128x256xf32>
    %swap3A_181 = arith.constant 3840 : index
    %swap3A_182 = arith.constant 0 : index
    %swap3A_183 = vector.load %arg2[%swap3A_181, %swap3A_182] : memref<6400x256xf32, #tpu.memory_space<vmem>>, vector<128x256xf32>
    tpu.vector_store %arg2[%swap3A_181, %swap3A_182], %transpose3A_180 {strides = array<i32>} : memref<6400x256xf32, #tpu.memory_space<vmem>>, vector<128x256xf32>,
    %slice3A_184 = vector.extract_strided_slice %reshape3A {offsets = [0, 31, 0], sizes = [256, 1, 128], strides = [1, 1, 1]} : vector<256x50x128xf32> to vector<256x1x128xf32>
    %squeeze3A_185 = vector.shape_cast %slice3A_184 : vector<256x1x128xf32> to vector<256x128xf32>
    %transpose3A_186 = tpu.transpose %squeeze3A_185, [1, 0] : vector<256x128xf32> -> vector<128x256xf32>
    %swap3A_187 = arith.constant 3968 : index
    %swap3A_188 = arith.constant 0 : index
    %swap3A_189 = vector.load %arg2[%swap3A_187, %swap3A_188] : memref<6400x256xf32, #tpu.memory_space<vmem>>, vector<128x256xf32>
    tpu.vector_store %arg2[%swap3A_187, %swap3A_188], %transpose3A_186 {strides = array<i32>} : memref<6400x256xf32, #tpu.memory_space<vmem>>, vector<128x256xf32>,
    %slice3A_190 = vector.extract_strided_slice %reshape3A {offsets = [0, 32, 0], sizes = [256, 1, 128], strides = [1, 1, 1]} : vector<256x50x128xf32> to vector<256x1x128xf32>
    %squeeze3A_191 = vector.shape_cast %slice3A_190 : vector<256x1x128xf32> to vector<256x128xf32>
    %transpose3A_192 = tpu.transpose %squeeze3A_191, [1, 0] : vector<256x128xf32> -> vector<128x256xf32>
    %swap3A_193 = arith.constant 4096 : index
    %swap3A_194 = arith.constant 0 : index
    %swap3A_195 = vector.load %arg2[%swap3A_193, %swap3A_194] : memref<6400x256xf32, #tpu.memory_space<vmem>>, vector<128x256xf32>
    tpu.vector_store %arg2[%swap3A_193, %swap3A_194], %transpose3A_192 {strides = array<i32>} : memref<6400x256xf32, #tpu.memory_space<vmem>>, vector<128x256xf32>,
    %slice3A_196 = vector.extract_strided_slice %reshape3A {offsets = [0, 33, 0], sizes = [256, 1, 128], strides = [1, 1, 1]} : vector<256x50x128xf32> to vector<256x1x128xf32>
    %squeeze3A_197 = vector.shape_cast %slice3A_196 : vector<256x1x128xf32> to vector<256x128xf32>
    %transpose3A_198 = tpu.transpose %squeeze3A_197, [1, 0] : vector<256x128xf32> -> vector<128x256xf32>
    %swap3A_199 = arith.constant 4224 : index
    %swap3A_200 = arith.constant 0 : index
    %swap3A_201 = vector.load %arg2[%swap3A_199, %swap3A_200] : memref<6400x256xf32, #tpu.memory_space<vmem>>, vector<128x256xf32>
    tpu.vector_store %arg2[%swap3A_199, %swap3A_200], %transpose3A_198 {strides = array<i32>} : memref<6400x256xf32, #tpu.memory_space<vmem>>, vector<128x256xf32>,
    %slice3A_202 = vector.extract_strided_slice %reshape3A {offsets = [0, 34, 0], sizes = [256, 1, 128], strides = [1, 1, 1]} : vector<256x50x128xf32> to vector<256x1x128xf32>
    %squeeze3A_203 = vector.shape_cast %slice3A_202 : vector<256x1x128xf32> to vector<256x128xf32>
    %transpose3A_204 = tpu.transpose %squeeze3A_203, [1, 0] : vector<256x128xf32> -> vector<128x256xf32>
    %swap3A_205 = arith.constant 4352 : index
    %swap3A_206 = arith.constant 0 : index
    %swap3A_207 = vector.load %arg2[%swap3A_205, %swap3A_206] : memref<6400x256xf32, #tpu.memory_space<vmem>>, vector<128x256xf32>
    tpu.vector_store %arg2[%swap3A_205, %swap3A_206], %transpose3A_204 {strides = array<i32>} : memref<6400x256xf32, #tpu.memory_space<vmem>>, vector<128x256xf32>,
    %slice3A_208 = vector.extract_strided_slice %reshape3A {offsets = [0, 35, 0], sizes = [256, 1, 128], strides = [1, 1, 1]} : vector<256x50x128xf32> to vector<256x1x128xf32>
    %squeeze3A_209 = vector.shape_cast %slice3A_208 : vector<256x1x128xf32> to vector<256x128xf32>
    %transpose3A_210 = tpu.transpose %squeeze3A_209, [1, 0] : vector<256x128xf32> -> vector<128x256xf32>
    %swap3A_211 = arith.constant 4480 : index
    %swap3A_212 = arith.constant 0 : index
    %swap3A_213 = vector.load %arg2[%swap3A_211, %swap3A_212] : memref<6400x256xf32, #tpu.memory_space<vmem>>, vector<128x256xf32>
    tpu.vector_store %arg2[%swap3A_211, %swap3A_212], %transpose3A_210 {strides = array<i32>} : memref<6400x256xf32, #tpu.memory_space<vmem>>, vector<128x256xf32>,
    %slice3A_214 = vector.extract_strided_slice %reshape3A {offsets = [0, 36, 0], sizes = [256, 1, 128], strides = [1, 1, 1]} : vector<256x50x128xf32> to vector<256x1x128xf32>
    %squeeze3A_215 = vector.shape_cast %slice3A_214 : vector<256x1x128xf32> to vector<256x128xf32>
    %transpose3A_216 = tpu.transpose %squeeze3A_215, [1, 0] : vector<256x128xf32> -> vector<128x256xf32>
    %swap3A_217 = arith.constant 4608 : index
    %swap3A_218 = arith.constant 0 : index
    %swap3A_219 = vector.load %arg2[%swap3A_217, %swap3A_218] : memref<6400x256xf32, #tpu.memory_space<vmem>>, vector<128x256xf32>
    tpu.vector_store %arg2[%swap3A_217, %swap3A_218], %transpose3A_216 {strides = array<i32>} : memref<6400x256xf32, #tpu.memory_space<vmem>>, vector<128x256xf32>,
    %slice3A_220 = vector.extract_strided_slice %reshape3A {offsets = [0, 37, 0], sizes = [256, 1, 128], strides = [1, 1, 1]} : vector<256x50x128xf32> to vector<256x1x128xf32>
    %squeeze3A_221 = vector.shape_cast %slice3A_220 : vector<256x1x128xf32> to vector<256x128xf32>
    %transpose3A_222 = tpu.transpose %squeeze3A_221, [1, 0] : vector<256x128xf32> -> vector<128x256xf32>
    %swap3A_223 = arith.constant 4736 : index
    %swap3A_224 = arith.constant 0 : index
    %swap3A_225 = vector.load %arg2[%swap3A_223, %swap3A_224] : memref<6400x256xf32, #tpu.memory_space<vmem>>, vector<128x256xf32>
    tpu.vector_store %arg2[%swap3A_223, %swap3A_224], %transpose3A_222 {strides = array<i32>} : memref<6400x256xf32, #tpu.memory_space<vmem>>, vector<128x256xf32>,
    %slice3A_226 = vector.extract_strided_slice %reshape3A {offsets = [0, 38, 0], sizes = [256, 1, 128], strides = [1, 1, 1]} : vector<256x50x128xf32> to vector<256x1x128xf32>
    %squeeze3A_227 = vector.shape_cast %slice3A_226 : vector<256x1x128xf32> to vector<256x128xf32>
    %transpose3A_228 = tpu.transpose %squeeze3A_227, [1, 0] : vector<256x128xf32> -> vector<128x256xf32>
    %swap3A_229 = arith.constant 4864 : index
    %swap3A_230 = arith.constant 0 : index
    %swap3A_231 = vector.load %arg2[%swap3A_229, %swap3A_230] : memref<6400x256xf32, #tpu.memory_space<vmem>>, vector<128x256xf32>
    tpu.vector_store %arg2[%swap3A_229, %swap3A_230], %transpose3A_228 {strides = array<i32>} : memref<6400x256xf32, #tpu.memory_space<vmem>>, vector<128x256xf32>,
    %slice3A_232 = vector.extract_strided_slice %reshape3A {offsets = [0, 39, 0], sizes = [256, 1, 128], strides = [1, 1, 1]} : vector<256x50x128xf32> to vector<256x1x128xf32>
    %squeeze3A_233 = vector.shape_cast %slice3A_232 : vector<256x1x128xf32> to vector<256x128xf32>
    %transpose3A_234 = tpu.transpose %squeeze3A_233, [1, 0] : vector<256x128xf32> -> vector<128x256xf32>
    %swap3A_235 = arith.constant 4992 : index
    %swap3A_236 = arith.constant 0 : index
    %swap3A_237 = vector.load %arg2[%swap3A_235, %swap3A_236] : memref<6400x256xf32, #tpu.memory_space<vmem>>, vector<128x256xf32>
    tpu.vector_store %arg2[%swap3A_235, %swap3A_236], %transpose3A_234 {strides = array<i32>} : memref<6400x256xf32, #tpu.memory_space<vmem>>, vector<128x256xf32>,
    %slice3A_238 = vector.extract_strided_slice %reshape3A {offsets = [0, 40, 0], sizes = [256, 1, 128], strides = [1, 1, 1]} : vector<256x50x128xf32> to vector<256x1x128xf32>
    %squeeze3A_239 = vector.shape_cast %slice3A_238 : vector<256x1x128xf32> to vector<256x128xf32>
    %transpose3A_240 = tpu.transpose %squeeze3A_239, [1, 0] : vector<256x128xf32> -> vector<128x256xf32>
    %swap3A_241 = arith.constant 5120 : index
    %swap3A_242 = arith.constant 0 : index
    %swap3A_243 = vector.load %arg2[%swap3A_241, %swap3A_242] : memref<6400x256xf32, #tpu.memory_space<vmem>>, vector<128x256xf32>
    tpu.vector_store %arg2[%swap3A_241, %swap3A_242], %transpose3A_240 {strides = array<i32>} : memref<6400x256xf32, #tpu.memory_space<vmem>>, vector<128x256xf32>,
    %slice3A_244 = vector.extract_strided_slice %reshape3A {offsets = [0, 41, 0], sizes = [256, 1, 128], strides = [1, 1, 1]} : vector<256x50x128xf32> to vector<256x1x128xf32>
    %squeeze3A_245 = vector.shape_cast %slice3A_244 : vector<256x1x128xf32> to vector<256x128xf32>
    %transpose3A_246 = tpu.transpose %squeeze3A_245, [1, 0] : vector<256x128xf32> -> vector<128x256xf32>
    %swap3A_247 = arith.constant 5248 : index
    %swap3A_248 = arith.constant 0 : index
    %swap3A_249 = vector.load %arg2[%swap3A_247, %swap3A_248] : memref<6400x256xf32, #tpu.memory_space<vmem>>, vector<128x256xf32>
    tpu.vector_store %arg2[%swap3A_247, %swap3A_248], %transpose3A_246 {strides = array<i32>} : memref<6400x256xf32, #tpu.memory_space<vmem>>, vector<128x256xf32>,
    %slice3A_250 = vector.extract_strided_slice %reshape3A {offsets = [0, 42, 0], sizes = [256, 1, 128], strides = [1, 1, 1]} : vector<256x50x128xf32> to vector<256x1x128xf32>
    %squeeze3A_251 = vector.shape_cast %slice3A_250 : vector<256x1x128xf32> to vector<256x128xf32>
    %transpose3A_252 = tpu.transpose %squeeze3A_251, [1, 0] : vector<256x128xf32> -> vector<128x256xf32>
    %swap3A_253 = arith.constant 5376 : index
    %swap3A_254 = arith.constant 0 : index
    %swap3A_255 = vector.load %arg2[%swap3A_253, %swap3A_254] : memref<6400x256xf32, #tpu.memory_space<vmem>>, vector<128x256xf32>
    tpu.vector_store %arg2[%swap3A_253, %swap3A_254], %transpose3A_252 {strides = array<i32>} : memref<6400x256xf32, #tpu.memory_space<vmem>>, vector<128x256xf32>,
    %slice3A_256 = vector.extract_strided_slice %reshape3A {offsets = [0, 43, 0], sizes = [256, 1, 128], strides = [1, 1, 1]} : vector<256x50x128xf32> to vector<256x1x128xf32>
    %squeeze3A_257 = vector.shape_cast %slice3A_256 : vector<256x1x128xf32> to vector<256x128xf32>
    %transpose3A_258 = tpu.transpose %squeeze3A_257, [1, 0] : vector<256x128xf32> -> vector<128x256xf32>
    %swap3A_259 = arith.constant 5504 : index
    %swap3A_260 = arith.constant 0 : index
    %swap3A_261 = vector.load %arg2[%swap3A_259, %swap3A_260] : memref<6400x256xf32, #tpu.memory_space<vmem>>, vector<128x256xf32>
    tpu.vector_store %arg2[%swap3A_259, %swap3A_260], %transpose3A_258 {strides = array<i32>} : memref<6400x256xf32, #tpu.memory_space<vmem>>, vector<128x256xf32>,
    %slice3A_262 = vector.extract_strided_slice %reshape3A {offsets = [0, 44, 0], sizes = [256, 1, 128], strides = [1, 1, 1]} : vector<256x50x128xf32> to vector<256x1x128xf32>
    %squeeze3A_263 = vector.shape_cast %slice3A_262 : vector<256x1x128xf32> to vector<256x128xf32>
    %transpose3A_264 = tpu.transpose %squeeze3A_263, [1, 0] : vector<256x128xf32> -> vector<128x256xf32>
    %swap3A_265 = arith.constant 5632 : index
    %swap3A_266 = arith.constant 0 : index
    %swap3A_267 = vector.load %arg2[%swap3A_265, %swap3A_266] : memref<6400x256xf32, #tpu.memory_space<vmem>>, vector<128x256xf32>
    tpu.vector_store %arg2[%swap3A_265, %swap3A_266], %transpose3A_264 {strides = array<i32>} : memref<6400x256xf32, #tpu.memory_space<vmem>>, vector<128x256xf32>,
    %slice3A_268 = vector.extract_strided_slice %reshape3A {offsets = [0, 45, 0], sizes = [256, 1, 128], strides = [1, 1, 1]} : vector<256x50x128xf32> to vector<256x1x128xf32>
    %squeeze3A_269 = vector.shape_cast %slice3A_268 : vector<256x1x128xf32> to vector<256x128xf32>
    %transpose3A_270 = tpu.transpose %squeeze3A_269, [1, 0] : vector<256x128xf32> -> vector<128x256xf32>
    %swap3A_271 = arith.constant 5760 : index
    %swap3A_272 = arith.constant 0 : index
    %swap3A_273 = vector.load %arg2[%swap3A_271, %swap3A_272] : memref<6400x256xf32, #tpu.memory_space<vmem>>, vector<128x256xf32>
    tpu.vector_store %arg2[%swap3A_271, %swap3A_272], %transpose3A_270 {strides = array<i32>} : memref<6400x256xf32, #tpu.memory_space<vmem>>, vector<128x256xf32>,
    %slice3A_274 = vector.extract_strided_slice %reshape3A {offsets = [0, 46, 0], sizes = [256, 1, 128], strides = [1, 1, 1]} : vector<256x50x128xf32> to vector<256x1x128xf32>
    %squeeze3A_275 = vector.shape_cast %slice3A_274 : vector<256x1x128xf32> to vector<256x128xf32>
    %transpose3A_276 = tpu.transpose %squeeze3A_275, [1, 0] : vector<256x128xf32> -> vector<128x256xf32>
    %swap3A_277 = arith.constant 5888 : index
    %swap3A_278 = arith.constant 0 : index
    %swap3A_279 = vector.load %arg2[%swap3A_277, %swap3A_278] : memref<6400x256xf32, #tpu.memory_space<vmem>>, vector<128x256xf32>
    tpu.vector_store %arg2[%swap3A_277, %swap3A_278], %transpose3A_276 {strides = array<i32>} : memref<6400x256xf32, #tpu.memory_space<vmem>>, vector<128x256xf32>,
    %slice3A_280 = vector.extract_strided_slice %reshape3A {offsets = [0, 47, 0], sizes = [256, 1, 128], strides = [1, 1, 1]} : vector<256x50x128xf32> to vector<256x1x128xf32>
    %squeeze3A_281 = vector.shape_cast %slice3A_280 : vector<256x1x128xf32> to vector<256x128xf32>
    %transpose3A_282 = tpu.transpose %squeeze3A_281, [1, 0] : vector<256x128xf32> -> vector<128x256xf32>
    %swap3A_283 = arith.constant 6016 : index
    %swap3A_284 = arith.constant 0 : index
    %swap3A_285 = vector.load %arg2[%swap3A_283, %swap3A_284] : memref<6400x256xf32, #tpu.memory_space<vmem>>, vector<128x256xf32>
    tpu.vector_store %arg2[%swap3A_283, %swap3A_284], %transpose3A_282 {strides = array<i32>} : memref<6400x256xf32, #tpu.memory_space<vmem>>, vector<128x256xf32>,
    %slice3A_286 = vector.extract_strided_slice %reshape3A {offsets = [0, 48, 0], sizes = [256, 1, 128], strides = [1, 1, 1]} : vector<256x50x128xf32> to vector<256x1x128xf32>
    %squeeze3A_287 = vector.shape_cast %slice3A_286 : vector<256x1x128xf32> to vector<256x128xf32>
    %transpose3A_288 = tpu.transpose %squeeze3A_287, [1, 0] : vector<256x128xf32> -> vector<128x256xf32>
    %swap3A_289 = arith.constant 6144 : index
    %swap3A_290 = arith.constant 0 : index
    %swap3A_291 = vector.load %arg2[%swap3A_289, %swap3A_290] : memref<6400x256xf32, #tpu.memory_space<vmem>>, vector<128x256xf32>
    tpu.vector_store %arg2[%swap3A_289, %swap3A_290], %transpose3A_288 {strides = array<i32>} : memref<6400x256xf32, #tpu.memory_space<vmem>>, vector<128x256xf32>,
    %slice3A_292 = vector.extract_strided_slice %reshape3A {offsets = [0, 49, 0], sizes = [256, 1, 128], strides = [1, 1, 1]} : vector<256x50x128xf32> to vector<256x1x128xf32>
    %squeeze3A_293 = vector.shape_cast %slice3A_292 : vector<256x1x128xf32> to vector<256x128xf32>
    %transpose3A_294 = tpu.transpose %squeeze3A_293, [1, 0] : vector<256x128xf32> -> vector<128x256xf32>
    %swap3A_295 = arith.constant 6272 : index
    %swap3A_296 = arith.constant 0 : index
    %swap3A_297 = vector.load %arg2[%swap3A_295, %swap3A_296] : memref<6400x256xf32, #tpu.memory_space<vmem>>, vector<128x256xf32>
    tpu.vector_store %arg2[%swap3A_295, %swap3A_296], %transpose3A_294 {strides = array<i32>} : memref<6400x256xf32, #tpu.memory_space<vmem>>, vector<128x256xf32>,
    return
  }
  func.func @transform_0(%arg0: i32) -> (i32, i32) {
    %c0_i32 = arith.constant 0 : i32
    %c0_i32_0 = arith.constant 0 : i32
    return %arg0, %c0_i32 : i32, i32
  }
  func.func @transform_1(%arg0: i32) -> (i32, i32) {
    %c0_i32 = arith.constant 0 : i32
    %c0_i32_0 = arith.constant 0 : i32
    return %c0_i32, %arg0 : i32, i32
  }
}

module attributes {stable_mosaic.version = 14 : i64} {
  func.func @body(%arg0: i32, %arg1: memref<6400x128xf32, #tpu.memory_space<vmem>>, %arg2: memref<3200x256xf32, #tpu.memory_space<vmem>>) attributes {dimension_semantics = [#tpu.dimension_semantics<arbitrary>], iteration_bounds = array<i64: 16>, scalar_prefetch = 0 : i64, scratch_operands = 0 : i64, tpu.core_type = #tpu.core_type<tc>, window_params = [{transform_indices = @transform_0, window_bounds = array<i64: 6400, 128>}, {transform_indices = @transform_1, window_bounds = array<i64: 3200, 256>}]} {
    %get3A = arith.constant 0 : index
    %get3A_0 = arith.constant 0 : index
    %get3A_1 = vector.load %arg1[%get3A, %get3A_0] : memref<6400x128xf32, #tpu.memory_space<vmem>>, vector<6400x128xf32>
    %reshape3A = vector.shape_cast %get3A_1 : vector<6400x128xf32> to vector<256x25x128xf32>
    %slice3A = vector.extract_strided_slice %reshape3A {offsets = [0, 0, 0], sizes = [256, 1, 128], strides = [1, 1, 1]} : vector<256x25x128xf32> to vector<256x1x128xf32>
    %squeeze3A = vector.shape_cast %slice3A : vector<256x1x128xf32> to vector<256x128xf32>
    %transpose3A = tpu.transpose %squeeze3A, [1, 0] : vector<256x128xf32> -> vector<128x256xf32>
    %swap3A = arith.constant 0 : index
    %swap3A_2 = arith.constant 0 : index
    %swap3A_3 = vector.load %arg2[%swap3A, %swap3A_2] : memref<3200x256xf32, #tpu.memory_space<vmem>>, vector<128x256xf32>
    tpu.vector_store %arg2[%swap3A, %swap3A_2], %transpose3A {strides = array<i32>} : memref<3200x256xf32, #tpu.memory_space<vmem>>, vector<128x256xf32>,
    %slice3A_4 = vector.extract_strided_slice %reshape3A {offsets = [0, 1, 0], sizes = [256, 1, 128], strides = [1, 1, 1]} : vector<256x25x128xf32> to vector<256x1x128xf32>
    %squeeze3A_5 = vector.shape_cast %slice3A_4 : vector<256x1x128xf32> to vector<256x128xf32>
    %transpose3A_6 = tpu.transpose %squeeze3A_5, [1, 0] : vector<256x128xf32> -> vector<128x256xf32>
    %swap3A_7 = arith.constant 128 : index
    %swap3A_8 = arith.constant 0 : index
    %swap3A_9 = vector.load %arg2[%swap3A_7, %swap3A_8] : memref<3200x256xf32, #tpu.memory_space<vmem>>, vector<128x256xf32>
    tpu.vector_store %arg2[%swap3A_7, %swap3A_8], %transpose3A_6 {strides = array<i32>} : memref<3200x256xf32, #tpu.memory_space<vmem>>, vector<128x256xf32>,
    %slice3A_10 = vector.extract_strided_slice %reshape3A {offsets = [0, 2, 0], sizes = [256, 1, 128], strides = [1, 1, 1]} : vector<256x25x128xf32> to vector<256x1x128xf32>
    %squeeze3A_11 = vector.shape_cast %slice3A_10 : vector<256x1x128xf32> to vector<256x128xf32>
    %transpose3A_12 = tpu.transpose %squeeze3A_11, [1, 0] : vector<256x128xf32> -> vector<128x256xf32>
    %swap3A_13 = arith.constant 256 : index
    %swap3A_14 = arith.constant 0 : index
    %swap3A_15 = vector.load %arg2[%swap3A_13, %swap3A_14] : memref<3200x256xf32, #tpu.memory_space<vmem>>, vector<128x256xf32>
    tpu.vector_store %arg2[%swap3A_13, %swap3A_14], %transpose3A_12 {strides = array<i32>} : memref<3200x256xf32, #tpu.memory_space<vmem>>, vector<128x256xf32>,
    %slice3A_16 = vector.extract_strided_slice %reshape3A {offsets = [0, 3, 0], sizes = [256, 1, 128], strides = [1, 1, 1]} : vector<256x25x128xf32> to vector<256x1x128xf32>
    %squeeze3A_17 = vector.shape_cast %slice3A_16 : vector<256x1x128xf32> to vector<256x128xf32>
    %transpose3A_18 = tpu.transpose %squeeze3A_17, [1, 0] : vector<256x128xf32> -> vector<128x256xf32>
    %swap3A_19 = arith.constant 384 : index
    %swap3A_20 = arith.constant 0 : index
    %swap3A_21 = vector.load %arg2[%swap3A_19, %swap3A_20] : memref<3200x256xf32, #tpu.memory_space<vmem>>, vector<128x256xf32>
    tpu.vector_store %arg2[%swap3A_19, %swap3A_20], %transpose3A_18 {strides = array<i32>} : memref<3200x256xf32, #tpu.memory_space<vmem>>, vector<128x256xf32>,
    %slice3A_22 = vector.extract_strided_slice %reshape3A {offsets = [0, 4, 0], sizes = [256, 1, 128], strides = [1, 1, 1]} : vector<256x25x128xf32> to vector<256x1x128xf32>
    %squeeze3A_23 = vector.shape_cast %slice3A_22 : vector<256x1x128xf32> to vector<256x128xf32>
    %transpose3A_24 = tpu.transpose %squeeze3A_23, [1, 0] : vector<256x128xf32> -> vector<128x256xf32>
    %swap3A_25 = arith.constant 512 : index
    %swap3A_26 = arith.constant 0 : index
    %swap3A_27 = vector.load %arg2[%swap3A_25, %swap3A_26] : memref<3200x256xf32, #tpu.memory_space<vmem>>, vector<128x256xf32>
    tpu.vector_store %arg2[%swap3A_25, %swap3A_26], %transpose3A_24 {strides = array<i32>} : memref<3200x256xf32, #tpu.memory_space<vmem>>, vector<128x256xf32>,
    %slice3A_28 = vector.extract_strided_slice %reshape3A {offsets = [0, 5, 0], sizes = [256, 1, 128], strides = [1, 1, 1]} : vector<256x25x128xf32> to vector<256x1x128xf32>
    %squeeze3A_29 = vector.shape_cast %slice3A_28 : vector<256x1x128xf32> to vector<256x128xf32>
    %transpose3A_30 = tpu.transpose %squeeze3A_29, [1, 0] : vector<256x128xf32> -> vector<128x256xf32>
    %swap3A_31 = arith.constant 640 : index
    %swap3A_32 = arith.constant 0 : index
    %swap3A_33 = vector.load %arg2[%swap3A_31, %swap3A_32] : memref<3200x256xf32, #tpu.memory_space<vmem>>, vector<128x256xf32>
    tpu.vector_store %arg2[%swap3A_31, %swap3A_32], %transpose3A_30 {strides = array<i32>} : memref<3200x256xf32, #tpu.memory_space<vmem>>, vector<128x256xf32>,
    %slice3A_34 = vector.extract_strided_slice %reshape3A {offsets = [0, 6, 0], sizes = [256, 1, 128], strides = [1, 1, 1]} : vector<256x25x128xf32> to vector<256x1x128xf32>
    %squeeze3A_35 = vector.shape_cast %slice3A_34 : vector<256x1x128xf32> to vector<256x128xf32>
    %transpose3A_36 = tpu.transpose %squeeze3A_35, [1, 0] : vector<256x128xf32> -> vector<128x256xf32>
    %swap3A_37 = arith.constant 768 : index
    %swap3A_38 = arith.constant 0 : index
    %swap3A_39 = vector.load %arg2[%swap3A_37, %swap3A_38] : memref<3200x256xf32, #tpu.memory_space<vmem>>, vector<128x256xf32>
    tpu.vector_store %arg2[%swap3A_37, %swap3A_38], %transpose3A_36 {strides = array<i32>} : memref<3200x256xf32, #tpu.memory_space<vmem>>, vector<128x256xf32>,
    %slice3A_40 = vector.extract_strided_slice %reshape3A {offsets = [0, 7, 0], sizes = [256, 1, 128], strides = [1, 1, 1]} : vector<256x25x128xf32> to vector<256x1x128xf32>
    %squeeze3A_41 = vector.shape_cast %slice3A_40 : vector<256x1x128xf32> to vector<256x128xf32>
    %transpose3A_42 = tpu.transpose %squeeze3A_41, [1, 0] : vector<256x128xf32> -> vector<128x256xf32>
    %swap3A_43 = arith.constant 896 : index
    %swap3A_44 = arith.constant 0 : index
    %swap3A_45 = vector.load %arg2[%swap3A_43, %swap3A_44] : memref<3200x256xf32, #tpu.memory_space<vmem>>, vector<128x256xf32>
    tpu.vector_store %arg2[%swap3A_43, %swap3A_44], %transpose3A_42 {strides = array<i32>} : memref<3200x256xf32, #tpu.memory_space<vmem>>, vector<128x256xf32>,
    %slice3A_46 = vector.extract_strided_slice %reshape3A {offsets = [0, 8, 0], sizes = [256, 1, 128], strides = [1, 1, 1]} : vector<256x25x128xf32> to vector<256x1x128xf32>
    %squeeze3A_47 = vector.shape_cast %slice3A_46 : vector<256x1x128xf32> to vector<256x128xf32>
    %transpose3A_48 = tpu.transpose %squeeze3A_47, [1, 0] : vector<256x128xf32> -> vector<128x256xf32>
    %swap3A_49 = arith.constant 1024 : index
    %swap3A_50 = arith.constant 0 : index
    %swap3A_51 = vector.load %arg2[%swap3A_49, %swap3A_50] : memref<3200x256xf32, #tpu.memory_space<vmem>>, vector<128x256xf32>
    tpu.vector_store %arg2[%swap3A_49, %swap3A_50], %transpose3A_48 {strides = array<i32>} : memref<3200x256xf32, #tpu.memory_space<vmem>>, vector<128x256xf32>,
    %slice3A_52 = vector.extract_strided_slice %reshape3A {offsets = [0, 9, 0], sizes = [256, 1, 128], strides = [1, 1, 1]} : vector<256x25x128xf32> to vector<256x1x128xf32>
    %squeeze3A_53 = vector.shape_cast %slice3A_52 : vector<256x1x128xf32> to vector<256x128xf32>
    %transpose3A_54 = tpu.transpose %squeeze3A_53, [1, 0] : vector<256x128xf32> -> vector<128x256xf32>
    %swap3A_55 = arith.constant 1152 : index
    %swap3A_56 = arith.constant 0 : index
    %swap3A_57 = vector.load %arg2[%swap3A_55, %swap3A_56] : memref<3200x256xf32, #tpu.memory_space<vmem>>, vector<128x256xf32>
    tpu.vector_store %arg2[%swap3A_55, %swap3A_56], %transpose3A_54 {strides = array<i32>} : memref<3200x256xf32, #tpu.memory_space<vmem>>, vector<128x256xf32>,
    %slice3A_58 = vector.extract_strided_slice %reshape3A {offsets = [0, 10, 0], sizes = [256, 1, 128], strides = [1, 1, 1]} : vector<256x25x128xf32> to vector<256x1x128xf32>
    %squeeze3A_59 = vector.shape_cast %slice3A_58 : vector<256x1x128xf32> to vector<256x128xf32>
    %transpose3A_60 = tpu.transpose %squeeze3A_59, [1, 0] : vector<256x128xf32> -> vector<128x256xf32>
    %swap3A_61 = arith.constant 1280 : index
    %swap3A_62 = arith.constant 0 : index
    %swap3A_63 = vector.load %arg2[%swap3A_61, %swap3A_62] : memref<3200x256xf32, #tpu.memory_space<vmem>>, vector<128x256xf32>
    tpu.vector_store %arg2[%swap3A_61, %swap3A_62], %transpose3A_60 {strides = array<i32>} : memref<3200x256xf32, #tpu.memory_space<vmem>>, vector<128x256xf32>,
    %slice3A_64 = vector.extract_strided_slice %reshape3A {offsets = [0, 11, 0], sizes = [256, 1, 128], strides = [1, 1, 1]} : vector<256x25x128xf32> to vector<256x1x128xf32>
    %squeeze3A_65 = vector.shape_cast %slice3A_64 : vector<256x1x128xf32> to vector<256x128xf32>
    %transpose3A_66 = tpu.transpose %squeeze3A_65, [1, 0] : vector<256x128xf32> -> vector<128x256xf32>
    %swap3A_67 = arith.constant 1408 : index
    %swap3A_68 = arith.constant 0 : index
    %swap3A_69 = vector.load %arg2[%swap3A_67, %swap3A_68] : memref<3200x256xf32, #tpu.memory_space<vmem>>, vector<128x256xf32>
    tpu.vector_store %arg2[%swap3A_67, %swap3A_68], %transpose3A_66 {strides = array<i32>} : memref<3200x256xf32, #tpu.memory_space<vmem>>, vector<128x256xf32>,
    %slice3A_70 = vector.extract_strided_slice %reshape3A {offsets = [0, 12, 0], sizes = [256, 1, 128], strides = [1, 1, 1]} : vector<256x25x128xf32> to vector<256x1x128xf32>
    %squeeze3A_71 = vector.shape_cast %slice3A_70 : vector<256x1x128xf32> to vector<256x128xf32>
    %transpose3A_72 = tpu.transpose %squeeze3A_71, [1, 0] : vector<256x128xf32> -> vector<128x256xf32>
    %swap3A_73 = arith.constant 1536 : index
    %swap3A_74 = arith.constant 0 : index
    %swap3A_75 = vector.load %arg2[%swap3A_73, %swap3A_74] : memref<3200x256xf32, #tpu.memory_space<vmem>>, vector<128x256xf32>
    tpu.vector_store %arg2[%swap3A_73, %swap3A_74], %transpose3A_72 {strides = array<i32>} : memref<3200x256xf32, #tpu.memory_space<vmem>>, vector<128x256xf32>,
    %slice3A_76 = vector.extract_strided_slice %reshape3A {offsets = [0, 13, 0], sizes = [256, 1, 128], strides = [1, 1, 1]} : vector<256x25x128xf32> to vector<256x1x128xf32>
    %squeeze3A_77 = vector.shape_cast %slice3A_76 : vector<256x1x128xf32> to vector<256x128xf32>
    %transpose3A_78 = tpu.transpose %squeeze3A_77, [1, 0] : vector<256x128xf32> -> vector<128x256xf32>
    %swap3A_79 = arith.constant 1664 : index
    %swap3A_80 = arith.constant 0 : index
    %swap3A_81 = vector.load %arg2[%swap3A_79, %swap3A_80] : memref<3200x256xf32, #tpu.memory_space<vmem>>, vector<128x256xf32>
    tpu.vector_store %arg2[%swap3A_79, %swap3A_80], %transpose3A_78 {strides = array<i32>} : memref<3200x256xf32, #tpu.memory_space<vmem>>, vector<128x256xf32>,
    %slice3A_82 = vector.extract_strided_slice %reshape3A {offsets = [0, 14, 0], sizes = [256, 1, 128], strides = [1, 1, 1]} : vector<256x25x128xf32> to vector<256x1x128xf32>
    %squeeze3A_83 = vector.shape_cast %slice3A_82 : vector<256x1x128xf32> to vector<256x128xf32>
    %transpose3A_84 = tpu.transpose %squeeze3A_83, [1, 0] : vector<256x128xf32> -> vector<128x256xf32>
    %swap3A_85 = arith.constant 1792 : index
    %swap3A_86 = arith.constant 0 : index
    %swap3A_87 = vector.load %arg2[%swap3A_85, %swap3A_86] : memref<3200x256xf32, #tpu.memory_space<vmem>>, vector<128x256xf32>
    tpu.vector_store %arg2[%swap3A_85, %swap3A_86], %transpose3A_84 {strides = array<i32>} : memref<3200x256xf32, #tpu.memory_space<vmem>>, vector<128x256xf32>,
    %slice3A_88 = vector.extract_strided_slice %reshape3A {offsets = [0, 15, 0], sizes = [256, 1, 128], strides = [1, 1, 1]} : vector<256x25x128xf32> to vector<256x1x128xf32>
    %squeeze3A_89 = vector.shape_cast %slice3A_88 : vector<256x1x128xf32> to vector<256x128xf32>
    %transpose3A_90 = tpu.transpose %squeeze3A_89, [1, 0] : vector<256x128xf32> -> vector<128x256xf32>
    %swap3A_91 = arith.constant 1920 : index
    %swap3A_92 = arith.constant 0 : index
    %swap3A_93 = vector.load %arg2[%swap3A_91, %swap3A_92] : memref<3200x256xf32, #tpu.memory_space<vmem>>, vector<128x256xf32>
    tpu.vector_store %arg2[%swap3A_91, %swap3A_92], %transpose3A_90 {strides = array<i32>} : memref<3200x256xf32, #tpu.memory_space<vmem>>, vector<128x256xf32>,
    %slice3A_94 = vector.extract_strided_slice %reshape3A {offsets = [0, 16, 0], sizes = [256, 1, 128], strides = [1, 1, 1]} : vector<256x25x128xf32> to vector<256x1x128xf32>
    %squeeze3A_95 = vector.shape_cast %slice3A_94 : vector<256x1x128xf32> to vector<256x128xf32>
    %transpose3A_96 = tpu.transpose %squeeze3A_95, [1, 0] : vector<256x128xf32> -> vector<128x256xf32>
    %swap3A_97 = arith.constant 2048 : index
    %swap3A_98 = arith.constant 0 : index
    %swap3A_99 = vector.load %arg2[%swap3A_97, %swap3A_98] : memref<3200x256xf32, #tpu.memory_space<vmem>>, vector<128x256xf32>
    tpu.vector_store %arg2[%swap3A_97, %swap3A_98], %transpose3A_96 {strides = array<i32>} : memref<3200x256xf32, #tpu.memory_space<vmem>>, vector<128x256xf32>,
    %slice3A_100 = vector.extract_strided_slice %reshape3A {offsets = [0, 17, 0], sizes = [256, 1, 128], strides = [1, 1, 1]} : vector<256x25x128xf32> to vector<256x1x128xf32>
    %squeeze3A_101 = vector.shape_cast %slice3A_100 : vector<256x1x128xf32> to vector<256x128xf32>
    %transpose3A_102 = tpu.transpose %squeeze3A_101, [1, 0] : vector<256x128xf32> -> vector<128x256xf32>
    %swap3A_103 = arith.constant 2176 : index
    %swap3A_104 = arith.constant 0 : index
    %swap3A_105 = vector.load %arg2[%swap3A_103, %swap3A_104] : memref<3200x256xf32, #tpu.memory_space<vmem>>, vector<128x256xf32>
    tpu.vector_store %arg2[%swap3A_103, %swap3A_104], %transpose3A_102 {strides = array<i32>} : memref<3200x256xf32, #tpu.memory_space<vmem>>, vector<128x256xf32>,
    %slice3A_106 = vector.extract_strided_slice %reshape3A {offsets = [0, 18, 0], sizes = [256, 1, 128], strides = [1, 1, 1]} : vector<256x25x128xf32> to vector<256x1x128xf32>
    %squeeze3A_107 = vector.shape_cast %slice3A_106 : vector<256x1x128xf32> to vector<256x128xf32>
    %transpose3A_108 = tpu.transpose %squeeze3A_107, [1, 0] : vector<256x128xf32> -> vector<128x256xf32>
    %swap3A_109 = arith.constant 2304 : index
    %swap3A_110 = arith.constant 0 : index
    %swap3A_111 = vector.load %arg2[%swap3A_109, %swap3A_110] : memref<3200x256xf32, #tpu.memory_space<vmem>>, vector<128x256xf32>
    tpu.vector_store %arg2[%swap3A_109, %swap3A_110], %transpose3A_108 {strides = array<i32>} : memref<3200x256xf32, #tpu.memory_space<vmem>>, vector<128x256xf32>,
    %slice3A_112 = vector.extract_strided_slice %reshape3A {offsets = [0, 19, 0], sizes = [256, 1, 128], strides = [1, 1, 1]} : vector<256x25x128xf32> to vector<256x1x128xf32>
    %squeeze3A_113 = vector.shape_cast %slice3A_112 : vector<256x1x128xf32> to vector<256x128xf32>
    %transpose3A_114 = tpu.transpose %squeeze3A_113, [1, 0] : vector<256x128xf32> -> vector<128x256xf32>
    %swap3A_115 = arith.constant 2432 : index
    %swap3A_116 = arith.constant 0 : index
    %swap3A_117 = vector.load %arg2[%swap3A_115, %swap3A_116] : memref<3200x256xf32, #tpu.memory_space<vmem>>, vector<128x256xf32>
    tpu.vector_store %arg2[%swap3A_115, %swap3A_116], %transpose3A_114 {strides = array<i32>} : memref<3200x256xf32, #tpu.memory_space<vmem>>, vector<128x256xf32>,
    %slice3A_118 = vector.extract_strided_slice %reshape3A {offsets = [0, 20, 0], sizes = [256, 1, 128], strides = [1, 1, 1]} : vector<256x25x128xf32> to vector<256x1x128xf32>
    %squeeze3A_119 = vector.shape_cast %slice3A_118 : vector<256x1x128xf32> to vector<256x128xf32>
    %transpose3A_120 = tpu.transpose %squeeze3A_119, [1, 0] : vector<256x128xf32> -> vector<128x256xf32>
    %swap3A_121 = arith.constant 2560 : index
    %swap3A_122 = arith.constant 0 : index
    %swap3A_123 = vector.load %arg2[%swap3A_121, %swap3A_122] : memref<3200x256xf32, #tpu.memory_space<vmem>>, vector<128x256xf32>
    tpu.vector_store %arg2[%swap3A_121, %swap3A_122], %transpose3A_120 {strides = array<i32>} : memref<3200x256xf32, #tpu.memory_space<vmem>>, vector<128x256xf32>,
    %slice3A_124 = vector.extract_strided_slice %reshape3A {offsets = [0, 21, 0], sizes = [256, 1, 128], strides = [1, 1, 1]} : vector<256x25x128xf32> to vector<256x1x128xf32>
    %squeeze3A_125 = vector.shape_cast %slice3A_124 : vector<256x1x128xf32> to vector<256x128xf32>
    %transpose3A_126 = tpu.transpose %squeeze3A_125, [1, 0] : vector<256x128xf32> -> vector<128x256xf32>
    %swap3A_127 = arith.constant 2688 : index
    %swap3A_128 = arith.constant 0 : index
    %swap3A_129 = vector.load %arg2[%swap3A_127, %swap3A_128] : memref<3200x256xf32, #tpu.memory_space<vmem>>, vector<128x256xf32>
    tpu.vector_store %arg2[%swap3A_127, %swap3A_128], %transpose3A_126 {strides = array<i32>} : memref<3200x256xf32, #tpu.memory_space<vmem>>, vector<128x256xf32>,
    %slice3A_130 = vector.extract_strided_slice %reshape3A {offsets = [0, 22, 0], sizes = [256, 1, 128], strides = [1, 1, 1]} : vector<256x25x128xf32> to vector<256x1x128xf32>
    %squeeze3A_131 = vector.shape_cast %slice3A_130 : vector<256x1x128xf32> to vector<256x128xf32>
    %transpose3A_132 = tpu.transpose %squeeze3A_131, [1, 0] : vector<256x128xf32> -> vector<128x256xf32>
    %swap3A_133 = arith.constant 2816 : index
    %swap3A_134 = arith.constant 0 : index
    %swap3A_135 = vector.load %arg2[%swap3A_133, %swap3A_134] : memref<3200x256xf32, #tpu.memory_space<vmem>>, vector<128x256xf32>
    tpu.vector_store %arg2[%swap3A_133, %swap3A_134], %transpose3A_132 {strides = array<i32>} : memref<3200x256xf32, #tpu.memory_space<vmem>>, vector<128x256xf32>,
    %slice3A_136 = vector.extract_strided_slice %reshape3A {offsets = [0, 23, 0], sizes = [256, 1, 128], strides = [1, 1, 1]} : vector<256x25x128xf32> to vector<256x1x128xf32>
    %squeeze3A_137 = vector.shape_cast %slice3A_136 : vector<256x1x128xf32> to vector<256x128xf32>
    %transpose3A_138 = tpu.transpose %squeeze3A_137, [1, 0] : vector<256x128xf32> -> vector<128x256xf32>
    %swap3A_139 = arith.constant 2944 : index
    %swap3A_140 = arith.constant 0 : index
    %swap3A_141 = vector.load %arg2[%swap3A_139, %swap3A_140] : memref<3200x256xf32, #tpu.memory_space<vmem>>, vector<128x256xf32>
    tpu.vector_store %arg2[%swap3A_139, %swap3A_140], %transpose3A_138 {strides = array<i32>} : memref<3200x256xf32, #tpu.memory_space<vmem>>, vector<128x256xf32>,
    %slice3A_142 = vector.extract_strided_slice %reshape3A {offsets = [0, 24, 0], sizes = [256, 1, 128], strides = [1, 1, 1]} : vector<256x25x128xf32> to vector<256x1x128xf32>
    %squeeze3A_143 = vector.shape_cast %slice3A_142 : vector<256x1x128xf32> to vector<256x128xf32>
    %transpose3A_144 = tpu.transpose %squeeze3A_143, [1, 0] : vector<256x128xf32> -> vector<128x256xf32>
    %swap3A_145 = arith.constant 3072 : index
    %swap3A_146 = arith.constant 0 : index
    %swap3A_147 = vector.load %arg2[%swap3A_145, %swap3A_146] : memref<3200x256xf32, #tpu.memory_space<vmem>>, vector<128x256xf32>
    tpu.vector_store %arg2[%swap3A_145, %swap3A_146], %transpose3A_144 {strides = array<i32>} : memref<3200x256xf32, #tpu.memory_space<vmem>>, vector<128x256xf32>,
    return
  }
  func.func @transform_0(%arg0: i32) -> (i32, i32) {
    %c0_i32 = arith.constant 0 : i32
    %c0_i32_0 = arith.constant 0 : i32
    return %arg0, %c0_i32 : i32, i32
  }
  func.func @transform_1(%arg0: i32) -> (i32, i32) {
    %c0_i32 = arith.constant 0 : i32
    %c0_i32_0 = arith.constant 0 : i32
    return %c0_i32, %arg0 : i32, i32
  }
}

</mosaic_0001>

<sc_bundles>
// kernel: kernel.10.cloned.1.call-start
scs
__scs_entry_jumppad:
0x0: {  	(pc) =	sbr.rel $0x88, $3  }
0x1: {  	(tag) =	ssettag $0x0;
	lr =	simm.s32 $0x1  }
0x2: {  	[smem:$0x3F98] =	sst lr;
	_ =	strace $0xD0000000  }
0x3: {  	_ = 	snop  }
0x4: {  	_ = 	snop  }
0x5: {  	_ = 	snop  }
0x6: {  	_ = 	snop  }
0x7: {  	_ = 	snop  }
__scs_overlays_trampoline_lowered:
0x8: {  	[smem:$0x3FA7] =	sst s0  }
0x9: {  	[smem:$0x3FA8] =	sst s1  }
0xa: {  	[smem:$0x3FA9] =	sst s2  }
0xb: {  	[smem:$0x3FAA] =	sst s3  }
0xc: {  	[smem:$0x3FAB] =	sst s4  }
0xd: {  	[smem:$0x3FAC] =	sst s5  }
0xe: {  	[smem:$0x3FAD] =	sst s6  }
0xf: {  	[smem:$0x3FAE] =	sst s7  }
0x10: {  	[smem:$0x3FAF] =	sst s8  }
0x11: {  	[smem:$0x3FB0] =	sst s9;
	s0 =	simm.s32 @!p0 $0x0  }
0x12: {  	s1 =	sld [smem:$0x3F96];
	s0 =	simm.s32 @p0 $0x1  }
0x13: {  	[smem:$0x3FB1] =	sst s0;
	s0 =	simm.s32 @!p1 $0x0  }
0x14: {  	s2 =	sld [smem:$0x3F95];
	s0 =	simm.s32 @p1 $0x1  }
0x15: {  	[smem:$0x3FB2] =	sst s0;
	s0 =	simm.s32 @!p2 $0x0  }
0x16: {  	s3 =	sld [smem:$0x3FDB];
	s0 =	simm.s32 @p2 $0x1  }
0x17: {  	s4 =	simm.s32 $0x1BF5;
	[smem:$0x3FB4] =	sst s0  }
0x18: {  	s0 =	sld [smem:$0x3F97];
	_ =	swait.ge [sflag:s4], $0x0  }
0x19: {  	s7 =	sld [smem:$0x3F98]  }
0x1a: {  	s8 =	sadd.s32 $0xFFFFE003, lr  }
0x1b: {  	s9 =	sadd.s32 $0xFFFFFEF7, lr;
	s5 =	simm.s32 $0xFFFFFFFF;
	p2 =	slt.u32 s8, $0xFFFFF086  }
0x1c: {  	p1 =	slt.u32 s9, $0xF7A;
	s5 =	simm.s32 @!p2 $0x0  }
0x1d: {  	s5 =	simm.s32 @p1 $0x1;
	p0 =	seq.s32 s7, s2  }
0x1e: {  	s7 =	smul.u32 @!p0 $0xF7A, s2;
	p2 =	seq.s32 @!p0 s5, $0x0  }
0x1f: {  	s9 =	smul.u32 $0xF7A, s1;
	s8 =	simm.s32 @!p0 $0x1BF5;
	p2 =	por !p2, p0  }
0x20: {  	[sflag:s8] =	ssyncset.s32 @!p0 $0xFFFFF086;
	s6 =	sadd.s32 @!p0 s3, s7;
	s7 =	simm.s32 @!p0 $0x108  }
0x21: {  	s3 =	sadd.s32 s3, s9;
	s6 =	sadd.s32 @!p0 $0x88, s6;
	s7 =	simm.s32 @p2 $0x1082  }
0x22: {  	[simem:s7], [sflag:s8] =	dma.local @!p0 [hbm:s6], $0xF7A  }
0x23: {  	s9 =	sor.u32 $0xD0000000, s2;
	s6 =	simm.s32 $0x108;
	_ =	swait.ge @!p0 [sflag:s8], $0x0  }
0x24: {  	s3 =	sadd.s32 $0x88, s3;
	s6 =	simm.s32 @!p1 $0x1082;
	[sflag:s4] =	ssyncset.s32 $0xFFFFF086  }
0x25: {  	[simem:s6], [sflag:s4] =	dma.local [hbm:s3], $0xF7A  }
0x26: {  	[smem:$0x3F98] =	sst s1;
	(tag) =	ssettag s2;
	_ =	strace s9  }
0x27: {  	s1 =	sld [smem:$0x3FA8]  }
0x28: {  	s2 =	sld [smem:$0x3FA9]  }
0x29: {  	s4 =	sld [smem:$0x3FAB]  }
0x2a: {  	p0 =	seq.s32 s5, $0x0;
	s5 =	sld [smem:$0x3FAC]  }
0x2b: {  	s6 =	sld [smem:$0x3FAD]  }
0x2c: {  	s7 =	sld [smem:$0x3FAE]  }
0x2d: {  	s3 =	simm.s32 $0x108;
	s8 =	sld [smem:$0x3FAF]  }
0x2e: {  	s3 =	simm.s32 @!p0 $0x1082;
	s9 =	sld [smem:$0x3FB0]  }
0x2f: {  	lr =	sadd.s32 s0, s3;
	s0 =	sld [smem:$0x3FA7]  }
0x30: {  	s3 =	sld [smem:$0x3FAA]  }
0x31: {  	[smem:$0x3FB3] =	sst s10  }
0x32: {  	s10 =	sld [smem:$0x3FB1];
	_ =	sdelay $0x3  }
0x33: {  	p0 =	seq.s32 s10, $0x1;
	s10 =	sld [smem:$0x3FB3];
	_ =	sdelay $0x3  }
0x34: {  	[smem:$0x3FB3] =	sst s10  }
0x35: {  	s10 =	sld [smem:$0x3FB2];
	_ =	sdelay $0x3  }
0x36: {  	p1 =	seq.s32 s10, $0x1;
	s10 =	sld [smem:$0x3FB3];
	_ =	sdelay $0x3  }
0x37: {  	[smem:$0x3FB3] =	sst s10  }
0x38: {  	s10 =	sld [smem:$0x3FB4]  }
0x39: {  	_ = 	snop;
	(pc) =	sbr.ind lr, $3  }
0x3a: {  	_ = 	snop  }
0x3b: {  	_ = 	snop  }
0x3c: {  	p2 =	seq.s32 s10, $0x1;
	s10 =	sld [smem:$0x3FB3]  }
0x3d: {  	_ =	shalt  }
0x3e: {  	_ =	shalt  }
0x3f: {  	_ =	shalt  }
0x40: {  	_ =	shalt  }
0x41: {  	_ =	shalt  }
0x42: {  	_ =	shalt  }
0x43: {  	_ =	shalt  }
0x44: {  	_ =	shalt  }
0x45: {  	_ =	shalt  }
0x46: {  	_ =	shalt  }
0x47: {  	_ =	shalt  }
0x48: {  	_ =	shalt  }
0x49: {  	_ =	shalt  }
0x4a: {  	_ =	shalt  }
0x4b: {  	_ =	shalt  }
0x4c: {  	_ =	shalt  }
0x4d: {  	_ =	shalt  }
0x4e: {  	_ =	shalt  }
0x4f: {  	_ =	shalt  }
0x50: {  	_ =	shalt  }
0x51: {  	_ =	shalt  }
0x52: {  	_ =	shalt  }
0x53: {  	_ =	shalt  }
0x54: {  	_ =	shalt  }
0x55: {  	_ =	shalt  }
0x56: {  	_ =	shalt  }
0x57: {  	_ =	shalt  }
0x58: {  	_ =	shalt  }
0x59: {  	_ =	shalt  }
0x5a: {  	_ =	shalt  }
0x5b: {  	_ =	shalt  }
0x5c: {  	_ =	shalt  }
0x5d: {  	_ =	shalt  }
0x5e: {  	_ =	shalt  }
0x5f: {  	_ =	shalt  }
0x60: {  	_ =	shalt  }
0x61: {  	_ =	shalt  }
0x62: {  	_ =	shalt  }
0x63: {  	_ =	shalt  }
0x64: {  	_ =	shalt  }
0x65: {  	_ =	shalt  }
0x66: {  	_ =	shalt  }
0x67: {  	_ =	shalt  }
0x68: {  	_ =	shalt  }
0x69: {  	_ =	shalt  }
0x6a: {  	_ =	shalt  }
0x6b: {  	_ =	shalt  }
0x6c: {  	_ =	shalt  }
0x6d: {  	_ =	shalt  }
0x6e: {  	_ =	shalt  }
0x6f: {  	_ =	shalt  }
0x70: {  	_ =	shalt  }
0x71: {  	_ =	shalt  }
0x72: {  	_ =	shalt  }
0x73: {  	_ =	shalt  }
0x74: {  	_ =	shalt  }
0x75: {  	_ =	shalt  }
0x76: {  	_ =	shalt  }
0x77: {  	_ =	shalt  }
0x78: {  	_ =	shalt  }
0x79: {  	_ =	shalt  }
0x7a: {  	_ =	shalt  }
0x7b: {  	_ =	shalt  }
0x7c: {  	_ =	shalt  }
0x7d: {  	_ =	shalt  }
0x7e: {  	_ =	shalt  }
0x7f: {  	_ =	shalt  }
0x80: {  	_ =	shalt  }
0x81: {  	_ =	shalt  }
0x82: {  	_ =	shalt  }
0x83: {  	_ =	shalt  }
0x84: {  	_ =	shalt  }
0x85: {  	_ =	shalt  }
0x86: {  	_ =	shalt  }
0x87: {  	_ =	shalt  }
.Lfunc_end0:
.L_simem_size_0:
called_computation_lowered:
.L_overlay_start_0:
0x88: {  	s2 =	sld [smem:$0x3FD9]  }
0x89: {  	s3 =	sld [smem:$0x3FFE];
	_ =	sdelay $0x1  }
0x8a: {  	s1 =	srdreg.scid  }
0x8b: {  	s0 =	sand.u32 $0x1, s1  }
0x8c: {  	s15 =	sshll.u32 s0, $0xA;
	s2 =	sadd.s32 s3, s2  }
0x8d: {  	s2 =	sadd.s32 s2, s15  }
0x8e: {  	[smem:$0x3FBF] =	sst s2  }
0x8f: {  	_ = 	snop  }
0x90: {  	s2 =	sld [smem:$0x3FD0];
	_ =	sdelay $0x2  }
0x91: {  	s16 =	simm.s32 $0xC;
	s4 =	simm.s32 $0x10  }
0x92: {  	[smem:s4], [sflag:s16] =	dma.local [hbm:s2], $0x1  }
0x93: {  	_ =	swait.eq [sflag:s16], $0x1  }
0x94: {  	[sflag:s16] =	ssyncset.done $0x0  }
0x95: {  	[sflag:s16] =	ssyncadd.s32 $0xFFFFFFFF  }
0x96: {  	s17 =	sld [smem:$0x13];
	(tm) =	ssettm $0x1  }
0x97: {  	s18 =	sld [smem:$0x3FFB];
	_ =	sdelay $0x3  }
0x98: {  	_ =	strace s18  }
0x99: {  	s2 =	sld [smem:$0x3FFC];
	_ =	sdelay $0x3  }
0x9a: {  	_ =	strace s2  }
0x9b: {  	s2 =	sld [smem:$0x3FFD];
	_ =	sdelay $0x3  }
0x9c: {  	_ =	strace s2  }
0x9d: {  	_ =	strace $0x8FFFFFFF  }
0x9e: {  	s19 =	sld [smem:$0x3FDB];
	_ =	sdelay $0x1  }
0x9f: {  	s20 =	simm.s32 $_scs_section_size  }
0xa0: {  	s5 =	simm.s32 $_size__tile_overlayer_lowered;
	s6 =	simm.s32 $_tile_overlayer_lowered  }
0xa1: {  	s7 =	simm.s32 $0x1BFF;
	s21 =	sshll.u32 s6, $0x1;
	s4 =	sadd.s32 s20, s19  }
0xa2: {  	s22 =	simm.s32 $0x0;
	s5 =	sshll.u32 s5, $0x1;
	s6 =	sadd.s32 s21, s4  }
0xa3: {  	[timem:s22], [sflag:s7] =	dma.local [hbm:s6], s5  }
0xa4: {  	_ =	swait.ge [sflag:s7], s5  }
0xa5: {  	s5 =	ssub.s32 $0x0, s5;
	[sflag:s7] =	ssyncset.done $0x0  }
0xa6: {  	[sflag:s7] =	ssyncadd.s32 s5;
	_ =	sdelay $0x1  }
0xa7: {  	s23 =	simm.s32 $0x1B8B  }
0xa8: {  	_ =	swait.ge [sflag:s23], $0x1  }
0xa9: {  	[sflag:s23] =	ssyncset.done $0x0  }
0xaa: {  	[sflag:s23] =	ssyncadd.s32 $0xFFFFFFFF  }
0xab: {  	s5 =	sld [smem:$0x0]  }
0xac: {  	s6 =	sand.u32 $0xFFFFFFFE, s1  }
0xad: {  	p0 =	sne.s32 s1, s6  }
0xae: {  	s6 =	sshll.u32 @p0 s6, $0xE  }
0xaf: {  	s6 =	sadd.s32 @p0 $0x11B8D, s6;
	s7 =	sshll.u32 @p0 s5, $0x11  }
0xb0: {  	s6 =	sor.u32 @p0 s7, s6  }
0xb1: {  	[sflag:s6] =	ssyncadd.remote.s32 @p0 $0x1;
	_ =	sdelay $0x1  }
0xb2: {  	s6 =	simm.s32 @p0 $0x1B8D  }
0xb3: {  	_ =	swait.eq @p0 [sflag:s6], $0x1  }
0xb4: {  	[sflag:s6] =	ssyncadd.s32 @p0 $0xFFFFFFFF  }
0xb5: {  	s7 =	sshll.u32 @!p0 s1, $0xE  }
0xb6: {  	s7 =	sor.u32 @!p0 $0x4000, s7;
	s6 =	simm.s32 @!p0 $0x1B8D  }
0xb7: {  	s5 =	sshll.u32 @!p0 s5, $0x11;
	s7 =	sadd.s32 @!p0 $0x11B8D, s7;
	_ =	swait.eq @!p0 [sflag:s6], $0x1  }
0xb8: {  	s5 =	sor.u32 @!p0 s5, s7;
	[sflag:s6] =	ssyncadd.s32 @!p0 $0xFFFFFFFF  }
0xb9: {  	s25 =	simm.s32 $0x1B8E;
	s24 =	sld [smem:$0x3FFE];
	[sflag:s5] =	ssyncadd.remote.s32 @!p0 $0x1  }
0xba: {  	s26 =	simm.s32 $execute0_lowered;
	[smem:$0x3FD2] =	sst s25  }
0xbb: {  	s6 =	sshll.u32 s26, $0x1;
	_ =	strace $0x80000049;
	[dreg:$0x1] =	wrdreg $0xFFFFFFFF  }
0xbc: {  	s28 =	simm.s32 $_size_execute0_lowered;
	s4 =	sadd.s32 s4, s6;
	[dreg:$0x0] =	wrdreg $0x0  }
0xbd: {  	s6 =	sshll.u32 s28, $0x1;
	[dreg:$0x2] =	wrdreg s4  }
0xbe: {  	[dreg:$0x3] =	wrdreg s6  }
0xbf: {  	[dreg:$0x4] =	wrdreg $0xC0  }
0xc0: {  	_ =	task [dreg:s22], $0x5FFFF  }
0xc1: {  	[dreg:$0x1] =	wrdreg $0xFFFFFFFF  }
0xc2: {  	[dreg:$0x0] =	wrdreg $0x60  }
0xc3: {  	[dreg:$0x2] =	wrdreg s24  }
0xc4: {  	[dreg:$0x3] =	wrdreg s17  }
0xc5: {  	[dreg:$0x4] =	wrdreg $0x9  }
0xc6: {  	_ =	task.clear_ibuf [dreg:s22], $0x5FFFF;
	_ =	strace $0x90000049  }
0xc7: {  	s29 =	simm.s32 $0x9;
	_ =	strace $0x8000004B  }
0xc8: {  	_ =	swait.ge [sflag:s29], $0x1  }
0xc9: {  	[sflag:s29] =	ssyncadd.s32 $0xFFFFFFFF  }
0xca: {  	_ =	strace $0x9000004B  }
0xcb: {  	_ =	sfence  }
0xcc: {  	s30 =	sld [smem:$0x0];
	_ =	sdelay $0x2  }
0xcd: {  	s31 =	sshll.u32 s1, $0xD;
	s1 =	sshrl.u32 s1, $0x2  }
0xce: {  	s4 =	sand.u32 $0x4000, s31;
	s1 =	sadd.s32 s1, s30  }
0xcf: {  	s0 =	sor.u32 s4, s0;
	s1 =	sshll.u32 s1, $0x11  }
0xd0: {  	s0 =	sor.u32 s1, s0  }
0xd1: {  	s0 =	sadd.s32 $0x8F2B, s0  }
0xd2: {  	[sflag:s0] =	ssyncadd.remote.s32 $0x1  }
0xd3: {  	_ =	sfence.sel $0xFFFF  }
0xd4: {  	[dreg:$0x0] =	wrdreg $0xFFFFFFFF;
	(pc) =	sbr.abs _section_cstart, $3  }
0xd5: {  	[dreg:$0x1] =	wrdreg $0xFFFFFFFF  }
0xd6: {  	_ =	task.clear_ibuf [dreg:s22], $0x2FFFF;
	_ =	strace $0x9FFFFFFF  }
0xd7: {  	(tm) =	ssettm $0x7FFFFFFF  }
tec
execute0_lowered:
.L_overlay_start_1:
0x0: {  	(tag) =	ssettag $0x1  }
0x1: {  	s0 =	rddreg [dreg:$0x0]  }
0x2: {  	s1 =	srdreg.scid;
	s8 =	stileid.u32  }
0x3: {  	s2 =	rddreg [dreg:$0x1];
	s3 =	simm.s32 $0x0;
	s9 =	simm.s32 $0x3  }
0x4: {  	s10 =	simm.s32 $0x80;
	s11 =	simm.s32 $0x6400;
	s12 =	simm.s32 $0x48  }
0x5: {  	s28 =	simm.s32 $0xC800;
	s13 =	simm.s32 $0xF100;
	s14 =	simm.s32 $0x4B0  }
0x6: {  	s15 =	simm.s32 $0xFA00;
	s16 =	simm.s32 $0x530;
	s17 =	simm.s32 $0x10A00  }
0x7: {  	s18 =	simm.s32 $0x578;
	s19 =	simm.s32 $0x11300;
	s20 =	simm.s32 $0x5F8  }
0x8: {  	s21 =	simm.s32 $0x12300;
	s1 =	sand.u32 $0x1, s1;
	s4 =	sshll.u32 s8, $0x1  }
0x9: {  	s22 =	simm.s32 $0x1;
	s23 =	simm.s32 $0x2;
	s4 =	sor.u32 s1, s4  }
0xa: {  	s24 =	simm.s32 $0x0;
	s6 =	ssub.s32 $0x2, s1;
	s5 =	smul.u32 $0xC80, s4  }
0xb: {  	[smem:$0x7FF] =	sst s3;
	s4 =	smul.u32 $0xC8000, s4;
	s7 =	sshrl.u32 s6, $0x1  }
0xc: {  	s8 =	smul.u32 $0x32000, s8;
	_ =	strace $0x8000004A;
	s7 =	ssub.s32 s6, s7  }
0xd: {  	s5 =	sadd.s32 s5, s0;
	s0 =	sadd.s32 $0x1AE00, s0;
	s4 =	sshrl.u32 s4, $0x3  }
0xe: {  	s1 =	smul.u32 $0x19000, s1;
	s7 =	smax.u32 s7, $0x1;
	s31 =	sadd.s32 s0, s4  }
0xf: {  	s4 =	sadd.s32 $0x1E00, s5;
	s0 =	sadd.s32 s8, s0;
	s5 =	sadd.s32 $0x17700, s31  }
0x10: {  	s6 =	sadd.s32 $0x18380, s31;
	s8 =	sadd.s32 s1, s0;
	s0 =	simm.s32 $0x468  }
.LBB2_1:
0x11: {  	[tilespmem:s3], [sflag:$0x3] =	stream.linear.gather [hbm4b:s4+s3], $0x6400, $0x38;
	[tilespmem:$0x12C00] =	vst v63  }
0x12: {  	_ =	swait.ge [sflag:s9], $0x6400  }
0x13: {  	[sflag:s9] =	ssyncset.done $0x0  }
0x14: {  	[sflag:s9] =	ssyncadd.s32 $0xFFFF9C00  }
0x15: {  	[tilespmem:s11], [sflag:$0x1] =	stream.indirect.gather [hbm4b:s2+s10], $0x20, s3, s10, $0xb8;
	[tilespmem:$0x12C00] =	vst v63  }
0x16: {  	s1 =	simm.s32 $0x7400  }
0x17: {  	[tilespmem:s1], [sflag:$0x1] =	stream.indirect.gather [hbm4b:s2+s12], $0x20, s10, s12, $0xb8;
	[tilespmem:$0x12C00] =	vst v63  }
0x18: {  	s31 =	simm.s32 $0xC8;
	s25 =	simm.s32 $0x7D00  }
0x19: {  	[tilespmem:s25], [sflag:$0x1] =	stream.indirect.gather [hbm4b:s2+s10], $0x20, s31, s10, $0xb8;
	[tilespmem:$0x12C00] =	vst v63  }
0x1a: {  	s26 =	simm.s32 $0x148;
	s31 =	simm.s32 $0x8D00  }
0x1b: {  	[tilespmem:s31], [sflag:$0x1] =	stream.indirect.gather [hbm4b:s2+s12], $0x20, s26, s12, $0xb8;
	[tilespmem:$0x12C00] =	vst v63  }
0x1c: {  	s26 =	simm.s32 $0x190;
	s31 =	simm.s32 $0x9600  }
0x1d: {  	[tilespmem:s31], [sflag:$0x1] =	stream.indirect.gather [hbm4b:s2+s10], $0x20, s26, s10, $0xb8;
	[tilespmem:$0x12C00] =	vst v63  }
0x1e: {  	s26 =	simm.s32 $0x210;
	s31 =	simm.s32 $0xA600  }
0x1f: {  	[tilespmem:s31], [sflag:$0x1] =	stream.indirect.gather [hbm4b:s2+s12], $0x20, s26, s12, $0xb8;
	[tilespmem:$0x12C00] =	vst v63  }
0x20: {  	s26 =	simm.s32 $0x258;
	s31 =	simm.s32 $0xAF00  }
0x21: {  	[tilespmem:s31], [sflag:$0x1] =	stream.indirect.gather [hbm4b:s2+s10], $0x20, s26, s10, $0xb8;
	[tilespmem:$0x12C00] =	vst v63  }
0x22: {  	s26 =	simm.s32 $0x2D8;
	s31 =	simm.s32 $0xBF00  }
0x23: {  	[tilespmem:s31], [sflag:$0x1] =	stream.indirect.gather [hbm4b:s2+s12], $0x20, s26, s12, $0xb8;
	[tilespmem:$0x12C00] =	vst v63  }
0x24: {  	s25 =	simm.s32 $0x320  }
0x25: {  	[tilespmem:s28], [sflag:$0x1] =	stream.indirect.gather [hbm4b:s2+s10], $0x20, s25, s10, $0xb8;
	[tilespmem:$0x12C00] =	vst v63  }
0x26: {  	s26 =	simm.s32 $0x3A0;
	s31 =	simm.s32 $0xD800  }
0x27: {  	[tilespmem:s31], [sflag:$0x1] =	stream.indirect.gather [hbm4b:s2+s12], $0x20, s26, s12, $0xb8;
	[tilespmem:$0x12C00] =	vst v63  }
0x28: {  	s26 =	simm.s32 $0x3E8;
	s31 =	simm.s32 $0xE100  }
0x29: {  	[tilespmem:s31], [sflag:$0x1] =	stream.indirect.gather [hbm4b:s2+s10], $0x20, s26, s10, $0xb8;
	[tilespmem:$0x12C00] =	vst v63  }
0x2a: {  	_ = 	snop  }
0x2b: {  	[tilespmem:s13], [sflag:$0x1] =	stream.indirect.gather [hbm4b:s2+s12], $0x20, s0, s12, $0xb8;
	[tilespmem:$0x12C00] =	vst v63  }
0x2c: {  	_ = 	snop  }
0x2d: {  	[tilespmem:s15], [sflag:$0x1] =	stream.indirect.gather [hbm4b:s2+s10], $0x20, s14, s10, $0xb8;
	[tilespmem:$0x12C00] =	vst v63  }
0x2e: {  	_ = 	snop  }
0x2f: {  	[tilespmem:s17], [sflag:$0x1] =	stream.indirect.gather [hbm4b:s2+s12], $0x20, s16, s12, $0xb8;
	[tilespmem:$0x12C00] =	vst v63  }
0x30: {  	_ = 	snop  }
0x31: {  	[tilespmem:s19], [sflag:$0x1] =	stream.indirect.gather [hbm4b:s2+s10], $0x20, s18, s10, $0xb8;
	[tilespmem:$0x12C00] =	vst v63  }
0x32: {  	_ = 	snop  }
0x33: {  	[tilespmem:s21], [sflag:$0x1] =	stream.indirect.gather [hbm4b:s2+s12], $0x20, s20, s12, $0xb8;
	[tilespmem:$0x12C00] =	vst v63  }
0x34: {  	_ =	swait.ge [sflag:s22], $0x1000  }
0x35: {  	[sflag:s22] =	ssyncset.done $0x0  }
0x36: {  	[sflag:s22] =	ssyncadd.s32 $0xFFFFF000  }
0x37: {  	_ =	swait.ge [sflag:s22], $0x900  }
0x38: {  	[sflag:s22] =	ssyncset.done $0x0  }
0x39: {  	[sflag:s22] =	ssyncadd.s32 $0xFFFFF700  }
0x3a: {  	_ =	swait.ge [sflag:s22], $0x1000  }
0x3b: {  	[sflag:s22] =	ssyncset.done $0x0  }
0x3c: {  	[sflag:s22] =	ssyncadd.s32 $0xFFFFF000  }
0x3d: {  	_ =	swait.ge [sflag:s22], $0x900  }
0x3e: {  	[sflag:s22] =	ssyncset.done $0x0  }
0x3f: {  	[sflag:s22] =	ssyncadd.s32 $0xFFFFF700  }
0x40: {  	_ =	swait.ge [sflag:s22], $0x1000  }
0x41: {  	[sflag:s22] =	ssyncset.done $0x0  }
0x42: {  	[sflag:s22] =	ssyncadd.s32 $0xFFFFF000  }
0x43: {  	_ =	swait.ge [sflag:s22], $0x900  }
0x44: {  	[sflag:s22] =	ssyncset.done $0x0  }
0x45: {  	[sflag:s22] =	ssyncadd.s32 $0xFFFFF700  }
0x46: {  	_ =	swait.ge [sflag:s22], $0x1000  }
0x47: {  	[sflag:s22] =	ssyncset.done $0x0  }
0x48: {  	s26 =	sand.u32 $0x1, s3;
	[sflag:s22] =	ssyncadd.s32 $0xFFFFF000  }
0x49: {  	p0 =	seq.s32 s26, $0x1;
	s26 =	simm.s32 $0x6400;
	_ =	swait.ge [sflag:s22], $0x900  }
0x4a: {  	s26 =	simm.s32 @!p0 $0x0;
	[sflag:s22] =	ssyncset.done $0x0  }
0x4b: {  	s29 =	sadd.s32 $0x0, s8;
	s31 =	sadd.s32 $0x6400, s26;
	[sflag:s22] =	ssyncadd.s32 $0xFFFFF700  }
0x4c: {  	[hbm4b:s29+s3] =	stream.linear.scatter [tilespmem:s31], [sflag:$0x2], $0x6400, $0x38;
	[tilespmem:$0x12C00] =	vst v63  }
0x4d: {  	_ =	swait.ge [sflag:s23], $0x6400  }
0x4e: {  	[sflag:s23] =	ssyncset.done $0x0  }
0x4f: {  	s29 =	simm.s32 $0x640;
	[sflag:s23] =	ssyncadd.s32 $0xFFFF9C00  }
0x50: {  	[tilespmem:s31], [sflag:$0x1] =	stream.indirect.gather [hbm4b:s2+s10], $0x20, s29, s10, $0xb8;
	[tilespmem:$0x12C00] =	vst v63  }
0x51: {  	s1 =	sadd.s32 $0x7400, s26;
	s29 =	simm.s32 $0x6C0  }
0x52: {  	[tilespmem:s1], [sflag:$0x1] =	stream.indirect.gather [hbm4b:s2+s12], $0x20, s29, s12, $0xb8;
	[tilespmem:$0x12C00] =	vst v63  }
0x53: {  	s31 =	sadd.s32 $0x7D00, s26;
	s29 =	simm.s32 $0x708  }
0x54: {  	[tilespmem:s31], [sflag:$0x1] =	stream.indirect.gather [hbm4b:s2+s10], $0x20, s29, s10, $0xb8;
	[tilespmem:$0x12C00] =	vst v63  }
0x55: {  	s1 =	sadd.s32 $0x8D00, s26;
	s29 =	simm.s32 $0x788  }
0x56: {  	[tilespmem:s1], [sflag:$0x1] =	stream.indirect.gather [hbm4b:s2+s12], $0x20, s29, s12, $0xb8;
	[tilespmem:$0x12C00] =	vst v63  }
0x57: {  	s31 =	sadd.s32 $0x9600, s26;
	s29 =	simm.s32 $0x7D0  }
0x58: {  	[tilespmem:s31], [sflag:$0x1] =	stream.indirect.gather [hbm4b:s2+s10], $0x20, s29, s10, $0xb8;
	[tilespmem:$0x12C00] =	vst v63  }
0x59: {  	s1 =	sadd.s32 $0xA600, s26;
	s29 =	simm.s32 $0x850  }
0x5a: {  	[tilespmem:s1], [sflag:$0x1] =	stream.indirect.gather [hbm4b:s2+s12], $0x20, s29, s12, $0xb8;
	[tilespmem:$0x12C00] =	vst v63  }
0x5b: {  	s30 =	simm.s32 $0x918;
	s31 =	sadd.s32 $0xAF00, s26;
	s29 =	simm.s32 $0x898  }
0x5c: {  	[tilespmem:s31], [sflag:$0x1] =	stream.indirect.gather [hbm4b:s2+s10], $0x20, s29, s10, $0xb8;
	[tilespmem:$0x12C00] =	vst v63  }
0x5d: {  	s25 =	simm.s32 $0xC80;
	s29 =	sadd.s32 $0xBF00, s26;
	s26 =	simm.s32 $0x1  }
.LBB2_2:
0x5e: {  	[tilespmem:s29], [sflag:$0x1] =	stream.indirect.gather [hbm4b:s2+s12], $0x20, s30, s12, $0xb8;
	[tilespmem:$0x12C00] =	vst v63  }
0x5f: {  	s29 =	smov.u32 s25  }
0x60: {  	p0 =	sne.s32 s25, $0x16A80;
	s25 =	sadd.s32 $0xC80, s25;
	_ =	swait.ge [sflag:s22], $0x1000  }
0x61: {  	[sflag:s22] =	ssyncset.done $0x0  }
0x62: {  	[sflag:s22] =	ssyncadd.s32 $0xFFFFF000  }
0x63: {  	_ =	swait.ge [sflag:s22], $0x900  }
0x64: {  	[sflag:s22] =	ssyncset.done $0x0  }
0x65: {  	[sflag:s22] =	ssyncadd.s32 $0xFFFFF700  }
0x66: {  	_ =	swait.ge [sflag:s22], $0x1000  }
0x67: {  	[sflag:s22] =	ssyncset.done $0x0  }
0x68: {  	[sflag:s22] =	ssyncadd.s32 $0xFFFFF000  }
0x69: {  	_ =	swait.ge [sflag:s22], $0x900  }
0x6a: {  	[sflag:s22] =	ssyncset.done $0x0  }
0x6b: {  	[sflag:s22] =	ssyncadd.s32 $0xFFFFF700  }
0x6c: {  	_ =	swait.ge [sflag:s22], $0x1000  }
0x6d: {  	[sflag:s22] =	ssyncset.done $0x0  }
0x6e: {  	[sflag:s22] =	ssyncadd.s32 $0xFFFFF000  }
0x6f: {  	_ =	swait.ge [sflag:s22], $0x900  }
0x70: {  	[sflag:s22] =	ssyncset.done $0x0  }
0x71: {  	[sflag:s22] =	ssyncadd.s32 $0xFFFFF700  }
0x72: {  	_ =	swait.ge [sflag:s22], $0x1000  }
0x73: {  	[sflag:s22] =	ssyncset.done $0x0  }
0x74: {  	s30 =	sand.u32 $0x1, s26;
	[sflag:s22] =	ssyncadd.s32 $0xFFFFF000  }
0x75: {  	p1 =	seq.s32 s30, $0x1;
	s30 =	simm.s32 $0x6400;
	_ =	swait.ge [sflag:s22], $0x900  }
0x76: {  	s30 =	simm.s32 @!p1 $0x0;
	[sflag:s22] =	ssyncset.done $0x0  }
0x77: {  	s1 =	sadd.s32 s29, s8;
	s31 =	sadd.s32 $0x6400, s30;
	[sflag:s22] =	ssyncadd.s32 $0xFFFFF700  }
0x78: {  	[hbm4b:s1+s3] =	stream.linear.scatter [tilespmem:s31], [sflag:$0x2], $0x6400, $0x38;
	[tilespmem:$0x12C00] =	vst v63  }
0x79: {  	_ =	swait.ge [sflag:s23], $0x6400  }
0x7a: {  	s1 =	sshra.s32 s29, $0x2;
	[sflag:s23] =	ssyncset.done $0x0  }
0x7b: {  	s29 =	sadd.s32 $0x640, s1;
	[sflag:s23] =	ssyncadd.s32 $0xFFFF9C00  }
0x7c: {  	[tilespmem:s31], [sflag:$0x1] =	stream.indirect.gather [hbm4b:s2+s10], $0x20, s29, s10, $0xb8;
	[tilespmem:$0x12C00] =	vst v63  }
0x7d: {  	s29 =	sadd.s32 $0x7400, s30;
	s31 =	sadd.s32 $0x6C0, s1  }
0x7e: {  	[tilespmem:s29], [sflag:$0x1] =	stream.indirect.gather [hbm4b:s2+s12], $0x20, s31, s12, $0xb8;
	[tilespmem:$0x12C00] =	vst v63  }
0x7f: {  	s29 =	sadd.s32 $0x7D00, s30;
	s31 =	sadd.s32 $0x708, s1  }
0x80: {  	[tilespmem:s29], [sflag:$0x1] =	stream.indirect.gather [hbm4b:s2+s10], $0x20, s31, s10, $0xb8;
	[tilespmem:$0x12C00] =	vst v63  }
0x81: {  	s29 =	sadd.s32 $0x8D00, s30;
	s31 =	sadd.s32 $0x788, s1  }
0x82: {  	[tilespmem:s29], [sflag:$0x1] =	stream.indirect.gather [hbm4b:s2+s12], $0x20, s31, s12, $0xb8;
	[tilespmem:$0x12C00] =	vst v63  }
0x83: {  	s29 =	sadd.s32 $0x9600, s30;
	s31 =	sadd.s32 $0x7D0, s1  }
0x84: {  	[tilespmem:s29], [sflag:$0x1] =	stream.indirect.gather [hbm4b:s2+s10], $0x20, s31, s10, $0xb8;
	[tilespmem:$0x12C00] =	vst v63  }
.Ltmp0:
0x85: {  	s29 =	sadd.s32 $0xA600, s30;
	s31 =	sadd.s32 $0x850, s1;
	(pc) =	sbr.rel @p0 .LBB2_2-.Ltmp0, $4  }
0x86: {  	[tilespmem:s29], [sflag:$0x1] =	stream.indirect.gather [hbm4b:s2+s12], $0x20, s31, s12, $0xb8;
	[tilespmem:$0x12C00] =	vst v63  }
0x87: {  	s29 =	sadd.s32 $0xAF00, s30;
	s31 =	sadd.s32 $0x898, s1  }
0x88: {  	[tilespmem:s29], [sflag:$0x1] =	stream.indirect.gather [hbm4b:s2+s10], $0x20, s31, s10, $0xb8;
	[tilespmem:$0x12C00] =	vst v63  }
0x89: {  	s26 =	sadd.s32 $0x1, s26;
	s29 =	sadd.s32 $0xBF00, s30;
	s30 =	sadd.s32 $0x918, s1  }
0x8a: {  	[tilespmem:s29], [sflag:$0x1] =	stream.indirect.gather [hbm4b:s2+s12], $0x20, s30, s12, $0xb8;
	[tilespmem:$0x12C00] =	vst v63  }
0x8b: {  	_ =	swait.ge [sflag:s22], $0x1000  }
0x8c: {  	[sflag:s22] =	ssyncset.done $0x0  }
0x8d: {  	[sflag:s22] =	ssyncadd.s32 $0xFFFFF000  }
0x8e: {  	_ =	swait.ge [sflag:s22], $0x900  }
0x8f: {  	[sflag:s22] =	ssyncset.done $0x0  }
0x90: {  	[sflag:s22] =	ssyncadd.s32 $0xFFFFF700  }
0x91: {  	_ =	swait.ge [sflag:s22], $0x1000  }
0x92: {  	[sflag:s22] =	ssyncset.done $0x0  }
0x93: {  	[sflag:s22] =	ssyncadd.s32 $0xFFFFF000  }
0x94: {  	_ =	swait.ge [sflag:s22], $0x900  }
0x95: {  	[sflag:s22] =	ssyncset.done $0x0  }
0x96: {  	[sflag:s22] =	ssyncadd.s32 $0xFFFFF700  }
0x97: {  	_ =	swait.ge [sflag:s22], $0x1000  }
0x98: {  	[sflag:s22] =	ssyncset.done $0x0  }
0x99: {  	[sflag:s22] =	ssyncadd.s32 $0xFFFFF000  }
0x9a: {  	_ =	swait.ge [sflag:s22], $0x900  }
0x9b: {  	[sflag:s22] =	ssyncset.done $0x0  }
0x9c: {  	[sflag:s22] =	ssyncadd.s32 $0xFFFFF700  }
0x9d: {  	_ =	swait.ge [sflag:s22], $0x1000  }
0x9e: {  	[sflag:s22] =	ssyncset.done $0x0  }
0x9f: {  	[sflag:s22] =	ssyncadd.s32 $0xFFFFF000  }
0xa0: {  	_ =	swait.ge [sflag:s22], $0x900  }
0xa1: {  	[sflag:s22] =	ssyncset.done $0x0  }
0xa2: {  	[sflag:s22] =	ssyncadd.s32 $0xFFFFF700  }
0xa3: {  	[hbm4b:s5+s3] =	stream.linear.scatter [tilespmem:s11], [sflag:$0x2], $0x6400, $0x38;
	[tilespmem:$0x12C00] =	vst v63  }
0xa4: {  	_ =	swait.ge [sflag:s22], $0x1000  }
0xa5: {  	[sflag:s22] =	ssyncset.done $0x0  }
0xa6: {  	[sflag:s22] =	ssyncadd.s32 $0xFFFFF000  }
0xa7: {  	_ =	swait.ge [sflag:s22], $0x900  }
0xa8: {  	[sflag:s22] =	ssyncset.done $0x0  }
0xa9: {  	[sflag:s22] =	ssyncadd.s32 $0xFFFFF700  }
0xaa: {  	_ =	swait.ge [sflag:s22], $0x1000  }
0xab: {  	[sflag:s22] =	ssyncset.done $0x0  }
0xac: {  	[sflag:s22] =	ssyncadd.s32 $0xFFFFF000  }
0xad: {  	_ =	swait.ge [sflag:s22], $0x900  }
0xae: {  	[sflag:s22] =	ssyncset.done $0x0  }
0xaf: {  	[sflag:s22] =	ssyncadd.s32 $0xFFFFF700  }
0xb0: {  	_ =	swait.ge [sflag:s22], $0x1000  }
0xb1: {  	[sflag:s22] =	ssyncset.done $0x0  }
0xb2: {  	[sflag:s22] =	ssyncadd.s32 $0xFFFFF000  }
0xb3: {  	_ =	swait.ge [sflag:s22], $0x900  }
0xb4: {  	[sflag:s22] =	ssyncset.done $0x0  }
0xb5: {  	[sflag:s22] =	ssyncadd.s32 $0xFFFFF700  }
0xb6: {  	_ =	swait.ge [sflag:s22], $0x1000  }
0xb7: {  	[sflag:s22] =	ssyncset.done $0x0  }
0xb8: {  	[sflag:s22] =	ssyncadd.s32 $0xFFFFF000  }
0xb9: {  	_ =	swait.ge [sflag:s22], $0x900  }
0xba: {  	[sflag:s22] =	ssyncset.done $0x0  }
0xbb: {  	s24 =	sadd.s32 $0x1, s24;
	[sflag:s22] =	ssyncadd.s32 $0xFFFFF700  }
0xbc: {  	[hbm4b:s6+s3] =	stream.linear.scatter [tilespmem:s28], [sflag:$0x2], $0x6400, $0x38;
	[tilespmem:$0x12C00] =	vst v63  }
0xbd: {  	p0 =	sne.s32 s24, s7;
	_ =	swait.ge [sflag:s23], $0x6400  }
.Ltmp1:
0xbe: {  	[sflag:s23] =	ssyncset.done $0x0;
	(pc) =	sbr.rel @p0 .LBB2_1-.Ltmp1, $4  }
0xbf: {  	[sflag:s23] =	ssyncadd.s32 $0xFFFF9C00  }
0xc0: {  	_ =	swait.ge [sflag:s23], $0x6400  }
0xc1: {  	[sflag:s23] =	ssyncset.done $0x0  }
0xc2: {  	[sflag:s23] =	ssyncadd.s32 $0xFFFF9C00  }
0xc3: {  	_ =	sfence.sel $0x180000  }
0xc4: {  	[bflag:$0x0] =	sbarrier.arrive $0xFFFF  }
0xc5: {  	_ =	strace $0x9000004A  }
0xc6: {  	s0 =	stileid.u32;
	[bflag:$0x2] =	sbarrier.arrive $0xFFFF  }
0xc7: {  	p0 =	sne.s32 s0, $0x0;
	s0 =	rddreg [dreg:$0x2]  }
0xc8: {  	s0 =	sadd.s32 @!p0 $0x100000, s0  }
0xc9: {  	[sflag:s0] =	ssyncadd.tile.s32 @!p0 $0x1;
	_ =	shalt  }
.Lfunc_end2:
_tile_overlayer_lowered:
.L_overlay_start_2:
0xca: {  	(tag) =	ssettag $0x2  }
0xcb: {  	s0 =	rddreg [dreg:$0x0];
	s2 =	stileid.u32  }
0xcc: {  	s1 =	rddreg [dreg:$0x1];
	p0 =	sne.s32 s2, $0x0  }
0xcd: {  	s3 =	rddreg [dreg:$0x2];
	[bflag:$0x3] =	sbarrier.arrive $0xFFFF;
	s2 =	simm.s32 @!p0 $0x1C03  }
0xce: {  	[timem:s3], [sflag:s2] =	dma.local @!p0 [hbm:s0], s1  }
0xcf: {  	s0 =	simm.s32 @!p0 $0x3  }
0xd0: {  	_ =	swait.ge @!p0 [sflag:s0], s1  }
0xd1: {  	s1 =	ssub.s32 @!p0 $0x0, s1;
	[sflag:s0] =	ssyncset.done @!p0 $0x0  }
0xd2: {  	[sflag:s0] =	ssyncadd.s32 @!p0 s1  }
0xd3: {  	[bflag:$0x3] =	sbarrier.arrive $0xFFFF  }
0xd4: {  	_ =	shalt  }

// kernel: kernel.13.cloned.1.call-start
scs
__scs_entry_jumppad:
0x0: {  	(pc) =	sbr.rel $0x88, $3  }
0x1: {  	(tag) =	ssettag $0x0;
	lr =	simm.s32 $0x1  }
0x2: {  	[smem:$0x3F98] =	sst lr;
	_ =	strace $0xD0000000  }
0x3: {  	_ = 	snop  }
0x4: {  	_ = 	snop  }
0x5: {  	_ = 	snop  }
0x6: {  	_ = 	snop  }
0x7: {  	_ = 	snop  }
__scs_overlays_trampoline_lowered:
0x8: {  	[smem:$0x3FA7] =	sst s0  }
0x9: {  	[smem:$0x3FA8] =	sst s1  }
0xa: {  	[smem:$0x3FA9] =	sst s2  }
0xb: {  	[smem:$0x3FAA] =	sst s3  }
0xc: {  	[smem:$0x3FAB] =	sst s4  }
0xd: {  	[smem:$0x3FAC] =	sst s5  }
0xe: {  	[smem:$0x3FAD] =	sst s6  }
0xf: {  	[smem:$0x3FAE] =	sst s7  }
0x10: {  	[smem:$0x3FAF] =	sst s8  }
0x11: {  	[smem:$0x3FB0] =	sst s9;
	s0 =	simm.s32 @!p0 $0x0  }
0x12: {  	s1 =	sld [smem:$0x3F96];
	s0 =	simm.s32 @p0 $0x1  }
0x13: {  	[smem:$0x3FB1] =	sst s0;
	s0 =	simm.s32 @!p1 $0x0  }
0x14: {  	s2 =	sld [smem:$0x3F95];
	s0 =	simm.s32 @p1 $0x1  }
0x15: {  	[smem:$0x3FB2] =	sst s0;
	s0 =	simm.s32 @!p2 $0x0  }
0x16: {  	s3 =	sld [smem:$0x3FDB];
	s0 =	simm.s32 @p2 $0x1  }
0x17: {  	s4 =	simm.s32 $0x1BF5;
	[smem:$0x3FB4] =	sst s0  }
0x18: {  	s0 =	sld [smem:$0x3F97];
	_ =	swait.ge [sflag:s4], $0x0  }
0x19: {  	s7 =	sld [smem:$0x3F98]  }
0x1a: {  	s8 =	sadd.s32 $0xFFFFE003, lr  }
0x1b: {  	s9 =	sadd.s32 $0xFFFFFEF7, lr;
	s5 =	simm.s32 $0xFFFFFFFF;
	p2 =	slt.u32 s8, $0xFFFFF086  }
0x1c: {  	p1 =	slt.u32 s9, $0xF7A;
	s5 =	simm.s32 @!p2 $0x0  }
0x1d: {  	s5 =	simm.s32 @p1 $0x1;
	p0 =	seq.s32 s7, s2  }
0x1e: {  	s7 =	smul.u32 @!p0 $0xF7A, s2;
	p2 =	seq.s32 @!p0 s5, $0x0  }
0x1f: {  	s9 =	smul.u32 $0xF7A, s1;
	s8 =	simm.s32 @!p0 $0x1BF5;
	p2 =	por !p2, p0  }
0x20: {  	[sflag:s8] =	ssyncset.s32 @!p0 $0xFFFFF086;
	s6 =	sadd.s32 @!p0 s3, s7;
	s7 =	simm.s32 @!p0 $0x108  }
0x21: {  	s3 =	sadd.s32 s3, s9;
	s6 =	sadd.s32 @!p0 $0x88, s6;
	s7 =	simm.s32 @p2 $0x1082  }
0x22: {  	[simem:s7], [sflag:s8] =	dma.local @!p0 [hbm:s6], $0xF7A  }
0x23: {  	s9 =	sor.u32 $0xD0000000, s2;
	s6 =	simm.s32 $0x108;
	_ =	swait.ge @!p0 [sflag:s8], $0x0  }
0x24: {  	s3 =	sadd.s32 $0x88, s3;
	s6 =	simm.s32 @!p1 $0x1082;
	[sflag:s4] =	ssyncset.s32 $0xFFFFF086  }
0x25: {  	[simem:s6], [sflag:s4] =	dma.local [hbm:s3], $0xF7A  }
0x26: {  	[smem:$0x3F98] =	sst s1;
	(tag) =	ssettag s2;
	_ =	strace s9  }
0x27: {  	s1 =	sld [smem:$0x3FA8]  }
0x28: {  	s2 =	sld [smem:$0x3FA9]  }
0x29: {  	s4 =	sld [smem:$0x3FAB]  }
0x2a: {  	p0 =	seq.s32 s5, $0x0;
	s5 =	sld [smem:$0x3FAC]  }
0x2b: {  	s6 =	sld [smem:$0x3FAD]  }
0x2c: {  	s7 =	sld [smem:$0x3FAE]  }
0x2d: {  	s3 =	simm.s32 $0x108;
	s8 =	sld [smem:$0x3FAF]  }
0x2e: {  	s3 =	simm.s32 @!p0 $0x1082;
	s9 =	sld [smem:$0x3FB0]  }
0x2f: {  	lr =	sadd.s32 s0, s3;
	s0 =	sld [smem:$0x3FA7]  }
0x30: {  	s3 =	sld [smem:$0x3FAA]  }
0x31: {  	[smem:$0x3FB3] =	sst s10  }
0x32: {  	s10 =	sld [smem:$0x3FB1];
	_ =	sdelay $0x3  }
0x33: {  	p0 =	seq.s32 s10, $0x1;
	s10 =	sld [smem:$0x3FB3];
	_ =	sdelay $0x3  }
0x34: {  	[smem:$0x3FB3] =	sst s10  }
0x35: {  	s10 =	sld [smem:$0x3FB2];
	_ =	sdelay $0x3  }
0x36: {  	p1 =	seq.s32 s10, $0x1;
	s10 =	sld [smem:$0x3FB3];
	_ =	sdelay $0x3  }
0x37: {  	[smem:$0x3FB3] =	sst s10  }
0x38: {  	s10 =	sld [smem:$0x3FB4]  }
0x39: {  	_ = 	snop;
	(pc) =	sbr.ind lr, $3  }
0x3a: {  	_ = 	snop  }
0x3b: {  	_ = 	snop  }
0x3c: {  	p2 =	seq.s32 s10, $0x1;
	s10 =	sld [smem:$0x3FB3]  }
0x3d: {  	_ =	shalt  }
0x3e: {  	_ =	shalt  }
0x3f: {  	_ =	shalt  }
0x40: {  	_ =	shalt  }
0x41: {  	_ =	shalt  }
0x42: {  	_ =	shalt  }
0x43: {  	_ =	shalt  }
0x44: {  	_ =	shalt  }
0x45: {  	_ =	shalt  }
0x46: {  	_ =	shalt  }
0x47: {  	_ =	shalt  }
0x48: {  	_ =	shalt  }
0x49: {  	_ =	shalt  }
0x4a: {  	_ =	shalt  }
0x4b: {  	_ =	shalt  }
0x4c: {  	_ =	shalt  }
0x4d: {  	_ =	shalt  }
0x4e: {  	_ =	shalt  }
0x4f: {  	_ =	shalt  }
0x50: {  	_ =	shalt  }
0x51: {  	_ =	shalt  }
0x52: {  	_ =	shalt  }
0x53: {  	_ =	shalt  }
0x54: {  	_ =	shalt  }
0x55: {  	_ =	shalt  }
0x56: {  	_ =	shalt  }
0x57: {  	_ =	shalt  }
0x58: {  	_ =	shalt  }
0x59: {  	_ =	shalt  }
0x5a: {  	_ =	shalt  }
0x5b: {  	_ =	shalt  }
0x5c: {  	_ =	shalt  }
0x5d: {  	_ =	shalt  }
0x5e: {  	_ =	shalt  }
0x5f: {  	_ =	shalt  }
0x60: {  	_ =	shalt  }
0x61: {  	_ =	shalt  }
0x62: {  	_ =	shalt  }
0x63: {  	_ =	shalt  }
0x64: {  	_ =	shalt  }
0x65: {  	_ =	shalt  }
0x66: {  	_ =	shalt  }
0x67: {  	_ =	shalt  }
0x68: {  	_ =	shalt  }
0x69: {  	_ =	shalt  }
0x6a: {  	_ =	shalt  }
0x6b: {  	_ =	shalt  }
0x6c: {  	_ =	shalt  }
0x6d: {  	_ =	shalt  }
0x6e: {  	_ =	shalt  }
0x6f: {  	_ =	shalt  }
0x70: {  	_ =	shalt  }
0x71: {  	_ =	shalt  }
0x72: {  	_ =	shalt  }
0x73: {  	_ =	shalt  }
0x74: {  	_ =	shalt  }
0x75: {  	_ =	shalt  }
0x76: {  	_ =	shalt  }
0x77: {  	_ =	shalt  }
0x78: {  	_ =	shalt  }
0x79: {  	_ =	shalt  }
0x7a: {  	_ =	shalt  }
0x7b: {  	_ =	shalt  }
0x7c: {  	_ =	shalt  }
0x7d: {  	_ =	shalt  }
0x7e: {  	_ =	shalt  }
0x7f: {  	_ =	shalt  }
0x80: {  	_ =	shalt  }
0x81: {  	_ =	shalt  }
0x82: {  	_ =	shalt  }
0x83: {  	_ =	shalt  }
0x84: {  	_ =	shalt  }
0x85: {  	_ =	shalt  }
0x86: {  	_ =	shalt  }
0x87: {  	_ =	shalt  }
.Lfunc_end0:
.L_simem_size_0:
called_computation.1_lowered:
.L_overlay_start_0:
0x88: {  	s2 =	sld [smem:$0x3FD9]  }
0x89: {  	s3 =	sld [smem:$0x3FFE];
	_ =	sdelay $0x1  }
0x8a: {  	s1 =	srdreg.scid  }
0x8b: {  	s0 =	sand.u32 $0x1, s1  }
0x8c: {  	s14 =	sshll.u32 s0, $0xA;
	s2 =	sadd.s32 s3, s2  }
0x8d: {  	s2 =	sadd.s32 s2, s14  }
0x8e: {  	[smem:$0x3FBF] =	sst s2  }
0x8f: {  	_ = 	snop  }
0x90: {  	s2 =	sld [smem:$0x3FD0];
	_ =	sdelay $0x2  }
0x91: {  	s15 =	simm.s32 $0xC;
	s4 =	simm.s32 $0x10  }
0x92: {  	[smem:s4], [sflag:s15] =	dma.local [hbm:s2], $0x1  }
0x93: {  	_ =	swait.eq [sflag:s15], $0x1  }
0x94: {  	[sflag:s15] =	ssyncset.done $0x0  }
0x95: {  	s16 =	sld [smem:$0x10];
	[sflag:s15] =	ssyncadd.s32 $0xFFFFFFFF  }
0x96: {  	s17 =	sld [smem:$0x11];
	(tm) =	ssettm $0x1  }
0x97: {  	s18 =	sld [smem:$0x3FFB];
	_ =	sdelay $0x3  }
0x98: {  	_ =	strace s18  }
0x99: {  	s4 =	sld [smem:$0x3FFC];
	_ =	sdelay $0x3  }
0x9a: {  	_ =	strace s4  }
0x9b: {  	s4 =	sld [smem:$0x3FFD];
	_ =	sdelay $0x3  }
0x9c: {  	_ =	strace s4  }
0x9d: {  	_ =	strace $0x8FFFFFFF  }
0x9e: {  	s19 =	sld [smem:$0x3FDB];
	_ =	sdelay $0x1  }
0x9f: {  	s5 =	simm.s32 $_scs_section_size  }
0xa0: {  	s6 =	simm.s32 $_size__tile_overlayer_lowered;
	s7 =	simm.s32 $_tile_overlayer_lowered  }
0xa1: {  	s22 =	simm.s32 $0x1BFF;
	s21 =	sshll.u32 s7, $0x1;
	s4 =	sadd.s32 s5, s19  }
0xa2: {  	s8 =	simm.s32 $0x0;
	s20 =	sshll.u32 s6, $0x1;
	s6 =	sadd.s32 s21, s4  }
0xa3: {  	[timem:s8], [sflag:s22] =	dma.local [hbm:s6], s20  }
0xa4: {  	_ =	swait.ge [sflag:s22], s20  }
0xa5: {  	s5 =	ssub.s32 $0x0, s20;
	[sflag:s22] =	ssyncset.done $0x0  }
0xa6: {  	[sflag:s22] =	ssyncadd.s32 s5;
	_ =	sdelay $0x1  }
0xa7: {  	s23 =	simm.s32 $0x1B8B  }
0xa8: {  	_ =	swait.ge [sflag:s23], $0x1  }
0xa9: {  	[sflag:s23] =	ssyncset.done $0x0  }
0xaa: {  	s25 =	simm.s32 $0x1B8E;
	s24 =	sld [smem:$0x3FFE];
	[sflag:s23] =	ssyncadd.s32 $0xFFFFFFFF  }
0xab: {  	s26 =	simm.s32 $execute0_lowered;
	[smem:$0x3FD2] =	sst s25  }
0xac: {  	s6 =	sshll.u32 s26, $0x1;
	_ =	strace $0x80000046;
	[dreg:$0x1] =	wrdreg $0xFFFFFFFF  }
0xad: {  	s28 =	simm.s32 $_size_execute0_lowered;
	s4 =	sadd.s32 s4, s6;
	[dreg:$0x0] =	wrdreg $0x0  }
0xae: {  	s6 =	sshll.u32 s28, $0x1;
	[dreg:$0x2] =	wrdreg s4  }
0xaf: {  	[dreg:$0x3] =	wrdreg s6  }
0xb0: {  	[dreg:$0x4] =	wrdreg $0xC0  }
0xb1: {  	_ =	task [dreg:s8], $0x5FFFF  }
0xb2: {  	[dreg:$0x1] =	wrdreg $0xFFFFFFFF  }
0xb3: {  	[dreg:$0x0] =	wrdreg $0x60  }
0xb4: {  	[dreg:$0x2] =	wrdreg s17  }
0xb5: {  	[dreg:$0x3] =	wrdreg s24  }
0xb6: {  	[dreg:$0x4] =	wrdreg s16  }
0xb7: {  	[dreg:$0x5] =	wrdreg $0xA  }
0xb8: {  	_ =	task.clear_ibuf [dreg:s8], $0x6FFFF;
	_ =	strace $0x90000046  }
0xb9: {  	s29 =	simm.s32 $0xA;
	_ =	strace $0x80000048  }
0xba: {  	_ =	swait.ge [sflag:s29], $0x1  }
0xbb: {  	[sflag:s29] =	ssyncadd.s32 $0xFFFFFFFF  }
0xbc: {  	_ =	strace $0x90000048  }
0xbd: {  	_ =	sfence  }
0xbe: {  	s30 =	sld [smem:$0x0];
	_ =	sdelay $0x2  }
0xbf: {  	s31 =	sshll.u32 s1, $0xD;
	s1 =	sshrl.u32 s1, $0x2  }
0xc0: {  	s3 =	sand.u32 $0x4000, s31;
	s1 =	sadd.s32 s1, s30  }
0xc1: {  	s0 =	sor.u32 s3, s0;
	s1 =	sshll.u32 s1, $0x11  }
0xc2: {  	s0 =	sor.u32 s1, s0  }
0xc3: {  	s0 =	sadd.s32 $0x8F2B, s0  }
0xc4: {  	[sflag:s0] =	ssyncadd.remote.s32 $0x1  }
0xc5: {  	_ =	sfence.sel $0xFFFF  }
0xc6: {  	[dreg:$0x0] =	wrdreg $0xFFFFFFFF;
	(pc) =	sbr.abs _section_cstart, $3  }
0xc7: {  	[dreg:$0x1] =	wrdreg $0xFFFFFFFF  }
0xc8: {  	_ =	task.clear_ibuf [dreg:s8], $0x2FFFF;
	_ =	strace $0x9FFFFFFF  }
0xc9: {  	(tm) =	ssettm $0x7FFFFFFF  }
tec
execute0_lowered:
.L_overlay_start_1:
0x0: {  	(tag) =	ssettag $0x1  }
0x1: {  	s0 =	rddreg [dreg:$0x0]  }
0x2: {  	s1 =	rddreg [dreg:$0x1]  }
0x3: {  	s6 =	rddreg [dreg:$0x2]  }
0x4: {  	s3 =	srdreg.scid;
	s9 =	stileid.u32;
	s2 =	simm.s32 $0x0  }
0x5: {  	s10 =	simm.s32 $0x80;
	s11 =	simm.s32 $0x6400;
	s12 =	simm.s32 $0x48  }
0x6: {  	s28 =	simm.s32 $0xC800;
	s13 =	simm.s32 $0xF100;
	s14 =	simm.s32 $0x4B0  }
0x7: {  	s15 =	simm.s32 $0xFA00;
	s16 =	simm.s32 $0x530;
	s17 =	simm.s32 $0x10A00  }
0x8: {  	s18 =	simm.s32 $0x578;
	s19 =	simm.s32 $0x11300;
	s20 =	simm.s32 $0x5F8  }
0x9: {  	s21 =	simm.s32 $0x12300;
	s22 =	simm.s32 $0x1;
	s23 =	simm.s32 $0x2  }
0xa: {  	s4 =	sand.u32 $0x1, s3;
	s26 =	sshll.u32 s9, $0x1;
	s9 =	smul.u32 $0x32000, s9  }
0xb: {  	s24 =	simm.s32 $0x0;
	s5 =	sor.u32 s4, s26;
	s30 =	smul.u32 $0x19000, s4  }
0xc: {  	[smem:$0x7FF] =	sst s2;
	s3 =	sadd.s32 $0xF44200, s1;
	s7 =	smul.u32 $0xC8000, s5  }
0xd: {  	_ =	strace $0x80000047;
	s29 =	ssub.s32 $0x2, s4;
	s5 =	smul.u32 $0xC80, s5  }
0xe: {  	s8 =	sshrl.u32 s29, $0x1;
	s31 =	sadd.s32 s9, s6;
	s7 =	sshrl.u32 s7, $0x3  }
0xf: {  	s9 =	simm.s32 $0x3;
	s1 =	ssub.s32 s29, s8;
	s7 =	sadd.s32 s6, s7  }
0x10: {  	s8 =	sadd.s32 s30, s31;
	s4 =	sadd.s32 s0, s5;
	s5 =	sadd.s32 $0x17700, s7  }
0x11: {  	s6 =	sadd.s32 $0x18380, s7;
	s7 =	smax.u32 s1, $0x1;
	s1 =	simm.s32 $0x468  }
.LBB2_1:
0x12: {  	[tilespmem:s2], [sflag:$0x3] =	stream.linear.gather [hbm4b:s4+s2], $0x6400, $0x38;
	[tilespmem:$0x12C00] =	vst v63  }
0x13: {  	_ =	swait.ge [sflag:s9], $0x6400  }
0x14: {  	[sflag:s9] =	ssyncset.done $0x0  }
0x15: {  	[sflag:s9] =	ssyncadd.s32 $0xFFFF9C00  }
0x16: {  	[tilespmem:s11], [sflag:$0x1] =	stream.indirect.gather [hbm4b:s3+s10], $0x20, s2, s10, $0xb8;
	[tilespmem:$0x12C00] =	vst v63  }
0x17: {  	s0 =	simm.s32 $0x7400  }
0x18: {  	[tilespmem:s0], [sflag:$0x1] =	stream.indirect.gather [hbm4b:s3+s12], $0x20, s10, s12, $0xb8;
	[tilespmem:$0x12C00] =	vst v63  }
0x19: {  	s31 =	simm.s32 $0xC8;
	s25 =	simm.s32 $0x7D00  }
0x1a: {  	[tilespmem:s25], [sflag:$0x1] =	stream.indirect.gather [hbm4b:s3+s10], $0x20, s31, s10, $0xb8;
	[tilespmem:$0x12C00] =	vst v63  }
0x1b: {  	s26 =	simm.s32 $0x148;
	s31 =	simm.s32 $0x8D00  }
0x1c: {  	[tilespmem:s31], [sflag:$0x1] =	stream.indirect.gather [hbm4b:s3+s12], $0x20, s26, s12, $0xb8;
	[tilespmem:$0x12C00] =	vst v63  }
0x1d: {  	s26 =	simm.s32 $0x190;
	s31 =	simm.s32 $0x9600  }
0x1e: {  	[tilespmem:s31], [sflag:$0x1] =	stream.indirect.gather [hbm4b:s3+s10], $0x20, s26, s10, $0xb8;
	[tilespmem:$0x12C00] =	vst v63  }
0x1f: {  	s26 =	simm.s32 $0x210;
	s31 =	simm.s32 $0xA600  }
0x20: {  	[tilespmem:s31], [sflag:$0x1] =	stream.indirect.gather [hbm4b:s3+s12], $0x20, s26, s12, $0xb8;
	[tilespmem:$0x12C00] =	vst v63  }
0x21: {  	s26 =	simm.s32 $0x258;
	s31 =	simm.s32 $0xAF00  }
0x22: {  	[tilespmem:s31], [sflag:$0x1] =	stream.indirect.gather [hbm4b:s3+s10], $0x20, s26, s10, $0xb8;
	[tilespmem:$0x12C00] =	vst v63  }
0x23: {  	s26 =	simm.s32 $0x2D8;
	s31 =	simm.s32 $0xBF00  }
0x24: {  	[tilespmem:s31], [sflag:$0x1] =	stream.indirect.gather [hbm4b:s3+s12], $0x20, s26, s12, $0xb8;
	[tilespmem:$0x12C00] =	vst v63  }
0x25: {  	s25 =	simm.s32 $0x320  }
0x26: {  	[tilespmem:s28], [sflag:$0x1] =	stream.indirect.gather [hbm4b:s3+s10], $0x20, s25, s10, $0xb8;
	[tilespmem:$0x12C00] =	vst v63  }
0x27: {  	s26 =	simm.s32 $0x3A0;
	s31 =	simm.s32 $0xD800  }
0x28: {  	[tilespmem:s31], [sflag:$0x1] =	stream.indirect.gather [hbm4b:s3+s12], $0x20, s26, s12, $0xb8;
	[tilespmem:$0x12C00] =	vst v63  }
0x29: {  	s26 =	simm.s32 $0x3E8;
	s31 =	simm.s32 $0xE100  }
0x2a: {  	[tilespmem:s31], [sflag:$0x1] =	stream.indirect.gather [hbm4b:s3+s10], $0x20, s26, s10, $0xb8;
	[tilespmem:$0x12C00] =	vst v63  }
0x2b: {  	_ = 	snop  }
0x2c: {  	[tilespmem:s13], [sflag:$0x1] =	stream.indirect.gather [hbm4b:s3+s12], $0x20, s1, s12, $0xb8;
	[tilespmem:$0x12C00] =	vst v63  }
0x2d: {  	_ = 	snop  }
0x2e: {  	[tilespmem:s15], [sflag:$0x1] =	stream.indirect.gather [hbm4b:s3+s10], $0x20, s14, s10, $0xb8;
	[tilespmem:$0x12C00] =	vst v63  }
0x2f: {  	_ = 	snop  }
0x30: {  	[tilespmem:s17], [sflag:$0x1] =	stream.indirect.gather [hbm4b:s3+s12], $0x20, s16, s12, $0xb8;
	[tilespmem:$0x12C00] =	vst v63  }
0x31: {  	_ = 	snop  }
0x32: {  	[tilespmem:s19], [sflag:$0x1] =	stream.indirect.gather [hbm4b:s3+s10], $0x20, s18, s10, $0xb8;
	[tilespmem:$0x12C00] =	vst v63  }
0x33: {  	_ = 	snop  }
0x34: {  	[tilespmem:s21], [sflag:$0x1] =	stream.indirect.gather [hbm4b:s3+s12], $0x20, s20, s12, $0xb8;
	[tilespmem:$0x12C00] =	vst v63  }
0x35: {  	_ =	swait.ge [sflag:s22], $0x1000  }
0x36: {  	[sflag:s22] =	ssyncset.done $0x0  }
0x37: {  	[sflag:s22] =	ssyncadd.s32 $0xFFFFF000  }
0x38: {  	_ =	swait.ge [sflag:s22], $0x900  }
0x39: {  	[sflag:s22] =	ssyncset.done $0x0  }
0x3a: {  	[sflag:s22] =	ssyncadd.s32 $0xFFFFF700  }
0x3b: {  	_ =	swait.ge [sflag:s22], $0x1000  }
0x3c: {  	[sflag:s22] =	ssyncset.done $0x0  }
0x3d: {  	[sflag:s22] =	ssyncadd.s32 $0xFFFFF000  }
0x3e: {  	_ =	swait.ge [sflag:s22], $0x900  }
0x3f: {  	[sflag:s22] =	ssyncset.done $0x0  }
0x40: {  	[sflag:s22] =	ssyncadd.s32 $0xFFFFF700  }
0x41: {  	_ =	swait.ge [sflag:s22], $0x1000  }
0x42: {  	[sflag:s22] =	ssyncset.done $0x0  }
0x43: {  	[sflag:s22] =	ssyncadd.s32 $0xFFFFF000  }
0x44: {  	_ =	swait.ge [sflag:s22], $0x900  }
0x45: {  	[sflag:s22] =	ssyncset.done $0x0  }
0x46: {  	[sflag:s22] =	ssyncadd.s32 $0xFFFFF700  }
0x47: {  	_ =	swait.ge [sflag:s22], $0x1000  }
0x48: {  	[sflag:s22] =	ssyncset.done $0x0  }
0x49: {  	s26 =	sand.u32 $0x1, s2;
	[sflag:s22] =	ssyncadd.s32 $0xFFFFF000  }
0x4a: {  	p0 =	seq.s32 s26, $0x1;
	s26 =	simm.s32 $0x6400;
	_ =	swait.ge [sflag:s22], $0x900  }
0x4b: {  	s26 =	simm.s32 @!p0 $0x0;
	[sflag:s22] =	ssyncset.done $0x0  }
0x4c: {  	s29 =	sadd.s32 $0x0, s8;
	s31 =	sadd.s32 $0x6400, s26;
	[sflag:s22] =	ssyncadd.s32 $0xFFFFF700  }
0x4d: {  	[hbm4b:s29+s2] =	stream.linear.scatter [tilespmem:s31], [sflag:$0x2], $0x6400, $0x38;
	[tilespmem:$0x12C00] =	vst v63  }
0x4e: {  	_ =	swait.ge [sflag:s23], $0x6400  }
0x4f: {  	[sflag:s23] =	ssyncset.done $0x0  }
0x50: {  	s29 =	simm.s32 $0x640;
	[sflag:s23] =	ssyncadd.s32 $0xFFFF9C00  }
0x51: {  	[tilespmem:s31], [sflag:$0x1] =	stream.indirect.gather [hbm4b:s3+s10], $0x20, s29, s10, $0xb8;
	[tilespmem:$0x12C00] =	vst v63  }
0x52: {  	s0 =	sadd.s32 $0x7400, s26;
	s29 =	simm.s32 $0x6C0  }
0x53: {  	[tilespmem:s0], [sflag:$0x1] =	stream.indirect.gather [hbm4b:s3+s12], $0x20, s29, s12, $0xb8;
	[tilespmem:$0x12C00] =	vst v63  }
0x54: {  	s31 =	sadd.s32 $0x7D00, s26;
	s29 =	simm.s32 $0x708  }
0x55: {  	[tilespmem:s31], [sflag:$0x1] =	stream.indirect.gather [hbm4b:s3+s10], $0x20, s29, s10, $0xb8;
	[tilespmem:$0x12C00] =	vst v63  }
0x56: {  	s0 =	sadd.s32 $0x8D00, s26;
	s29 =	simm.s32 $0x788  }
0x57: {  	[tilespmem:s0], [sflag:$0x1] =	stream.indirect.gather [hbm4b:s3+s12], $0x20, s29, s12, $0xb8;
	[tilespmem:$0x12C00] =	vst v63  }
0x58: {  	s31 =	sadd.s32 $0x9600, s26;
	s29 =	simm.s32 $0x7D0  }
0x59: {  	[tilespmem:s31], [sflag:$0x1] =	stream.indirect.gather [hbm4b:s3+s10], $0x20, s29, s10, $0xb8;
	[tilespmem:$0x12C00] =	vst v63  }
0x5a: {  	s0 =	sadd.s32 $0xA600, s26;
	s29 =	simm.s32 $0x850  }
0x5b: {  	[tilespmem:s0], [sflag:$0x1] =	stream.indirect.gather [hbm4b:s3+s12], $0x20, s29, s12, $0xb8;
	[tilespmem:$0x12C00] =	vst v63  }
0x5c: {  	s30 =	simm.s32 $0x918;
	s31 =	sadd.s32 $0xAF00, s26;
	s29 =	simm.s32 $0x898  }
0x5d: {  	[tilespmem:s31], [sflag:$0x1] =	stream.indirect.gather [hbm4b:s3+s10], $0x20, s29, s10, $0xb8;
	[tilespmem:$0x12C00] =	vst v63  }
0x5e: {  	s25 =	simm.s32 $0xC80;
	s29 =	sadd.s32 $0xBF00, s26;
	s26 =	simm.s32 $0x1  }
.LBB2_2:
0x5f: {  	[tilespmem:s29], [sflag:$0x1] =	stream.indirect.gather [hbm4b:s3+s12], $0x20, s30, s12, $0xb8;
	[tilespmem:$0x12C00] =	vst v63  }
0x60: {  	s29 =	smov.u32 s25  }
0x61: {  	p0 =	sne.s32 s25, $0x16A80;
	s25 =	sadd.s32 $0xC80, s25;
	_ =	swait.ge [sflag:s22], $0x1000  }
0x62: {  	[sflag:s22] =	ssyncset.done $0x0  }
0x63: {  	[sflag:s22] =	ssyncadd.s32 $0xFFFFF000  }
0x64: {  	_ =	swait.ge [sflag:s22], $0x900  }
0x65: {  	[sflag:s22] =	ssyncset.done $0x0  }
0x66: {  	[sflag:s22] =	ssyncadd.s32 $0xFFFFF700  }
0x67: {  	_ =	swait.ge [sflag:s22], $0x1000  }
0x68: {  	[sflag:s22] =	ssyncset.done $0x0  }
0x69: {  	[sflag:s22] =	ssyncadd.s32 $0xFFFFF000  }
0x6a: {  	_ =	swait.ge [sflag:s22], $0x900  }
0x6b: {  	[sflag:s22] =	ssyncset.done $0x0  }
0x6c: {  	[sflag:s22] =	ssyncadd.s32 $0xFFFFF700  }
0x6d: {  	_ =	swait.ge [sflag:s22], $0x1000  }
0x6e: {  	[sflag:s22] =	ssyncset.done $0x0  }
0x6f: {  	[sflag:s22] =	ssyncadd.s32 $0xFFFFF000  }
0x70: {  	_ =	swait.ge [sflag:s22], $0x900  }
0x71: {  	[sflag:s22] =	ssyncset.done $0x0  }
0x72: {  	[sflag:s22] =	ssyncadd.s32 $0xFFFFF700  }
0x73: {  	_ =	swait.ge [sflag:s22], $0x1000  }
0x74: {  	[sflag:s22] =	ssyncset.done $0x0  }
0x75: {  	s30 =	sand.u32 $0x1, s26;
	[sflag:s22] =	ssyncadd.s32 $0xFFFFF000  }
0x76: {  	p1 =	seq.s32 s30, $0x1;
	s30 =	simm.s32 $0x6400;
	_ =	swait.ge [sflag:s22], $0x900  }
0x77: {  	s30 =	simm.s32 @!p1 $0x0;
	[sflag:s22] =	ssyncset.done $0x0  }
0x78: {  	s0 =	sadd.s32 s29, s8;
	s31 =	sadd.s32 $0x6400, s30;
	[sflag:s22] =	ssyncadd.s32 $0xFFFFF700  }
0x79: {  	[hbm4b:s0+s2] =	stream.linear.scatter [tilespmem:s31], [sflag:$0x2], $0x6400, $0x38;
	[tilespmem:$0x12C00] =	vst v63  }
0x7a: {  	_ =	swait.ge [sflag:s23], $0x6400  }
0x7b: {  	s0 =	sshra.s32 s29, $0x2;
	[sflag:s23] =	ssyncset.done $0x0  }
0x7c: {  	s29 =	sadd.s32 $0x640, s0;
	[sflag:s23] =	ssyncadd.s32 $0xFFFF9C00  }
0x7d: {  	[tilespmem:s31], [sflag:$0x1] =	stream.indirect.gather [hbm4b:s3+s10], $0x20, s29, s10, $0xb8;
	[tilespmem:$0x12C00] =	vst v63  }
0x7e: {  	s29 =	sadd.s32 $0x7400, s30;
	s31 =	sadd.s32 $0x6C0, s0  }
0x7f: {  	[tilespmem:s29], [sflag:$0x1] =	stream.indirect.gather [hbm4b:s3+s12], $0x20, s31, s12, $0xb8;
	[tilespmem:$0x12C00] =	vst v63  }
0x80: {  	s29 =	sadd.s32 $0x7D00, s30;
	s31 =	sadd.s32 $0x708, s0  }
0x81: {  	[tilespmem:s29], [sflag:$0x1] =	stream.indirect.gather [hbm4b:s3+s10], $0x20, s31, s10, $0xb8;
	[tilespmem:$0x12C00] =	vst v63  }
0x82: {  	s29 =	sadd.s32 $0x8D00, s30;
	s31 =	sadd.s32 $0x788, s0  }
0x83: {  	[tilespmem:s29], [sflag:$0x1] =	stream.indirect.gather [hbm4b:s3+s12], $0x20, s31, s12, $0xb8;
	[tilespmem:$0x12C00] =	vst v63  }
0x84: {  	s29 =	sadd.s32 $0x9600, s30;
	s31 =	sadd.s32 $0x7D0, s0  }
0x85: {  	[tilespmem:s29], [sflag:$0x1] =	stream.indirect.gather [hbm4b:s3+s10], $0x20, s31, s10, $0xb8;
	[tilespmem:$0x12C00] =	vst v63  }
.Ltmp0:
0x86: {  	s29 =	sadd.s32 $0xA600, s30;
	s31 =	sadd.s32 $0x850, s0;
	(pc) =	sbr.rel @p0 .LBB2_2-.Ltmp0, $4  }
0x87: {  	[tilespmem:s29], [sflag:$0x1] =	stream.indirect.gather [hbm4b:s3+s12], $0x20, s31, s12, $0xb8;
	[tilespmem:$0x12C00] =	vst v63  }
0x88: {  	s29 =	sadd.s32 $0xAF00, s30;
	s31 =	sadd.s32 $0x898, s0  }
0x89: {  	[tilespmem:s29], [sflag:$0x1] =	stream.indirect.gather [hbm4b:s3+s10], $0x20, s31, s10, $0xb8;
	[tilespmem:$0x12C00] =	vst v63  }
0x8a: {  	s26 =	sadd.s32 $0x1, s26;
	s29 =	sadd.s32 $0xBF00, s30;
	s30 =	sadd.s32 $0x918, s0  }
0x8b: {  	[tilespmem:s29], [sflag:$0x1] =	stream.indirect.gather [hbm4b:s3+s12], $0x20, s30, s12, $0xb8;
	[tilespmem:$0x12C00] =	vst v63  }
0x8c: {  	_ =	swait.ge [sflag:s22], $0x1000  }
0x8d: {  	[sflag:s22] =	ssyncset.done $0x0  }
0x8e: {  	[sflag:s22] =	ssyncadd.s32 $0xFFFFF000  }
0x8f: {  	_ =	swait.ge [sflag:s22], $0x900  }
0x90: {  	[sflag:s22] =	ssyncset.done $0x0  }
0x91: {  	[sflag:s22] =	ssyncadd.s32 $0xFFFFF700  }
0x92: {  	_ =	swait.ge [sflag:s22], $0x1000  }
0x93: {  	[sflag:s22] =	ssyncset.done $0x0  }
0x94: {  	[sflag:s22] =	ssyncadd.s32 $0xFFFFF000  }
0x95: {  	_ =	swait.ge [sflag:s22], $0x900  }
0x96: {  	[sflag:s22] =	ssyncset.done $0x0  }
0x97: {  	[sflag:s22] =	ssyncadd.s32 $0xFFFFF700  }
0x98: {  	_ =	swait.ge [sflag:s22], $0x1000  }
0x99: {  	[sflag:s22] =	ssyncset.done $0x0  }
0x9a: {  	[sflag:s22] =	ssyncadd.s32 $0xFFFFF000  }
0x9b: {  	_ =	swait.ge [sflag:s22], $0x900  }
0x9c: {  	[sflag:s22] =	ssyncset.done $0x0  }
0x9d: {  	[sflag:s22] =	ssyncadd.s32 $0xFFFFF700  }
0x9e: {  	_ =	swait.ge [sflag:s22], $0x1000  }
0x9f: {  	[sflag:s22] =	ssyncset.done $0x0  }
0xa0: {  	[sflag:s22] =	ssyncadd.s32 $0xFFFFF000  }
0xa1: {  	_ =	swait.ge [sflag:s22], $0x900  }
0xa2: {  	[sflag:s22] =	ssyncset.done $0x0  }
0xa3: {  	[sflag:s22] =	ssyncadd.s32 $0xFFFFF700  }
0xa4: {  	[hbm4b:s5+s2] =	stream.linear.scatter [tilespmem:s11], [sflag:$0x2], $0x6400, $0x38;
	[tilespmem:$0x12C00] =	vst v63  }
0xa5: {  	_ =	swait.ge [sflag:s22], $0x1000  }
0xa6: {  	[sflag:s22] =	ssyncset.done $0x0  }
0xa7: {  	[sflag:s22] =	ssyncadd.s32 $0xFFFFF000  }
0xa8: {  	_ =	swait.ge [sflag:s22], $0x900  }
0xa9: {  	[sflag:s22] =	ssyncset.done $0x0  }
0xaa: {  	[sflag:s22] =	ssyncadd.s32 $0xFFFFF700  }
0xab: {  	_ =	swait.ge [sflag:s22], $0x1000  }
0xac: {  	[sflag:s22] =	ssyncset.done $0x0  }
0xad: {  	[sflag:s22] =	ssyncadd.s32 $0xFFFFF000  }
0xae: {  	_ =	swait.ge [sflag:s22], $0x900  }
0xaf: {  	[sflag:s22] =	ssyncset.done $0x0  }
0xb0: {  	[sflag:s22] =	ssyncadd.s32 $0xFFFFF700  }
0xb1: {  	_ =	swait.ge [sflag:s22], $0x1000  }
0xb2: {  	[sflag:s22] =	ssyncset.done $0x0  }
0xb3: {  	[sflag:s22] =	ssyncadd.s32 $0xFFFFF000  }
0xb4: {  	_ =	swait.ge [sflag:s22], $0x900  }
0xb5: {  	[sflag:s22] =	ssyncset.done $0x0  }
0xb6: {  	[sflag:s22] =	ssyncadd.s32 $0xFFFFF700  }
0xb7: {  	_ =	swait.ge [sflag:s22], $0x1000  }
0xb8: {  	[sflag:s22] =	ssyncset.done $0x0  }
0xb9: {  	[sflag:s22] =	ssyncadd.s32 $0xFFFFF000  }
0xba: {  	_ =	swait.ge [sflag:s22], $0x900  }
0xbb: {  	[sflag:s22] =	ssyncset.done $0x0  }
0xbc: {  	s24 =	sadd.s32 $0x1, s24;
	[sflag:s22] =	ssyncadd.s32 $0xFFFFF700  }
0xbd: {  	[hbm4b:s6+s2] =	stream.linear.scatter [tilespmem:s28], [sflag:$0x2], $0x6400, $0x38;
	[tilespmem:$0x12C00] =	vst v63  }
0xbe: {  	p0 =	sne.s32 s24, s7;
	_ =	swait.ge [sflag:s23], $0x6400  }
.Ltmp1:
0xbf: {  	[sflag:s23] =	ssyncset.done $0x0;
	(pc) =	sbr.rel @p0 .LBB2_1-.Ltmp1, $4  }
0xc0: {  	[sflag:s23] =	ssyncadd.s32 $0xFFFF9C00  }
0xc1: {  	_ =	swait.ge [sflag:s23], $0x6400  }
0xc2: {  	[sflag:s23] =	ssyncset.done $0x0  }
0xc3: {  	[sflag:s23] =	ssyncadd.s32 $0xFFFF9C00  }
0xc4: {  	_ =	sfence.sel $0x180000  }
0xc5: {  	[bflag:$0x0] =	sbarrier.arrive $0xFFFF  }
0xc6: {  	_ =	strace $0x90000047  }
0xc7: {  	s0 =	stileid.u32;
	[bflag:$0x2] =	sbarrier.arrive $0xFFFF  }
0xc8: {  	p0 =	sne.s32 s0, $0x0;
	s0 =	rddreg [dreg:$0x3]  }
0xc9: {  	s0 =	sadd.s32 @!p0 $0x100000, s0  }
0xca: {  	[sflag:s0] =	ssyncadd.tile.s32 @!p0 $0x1;
	_ =	shalt  }
.Lfunc_end2:
_tile_overlayer_lowered:
.L_overlay_start_2:
0xcb: {  	(tag) =	ssettag $0x2  }
0xcc: {  	s0 =	rddreg [dreg:$0x0];
	s2 =	stileid.u32  }
0xcd: {  	s1 =	rddreg [dreg:$0x1];
	p0 =	sne.s32 s2, $0x0  }
0xce: {  	s3 =	rddreg [dreg:$0x2];
	[bflag:$0x3] =	sbarrier.arrive $0xFFFF;
	s2 =	simm.s32 @!p0 $0x1C03  }
0xcf: {  	[timem:s3], [sflag:s2] =	dma.local @!p0 [hbm:s0], s1  }
0xd0: {  	s0 =	simm.s32 @!p0 $0x3  }
0xd1: {  	_ =	swait.ge @!p0 [sflag:s0], s1  }
0xd2: {  	s1 =	ssub.s32 @!p0 $0x0, s1;
	[sflag:s0] =	ssyncset.done @!p0 $0x0  }
0xd3: {  	[sflag:s0] =	ssyncadd.s32 @!p0 s1  }
0xd4: {  	[bflag:$0x3] =	sbarrier.arrive $0xFFFF  }
0xd5: {  	_ =	shalt  }

// kernel: kernel.16.cloned.1.call-start
scs
__scs_entry_jumppad:
0x0: {  	(pc) =	sbr.rel $0x88, $3  }
0x1: {  	(tag) =	ssettag $0x0;
	lr =	simm.s32 $0x1  }
0x2: {  	[smem:$0x3F98] =	sst lr;
	_ =	strace $0xD0000000  }
0x3: {  	_ = 	snop  }
0x4: {  	_ = 	snop  }
0x5: {  	_ = 	snop  }
0x6: {  	_ = 	snop  }
0x7: {  	_ = 	snop  }
__scs_overlays_trampoline_lowered:
0x8: {  	[smem:$0x3FA7] =	sst s0  }
0x9: {  	[smem:$0x3FA8] =	sst s1  }
0xa: {  	[smem:$0x3FA9] =	sst s2  }
0xb: {  	[smem:$0x3FAA] =	sst s3  }
0xc: {  	[smem:$0x3FAB] =	sst s4  }
0xd: {  	[smem:$0x3FAC] =	sst s5  }
0xe: {  	[smem:$0x3FAD] =	sst s6  }
0xf: {  	[smem:$0x3FAE] =	sst s7  }
0x10: {  	[smem:$0x3FAF] =	sst s8  }
0x11: {  	[smem:$0x3FB0] =	sst s9;
	s0 =	simm.s32 @!p0 $0x0  }
0x12: {  	s1 =	sld [smem:$0x3F96];
	s0 =	simm.s32 @p0 $0x1  }
0x13: {  	[smem:$0x3FB1] =	sst s0;
	s0 =	simm.s32 @!p1 $0x0  }
0x14: {  	s2 =	sld [smem:$0x3F95];
	s0 =	simm.s32 @p1 $0x1  }
0x15: {  	[smem:$0x3FB2] =	sst s0;
	s0 =	simm.s32 @!p2 $0x0  }
0x16: {  	s3 =	sld [smem:$0x3FDB];
	s0 =	simm.s32 @p2 $0x1  }
0x17: {  	s4 =	simm.s32 $0x1BF5;
	[smem:$0x3FB4] =	sst s0  }
0x18: {  	s0 =	sld [smem:$0x3F97];
	_ =	swait.ge [sflag:s4], $0x0  }
0x19: {  	s7 =	sld [smem:$0x3F98]  }
0x1a: {  	s8 =	sadd.s32 $0xFFFFE003, lr  }
0x1b: {  	s9 =	sadd.s32 $0xFFFFFEF7, lr;
	s5 =	simm.s32 $0xFFFFFFFF;
	p2 =	slt.u32 s8, $0xFFFFF086  }
0x1c: {  	p1 =	slt.u32 s9, $0xF7A;
	s5 =	simm.s32 @!p2 $0x0  }
0x1d: {  	s5 =	simm.s32 @p1 $0x1;
	p0 =	seq.s32 s7, s2  }
0x1e: {  	s7 =	smul.u32 @!p0 $0xF7A, s2;
	p2 =	seq.s32 @!p0 s5, $0x0  }
0x1f: {  	s9 =	smul.u32 $0xF7A, s1;
	s8 =	simm.s32 @!p0 $0x1BF5;
	p2 =	por !p2, p0  }
0x20: {  	[sflag:s8] =	ssyncset.s32 @!p0 $0xFFFFF086;
	s6 =	sadd.s32 @!p0 s3, s7;
	s7 =	simm.s32 @!p0 $0x108  }
0x21: {  	s3 =	sadd.s32 s3, s9;
	s6 =	sadd.s32 @!p0 $0x88, s6;
	s7 =	simm.s32 @p2 $0x1082  }
0x22: {  	[simem:s7], [sflag:s8] =	dma.local @!p0 [hbm:s6], $0xF7A  }
0x23: {  	s9 =	sor.u32 $0xD0000000, s2;
	s6 =	simm.s32 $0x108;
	_ =	swait.ge @!p0 [sflag:s8], $0x0  }
0x24: {  	s3 =	sadd.s32 $0x88, s3;
	s6 =	simm.s32 @!p1 $0x1082;
	[sflag:s4] =	ssyncset.s32 $0xFFFFF086  }
0x25: {  	[simem:s6], [sflag:s4] =	dma.local [hbm:s3], $0xF7A  }
0x26: {  	[smem:$0x3F98] =	sst s1;
	(tag) =	ssettag s2;
	_ =	strace s9  }
0x27: {  	s1 =	sld [smem:$0x3FA8]  }
0x28: {  	s2 =	sld [smem:$0x3FA9]  }
0x29: {  	s4 =	sld [smem:$0x3FAB]  }
0x2a: {  	p0 =	seq.s32 s5, $0x0;
	s5 =	sld [smem:$0x3FAC]  }
0x2b: {  	s6 =	sld [smem:$0x3FAD]  }
0x2c: {  	s7 =	sld [smem:$0x3FAE]  }
0x2d: {  	s3 =	simm.s32 $0x108;
	s8 =	sld [smem:$0x3FAF]  }
0x2e: {  	s3 =	simm.s32 @!p0 $0x1082;
	s9 =	sld [smem:$0x3FB0]  }
0x2f: {  	lr =	sadd.s32 s0, s3;
	s0 =	sld [smem:$0x3FA7]  }
0x30: {  	s3 =	sld [smem:$0x3FAA]  }
0x31: {  	[smem:$0x3FB3] =	sst s10  }
0x32: {  	s10 =	sld [smem:$0x3FB1];
	_ =	sdelay $0x3  }
0x33: {  	p0 =	seq.s32 s10, $0x1;
	s10 =	sld [smem:$0x3FB3];
	_ =	sdelay $0x3  }
0x34: {  	[smem:$0x3FB3] =	sst s10  }
0x35: {  	s10 =	sld [smem:$0x3FB2];
	_ =	sdelay $0x3  }
0x36: {  	p1 =	seq.s32 s10, $0x1;
	s10 =	sld [smem:$0x3FB3];
	_ =	sdelay $0x3  }
0x37: {  	[smem:$0x3FB3] =	sst s10  }
0x38: {  	s10 =	sld [smem:$0x3FB4]  }
0x39: {  	_ = 	snop;
	(pc) =	sbr.ind lr, $3  }
0x3a: {  	_ = 	snop  }
0x3b: {  	_ = 	snop  }
0x3c: {  	p2 =	seq.s32 s10, $0x1;
	s10 =	sld [smem:$0x3FB3]  }
0x3d: {  	_ =	shalt  }
0x3e: {  	_ =	shalt  }
0x3f: {  	_ =	shalt  }
0x40: {  	_ =	shalt  }
0x41: {  	_ =	shalt  }
0x42: {  	_ =	shalt  }
0x43: {  	_ =	shalt  }
0x44: {  	_ =	shalt  }
0x45: {  	_ =	shalt  }
0x46: {  	_ =	shalt  }
0x47: {  	_ =	shalt  }
0x48: {  	_ =	shalt  }
0x49: {  	_ =	shalt  }
0x4a: {  	_ =	shalt  }
0x4b: {  	_ =	shalt  }
0x4c: {  	_ =	shalt  }
0x4d: {  	_ =	shalt  }
0x4e: {  	_ =	shalt  }
0x4f: {  	_ =	shalt  }
0x50: {  	_ =	shalt  }
0x51: {  	_ =	shalt  }
0x52: {  	_ =	shalt  }
0x53: {  	_ =	shalt  }
0x54: {  	_ =	shalt  }
0x55: {  	_ =	shalt  }
0x56: {  	_ =	shalt  }
0x57: {  	_ =	shalt  }
0x58: {  	_ =	shalt  }
0x59: {  	_ =	shalt  }
0x5a: {  	_ =	shalt  }
0x5b: {  	_ =	shalt  }
0x5c: {  	_ =	shalt  }
0x5d: {  	_ =	shalt  }
0x5e: {  	_ =	shalt  }
0x5f: {  	_ =	shalt  }
0x60: {  	_ =	shalt  }
0x61: {  	_ =	shalt  }
0x62: {  	_ =	shalt  }
0x63: {  	_ =	shalt  }
0x64: {  	_ =	shalt  }
0x65: {  	_ =	shalt  }
0x66: {  	_ =	shalt  }
0x67: {  	_ =	shalt  }
0x68: {  	_ =	shalt  }
0x69: {  	_ =	shalt  }
0x6a: {  	_ =	shalt  }
0x6b: {  	_ =	shalt  }
0x6c: {  	_ =	shalt  }
0x6d: {  	_ =	shalt  }
0x6e: {  	_ =	shalt  }
0x6f: {  	_ =	shalt  }
0x70: {  	_ =	shalt  }
0x71: {  	_ =	shalt  }
0x72: {  	_ =	shalt  }
0x73: {  	_ =	shalt  }
0x74: {  	_ =	shalt  }
0x75: {  	_ =	shalt  }
0x76: {  	_ =	shalt  }
0x77: {  	_ =	shalt  }
0x78: {  	_ =	shalt  }
0x79: {  	_ =	shalt  }
0x7a: {  	_ =	shalt  }
0x7b: {  	_ =	shalt  }
0x7c: {  	_ =	shalt  }
0x7d: {  	_ =	shalt  }
0x7e: {  	_ =	shalt  }
0x7f: {  	_ =	shalt  }
0x80: {  	_ =	shalt  }
0x81: {  	_ =	shalt  }
0x82: {  	_ =	shalt  }
0x83: {  	_ =	shalt  }
0x84: {  	_ =	shalt  }
0x85: {  	_ =	shalt  }
0x86: {  	_ =	shalt  }
0x87: {  	_ =	shalt  }
.Lfunc_end0:
.L_simem_size_0:
called_computation.2_lowered:
.L_overlay_start_0:
0x88: {  	s2 =	sld [smem:$0x3FD9]  }
0x89: {  	s3 =	sld [smem:$0x3FFE];
	_ =	sdelay $0x1  }
0x8a: {  	s1 =	srdreg.scid  }
0x8b: {  	s0 =	sand.u32 $0x1, s1  }
0x8c: {  	s17 =	sshll.u32 s0, $0xA;
	s2 =	sadd.s32 s3, s2  }
0x8d: {  	s2 =	sadd.s32 s2, s17  }
0x8e: {  	[smem:$0x3FBF] =	sst s2  }
0x8f: {  	_ = 	snop  }
0x90: {  	(tm) =	ssettm $0x1  }
0x91: {  	s18 =	sld [smem:$0x3FFB];
	_ =	sdelay $0x3  }
0x92: {  	_ =	strace s18  }
0x93: {  	s2 =	sld [smem:$0x3FFC];
	_ =	sdelay $0x3  }
0x94: {  	_ =	strace s2  }
0x95: {  	s2 =	sld [smem:$0x3FFD];
	_ =	sdelay $0x3  }
0x96: {  	_ =	strace s2  }
0x97: {  	_ =	strace $0x8FFFFFFF  }
0x98: {  	s19 =	sld [smem:$0x3FDB];
	_ =	sdelay $0x1  }
0x99: {  	s20 =	simm.s32 $_scs_section_size  }
0x9a: {  	s4 =	simm.s32 $_size__tile_overlayer_lowered;
	s5 =	simm.s32 $_tile_overlayer_lowered  }
0x9b: {  	s6 =	simm.s32 $0x1BFF;
	s21 =	sshll.u32 s5, $0x1;
	s3 =	sadd.s32 s20, s19  }
0x9c: {  	s22 =	simm.s32 $0x0;
	s4 =	sshll.u32 s4, $0x1;
	s5 =	sadd.s32 s21, s3  }
0x9d: {  	[timem:s22], [sflag:s6] =	dma.local [hbm:s5], s4  }
0x9e: {  	_ =	swait.ge [sflag:s6], s4  }
0x9f: {  	s4 =	ssub.s32 $0x0, s4;
	[sflag:s6] =	ssyncset.done $0x0  }
0xa0: {  	[sflag:s6] =	ssyncadd.s32 s4;
	_ =	sdelay $0x1  }
0xa1: {  	s23 =	simm.s32 $0x1B8B  }
0xa2: {  	_ =	swait.ge [sflag:s23], $0x1  }
0xa3: {  	[sflag:s23] =	ssyncset.done $0x0  }
0xa4: {  	[sflag:s23] =	ssyncadd.s32 $0xFFFFFFFF  }
0xa5: {  	s4 =	sld [smem:$0x0]  }
0xa6: {  	s5 =	sand.u32 $0xFFFFFFFE, s1  }
0xa7: {  	p0 =	sne.s32 s1, s5  }
0xa8: {  	s5 =	sshll.u32 @p0 s5, $0xE  }
0xa9: {  	s5 =	sadd.s32 @p0 $0x11B8D, s5;
	s6 =	sshll.u32 @p0 s4, $0x11  }
0xaa: {  	s5 =	sor.u32 @p0 s6, s5  }
0xab: {  	[sflag:s5] =	ssyncadd.remote.s32 @p0 $0x1;
	_ =	sdelay $0x1  }
0xac: {  	s5 =	simm.s32 @p0 $0x1B8D  }
0xad: {  	_ =	swait.eq @p0 [sflag:s5], $0x1  }
0xae: {  	[sflag:s5] =	ssyncadd.s32 @p0 $0xFFFFFFFF  }
0xaf: {  	s6 =	sshll.u32 @!p0 s1, $0xE  }
0xb0: {  	s6 =	sor.u32 @!p0 $0x4000, s6;
	s5 =	simm.s32 @!p0 $0x1B8D  }
0xb1: {  	s4 =	sshll.u32 @!p0 s4, $0x11;
	s6 =	sadd.s32 @!p0 $0x11B8D, s6;
	_ =	swait.eq @!p0 [sflag:s5], $0x1  }
0xb2: {  	s4 =	sor.u32 @!p0 s4, s6;
	[sflag:s5] =	ssyncadd.s32 @!p0 $0xFFFFFFFF  }
0xb3: {  	s25 =	simm.s32 $0x1B8E;
	s24 =	sld [smem:$0x3FFE];
	[sflag:s4] =	ssyncadd.remote.s32 @!p0 $0x1  }
0xb4: {  	s26 =	simm.s32 $execute0_lowered;
	[smem:$0x3FD2] =	sst s25  }
0xb5: {  	s5 =	sshll.u32 s26, $0x1;
	_ =	strace $0x8000004C;
	[dreg:$0x1] =	wrdreg $0xFFFFFFFF  }
0xb6: {  	s28 =	simm.s32 $_size_execute0_lowered;
	s3 =	sadd.s32 s3, s5;
	[dreg:$0x0] =	wrdreg $0x0  }
0xb7: {  	s5 =	sshll.u32 s28, $0x1;
	[dreg:$0x2] =	wrdreg s3  }
0xb8: {  	[dreg:$0x3] =	wrdreg s5  }
0xb9: {  	[dreg:$0x4] =	wrdreg $0xC0  }
0xba: {  	_ =	task [dreg:s22], $0x5FFFF  }
0xbb: {  	[dreg:$0x1] =	wrdreg $0xFFFFFFFF  }
0xbc: {  	[dreg:$0x0] =	wrdreg $0x60  }
0xbd: {  	[dreg:$0x2] =	wrdreg s24  }
0xbe: {  	[dreg:$0x3] =	wrdreg $0xB  }
0xbf: {  	_ =	task.clear_ibuf [dreg:s22], $0x4FFFF;
	_ =	strace $0x9000004C  }
0xc0: {  	s29 =	simm.s32 $0xB;
	_ =	strace $0x8000004E  }
0xc1: {  	_ =	swait.ge [sflag:s29], $0x1  }
0xc2: {  	[sflag:s29] =	ssyncadd.s32 $0xFFFFFFFF  }
0xc3: {  	_ =	strace $0x9000004E  }
0xc4: {  	_ =	sfence  }
0xc5: {  	s30 =	sld [smem:$0x0];
	_ =	sdelay $0x2  }
0xc6: {  	s31 =	sshll.u32 s1, $0xD;
	s1 =	sshrl.u32 s1, $0x2  }
0xc7: {  	s4 =	sand.u32 $0x4000, s31;
	s1 =	sadd.s32 s1, s30  }
0xc8: {  	s0 =	sor.u32 s4, s0;
	s1 =	sshll.u32 s1, $0x11  }
0xc9: {  	s0 =	sor.u32 s1, s0  }
0xca: {  	s0 =	sadd.s32 $0x8F2B, s0  }
0xcb: {  	[sflag:s0] =	ssyncadd.remote.s32 $0x1  }
0xcc: {  	_ =	sfence.sel $0xFFFF  }
0xcd: {  	[dreg:$0x0] =	wrdreg $0xFFFFFFFF;
	(pc) =	sbr.abs _section_cstart, $3  }
0xce: {  	[dreg:$0x1] =	wrdreg $0xFFFFFFFF  }
0xcf: {  	_ =	task.clear_ibuf [dreg:s22], $0x2FFFF;
	_ =	strace $0x9FFFFFFF  }
0xd0: {  	(tm) =	ssettm $0x7FFFFFFF  }
0xd1: {  	_ =	shalt  }
tec
execute0_lowered:
.L_overlay_start_1:
0x0: {  	(tag) =	ssettag $0x1  }
0x1: {  	s0 =	srdreg.scid;
	s8 =	stileid.u32  }
0x2: {  	s4 =	rddreg [dreg:$0x0];
	s2 =	simm.s32 $0x0;
	s9 =	simm.s32 $0x3  }
0x3: {  	s10 =	simm.s32 $0x80;
	s11 =	simm.s32 $0x6400;
	s12 =	simm.s32 $0x48  }
0x4: {  	s28 =	simm.s32 $0x9600;
	s13 =	simm.s32 $0xAA80;
	s14 =	simm.s32 $0x4B0  }
0x5: {  	s15 =	simm.s32 $0xAF00;
	s16 =	simm.s32 $0x530;
	s17 =	simm.s32 $0xB700  }
0x6: {  	s18 =	simm.s32 $0x578;
	s19 =	simm.s32 $0xBB80;
	s20 =	simm.s32 $0x5F8  }
0x7: {  	s21 =	simm.s32 $0xC380;
	s22 =	simm.s32 $0x1;
	s23 =	simm.s32 $0x2  }
0x8: {  	s0 =	sand.u32 $0x1, s0;
	s1 =	sshll.u32 s8, $0x1;
	s8 =	smul.u32 $0x19000, s8  }
0x9: {  	s1 =	sor.u32 s0, s1;
	s31 =	ssub.s32 $0x2, s0;
	s0 =	smul.u32 $0xC800, s0  }
0xa: {  	s24 =	simm.s32 $0x0;
	[smem:$0x7FF] =	sst s2;
	s3 =	smul.u32 $0xC80, s1  }
0xb: {  	s6 =	sadd.s32 $0x354600, s4;
	s1 =	smul.u32 $0x64000, s1;
	s7 =	sshrl.u32 s31, $0x1  }
0xc: {  	_ =	strace $0x8000004D;
	s8 =	sadd.s32 s8, s6;
	s7 =	ssub.s32 s31, s7  }
0xd: {  	s8 =	sadd.s32 s0, s8;
	s5 =	sadd.s32 s3, s4;
	s1 =	sshrl.u32 s1, $0x3  }
0xe: {  	s3 =	sadd.s32 $0x353E00, s4;
	s7 =	smax.u32 s7, $0x1;
	s1 =	sadd.s32 s6, s1  }
0xf: {  	s4 =	sadd.s32 $0x33AE00, s5;
	s5 =	sadd.s32 $0xBB80, s1;
	s6 =	sadd.s32 $0xC1C0, s1  }
.LBB2_1:
0x10: {  	[tilespmem:s2], [sflag:$0x3] =	stream.linear.gather [hbm4b:s4+s2], $0x6400, $0x38;
	[tilespmem:$0xC800] =	vst v63  }
0x11: {  	_ =	swait.ge [sflag:s9], $0x6400  }
0x12: {  	[sflag:s9] =	ssyncset.done $0x0  }
0x13: {  	[sflag:s9] =	ssyncadd.s32 $0xFFFF9C00  }
0x14: {  	[tilespmem:s11], [sflag:$0x1] =	stream.indirect.gather [hbm4b:s3+s10], $0x10, s2, s10, $0xb8;
	[tilespmem:$0xC800] =	vst v63  }
0x15: {  	s0 =	simm.s32 $0x6C00  }
0x16: {  	[tilespmem:s0], [sflag:$0x1] =	stream.indirect.gather [hbm4b:s3+s12], $0x10, s10, s12, $0xb8;
	[tilespmem:$0xC800] =	vst v63  }
0x17: {  	s26 =	simm.s32 $0xC8;
	s1 =	simm.s32 $0x7080  }
0x18: {  	[tilespmem:s1], [sflag:$0x1] =	stream.indirect.gather [hbm4b:s3+s10], $0x10, s26, s10, $0xb8;
	[tilespmem:$0xC800] =	vst v63  }
0x19: {  	s25 =	simm.s32 $0x148;
	s26 =	simm.s32 $0x7880  }
0x1a: {  	[tilespmem:s26], [sflag:$0x1] =	stream.indirect.gather [hbm4b:s3+s12], $0x10, s25, s12, $0xb8;
	[tilespmem:$0xC800] =	vst v63  }
0x1b: {  	s25 =	simm.s32 $0x190;
	s26 =	simm.s32 $0x7D00  }
0x1c: {  	[tilespmem:s26], [sflag:$0x1] =	stream.indirect.gather [hbm4b:s3+s10], $0x10, s25, s10, $0xb8;
	[tilespmem:$0xC800] =	vst v63  }
0x1d: {  	s25 =	simm.s32 $0x210;
	s26 =	simm.s32 $0x8500  }
0x1e: {  	[tilespmem:s26], [sflag:$0x1] =	stream.indirect.gather [hbm4b:s3+s12], $0x10, s25, s12, $0xb8;
	[tilespmem:$0xC800] =	vst v63  }
0x1f: {  	s25 =	simm.s32 $0x258;
	s26 =	simm.s32 $0x8980  }
0x20: {  	[tilespmem:s26], [sflag:$0x1] =	stream.indirect.gather [hbm4b:s3+s10], $0x10, s25, s10, $0xb8;
	[tilespmem:$0xC800] =	vst v63  }
0x21: {  	s25 =	simm.s32 $0x2D8;
	s26 =	simm.s32 $0x9180  }
0x22: {  	[tilespmem:s26], [sflag:$0x1] =	stream.indirect.gather [hbm4b:s3+s12], $0x10, s25, s12, $0xb8;
	[tilespmem:$0xC800] =	vst v63  }
0x23: {  	s1 =	simm.s32 $0x320  }
0x24: {  	[tilespmem:s28], [sflag:$0x1] =	stream.indirect.gather [hbm4b:s3+s10], $0x10, s1, s10, $0xb8;
	[tilespmem:$0xC800] =	vst v63  }
0x25: {  	s25 =	simm.s32 $0x3A0;
	s26 =	simm.s32 $0x9E00  }
0x26: {  	[tilespmem:s26], [sflag:$0x1] =	stream.indirect.gather [hbm4b:s3+s12], $0x10, s25, s12, $0xb8;
	[tilespmem:$0xC800] =	vst v63  }
0x27: {  	s1 =	simm.s32 $0x3E8;
	s25 =	simm.s32 $0xA280  }
0x28: {  	[tilespmem:s25], [sflag:$0x1] =	stream.indirect.gather [hbm4b:s3+s10], $0x10, s1, s10, $0xb8;
	[tilespmem:$0xC800] =	vst v63  }
0x29: {  	s26 =	simm.s32 $0x468  }
0x2a: {  	[tilespmem:s13], [sflag:$0x1] =	stream.indirect.gather [hbm4b:s3+s12], $0x10, s26, s12, $0xb8;
	[tilespmem:$0xC800] =	vst v63  }
0x2b: {  	_ = 	snop  }
0x2c: {  	[tilespmem:s15], [sflag:$0x1] =	stream.indirect.gather [hbm4b:s3+s10], $0x10, s14, s10, $0xb8;
	[tilespmem:$0xC800] =	vst v63  }
0x2d: {  	_ = 	snop  }
0x2e: {  	[tilespmem:s17], [sflag:$0x1] =	stream.indirect.gather [hbm4b:s3+s12], $0x10, s16, s12, $0xb8;
	[tilespmem:$0xC800] =	vst v63  }
0x2f: {  	_ = 	snop  }
0x30: {  	[tilespmem:s19], [sflag:$0x1] =	stream.indirect.gather [hbm4b:s3+s10], $0x10, s18, s10, $0xb8;
	[tilespmem:$0xC800] =	vst v63  }
0x31: {  	_ = 	snop  }
0x32: {  	[tilespmem:s21], [sflag:$0x1] =	stream.indirect.gather [hbm4b:s3+s12], $0x10, s20, s12, $0xb8;
	[tilespmem:$0xC800] =	vst v63  }
0x33: {  	_ =	swait.ge [sflag:s22], $0x800  }
0x34: {  	[sflag:s22] =	ssyncset.done $0x0  }
0x35: {  	[sflag:s22] =	ssyncadd.s32 $0xFFFFF800  }
0x36: {  	_ =	swait.ge [sflag:s22], $0x480  }
0x37: {  	[sflag:s22] =	ssyncset.done $0x0  }
0x38: {  	[sflag:s22] =	ssyncadd.s32 $0xFFFFFB80  }
0x39: {  	_ =	swait.ge [sflag:s22], $0x800  }
0x3a: {  	[sflag:s22] =	ssyncset.done $0x0  }
0x3b: {  	[sflag:s22] =	ssyncadd.s32 $0xFFFFF800  }
0x3c: {  	_ =	swait.ge [sflag:s22], $0x480  }
0x3d: {  	[sflag:s22] =	ssyncset.done $0x0  }
0x3e: {  	[sflag:s22] =	ssyncadd.s32 $0xFFFFFB80  }
0x3f: {  	_ =	swait.ge [sflag:s22], $0x800  }
0x40: {  	[sflag:s22] =	ssyncset.done $0x0  }
0x41: {  	[sflag:s22] =	ssyncadd.s32 $0xFFFFF800  }
0x42: {  	_ =	swait.ge [sflag:s22], $0x480  }
0x43: {  	[sflag:s22] =	ssyncset.done $0x0  }
0x44: {  	[sflag:s22] =	ssyncadd.s32 $0xFFFFFB80  }
0x45: {  	_ =	swait.ge [sflag:s22], $0x800  }
0x46: {  	[sflag:s22] =	ssyncset.done $0x0  }
0x47: {  	s25 =	sand.u32 $0x1, s2;
	[sflag:s22] =	ssyncadd.s32 $0xFFFFF800  }
0x48: {  	s29 =	simm.s32 $0x3200;
	p0 =	seq.s32 s25, $0x1;
	_ =	swait.ge [sflag:s22], $0x480  }
0x49: {  	s29 =	simm.s32 @!p0 $0x0;
	[sflag:s22] =	ssyncset.done $0x0  }
0x4a: {  	s1 =	sadd.s32 $0x6400, s29;
	[sflag:s22] =	ssyncadd.s32 $0xFFFFFB80  }
0x4b: {  	[hbm4b:s8+s2] =	stream.linear.scatter [tilespmem:s1], [sflag:$0x2], $0x3200, $0x38;
	[tilespmem:$0xC800] =	vst v63  }
0x4c: {  	_ =	swait.ge [sflag:s23], $0x3200  }
0x4d: {  	[sflag:s23] =	ssyncset.done $0x0  }
0x4e: {  	s26 =	simm.s32 $0x640;
	[sflag:s23] =	ssyncadd.s32 $0xFFFFCE00  }
0x4f: {  	[tilespmem:s1], [sflag:$0x1] =	stream.indirect.gather [hbm4b:s3+s10], $0x10, s26, s10, $0xb8;
	[tilespmem:$0xC800] =	vst v63  }
0x50: {  	s0 =	sadd.s32 $0x6C00, s29;
	s1 =	simm.s32 $0x6C0  }
0x51: {  	[tilespmem:s0], [sflag:$0x1] =	stream.indirect.gather [hbm4b:s3+s12], $0x10, s1, s12, $0xb8;
	[tilespmem:$0xC800] =	vst v63  }
0x52: {  	s31 =	simm.s32 $0x918;
	s0 =	sadd.s32 $0x7080, s29;
	s1 =	simm.s32 $0x708  }
0x53: {  	[tilespmem:s0], [sflag:$0x1] =	stream.indirect.gather [hbm4b:s3+s10], $0x10, s1, s10, $0xb8;
	[tilespmem:$0xC800] =	vst v63  }
0x54: {  	s25 =	simm.s32 $0xC80;
	s0 =	sadd.s32 $0x7880, s29;
	s1 =	simm.s32 $0x788  }
0x55: {  	[tilespmem:s0], [sflag:$0x1] =	stream.indirect.gather [hbm4b:s3+s12], $0x10, s1, s12, $0xb8;
	[tilespmem:$0xC800] =	vst v63  }
0x56: {  	s30 =	sadd.s32 $0x9180, s29;
	s0 =	sadd.s32 $0x7D00, s29;
	s1 =	simm.s32 $0x7D0  }
0x57: {  	[tilespmem:s0], [sflag:$0x1] =	stream.indirect.gather [hbm4b:s3+s10], $0x10, s1, s10, $0xb8;
	[tilespmem:$0xC800] =	vst v63  }
0x58: {  	s26 =	sadd.s32 $0x640, s8;
	s0 =	sor.u32 $0x8500, s29;
	s1 =	simm.s32 $0x850  }
0x59: {  	[tilespmem:s0], [sflag:$0x1] =	stream.indirect.gather [hbm4b:s3+s12], $0x10, s1, s12, $0xb8;
	[tilespmem:$0xC800] =	vst v63  }
0x5a: {  	s0 =	sor.u32 $0x8980, s29;
	s1 =	simm.s32 $0x898;
	s29 =	simm.s32 $0x1  }
0x5b: {  	[tilespmem:s0], [sflag:$0x1] =	stream.indirect.gather [hbm4b:s3+s10], $0x10, s1, s10, $0xb8;
	[tilespmem:$0xC800] =	vst v63  }
.LBB2_2:
0x5c: {  	[tilespmem:s30], [sflag:$0x1] =	stream.indirect.gather [hbm4b:s3+s12], $0x10, s31, s12, $0xb8;
	[tilespmem:$0xC800] =	vst v63  }
0x5d: {  	s30 =	smov.u32 s25  }
0x5e: {  	p0 =	sne.s32 s25, $0x16A80;
	s25 =	sadd.s32 $0xC80, s25;
	_ =	swait.ge [sflag:s22], $0x800  }
0x5f: {  	[sflag:s22] =	ssyncset.done $0x0  }
0x60: {  	[sflag:s22] =	ssyncadd.s32 $0xFFFFF800  }
0x61: {  	_ =	swait.ge [sflag:s22], $0x480  }
0x62: {  	[sflag:s22] =	ssyncset.done $0x0  }
0x63: {  	[sflag:s22] =	ssyncadd.s32 $0xFFFFFB80  }
0x64: {  	_ =	swait.ge [sflag:s22], $0x800  }
0x65: {  	[sflag:s22] =	ssyncset.done $0x0  }
0x66: {  	[sflag:s22] =	ssyncadd.s32 $0xFFFFF800  }
0x67: {  	_ =	swait.ge [sflag:s22], $0x480  }
0x68: {  	[sflag:s22] =	ssyncset.done $0x0  }
0x69: {  	[sflag:s22] =	ssyncadd.s32 $0xFFFFFB80  }
0x6a: {  	_ =	swait.ge [sflag:s22], $0x800  }
0x6b: {  	[sflag:s22] =	ssyncset.done $0x0  }
0x6c: {  	[sflag:s22] =	ssyncadd.s32 $0xFFFFF800  }
0x6d: {  	_ =	swait.ge [sflag:s22], $0x480  }
0x6e: {  	[sflag:s22] =	ssyncset.done $0x0  }
0x6f: {  	[sflag:s22] =	ssyncadd.s32 $0xFFFFFB80  }
0x70: {  	_ =	swait.ge [sflag:s22], $0x800  }
0x71: {  	[sflag:s22] =	ssyncset.done $0x0  }
0x72: {  	s31 =	sand.u32 $0x1, s29;
	[sflag:s22] =	ssyncadd.s32 $0xFFFFF800  }
0x73: {  	p1 =	seq.s32 s31, $0x1;
	s31 =	simm.s32 $0x3200;
	_ =	swait.ge [sflag:s22], $0x480  }
0x74: {  	s31 =	simm.s32 @!p1 $0x0;
	[sflag:s22] =	ssyncset.done $0x0  }
0x75: {  	s1 =	sadd.s32 $0x6400, s31;
	[sflag:s22] =	ssyncadd.s32 $0xFFFFFB80  }
0x76: {  	[hbm4b:s26+s2] =	stream.linear.scatter [tilespmem:s1], [sflag:$0x2], $0x3200, $0x38;
	[tilespmem:$0xC800] =	vst v63  }
0x77: {  	_ =	swait.ge [sflag:s23], $0x3200  }
0x78: {  	s0 =	sshra.s32 s30, $0x2;
	[sflag:s23] =	ssyncset.done $0x0  }
0x79: {  	s30 =	sadd.s32 $0x640, s0;
	[sflag:s23] =	ssyncadd.s32 $0xFFFFCE00  }
0x7a: {  	[tilespmem:s1], [sflag:$0x1] =	stream.indirect.gather [hbm4b:s3+s10], $0x10, s30, s10, $0xb8;
	[tilespmem:$0xC800] =	vst v63  }
0x7b: {  	s1 =	sadd.s32 $0x6C00, s31;
	s30 =	sadd.s32 $0x6C0, s0  }
0x7c: {  	[tilespmem:s1], [sflag:$0x1] =	stream.indirect.gather [hbm4b:s3+s12], $0x10, s30, s12, $0xb8;
	[tilespmem:$0xC800] =	vst v63  }
0x7d: {  	s1 =	sadd.s32 $0x7080, s31;
	s30 =	sadd.s32 $0x708, s0  }
0x7e: {  	[tilespmem:s1], [sflag:$0x1] =	stream.indirect.gather [hbm4b:s3+s10], $0x10, s30, s10, $0xb8;
	[tilespmem:$0xC800] =	vst v63  }
0x7f: {  	s1 =	sadd.s32 $0x7880, s31;
	s30 =	sadd.s32 $0x788, s0  }
0x80: {  	[tilespmem:s1], [sflag:$0x1] =	stream.indirect.gather [hbm4b:s3+s12], $0x10, s30, s12, $0xb8;
	[tilespmem:$0xC800] =	vst v63  }
0x81: {  	s1 =	sadd.s32 $0x7D00, s31;
	s30 =	sadd.s32 $0x7D0, s0  }
0x82: {  	[tilespmem:s1], [sflag:$0x1] =	stream.indirect.gather [hbm4b:s3+s10], $0x10, s30, s10, $0xb8;
	[tilespmem:$0xC800] =	vst v63  }
.Ltmp0:
0x83: {  	s1 =	sor.u32 $0x8500, s31;
	s30 =	sadd.s32 $0x850, s0;
	(pc) =	sbr.rel @p0 .LBB2_2-.Ltmp0, $4  }
0x84: {  	[tilespmem:s1], [sflag:$0x1] =	stream.indirect.gather [hbm4b:s3+s12], $0x10, s30, s12, $0xb8;
	[tilespmem:$0xC800] =	vst v63  }
0x85: {  	s26 =	sadd.s32 $0x640, s26;
	s1 =	sor.u32 $0x8980, s31;
	s30 =	sadd.s32 $0x898, s0  }
0x86: {  	[tilespmem:s1], [sflag:$0x1] =	stream.indirect.gather [hbm4b:s3+s10], $0x10, s30, s10, $0xb8;
	[tilespmem:$0xC800] =	vst v63  }
0x87: {  	s29 =	sadd.s32 $0x1, s29;
	s30 =	sadd.s32 $0x9180, s31;
	s31 =	sadd.s32 $0x918, s0  }
0x88: {  	[tilespmem:s30], [sflag:$0x1] =	stream.indirect.gather [hbm4b:s3+s12], $0x10, s31, s12, $0xb8;
	[tilespmem:$0xC800] =	vst v63  }
0x89: {  	_ =	swait.ge [sflag:s22], $0x800  }
0x8a: {  	[sflag:s22] =	ssyncset.done $0x0  }
0x8b: {  	[sflag:s22] =	ssyncadd.s32 $0xFFFFF800  }
0x8c: {  	_ =	swait.ge [sflag:s22], $0x480  }
0x8d: {  	[sflag:s22] =	ssyncset.done $0x0  }
0x8e: {  	[sflag:s22] =	ssyncadd.s32 $0xFFFFFB80  }
0x8f: {  	_ =	swait.ge [sflag:s22], $0x800  }
0x90: {  	[sflag:s22] =	ssyncset.done $0x0  }
0x91: {  	[sflag:s22] =	ssyncadd.s32 $0xFFFFF800  }
0x92: {  	_ =	swait.ge [sflag:s22], $0x480  }
0x93: {  	[sflag:s22] =	ssyncset.done $0x0  }
0x94: {  	[sflag:s22] =	ssyncadd.s32 $0xFFFFFB80  }
0x95: {  	_ =	swait.ge [sflag:s22], $0x800  }
0x96: {  	[sflag:s22] =	ssyncset.done $0x0  }
0x97: {  	[sflag:s22] =	ssyncadd.s32 $0xFFFFF800  }
0x98: {  	_ =	swait.ge [sflag:s22], $0x480  }
0x99: {  	[sflag:s22] =	ssyncset.done $0x0  }
0x9a: {  	[sflag:s22] =	ssyncadd.s32 $0xFFFFFB80  }
0x9b: {  	_ =	swait.ge [sflag:s22], $0x800  }
0x9c: {  	[sflag:s22] =	ssyncset.done $0x0  }
0x9d: {  	[sflag:s22] =	ssyncadd.s32 $0xFFFFF800  }
0x9e: {  	_ =	swait.ge [sflag:s22], $0x480  }
0x9f: {  	[sflag:s22] =	ssyncset.done $0x0  }
0xa0: {  	[sflag:s22] =	ssyncadd.s32 $0xFFFFFB80  }
0xa1: {  	[hbm4b:s5+s2] =	stream.linear.scatter [tilespmem:s11], [sflag:$0x2], $0x3200, $0x38;
	[tilespmem:$0xC800] =	vst v63  }
0xa2: {  	_ =	swait.ge [sflag:s22], $0x800  }
0xa3: {  	[sflag:s22] =	ssyncset.done $0x0  }
0xa4: {  	[sflag:s22] =	ssyncadd.s32 $0xFFFFF800  }
0xa5: {  	_ =	swait.ge [sflag:s22], $0x480  }
0xa6: {  	[sflag:s22] =	ssyncset.done $0x0  }
0xa7: {  	[sflag:s22] =	ssyncadd.s32 $0xFFFFFB80  }
0xa8: {  	_ =	swait.ge [sflag:s22], $0x800  }
0xa9: {  	[sflag:s22] =	ssyncset.done $0x0  }
0xaa: {  	[sflag:s22] =	ssyncadd.s32 $0xFFFFF800  }
0xab: {  	_ =	swait.ge [sflag:s22], $0x480  }
0xac: {  	[sflag:s22] =	ssyncset.done $0x0  }
0xad: {  	[sflag:s22] =	ssyncadd.s32 $0xFFFFFB80  }
0xae: {  	_ =	swait.ge [sflag:s22], $0x800  }
0xaf: {  	[sflag:s22] =	ssyncset.done $0x0  }
0xb0: {  	[sflag:s22] =	ssyncadd.s32 $0xFFFFF800  }
0xb1: {  	_ =	swait.ge [sflag:s22], $0x480  }
0xb2: {  	[sflag:s22] =	ssyncset.done $0x0  }
0xb3: {  	[sflag:s22] =	ssyncadd.s32 $0xFFFFFB80  }
0xb4: {  	_ =	swait.ge [sflag:s22], $0x800  }
0xb5: {  	[sflag:s22] =	ssyncset.done $0x0  }
0xb6: {  	[sflag:s22] =	ssyncadd.s32 $0xFFFFF800  }
0xb7: {  	_ =	swait.ge [sflag:s22], $0x480  }
0xb8: {  	[sflag:s22] =	ssyncset.done $0x0  }
0xb9: {  	s24 =	sadd.s32 $0x1, s24;
	[sflag:s22] =	ssyncadd.s32 $0xFFFFFB80  }
0xba: {  	[hbm4b:s6+s2] =	stream.linear.scatter [tilespmem:s28], [sflag:$0x2], $0x3200, $0x38;
	[tilespmem:$0xC800] =	vst v63  }
0xbb: {  	p0 =	sne.s32 s24, s7;
	_ =	swait.ge [sflag:s23], $0x3200  }
.Ltmp1:
0xbc: {  	[sflag:s23] =	ssyncset.done $0x0;
	(pc) =	sbr.rel @p0 .LBB2_1-.Ltmp1, $4  }
0xbd: {  	[sflag:s23] =	ssyncadd.s32 $0xFFFFCE00  }
0xbe: {  	_ =	swait.ge [sflag:s23], $0x3200  }
0xbf: {  	[sflag:s23] =	ssyncset.done $0x0  }
0xc0: {  	[sflag:s23] =	ssyncadd.s32 $0xFFFFCE00  }
0xc1: {  	_ =	sfence.sel $0x180000  }
0xc2: {  	[bflag:$0x0] =	sbarrier.arrive $0xFFFF  }
0xc3: {  	_ =	strace $0x9000004D  }
0xc4: {  	s0 =	stileid.u32;
	[bflag:$0x2] =	sbarrier.arrive $0xFFFF  }
0xc5: {  	p0 =	sne.s32 s0, $0x0;
	s0 =	rddreg [dreg:$0x1]  }
0xc6: {  	s0 =	sadd.s32 @!p0 $0x100000, s0  }
0xc7: {  	[sflag:s0] =	ssyncadd.tile.s32 @!p0 $0x1;
	_ =	shalt  }
.Lfunc_end2:
_tile_overlayer_lowered:
.L_overlay_start_2:
0xc8: {  	(tag) =	ssettag $0x2  }
0xc9: {  	s0 =	rddreg [dreg:$0x0];
	s2 =	stileid.u32  }
0xca: {  	s1 =	rddreg [dreg:$0x1];
	p0 =	sne.s32 s2, $0x0  }
0xcb: {  	s3 =	rddreg [dreg:$0x2];
	[bflag:$0x3] =	sbarrier.arrive $0xFFFF;
	s2 =	simm.s32 @!p0 $0x1C03  }
0xcc: {  	[timem:s3], [sflag:s2] =	dma.local @!p0 [hbm:s0], s1  }
0xcd: {  	s0 =	simm.s32 @!p0 $0x3  }
0xce: {  	_ =	swait.ge @!p0 [sflag:s0], s1  }
0xcf: {  	s1 =	ssub.s32 @!p0 $0x0, s1;
	[sflag:s0] =	ssyncset.done @!p0 $0x0  }
0xd0: {  	[sflag:s0] =	ssyncadd.s32 @!p0 s1  }
0xd1: {  	[bflag:$0x3] =	sbarrier.arrive $0xFFFF  }
0xd2: {  	_ =	shalt  }

</sc_bundles>
